<compile_context>
chip_gen: v7x
topology: tpu7x:2x2x1
jax: 0.10.2.dev20260603
libtpu: 0.0.44.dev20260713+nightly
codegen_flags: <defaults>
</compile_context>

<pallas_src>
import functools

import jax
import jax.numpy as jnp
from jax import lax
from jax.experimental import pallas as pl
from jax.experimental.pallas import tpu as pltpu
from jax.experimental.pallas import tpu_sc as plsc

N = 10000
E = 320000
D = 128
N_PAD = 10240
NC, NS = 2, 16
NW = NC * NS
CHUNK = E // NW
B = 128
NB = (CHUNK + B - 1) // B
WAVE = 13
ZCHUNK = N_PAD // NS

_mesh = plsc.VectorSubcoreMesh(core_axis_name="core", subcore_axis_name="subcore")


def _zero_acc(zv, acc, sid):
    @pl.loop(0, ZCHUNK, step=16)
    def _(i):
        zv[pl.ds(i, 16)] = jnp.zeros((16,), jnp.float32)

    pltpu.sync_copy(zv, acc.at[pl.ds(sid * ZCHUNK, ZCHUNK)])


def _pack_idx(idx):
    padv = N + jnp.arange(NB * B - CHUNK, dtype=jnp.int32)
    return jnp.concatenate(
        [idx.reshape(NW, CHUNK),
         jnp.broadcast_to(padv, (NW, NB * B - CHUNK))],
        axis=1).reshape(NW, NB, B)


def _gather_scatter(tbl, acc, cidx2, ridx2, vals, sem):
    @pl.loop(0, NB - 1, step=WAVE)
    def _(j):
        for t in range(WAVE):
            pltpu.async_copy(tbl.at[cidx2.at[j + t]], vals.at[t], sem)
        for t in range(WAVE):
            pltpu.make_async_copy(tbl.at[cidx2.at[j + t]], vals.at[t],
                                  sem).wait()
        for t in range(WAVE):
            pltpu.async_copy(vals.at[t], acc.at[ridx2.at[j + t]], sem,
                             add=True)
        for t in range(WAVE):
            pltpu.make_async_copy(vals.at[t], acc.at[ridx2.at[j + t]],
                                  sem).wait()

    pltpu.sync_copy(tbl.at[cidx2.at[NB - 1]], vals.at[0])
    pltpu.sync_copy(vals.at[0], acc.at[ridx2.at[NB - 1]], add=True)


@functools.partial(
    pl.kernel,
    out_type=jax.ShapeDtypeStruct((NC, N_PAD), jnp.float32),
    mesh=_mesh,
    scratch_types=[
        pltpu.VMEM((NB, B), jnp.int32),
        pltpu.VMEM((B,), jnp.float32),
        pltpu.VMEM((ZCHUNK,), jnp.float32),
        pltpu.VMEM_SHARED((N_PAD,), jnp.float32),
        pltpu.SemaphoreType.DMA,
    ],
)
def _sc_degree(col_hbm, out_hbm, idx2, ones_v, zv, acc, sem_l):
    cid = lax.axis_index("core")
    sid = lax.axis_index("subcore")
    wid = cid * NS + sid

    pltpu.async_copy(col_hbm.at[wid], idx2, sem_l)
    _zero_acc(zv, acc, sid)

    @pl.loop(0, B, step=16)
    def _(i):
        ones_v[pl.ds(i, 16)] = jnp.ones((16,), jnp.float32)

    pltpu.make_async_copy(col_hbm.at[wid], idx2, sem_l).wait()
    plsc.subcore_barrier()

    @pl.loop(0, NB - 1, step=WAVE)
    def _(j):
        for t in range(WAVE):
            pltpu.async_copy(ones_v, acc.at[idx2.at[j + t]], sem_l, add=True)
        for t in range(WAVE):
            pltpu.make_async_copy(ones_v, acc.at[idx2.at[j + t]],
                                  sem_l).wait()

    pltpu.sync_copy(ones_v, acc.at[idx2.at[NB - 1]], add=True)
    plsc.subcore_barrier()

    @pl.when(sid == 0)
    def _():
        pltpu.sync_copy(acc, out_hbm.at[cid])


@functools.partial(
    pl.kernel,
    out_type=(jax.ShapeDtypeStruct((NC, N_PAD), jnp.float32),
              jax.ShapeDtypeStruct((N_PAD,), jnp.float32)),
    mesh=_mesh,
    scratch_types=[
        pltpu.VMEM((NB, B), jnp.int32),
        pltpu.VMEM((NB, B), jnp.int32),
        pltpu.VMEM((WAVE, B), jnp.float32),
        pltpu.VMEM((ZCHUNK,), jnp.float32),
        pltpu.VMEM((ZCHUNK,), jnp.float32),
        pltpu.VMEM((ZCHUNK,), jnp.float32),
        pltpu.VMEM((ZCHUNK,), jnp.float32),
        pltpu.VMEM_SHARED((N_PAD,), jnp.float32),
        pltpu.VMEM_SHARED((N_PAD,), jnp.float32),
        pltpu.SemaphoreType.DMA,
        pltpu.SemaphoreType.DMA,
    ],
)
def _sc_pass_a(col_hbm, row_hbm, degp_hbm, cparts_hbm, dinv_hbm,
               cidx2, ridx2, vals, p0v, p1v, dv, zv, tbl, acc, sem_p, sem_l):
    cid = lax.axis_index("core")
    sid = lax.axis_index("subcore")
    wid = cid * NS + sid
    off = sid * ZCHUNK

    pltpu.async_copy(degp_hbm.at[0, pl.ds(off, ZCHUNK)], p0v, sem_p)
    pltpu.async_copy(degp_hbm.at[1, pl.ds(off, ZCHUNK)], p1v, sem_p)
    pltpu.async_copy(col_hbm.at[wid], cidx2, sem_l)
    pltpu.async_copy(row_hbm.at[wid], ridx2, sem_l)

    _zero_acc(zv, acc, sid)

    pltpu.make_async_copy(degp_hbm.at[0, pl.ds(off, ZCHUNK)], p0v, sem_p).wait()
    pltpu.make_async_copy(degp_hbm.at[1, pl.ds(off, ZCHUNK)], p1v, sem_p).wait()

    @pl.loop(0, ZCHUNK, step=16)
    def _(i):
        deg16 = p0v[pl.ds(i, 16)] + p1v[pl.ds(i, 16)] + 1.0
        bits = lax.bitcast_convert_type(deg16, jnp.int32)
        y = lax.bitcast_convert_type(
            jnp.int32(0x5F3759DF) - (bits >> 1), jnp.float32)
        for _ in range(3):
            y = y * (1.5 - 0.5 * deg16 * y * y)
        slot = (off + i) + lax.broadcasted_iota(jnp.int32, (16,), 0)
        dv[pl.ds(i, 16)] = jnp.where(slot < N, y, 0.0)

    pltpu.sync_copy(dv, tbl.at[pl.ds(off, ZCHUNK)])

    @pl.when(cid == 0)
    def _():
        pltpu.sync_copy(dv, dinv_hbm.at[pl.ds(off, ZCHUNK)])

    pltpu.make_async_copy(col_hbm.at[wid], cidx2, sem_l).wait()
    pltpu.make_async_copy(row_hbm.at[wid], ridx2, sem_l).wait()
    plsc.subcore_barrier()
    _gather_scatter(tbl, acc, cidx2, ridx2, vals, sem_l)
    plsc.subcore_barrier()

    @pl.when(sid == 0)
    def _():
        pltpu.sync_copy(acc, cparts_hbm.at[cid])


@functools.partial(
    pl.kernel,
    out_type=(jax.ShapeDtypeStruct((NC, N_PAD), jnp.float32),
              jax.ShapeDtypeStruct((N_PAD,), jnp.float32),
              jax.ShapeDtypeStruct((N_PAD,), jnp.float32)),
    mesh=_mesh,
    scratch_types=[
        pltpu.VMEM((NB, B), jnp.int32),
        pltpu.VMEM((NB, B), jnp.int32),
        pltpu.VMEM((WAVE, B), jnp.float32),
        pltpu.VMEM((ZCHUNK,), jnp.float32),
        pltpu.VMEM((ZCHUNK,), jnp.float32),
        pltpu.VMEM((ZCHUNK,), jnp.float32),
        pltpu.VMEM((ZCHUNK,), jnp.float32),
        pltpu.VMEM((ZCHUNK,), jnp.float32),
        pltpu.VMEM((ZCHUNK,), jnp.float32),
        pltpu.VMEM_SHARED((N_PAD,), jnp.float32),
        pltpu.VMEM_SHARED((N_PAD,), jnp.float32),
        pltpu.SemaphoreType.DMA,
        pltpu.SemaphoreType.DMA,
    ],
)
def _sc_pass_b(col_hbm, row_hbm, cparts_hbm, dinv_hbm,
               dparts_hbm, u_hbm, c_hbm,
               cidx2, ridx2, vals, p0v, p1v, dinvv, uv, cv, zv,
               tbl, acc, sem_p, sem_l):
    cid = lax.axis_index("core")
    sid = lax.axis_index("subcore")
    wid = cid * NS + sid
    off = sid * ZCHUNK

    pltpu.async_copy(cparts_hbm.at[0, pl.ds(off, ZCHUNK)], p0v, sem_p)
    pltpu.async_copy(cparts_hbm.at[1, pl.ds(off, ZCHUNK)], p1v, sem_p)
    pltpu.async_copy(dinv_hbm.at[pl.ds(off, ZCHUNK)], dinvv, sem_p)
    pltpu.async_copy(col_hbm.at[wid], cidx2, sem_l)
    pltpu.async_copy(row_hbm.at[wid], ridx2, sem_l)

    _zero_acc(zv, acc, sid)

    pltpu.make_async_copy(cparts_hbm.at[0, pl.ds(off, ZCHUNK)], p0v,
                          sem_p).wait()
    pltpu.make_async_copy(cparts_hbm.at[1, pl.ds(off, ZCHUNK)], p1v,
                          sem_p).wait()
    pltpu.make_async_copy(dinv_hbm.at[pl.ds(off, ZCHUNK)], dinvv,
                          sem_p).wait()

    @pl.loop(0, ZCHUNK, step=16)
    def _(i):
        dv16 = dinvv[pl.ds(i, 16)]
        c16 = dv16 * (p0v[pl.ds(i, 16)] + p1v[pl.ds(i, 16)] + dv16)
        cv[pl.ds(i, 16)] = c16
        uv[pl.ds(i, 16)] = c16 * dv16

    pltpu.sync_copy(uv, tbl.at[pl.ds(off, ZCHUNK)])

    @pl.when(cid == 0)
    def _():
        pltpu.sync_copy(uv, u_hbm.at[pl.ds(off, ZCHUNK)])
        pltpu.sync_copy(cv, c_hbm.at[pl.ds(off, ZCHUNK)])

    pltpu.make_async_copy(col_hbm.at[wid], cidx2, sem_l).wait()
    pltpu.make_async_copy(row_hbm.at[wid], ridx2, sem_l).wait()
    plsc.subcore_barrier()
    _gather_scatter(tbl, acc, cidx2, ridx2, vals, sem_l)
    plsc.subcore_barrier()

    @pl.when(sid == 0)
    def _():
        pltpu.sync_copy(acc, dparts_hbm.at[cid])


def _tc_final_body(parts_ref, dinv_ref, u_ref, c_ref, x_ref,
                   w1_ref, b1_ref, w2_ref, b2_ref, out_ref):
    p = parts_ref[...]
    d = dinv_ref[...] * (p[0] + p[1] + u_ref[...])
    v = jnp.dot(d[:, :N], x_ref[...], preferred_element_type=jnp.float32)
    s = jnp.sum(c_ref[...])
    t = (jnp.dot(v, w1_ref[...], preferred_element_type=jnp.float32)
         + s * b1_ref[...])
    o = jnp.dot(t, w2_ref[...], preferred_element_type=jnp.float32)
    rn = jnp.sqrt(jnp.float32(N))
    out_ref[...] = o / rn + rn * b2_ref[...]


def kernel(edge_index, node_features, W1, b1, W2, b2):
    col = _pack_idx(edge_index[1])
    row = _pack_idx(edge_index[0])

    deg_parts = _sc_degree(col)
    c_parts, dinv = _sc_pass_a(col, row, deg_parts)
    d_parts, u, c = _sc_pass_b(col, row, c_parts, dinv)

    out = pl.pallas_call(
        _tc_final_body,
        out_shape=jax.ShapeDtypeStruct((1, D), jnp.float32),
    )(d_parts.reshape(2, 1, N_PAD), dinv.reshape(1, N_PAD),
      u.reshape(1, N_PAD), c.reshape(1, N_PAD), node_features,
      W1, b1.reshape(1, D), W2, b2.reshape(1, D))

    return out.reshape(D)

# --- scband reference (transcript-rebuilt; emitter-appended) ---
"""Pipeline reference for scband-graph-transformer-net-40261023432798 (READ-ONLY COPY).

The authoritative reference and input builder live on the scoring server;
editing this copy changes nothing except your own understanding.
"""

import jax, jax.numpy as jnp
import numpy as np

N = 10000
E = 320000
D = 128


def gcn_layer(x, row, col, W, b, n):
    # GCNConv: x' = D^{-1/2} (A + I) D^{-1/2} x W + b (self-loops already appended)
    x = x @ W
    deg = jnp.zeros((n,), dtype=x.dtype).at[col].add(1.0)
    dinv = jnp.where(deg > 0, 1.0 / jnp.sqrt(deg), 0.0)
    norm = dinv[row] * dinv[col]
    msg = x[row] * norm[:, None]
    out = jnp.zeros_like(x).at[col].add(msg)
    return out + b


def setup_inputs(seed: int = 0) -> dict:
    key = jax.random.key(seed)
    k1, k2, k3, k4, k5 = jax.random.split(key, 5)
    edge_index = jax.random.randint(k1, (2, E), 0, N, dtype=jnp.int32)
    node_features = jax.random.normal(k2, (N, D), dtype=jnp.float32)
    s = 1.0 / np.sqrt(D)
    W1 = jax.random.normal(k3, (D, D), dtype=jnp.float32) * s
    b1 = jnp.zeros((D,), dtype=jnp.float32)
    W2 = jax.random.normal(k4, (D, D), dtype=jnp.float32) * s
    b2 = jnp.zeros((D,), dtype=jnp.float32)
    return {"edge_index": edge_index, "node_features": node_features,
            "W1": W1, "b1": b1, "W2": W2, "b2": b2}


def reference(edge_index, node_features, W1, b1, W2, b2):
    n = node_features.shape[0]
    row, col = edge_index[0], edge_index[1]
    loop = jnp.arange(n, dtype=row.dtype)
    row = jnp.concatenate([row, loop])
    col = jnp.concatenate([col, loop])
    h = gcn_layer(node_features, row, col, W1, b1, n)
    h = gcn_layer(h, row, col, W2, b2, n)
    return jnp.sum(h, axis=0) / jnp.sqrt(jnp.asarray(n, dtype=h.dtype))

if __name__ == "__main__":
    import jax
    _d = setup_inputs()
    print(jax.jit(kernel)(*tuple(_d.values())))

</pallas_src>

<mosaic_0001>
#map = affine_map<(d0, d1) -> (0, 0, 0)>
#map1 = affine_map<(d0, d1) -> (0, 0)>
module attributes {stable_mosaic.version = 14 : i64} {
  func.func @_sc_degree(%arg0: i32, %arg1: i32, %arg2: memref<32x79x128xi32, #tpu.memory_space<hbm>>, %arg3: memref<2x10240xf32, #tpu.memory_space<hbm>>, %arg4: memref<79x128xi32, #tpu.memory_space<vmem>>, %arg5: memref<128xf32, #tpu.memory_space<vmem>>, %arg6: memref<640xf32, #tpu.memory_space<vmem>>, %arg7: memref<10240xf32, #tpu.memory_space<vmem_shared>>, %arg8: memref<!tpu.dma_semaphore, #tpu.memory_space<semaphore_mem>>) attributes {dimension_semantics = [#tpu.dimension_semantics<core_parallel>, #tpu.dimension_semantics<subcore_parallel>], iteration_bounds = array<i64: 2, 16>, scalar_prefetch = 0 : i64, scratch_operands = 5 : i64, tpu.core_type = #tpu.core_type<sc_vector_subcore>, window_params = [{transform_indices = #map}, {transform_indices = #map1}]} {
    %mul3A = arith.constant 16 : i32
    %mul3A_0 = arith.muli %arg0, %mul3A : i32
    %add3A = arith.addi %mul3A_0, %arg1 : i32
    %dma_start3A = arith.constant 0 : i32
    %dma_start3A_1 = arith.constant 0 : i32
    %dma_start3A_2 = tpu.memref_slice %arg2[%add3A, %dma_start3A, %dma_start3A_1] : memref<32x79x128xi32, #tpu.memory_space<hbm>> -> memref<1x79x128xi32, #tpu.memory_space<hbm>>
    %dma_start3A_3 = tpu.memref_squeeze %dma_start3A_2 : memref<1x79x128xi32, #tpu.memory_space<hbm>> -> memref<79x128xi32, #tpu.memory_space<hbm>>
    %dma_start3A_4 = arith.constant 0 : i32
    %dma_start3A_5 = arith.constant 0 : i32
    %dma_start3A_6 = tpu.memref_slice %arg2[%add3A, %dma_start3A_4, %dma_start3A_5] : memref<32x79x128xi32, #tpu.memory_space<hbm>> -> memref<1x79x128xi32, #tpu.memory_space<hbm>>
    %dma_start3A_7 = tpu.memref_squeeze %dma_start3A_6 : memref<1x79x128xi32, #tpu.memory_space<hbm>> -> memref<79x128xi32, #tpu.memory_space<hbm>>
    tpu.enqueue_dma source(%dma_start3A_7 : memref<79x128xi32, #tpu.memory_space<hbm>>) target(%arg4 : memref<79x128xi32, #tpu.memory_space<vmem>>) target_semaphore(%arg8 : memref<!tpu.dma_semaphore, #tpu.memory_space<semaphore_mem>>)
    %scan3A = arith.constant 0 : i32
    %scan3A_8 = arith.constant 40 : i32
    %scan3A_9 = arith.addi %scan3A, %scan3A_8 : i32
    %scan3A_10 = arith.constant 1 : i32
    scf.for %scan3A_34 = %scan3A to %scan3A_9 step %scan3A_10  : i32 {
      %mul3A_35 = arith.constant 16 : i32
      %mul3A_36 = arith.muli %scan3A_34, %mul3A_35 : i32
      %add3A_37 = arith.constant 0 : i32
      %add3A_38 = arith.addi %add3A_37, %mul3A_36 : i32
      %broadcast_in_dim3A = arith.constant 0.000000e+00 : f32
      %broadcast_in_dim3A_39 = vector.broadcast %broadcast_in_dim3A : f32 to vector<16xf32>
      %swap3A = arith.index_cast %add3A_38 : i32 to index
      %swap3A_40 = tpu.vector_load %arg6[%swap3A] {strides = array<i32>} : memref<640xf32, #tpu.memory_space<vmem>>, vector<16xf32>,
      %swap3A_41 = vector.shape_cast %swap3A_40 : vector<16xf32> to vector<16xf32>
      %swap3A_42 = vector.shape_cast %broadcast_in_dim3A_39 : vector<16xf32> to vector<16xf32>
      tpu.vector_store %arg6[%swap3A], %swap3A_42 {strides = array<i32>} : memref<640xf32, #tpu.memory_space<vmem>>, vector<16xf32>,
    }
    %scan3A_11 = arith.constant 40 : i32
    %mul3A_12 = arith.constant 640 : i32
    %mul3A_13 = arith.muli %arg1, %mul3A_12 : i32
    "tpu.region"() ({
      %run_scoped3A_34 = tpu.sem_alloc : memref<!tpu.dma_semaphore, #tpu.memory_space<semaphore_mem>>
      %dma_start3A_35 = tpu.memref_slice %arg7[%mul3A_13] : memref<10240xf32, #tpu.memory_space<vmem_shared>> -> memref<640xf32, #tpu.memory_space<vmem_shared>>
      %dma_start3A_36 = tpu.memref_slice %arg7[%mul3A_13] : memref<10240xf32, #tpu.memory_space<vmem_shared>> -> memref<640xf32, #tpu.memory_space<vmem_shared>>
      tpu.enqueue_dma source(%arg6 : memref<640xf32, #tpu.memory_space<vmem>>) target(%dma_start3A_36 : memref<640xf32, #tpu.memory_space<vmem_shared>>) target_semaphore(%run_scoped3A_34 : memref<!tpu.dma_semaphore, #tpu.memory_space<semaphore_mem>>)
      %dma_wait3A_37 = tpu.memref_slice %arg7[%mul3A_13] : memref<10240xf32, #tpu.memory_space<vmem_shared>> -> memref<640xf32, #tpu.memory_space<vmem_shared>>
      %dma_wait3A_38 = tpu.memref_slice %arg7[%mul3A_13] : memref<10240xf32, #tpu.memory_space<vmem_shared>> -> memref<640xf32, #tpu.memory_space<vmem_shared>>
      tpu.wait_dma2 semaphore(%run_scoped3A_34 : memref<!tpu.dma_semaphore, #tpu.memory_space<semaphore_mem>>) src(%arg6 : memref<640xf32, #tpu.memory_space<vmem>>) dst(%dma_wait3A_38 : memref<640xf32, #tpu.memory_space<vmem_shared>>)
      tpu.yield
    }) : () -> ()
    %scan3A_14 = arith.constant 0 : i32
    %scan3A_15 = arith.constant 8 : i32
    %scan3A_16 = arith.addi %scan3A_14, %scan3A_15 : i32
    %scan3A_17 = arith.constant 1 : i32
    scf.for %scan3A_34 = %scan3A_14 to %scan3A_16 step %scan3A_17  : i32 {
      %mul3A_35 = arith.constant 16 : i32
      %mul3A_36 = arith.muli %scan3A_34, %mul3A_35 : i32
      %add3A_37 = arith.constant 0 : i32
      %add3A_38 = arith.addi %add3A_37, %mul3A_36 : i32
      %broadcast_in_dim3A = arith.constant 1.000000e+00 : f32
      %broadcast_in_dim3A_39 = vector.broadcast %broadcast_in_dim3A : f32 to vector<16xf32>
      %swap3A = arith.index_cast %add3A_38 : i32 to index
      %swap3A_40 = tpu.vector_load %arg5[%swap3A] {strides = array<i32>} : memref<128xf32, #tpu.memory_space<vmem>>, vector<16xf32>,
      %swap3A_41 = vector.shape_cast %swap3A_40 : vector<16xf32> to vector<16xf32>
      %swap3A_42 = vector.shape_cast %broadcast_in_dim3A_39 : vector<16xf32> to vector<16xf32>
      tpu.vector_store %arg5[%swap3A], %swap3A_42 {strides = array<i32>} : memref<128xf32, #tpu.memory_space<vmem>>, vector<16xf32>,
    }
    %scan3A_18 = arith.constant 8 : i32
    %dma_wait3A = arith.constant 0 : i32
    %dma_wait3A_19 = arith.constant 0 : i32
    %dma_wait3A_20 = tpu.memref_slice %arg2[%add3A, %dma_wait3A, %dma_wait3A_19] : memref<32x79x128xi32, #tpu.memory_space<hbm>> -> memref<1x79x128xi32, #tpu.memory_space<hbm>>
    %dma_wait3A_21 = tpu.memref_squeeze %dma_wait3A_20 : memref<1x79x128xi32, #tpu.memory_space<hbm>> -> memref<79x128xi32, #tpu.memory_space<hbm>>
    %dma_wait3A_22 = arith.constant 0 : i32
    %dma_wait3A_23 = arith.constant 0 : i32
    %dma_wait3A_24 = tpu.memref_slice %arg2[%add3A, %dma_wait3A_22, %dma_wait3A_23] : memref<32x79x128xi32, #tpu.memory_space<hbm>> -> memref<1x79x128xi32, #tpu.memory_space<hbm>>
    %dma_wait3A_25 = tpu.memref_squeeze %dma_wait3A_24 : memref<1x79x128xi32, #tpu.memory_space<hbm>> -> memref<79x128xi32, #tpu.memory_space<hbm>>
    tpu.wait_dma2 semaphore(%arg8 : memref<!tpu.dma_semaphore, #tpu.memory_space<semaphore_mem>>) src(%dma_wait3A_25 : memref<79x128xi32, #tpu.memory_space<hbm>>) dst(%arg4 : memref<79x128xi32, #tpu.memory_space<vmem>>)
    %barrier3A = arith.constant 0 : index
    tpu.barrier barrier_id(%barrier3A)
    %scan3A_26 = arith.constant 0 : i32
    %scan3A_27 = arith.constant 6 : i32
    %scan3A_28 = arith.addi %scan3A_26, %scan3A_27 : i32
    %scan3A_29 = arith.constant 1 : i32
    scf.for %scan3A_34 = %scan3A_26 to %scan3A_28 step %scan3A_29  : i32 {
      %mul3A_35 = arith.constant 13 : i32
      %mul3A_36 = arith.muli %scan3A_34, %mul3A_35 : i32
      %add3A_37 = arith.constant 0 : i32
      %add3A_38 = arith.addi %add3A_37, %mul3A_36 : i32
      %add3A_39 = arith.constant 0 : i32
      %add3A_40 = arith.addi %add3A_38, %add3A_39 : i32
      %dma_start3A_41 = arith.constant 0 : i32
      %dma_start3A_42 = tpu.memref_slice %arg4[%add3A_40, %dma_start3A_41] : memref<79x128xi32, #tpu.memory_space<vmem>> -> memref<1x128xi32, #tpu.memory_space<vmem>>
      %dma_start3A_43 = tpu.memref_squeeze %dma_start3A_42 : memref<1x128xi32, #tpu.memory_space<vmem>> -> memref<128xi32, #tpu.memory_space<vmem>>
      %dma_start3A_44 = arith.constant 0 : i32
      %dma_start3A_45 = tpu.memref_slice %arg7[%dma_start3A_44] : memref<10240xf32, #tpu.memory_space<vmem_shared>> -> memref<10240xf32, #tpu.memory_space<vmem_shared>>
      tpu.enqueue_indirect_dma source(%arg5 : memref<128xf32, #tpu.memory_space<vmem>>) target(%dma_start3A_45 : memref<10240xf32, #tpu.memory_space<vmem_shared>>) offsets(%dma_start3A_43 : memref<128xi32, #tpu.memory_space<vmem>>) semaphore(%arg8 : memref<!tpu.dma_semaphore, #tpu.memory_space<semaphore_mem>>) {add = true}
      %add3A_46 = arith.constant 1 : i32
      %add3A_47 = arith.addi %add3A_38, %add3A_46 : i32
      %dma_start3A_48 = arith.constant 0 : i32
      %dma_start3A_49 = tpu.memref_slice %arg4[%add3A_47, %dma_start3A_48] : memref<79x128xi32, #tpu.memory_space<vmem>> -> memref<1x128xi32, #tpu.memory_space<vmem>>
      %dma_start3A_50 = tpu.memref_squeeze %dma_start3A_49 : memref<1x128xi32, #tpu.memory_space<vmem>> -> memref<128xi32, #tpu.memory_space<vmem>>
      %dma_start3A_51 = arith.constant 0 : i32
      %dma_start3A_52 = tpu.memref_slice %arg7[%dma_start3A_51] : memref<10240xf32, #tpu.memory_space<vmem_shared>> -> memref<10240xf32, #tpu.memory_space<vmem_shared>>
      tpu.enqueue_indirect_dma source(%arg5 : memref<128xf32, #tpu.memory_space<vmem>>) target(%dma_start3A_52 : memref<10240xf32, #tpu.memory_space<vmem_shared>>) offsets(%dma_start3A_50 : memref<128xi32, #tpu.memory_space<vmem>>) semaphore(%arg8 : memref<!tpu.dma_semaphore, #tpu.memory_space<semaphore_mem>>) {add = true}
      %add3A_53 = arith.constant 2 : i32
      %add3A_54 = arith.addi %add3A_38, %add3A_53 : i32
      %dma_start3A_55 = arith.constant 0 : i32
      %dma_start3A_56 = tpu.memref_slice %arg4[%add3A_54, %dma_start3A_55] : memref<79x128xi32, #tpu.memory_space<vmem>> -> memref<1x128xi32, #tpu.memory_space<vmem>>
      %dma_start3A_57 = tpu.memref_squeeze %dma_start3A_56 : memref<1x128xi32, #tpu.memory_space<vmem>> -> memref<128xi32, #tpu.memory_space<vmem>>
      %dma_start3A_58 = arith.constant 0 : i32
      %dma_start3A_59 = tpu.memref_slice %arg7[%dma_start3A_58] : memref<10240xf32, #tpu.memory_space<vmem_shared>> -> memref<10240xf32, #tpu.memory_space<vmem_shared>>
      tpu.enqueue_indirect_dma source(%arg5 : memref<128xf32, #tpu.memory_space<vmem>>) target(%dma_start3A_59 : memref<10240xf32, #tpu.memory_space<vmem_shared>>) offsets(%dma_start3A_57 : memref<128xi32, #tpu.memory_space<vmem>>) semaphore(%arg8 : memref<!tpu.dma_semaphore, #tpu.memory_space<semaphore_mem>>) {add = true}
      %add3A_60 = arith.constant 3 : i32
      %add3A_61 = arith.addi %add3A_38, %add3A_60 : i32
      %dma_start3A_62 = arith.constant 0 : i32
      %dma_start3A_63 = tpu.memref_slice %arg4[%add3A_61, %dma_start3A_62] : memref<79x128xi32, #tpu.memory_space<vmem>> -> memref<1x128xi32, #tpu.memory_space<vmem>>
      %dma_start3A_64 = tpu.memref_squeeze %dma_start3A_63 : memref<1x128xi32, #tpu.memory_space<vmem>> -> memref<128xi32, #tpu.memory_space<vmem>>
      %dma_start3A_65 = arith.constant 0 : i32
      %dma_start3A_66 = tpu.memref_slice %arg7[%dma_start3A_65] : memref<10240xf32, #tpu.memory_space<vmem_shared>> -> memref<10240xf32, #tpu.memory_space<vmem_shared>>
      tpu.enqueue_indirect_dma source(%arg5 : memref<128xf32, #tpu.memory_space<vmem>>) target(%dma_start3A_66 : memref<10240xf32, #tpu.memory_space<vmem_shared>>) offsets(%dma_start3A_64 : memref<128xi32, #tpu.memory_space<vmem>>) semaphore(%arg8 : memref<!tpu.dma_semaphore, #tpu.memory_space<semaphore_mem>>) {add = true}
      %add3A_67 = arith.constant 4 : i32
      %add3A_68 = arith.addi %add3A_38, %add3A_67 : i32
      %dma_start3A_69 = arith.constant 0 : i32
      %dma_start3A_70 = tpu.memref_slice %arg4[%add3A_68, %dma_start3A_69] : memref<79x128xi32, #tpu.memory_space<vmem>> -> memref<1x128xi32, #tpu.memory_space<vmem>>
      %dma_start3A_71 = tpu.memref_squeeze %dma_start3A_70 : memref<1x128xi32, #tpu.memory_space<vmem>> -> memref<128xi32, #tpu.memory_space<vmem>>
      %dma_start3A_72 = arith.constant 0 : i32
      %dma_start3A_73 = tpu.memref_slice %arg7[%dma_start3A_72] : memref<10240xf32, #tpu.memory_space<vmem_shared>> -> memref<10240xf32, #tpu.memory_space<vmem_shared>>
      tpu.enqueue_indirect_dma source(%arg5 : memref<128xf32, #tpu.memory_space<vmem>>) target(%dma_start3A_73 : memref<10240xf32, #tpu.memory_space<vmem_shared>>) offsets(%dma_start3A_71 : memref<128xi32, #tpu.memory_space<vmem>>) semaphore(%arg8 : memref<!tpu.dma_semaphore, #tpu.memory_space<semaphore_mem>>) {add = true}
      %add3A_74 = arith.constant 5 : i32
      %add3A_75 = arith.addi %add3A_38, %add3A_74 : i32
      %dma_start3A_76 = arith.constant 0 : i32
      %dma_start3A_77 = tpu.memref_slice %arg4[%add3A_75, %dma_start3A_76] : memref<79x128xi32, #tpu.memory_space<vmem>> -> memref<1x128xi32, #tpu.memory_space<vmem>>
      %dma_start3A_78 = tpu.memref_squeeze %dma_start3A_77 : memref<1x128xi32, #tpu.memory_space<vmem>> -> memref<128xi32, #tpu.memory_space<vmem>>
      %dma_start3A_79 = arith.constant 0 : i32
      %dma_start3A_80 = tpu.memref_slice %arg7[%dma_start3A_79] : memref<10240xf32, #tpu.memory_space<vmem_shared>> -> memref<10240xf32, #tpu.memory_space<vmem_shared>>
      tpu.enqueue_indirect_dma source(%arg5 : memref<128xf32, #tpu.memory_space<vmem>>) target(%dma_start3A_80 : memref<10240xf32, #tpu.memory_space<vmem_shared>>) offsets(%dma_start3A_78 : memref<128xi32, #tpu.memory_space<vmem>>) semaphore(%arg8 : memref<!tpu.dma_semaphore, #tpu.memory_space<semaphore_mem>>) {add = true}
      %add3A_81 = arith.constant 6 : i32
      %add3A_82 = arith.addi %add3A_38, %add3A_81 : i32
      %dma_start3A_83 = arith.constant 0 : i32
      %dma_start3A_84 = tpu.memref_slice %arg4[%add3A_82, %dma_start3A_83] : memref<79x128xi32, #tpu.memory_space<vmem>> -> memref<1x128xi32, #tpu.memory_space<vmem>>
      %dma_start3A_85 = tpu.memref_squeeze %dma_start3A_84 : memref<1x128xi32, #tpu.memory_space<vmem>> -> memref<128xi32, #tpu.memory_space<vmem>>
      %dma_start3A_86 = arith.constant 0 : i32
      %dma_start3A_87 = tpu.memref_slice %arg7[%dma_start3A_86] : memref<10240xf32, #tpu.memory_space<vmem_shared>> -> memref<10240xf32, #tpu.memory_space<vmem_shared>>
      tpu.enqueue_indirect_dma source(%arg5 : memref<128xf32, #tpu.memory_space<vmem>>) target(%dma_start3A_87 : memref<10240xf32, #tpu.memory_space<vmem_shared>>) offsets(%dma_start3A_85 : memref<128xi32, #tpu.memory_space<vmem>>) semaphore(%arg8 : memref<!tpu.dma_semaphore, #tpu.memory_space<semaphore_mem>>) {add = true}
      %add3A_88 = arith.constant 7 : i32
      %add3A_89 = arith.addi %add3A_38, %add3A_88 : i32
      %dma_start3A_90 = arith.constant 0 : i32
      %dma_start3A_91 = tpu.memref_slice %arg4[%add3A_89, %dma_start3A_90] : memref<79x128xi32, #tpu.memory_space<vmem>> -> memref<1x128xi32, #tpu.memory_space<vmem>>
      %dma_start3A_92 = tpu.memref_squeeze %dma_start3A_91 : memref<1x128xi32, #tpu.memory_space<vmem>> -> memref<128xi32, #tpu.memory_space<vmem>>
      %dma_start3A_93 = arith.constant 0 : i32
      %dma_start3A_94 = tpu.memref_slice %arg7[%dma_start3A_93] : memref<10240xf32, #tpu.memory_space<vmem_shared>> -> memref<10240xf32, #tpu.memory_space<vmem_shared>>
      tpu.enqueue_indirect_dma source(%arg5 : memref<128xf32, #tpu.memory_space<vmem>>) target(%dma_start3A_94 : memref<10240xf32, #tpu.memory_space<vmem_shared>>) offsets(%dma_start3A_92 : memref<128xi32, #tpu.memory_space<vmem>>) semaphore(%arg8 : memref<!tpu.dma_semaphore, #tpu.memory_space<semaphore_mem>>) {add = true}
      %add3A_95 = arith.constant 8 : i32
      %add3A_96 = arith.addi %add3A_38, %add3A_95 : i32
      %dma_start3A_97 = arith.constant 0 : i32
      %dma_start3A_98 = tpu.memref_slice %arg4[%add3A_96, %dma_start3A_97] : memref<79x128xi32, #tpu.memory_space<vmem>> -> memref<1x128xi32, #tpu.memory_space<vmem>>
      %dma_start3A_99 = tpu.memref_squeeze %dma_start3A_98 : memref<1x128xi32, #tpu.memory_space<vmem>> -> memref<128xi32, #tpu.memory_space<vmem>>
      %dma_start3A_100 = arith.constant 0 : i32
      %dma_start3A_101 = tpu.memref_slice %arg7[%dma_start3A_100] : memref<10240xf32, #tpu.memory_space<vmem_shared>> -> memref<10240xf32, #tpu.memory_space<vmem_shared>>
      tpu.enqueue_indirect_dma source(%arg5 : memref<128xf32, #tpu.memory_space<vmem>>) target(%dma_start3A_101 : memref<10240xf32, #tpu.memory_space<vmem_shared>>) offsets(%dma_start3A_99 : memref<128xi32, #tpu.memory_space<vmem>>) semaphore(%arg8 : memref<!tpu.dma_semaphore, #tpu.memory_space<semaphore_mem>>) {add = true}
      %add3A_102 = arith.constant 9 : i32
      %add3A_103 = arith.addi %add3A_38, %add3A_102 : i32
      %dma_start3A_104 = arith.constant 0 : i32
      %dma_start3A_105 = tpu.memref_slice %arg4[%add3A_103, %dma_start3A_104] : memref<79x128xi32, #tpu.memory_space<vmem>> -> memref<1x128xi32, #tpu.memory_space<vmem>>
      %dma_start3A_106 = tpu.memref_squeeze %dma_start3A_105 : memref<1x128xi32, #tpu.memory_space<vmem>> -> memref<128xi32, #tpu.memory_space<vmem>>
      %dma_start3A_107 = arith.constant 0 : i32
      %dma_start3A_108 = tpu.memref_slice %arg7[%dma_start3A_107] : memref<10240xf32, #tpu.memory_space<vmem_shared>> -> memref<10240xf32, #tpu.memory_space<vmem_shared>>
      tpu.enqueue_indirect_dma source(%arg5 : memref<128xf32, #tpu.memory_space<vmem>>) target(%dma_start3A_108 : memref<10240xf32, #tpu.memory_space<vmem_shared>>) offsets(%dma_start3A_106 : memref<128xi32, #tpu.memory_space<vmem>>) semaphore(%arg8 : memref<!tpu.dma_semaphore, #tpu.memory_space<semaphore_mem>>) {add = true}
      %add3A_109 = arith.constant 10 : i32
      %add3A_110 = arith.addi %add3A_38, %add3A_109 : i32
      %dma_start3A_111 = arith.constant 0 : i32
      %dma_start3A_112 = tpu.memref_slice %arg4[%add3A_110, %dma_start3A_111] : memref<79x128xi32, #tpu.memory_space<vmem>> -> memref<1x128xi32, #tpu.memory_space<vmem>>
      %dma_start3A_113 = tpu.memref_squeeze %dma_start3A_112 : memref<1x128xi32, #tpu.memory_space<vmem>> -> memref<128xi32, #tpu.memory_space<vmem>>
      %dma_start3A_114 = arith.constant 0 : i32
      %dma_start3A_115 = tpu.memref_slice %arg7[%dma_start3A_114] : memref<10240xf32, #tpu.memory_space<vmem_shared>> -> memref<10240xf32, #tpu.memory_space<vmem_shared>>
      tpu.enqueue_indirect_dma source(%arg5 : memref<128xf32, #tpu.memory_space<vmem>>) target(%dma_start3A_115 : memref<10240xf32, #tpu.memory_space<vmem_shared>>) offsets(%dma_start3A_113 : memref<128xi32, #tpu.memory_space<vmem>>) semaphore(%arg8 : memref<!tpu.dma_semaphore, #tpu.memory_space<semaphore_mem>>) {add = true}
      %add3A_116 = arith.constant 11 : i32
      %add3A_117 = arith.addi %add3A_38, %add3A_116 : i32
      %dma_start3A_118 = arith.constant 0 : i32
      %dma_start3A_119 = tpu.memref_slice %arg4[%add3A_117, %dma_start3A_118] : memref<79x128xi32, #tpu.memory_space<vmem>> -> memref<1x128xi32, #tpu.memory_space<vmem>>
      %dma_start3A_120 = tpu.memref_squeeze %dma_start3A_119 : memref<1x128xi32, #tpu.memory_space<vmem>> -> memref<128xi32, #tpu.memory_space<vmem>>
      %dma_start3A_121 = arith.constant 0 : i32
      %dma_start3A_122 = tpu.memref_slice %arg7[%dma_start3A_121] : memref<10240xf32, #tpu.memory_space<vmem_shared>> -> memref<10240xf32, #tpu.memory_space<vmem_shared>>
      tpu.enqueue_indirect_dma source(%arg5 : memref<128xf32, #tpu.memory_space<vmem>>) target(%dma_start3A_122 : memref<10240xf32, #tpu.memory_space<vmem_shared>>) offsets(%dma_start3A_120 : memref<128xi32, #tpu.memory_space<vmem>>) semaphore(%arg8 : memref<!tpu.dma_semaphore, #tpu.memory_space<semaphore_mem>>) {add = true}
      %add3A_123 = arith.constant 12 : i32
      %add3A_124 = arith.addi %add3A_38, %add3A_123 : i32
      %dma_start3A_125 = arith.constant 0 : i32
      %dma_start3A_126 = tpu.memref_slice %arg4[%add3A_124, %dma_start3A_125] : memref<79x128xi32, #tpu.memory_space<vmem>> -> memref<1x128xi32, #tpu.memory_space<vmem>>
      %dma_start3A_127 = tpu.memref_squeeze %dma_start3A_126 : memref<1x128xi32, #tpu.memory_space<vmem>> -> memref<128xi32, #tpu.memory_space<vmem>>
      %dma_start3A_128 = arith.constant 0 : i32
      %dma_start3A_129 = tpu.memref_slice %arg7[%dma_start3A_128] : memref<10240xf32, #tpu.memory_space<vmem_shared>> -> memref<10240xf32, #tpu.memory_space<vmem_shared>>
      tpu.enqueue_indirect_dma source(%arg5 : memref<128xf32, #tpu.memory_space<vmem>>) target(%dma_start3A_129 : memref<10240xf32, #tpu.memory_space<vmem_shared>>) offsets(%dma_start3A_127 : memref<128xi32, #tpu.memory_space<vmem>>) semaphore(%arg8 : memref<!tpu.dma_semaphore, #tpu.memory_space<semaphore_mem>>) {add = true}
      %add3A_130 = arith.constant 0 : i32
      %add3A_131 = arith.addi %add3A_38, %add3A_130 : i32
      %dma_wait3A_132 = arith.constant 0 : i32
      %dma_wait3A_133 = tpu.memref_slice %arg4[%add3A_131, %dma_wait3A_132] : memref<79x128xi32, #tpu.memory_space<vmem>> -> memref<1x128xi32, #tpu.memory_space<vmem>>
      %dma_wait3A_134 = tpu.memref_squeeze %dma_wait3A_133 : memref<1x128xi32, #tpu.memory_space<vmem>> -> memref<128xi32, #tpu.memory_space<vmem>>
      %dma_wait3A_135 = arith.constant 0 : i32
      %dma_wait3A_136 = tpu.memref_slice %arg7[%dma_wait3A_135] : memref<10240xf32, #tpu.memory_space<vmem_shared>> -> memref<10240xf32, #tpu.memory_space<vmem_shared>>
      tpu.wait_indirect_dma semaphore(%arg8 : memref<!tpu.dma_semaphore, #tpu.memory_space<semaphore_mem>>) src(%arg5 : memref<128xf32, #tpu.memory_space<vmem>>) dst(%dma_wait3A_136 : memref<10240xf32, #tpu.memory_space<vmem_shared>>)
      %add3A_137 = arith.constant 1 : i32
      %add3A_138 = arith.addi %add3A_38, %add3A_137 : i32
      %dma_wait3A_139 = arith.constant 0 : i32
      %dma_wait3A_140 = tpu.memref_slice %arg4[%add3A_138, %dma_wait3A_139] : memref<79x128xi32, #tpu.memory_space<vmem>> -> memref<1x128xi32, #tpu.memory_space<vmem>>
      %dma_wait3A_141 = tpu.memref_squeeze %dma_wait3A_140 : memref<1x128xi32, #tpu.memory_space<vmem>> -> memref<128xi32, #tpu.memory_space<vmem>>
      %dma_wait3A_142 = arith.constant 0 : i32
      %dma_wait3A_143 = tpu.memref_slice %arg7[%dma_wait3A_142] : memref<10240xf32, #tpu.memory_space<vmem_shared>> -> memref<10240xf32, #tpu.memory_space<vmem_shared>>
      tpu.wait_indirect_dma semaphore(%arg8 : memref<!tpu.dma_semaphore, #tpu.memory_space<semaphore_mem>>) src(%arg5 : memref<128xf32, #tpu.memory_space<vmem>>) dst(%dma_wait3A_143 : memref<10240xf32, #tpu.memory_space<vmem_shared>>)
      %add3A_144 = arith.constant 2 : i32
      %add3A_145 = arith.addi %add3A_38, %add3A_144 : i32
      %dma_wait3A_146 = arith.constant 0 : i32
      %dma_wait3A_147 = tpu.memref_slice %arg4[%add3A_145, %dma_wait3A_146] : memref<79x128xi32, #tpu.memory_space<vmem>> -> memref<1x128xi32, #tpu.memory_space<vmem>>
      %dma_wait3A_148 = tpu.memref_squeeze %dma_wait3A_147 : memref<1x128xi32, #tpu.memory_space<vmem>> -> memref<128xi32, #tpu.memory_space<vmem>>
      %dma_wait3A_149 = arith.constant 0 : i32
      %dma_wait3A_150 = tpu.memref_slice %arg7[%dma_wait3A_149] : memref<10240xf32, #tpu.memory_space<vmem_shared>> -> memref<10240xf32, #tpu.memory_space<vmem_shared>>
      tpu.wait_indirect_dma semaphore(%arg8 : memref<!tpu.dma_semaphore, #tpu.memory_space<semaphore_mem>>) src(%arg5 : memref<128xf32, #tpu.memory_space<vmem>>) dst(%dma_wait3A_150 : memref<10240xf32, #tpu.memory_space<vmem_shared>>)
      %add3A_151 = arith.constant 3 : i32
      %add3A_152 = arith.addi %add3A_38, %add3A_151 : i32
      %dma_wait3A_153 = arith.constant 0 : i32
      %dma_wait3A_154 = tpu.memref_slice %arg4[%add3A_152, %dma_wait3A_153] : memref<79x128xi32, #tpu.memory_space<vmem>> -> memref<1x128xi32, #tpu.memory_space<vmem>>
      %dma_wait3A_155 = tpu.memref_squeeze %dma_wait3A_154 : memref<1x128xi32, #tpu.memory_space<vmem>> -> memref<128xi32, #tpu.memory_space<vmem>>
      %dma_wait3A_156 = arith.constant 0 : i32
      %dma_wait3A_157 = tpu.memref_slice %arg7[%dma_wait3A_156] : memref<10240xf32, #tpu.memory_space<vmem_shared>> -> memref<10240xf32, #tpu.memory_space<vmem_shared>>
      tpu.wait_indirect_dma semaphore(%arg8 : memref<!tpu.dma_semaphore, #tpu.memory_space<semaphore_mem>>) src(%arg5 : memref<128xf32, #tpu.memory_space<vmem>>) dst(%dma_wait3A_157 : memref<10240xf32, #tpu.memory_space<vmem_shared>>)
      %add3A_158 = arith.constant 4 : i32
      %add3A_159 = arith.addi %add3A_38, %add3A_158 : i32
      %dma_wait3A_160 = arith.constant 0 : i32
      %dma_wait3A_161 = tpu.memref_slice %arg4[%add3A_159, %dma_wait3A_160] : memref<79x128xi32, #tpu.memory_space<vmem>> -> memref<1x128xi32, #tpu.memory_space<vmem>>
      %dma_wait3A_162 = tpu.memref_squeeze %dma_wait3A_161 : memref<1x128xi32, #tpu.memory_space<vmem>> -> memref<128xi32, #tpu.memory_space<vmem>>
      %dma_wait3A_163 = arith.constant 0 : i32
      %dma_wait3A_164 = tpu.memref_slice %arg7[%dma_wait3A_163] : memref<10240xf32, #tpu.memory_space<vmem_shared>> -> memref<10240xf32, #tpu.memory_space<vmem_shared>>
      tpu.wait_indirect_dma semaphore(%arg8 : memref<!tpu.dma_semaphore, #tpu.memory_space<semaphore_mem>>) src(%arg5 : memref<128xf32, #tpu.memory_space<vmem>>) dst(%dma_wait3A_164 : memref<10240xf32, #tpu.memory_space<vmem_shared>>)
      %add3A_165 = arith.constant 5 : i32
      %add3A_166 = arith.addi %add3A_38, %add3A_165 : i32
      %dma_wait3A_167 = arith.constant 0 : i32
      %dma_wait3A_168 = tpu.memref_slice %arg4[%add3A_166, %dma_wait3A_167] : memref<79x128xi32, #tpu.memory_space<vmem>> -> memref<1x128xi32, #tpu.memory_space<vmem>>
      %dma_wait3A_169 = tpu.memref_squeeze %dma_wait3A_168 : memref<1x128xi32, #tpu.memory_space<vmem>> -> memref<128xi32, #tpu.memory_space<vmem>>
      %dma_wait3A_170 = arith.constant 0 : i32
      %dma_wait3A_171 = tpu.memref_slice %arg7[%dma_wait3A_170] : memref<10240xf32, #tpu.memory_space<vmem_shared>> -> memref<10240xf32, #tpu.memory_space<vmem_shared>>
      tpu.wait_indirect_dma semaphore(%arg8 : memref<!tpu.dma_semaphore, #tpu.memory_space<semaphore_mem>>) src(%arg5 : memref<128xf32, #tpu.memory_space<vmem>>) dst(%dma_wait3A_171 : memref<10240xf32, #tpu.memory_space<vmem_shared>>)
      %add3A_172 = arith.constant 6 : i32
      %add3A_173 = arith.addi %add3A_38, %add3A_172 : i32
      %dma_wait3A_174 = arith.constant 0 : i32
      %dma_wait3A_175 = tpu.memref_slice %arg4[%add3A_173, %dma_wait3A_174] : memref<79x128xi32, #tpu.memory_space<vmem>> -> memref<1x128xi32, #tpu.memory_space<vmem>>
      %dma_wait3A_176 = tpu.memref_squeeze %dma_wait3A_175 : memref<1x128xi32, #tpu.memory_space<vmem>> -> memref<128xi32, #tpu.memory_space<vmem>>
      %dma_wait3A_177 = arith.constant 0 : i32
      %dma_wait3A_178 = tpu.memref_slice %arg7[%dma_wait3A_177] : memref<10240xf32, #tpu.memory_space<vmem_shared>> -> memref<10240xf32, #tpu.memory_space<vmem_shared>>
      tpu.wait_indirect_dma semaphore(%arg8 : memref<!tpu.dma_semaphore, #tpu.memory_space<semaphore_mem>>) src(%arg5 : memref<128xf32, #tpu.memory_space<vmem>>) dst(%dma_wait3A_178 : memref<10240xf32, #tpu.memory_space<vmem_shared>>)
      %add3A_179 = arith.constant 7 : i32
      %add3A_180 = arith.addi %add3A_38, %add3A_179 : i32
      %dma_wait3A_181 = arith.constant 0 : i32
      %dma_wait3A_182 = tpu.memref_slice %arg4[%add3A_180, %dma_wait3A_181] : memref<79x128xi32, #tpu.memory_space<vmem>> -> memref<1x128xi32, #tpu.memory_space<vmem>>
      %dma_wait3A_183 = tpu.memref_squeeze %dma_wait3A_182 : memref<1x128xi32, #tpu.memory_space<vmem>> -> memref<128xi32, #tpu.memory_space<vmem>>
      %dma_wait3A_184 = arith.constant 0 : i32
      %dma_wait3A_185 = tpu.memref_slice %arg7[%dma_wait3A_184] : memref<10240xf32, #tpu.memory_space<vmem_shared>> -> memref<10240xf32, #tpu.memory_space<vmem_shared>>
      tpu.wait_indirect_dma semaphore(%arg8 : memref<!tpu.dma_semaphore, #tpu.memory_space<semaphore_mem>>) src(%arg5 : memref<128xf32, #tpu.memory_space<vmem>>) dst(%dma_wait3A_185 : memref<10240xf32, #tpu.memory_space<vmem_shared>>)
      %add3A_186 = arith.constant 8 : i32
      %add3A_187 = arith.addi %add3A_38, %add3A_186 : i32
      %dma_wait3A_188 = arith.constant 0 : i32
      %dma_wait3A_189 = tpu.memref_slice %arg4[%add3A_187, %dma_wait3A_188] : memref<79x128xi32, #tpu.memory_space<vmem>> -> memref<1x128xi32, #tpu.memory_space<vmem>>
      %dma_wait3A_190 = tpu.memref_squeeze %dma_wait3A_189 : memref<1x128xi32, #tpu.memory_space<vmem>> -> memref<128xi32, #tpu.memory_space<vmem>>
      %dma_wait3A_191 = arith.constant 0 : i32
      %dma_wait3A_192 = tpu.memref_slice %arg7[%dma_wait3A_191] : memref<10240xf32, #tpu.memory_space<vmem_shared>> -> memref<10240xf32, #tpu.memory_space<vmem_shared>>
      tpu.wait_indirect_dma semaphore(%arg8 : memref<!tpu.dma_semaphore, #tpu.memory_space<semaphore_mem>>) src(%arg5 : memref<128xf32, #tpu.memory_space<vmem>>) dst(%dma_wait3A_192 : memref<10240xf32, #tpu.memory_space<vmem_shared>>)
      %add3A_193 = arith.constant 9 : i32
      %add3A_194 = arith.addi %add3A_38, %add3A_193 : i32
      %dma_wait3A_195 = arith.constant 0 : i32
      %dma_wait3A_196 = tpu.memref_slice %arg4[%add3A_194, %dma_wait3A_195] : memref<79x128xi32, #tpu.memory_space<vmem>> -> memref<1x128xi32, #tpu.memory_space<vmem>>
      %dma_wait3A_197 = tpu.memref_squeeze %dma_wait3A_196 : memref<1x128xi32, #tpu.memory_space<vmem>> -> memref<128xi32, #tpu.memory_space<vmem>>
      %dma_wait3A_198 = arith.constant 0 : i32
      %dma_wait3A_199 = tpu.memref_slice %arg7[%dma_wait3A_198] : memref<10240xf32, #tpu.memory_space<vmem_shared>> -> memref<10240xf32, #tpu.memory_space<vmem_shared>>
      tpu.wait_indirect_dma semaphore(%arg8 : memref<!tpu.dma_semaphore, #tpu.memory_space<semaphore_mem>>) src(%arg5 : memref<128xf32, #tpu.memory_space<vmem>>) dst(%dma_wait3A_199 : memref<10240xf32, #tpu.memory_space<vmem_shared>>)
      %add3A_200 = arith.constant 10 : i32
      %add3A_201 = arith.addi %add3A_38, %add3A_200 : i32
      %dma_wait3A_202 = arith.constant 0 : i32
      %dma_wait3A_203 = tpu.memref_slice %arg4[%add3A_201, %dma_wait3A_202] : memref<79x128xi32, #tpu.memory_space<vmem>> -> memref<1x128xi32, #tpu.memory_space<vmem>>
      %dma_wait3A_204 = tpu.memref_squeeze %dma_wait3A_203 : memref<1x128xi32, #tpu.memory_space<vmem>> -> memref<128xi32, #tpu.memory_space<vmem>>
      %dma_wait3A_205 = arith.constant 0 : i32
      %dma_wait3A_206 = tpu.memref_slice %arg7[%dma_wait3A_205] : memref<10240xf32, #tpu.memory_space<vmem_shared>> -> memref<10240xf32, #tpu.memory_space<vmem_shared>>
      tpu.wait_indirect_dma semaphore(%arg8 : memref<!tpu.dma_semaphore, #tpu.memory_space<semaphore_mem>>) src(%arg5 : memref<128xf32, #tpu.memory_space<vmem>>) dst(%dma_wait3A_206 : memref<10240xf32, #tpu.memory_space<vmem_shared>>)
      %add3A_207 = arith.constant 11 : i32
      %add3A_208 = arith.addi %add3A_38, %add3A_207 : i32
      %dma_wait3A_209 = arith.constant 0 : i32
      %dma_wait3A_210 = tpu.memref_slice %arg4[%add3A_208, %dma_wait3A_209] : memref<79x128xi32, #tpu.memory_space<vmem>> -> memref<1x128xi32, #tpu.memory_space<vmem>>
      %dma_wait3A_211 = tpu.memref_squeeze %dma_wait3A_210 : memref<1x128xi32, #tpu.memory_space<vmem>> -> memref<128xi32, #tpu.memory_space<vmem>>
      %dma_wait3A_212 = arith.constant 0 : i32
      %dma_wait3A_213 = tpu.memref_slice %arg7[%dma_wait3A_212] : memref<10240xf32, #tpu.memory_space<vmem_shared>> -> memref<10240xf32, #tpu.memory_space<vmem_shared>>
      tpu.wait_indirect_dma semaphore(%arg8 : memref<!tpu.dma_semaphore, #tpu.memory_space<semaphore_mem>>) src(%arg5 : memref<128xf32, #tpu.memory_space<vmem>>) dst(%dma_wait3A_213 : memref<10240xf32, #tpu.memory_space<vmem_shared>>)
      %add3A_214 = arith.constant 12 : i32
      %add3A_215 = arith.addi %add3A_38, %add3A_214 : i32
      %dma_wait3A_216 = arith.constant 0 : i32
      %dma_wait3A_217 = tpu.memref_slice %arg4[%add3A_215, %dma_wait3A_216] : memref<79x128xi32, #tpu.memory_space<vmem>> -> memref<1x128xi32, #tpu.memory_space<vmem>>
      %dma_wait3A_218 = tpu.memref_squeeze %dma_wait3A_217 : memref<1x128xi32, #tpu.memory_space<vmem>> -> memref<128xi32, #tpu.memory_space<vmem>>
      %dma_wait3A_219 = arith.constant 0 : i32
      %dma_wait3A_220 = tpu.memref_slice %arg7[%dma_wait3A_219] : memref<10240xf32, #tpu.memory_space<vmem_shared>> -> memref<10240xf32, #tpu.memory_space<vmem_shared>>
      tpu.wait_indirect_dma semaphore(%arg8 : memref<!tpu.dma_semaphore, #tpu.memory_space<semaphore_mem>>) src(%arg5 : memref<128xf32, #tpu.memory_space<vmem>>) dst(%dma_wait3A_220 : memref<10240xf32, #tpu.memory_space<vmem_shared>>)
    }
    %scan3A_30 = arith.constant 6 : i32
    %run_scoped3A = arith.constant 78 : i32
    "tpu.region"() ({
      %run_scoped3A_34 = tpu.sem_alloc : memref<!tpu.dma_semaphore, #tpu.memory_space<semaphore_mem>>
      %dma_start3A_35 = arith.constant 0 : i32
      %dma_start3A_36 = tpu.memref_slice %arg4[%run_scoped3A, %dma_start3A_35] : memref<79x128xi32, #tpu.memory_space<vmem>> -> memref<1x128xi32, #tpu.memory_space<vmem>>
      %dma_start3A_37 = tpu.memref_squeeze %dma_start3A_36 : memref<1x128xi32, #tpu.memory_space<vmem>> -> memref<128xi32, #tpu.memory_space<vmem>>
      %dma_start3A_38 = arith.constant 0 : i32
      %dma_start3A_39 = tpu.memref_slice %arg7[%dma_start3A_38] : memref<10240xf32, #tpu.memory_space<vmem_shared>> -> memref<10240xf32, #tpu.memory_space<vmem_shared>>
      tpu.enqueue_indirect_dma source(%arg5 : memref<128xf32, #tpu.memory_space<vmem>>) target(%dma_start3A_39 : memref<10240xf32, #tpu.memory_space<vmem_shared>>) offsets(%dma_start3A_37 : memref<128xi32, #tpu.memory_space<vmem>>) semaphore(%run_scoped3A_34 : memref<!tpu.dma_semaphore, #tpu.memory_space<semaphore_mem>>) {add = true}
      %dma_wait3A_40 = arith.constant 0 : i32
      %dma_wait3A_41 = tpu.memref_slice %arg4[%run_scoped3A, %dma_wait3A_40] : memref<79x128xi32, #tpu.memory_space<vmem>> -> memref<1x128xi32, #tpu.memory_space<vmem>>
      %dma_wait3A_42 = tpu.memref_squeeze %dma_wait3A_41 : memref<1x128xi32, #tpu.memory_space<vmem>> -> memref<128xi32, #tpu.memory_space<vmem>>
      %dma_wait3A_43 = arith.constant 0 : i32
      %dma_wait3A_44 = tpu.memref_slice %arg7[%dma_wait3A_43] : memref<10240xf32, #tpu.memory_space<vmem_shared>> -> memref<10240xf32, #tpu.memory_space<vmem_shared>>
      tpu.wait_indirect_dma semaphore(%run_scoped3A_34 : memref<!tpu.dma_semaphore, #tpu.memory_space<semaphore_mem>>) src(%arg5 : memref<128xf32, #tpu.memory_space<vmem>>) dst(%dma_wait3A_44 : memref<10240xf32, #tpu.memory_space<vmem_shared>>)
      tpu.yield
    }) : () -> ()
    %barrier3A_31 = arith.constant 0 : index
    tpu.barrier barrier_id(%barrier3A_31)
    %eq3A = arith.constant 0 : i32
    %eq3A_32 = arith.cmpi eq, %arg1, %eq3A : i32
    %convert_element_type3A = arith.extui %eq3A_32 : i1 to i32
    %cond3A = arith.constant 0 : i32
    %cond3A_33 = arith.cmpi ne, %convert_element_type3A, %cond3A : i32
    scf.if %cond3A_33 {
      "tpu.region"() ({
        %run_scoped3A_34 = tpu.sem_alloc : memref<!tpu.dma_semaphore, #tpu.memory_space<semaphore_mem>>
        %dma_start3A_35 = arith.constant 0 : i32
        %dma_start3A_36 = tpu.memref_slice %arg3[%arg0, %dma_start3A_35] : memref<2x10240xf32, #tpu.memory_space<hbm>> -> memref<1x10240xf32, #tpu.memory_space<hbm>>
        %dma_start3A_37 = tpu.memref_squeeze %dma_start3A_36 : memref<1x10240xf32, #tpu.memory_space<hbm>> -> memref<10240xf32, #tpu.memory_space<hbm>>
        tpu.enqueue_dma source(%arg7 : memref<10240xf32, #tpu.memory_space<vmem_shared>>) target(%dma_start3A_37 : memref<10240xf32, #tpu.memory_space<hbm>>) target_semaphore(%run_scoped3A_34 : memref<!tpu.dma_semaphore, #tpu.memory_space<semaphore_mem>>)
        %dma_wait3A_38 = arith.constant 0 : i32
        %dma_wait3A_39 = tpu.memref_slice %arg3[%arg0, %dma_wait3A_38] : memref<2x10240xf32, #tpu.memory_space<hbm>> -> memref<1x10240xf32, #tpu.memory_space<hbm>>
        %dma_wait3A_40 = tpu.memref_squeeze %dma_wait3A_39 : memref<1x10240xf32, #tpu.memory_space<hbm>> -> memref<10240xf32, #tpu.memory_space<hbm>>
        tpu.wait_dma2 semaphore(%run_scoped3A_34 : memref<!tpu.dma_semaphore, #tpu.memory_space<semaphore_mem>>) src(%arg7 : memref<10240xf32, #tpu.memory_space<vmem_shared>>) dst(%dma_wait3A_40 : memref<10240xf32, #tpu.memory_space<hbm>>)
        tpu.yield
      }) : () -> ()
    } else {
    }
    return
  }
}

#map = affine_map<(d0, d1) -> (0, 0, 0)>
#map1 = affine_map<(d0, d1) -> (0, 0)>
#map2 = affine_map<(d0, d1) -> (0)>
module attributes {stable_mosaic.version = 14 : i64} {
  func.func @_sc_pass_a(%arg0: i32, %arg1: i32, %arg2: memref<32x79x128xi32, #tpu.memory_space<hbm>>, %arg3: memref<32x79x128xi32, #tpu.memory_space<hbm>>, %arg4: memref<2x10240xf32, #tpu.memory_space<hbm>>, %arg5: memref<2x10240xf32, #tpu.memory_space<hbm>>, %arg6: memref<10240xf32, #tpu.memory_space<hbm>>, %arg7: memref<79x128xi32, #tpu.memory_space<vmem>>, %arg8: memref<79x128xi32, #tpu.memory_space<vmem>>, %arg9: memref<13x128xf32, #tpu.memory_space<vmem>>, %arg10: memref<640xf32, #tpu.memory_space<vmem>>, %arg11: memref<640xf32, #tpu.memory_space<vmem>>, %arg12: memref<640xf32, #tpu.memory_space<vmem>>, %arg13: memref<640xf32, #tpu.memory_space<vmem>>, %arg14: memref<10240xf32, #tpu.memory_space<vmem_shared>>, %arg15: memref<10240xf32, #tpu.memory_space<vmem_shared>>, %arg16: memref<!tpu.dma_semaphore, #tpu.memory_space<semaphore_mem>>, %arg17: memref<!tpu.dma_semaphore, #tpu.memory_space<semaphore_mem>>) attributes {dimension_semantics = [#tpu.dimension_semantics<core_parallel>, #tpu.dimension_semantics<subcore_parallel>], iteration_bounds = array<i64: 2, 16>, scalar_prefetch = 0 : i64, scratch_operands = 11 : i64, tpu.core_type = #tpu.core_type<sc_vector_subcore>, window_params = [{transform_indices = #map}, {transform_indices = #map}, {transform_indices = #map1}, {transform_indices = #map1}, {transform_indices = #map2}]} {
    %mul3A = arith.constant 16 : i32
    %mul3A_0 = arith.muli %arg0, %mul3A : i32
    %add3A = arith.addi %mul3A_0, %arg1 : i32
    %mul3A_1 = arith.constant 640 : i32
    %mul3A_2 = arith.muli %arg1, %mul3A_1 : i32
    %dma_start3A = arith.constant 0 : i32
    %dma_start3A_3 = tpu.memref_slice %arg4[%dma_start3A, %mul3A_2] : memref<2x10240xf32, #tpu.memory_space<hbm>> -> memref<1x640xf32, #tpu.memory_space<hbm>>
    %dma_start3A_4 = tpu.memref_squeeze %dma_start3A_3 : memref<1x640xf32, #tpu.memory_space<hbm>> -> memref<640xf32, #tpu.memory_space<hbm>>
    %dma_start3A_5 = tpu.memref_slice %arg4[%dma_start3A, %mul3A_2] : memref<2x10240xf32, #tpu.memory_space<hbm>> -> memref<1x640xf32, #tpu.memory_space<hbm>>
    %dma_start3A_6 = tpu.memref_squeeze %dma_start3A_5 : memref<1x640xf32, #tpu.memory_space<hbm>> -> memref<640xf32, #tpu.memory_space<hbm>>
    tpu.enqueue_dma source(%dma_start3A_6 : memref<640xf32, #tpu.memory_space<hbm>>) target(%arg10 : memref<640xf32, #tpu.memory_space<vmem>>) target_semaphore(%arg16 : memref<!tpu.dma_semaphore, #tpu.memory_space<semaphore_mem>>)
    %dma_start3A_7 = arith.constant 1 : i32
    %dma_start3A_8 = tpu.memref_slice %arg4[%dma_start3A_7, %mul3A_2] : memref<2x10240xf32, #tpu.memory_space<hbm>> -> memref<1x640xf32, #tpu.memory_space<hbm>>
    %dma_start3A_9 = tpu.memref_squeeze %dma_start3A_8 : memref<1x640xf32, #tpu.memory_space<hbm>> -> memref<640xf32, #tpu.memory_space<hbm>>
    %dma_start3A_10 = tpu.memref_slice %arg4[%dma_start3A_7, %mul3A_2] : memref<2x10240xf32, #tpu.memory_space<hbm>> -> memref<1x640xf32, #tpu.memory_space<hbm>>
    %dma_start3A_11 = tpu.memref_squeeze %dma_start3A_10 : memref<1x640xf32, #tpu.memory_space<hbm>> -> memref<640xf32, #tpu.memory_space<hbm>>
    tpu.enqueue_dma source(%dma_start3A_11 : memref<640xf32, #tpu.memory_space<hbm>>) target(%arg11 : memref<640xf32, #tpu.memory_space<vmem>>) target_semaphore(%arg16 : memref<!tpu.dma_semaphore, #tpu.memory_space<semaphore_mem>>)
    %dma_start3A_12 = arith.constant 0 : i32
    %dma_start3A_13 = arith.constant 0 : i32
    %dma_start3A_14 = tpu.memref_slice %arg2[%add3A, %dma_start3A_12, %dma_start3A_13] : memref<32x79x128xi32, #tpu.memory_space<hbm>> -> memref<1x79x128xi32, #tpu.memory_space<hbm>>
    %dma_start3A_15 = tpu.memref_squeeze %dma_start3A_14 : memref<1x79x128xi32, #tpu.memory_space<hbm>> -> memref<79x128xi32, #tpu.memory_space<hbm>>
    %dma_start3A_16 = arith.constant 0 : i32
    %dma_start3A_17 = arith.constant 0 : i32
    %dma_start3A_18 = tpu.memref_slice %arg2[%add3A, %dma_start3A_16, %dma_start3A_17] : memref<32x79x128xi32, #tpu.memory_space<hbm>> -> memref<1x79x128xi32, #tpu.memory_space<hbm>>
    %dma_start3A_19 = tpu.memref_squeeze %dma_start3A_18 : memref<1x79x128xi32, #tpu.memory_space<hbm>> -> memref<79x128xi32, #tpu.memory_space<hbm>>
    tpu.enqueue_dma source(%dma_start3A_19 : memref<79x128xi32, #tpu.memory_space<hbm>>) target(%arg7 : memref<79x128xi32, #tpu.memory_space<vmem>>) target_semaphore(%arg17 : memref<!tpu.dma_semaphore, #tpu.memory_space<semaphore_mem>>)
    %dma_start3A_20 = arith.constant 0 : i32
    %dma_start3A_21 = arith.constant 0 : i32
    %dma_start3A_22 = tpu.memref_slice %arg3[%add3A, %dma_start3A_20, %dma_start3A_21] : memref<32x79x128xi32, #tpu.memory_space<hbm>> -> memref<1x79x128xi32, #tpu.memory_space<hbm>>
    %dma_start3A_23 = tpu.memref_squeeze %dma_start3A_22 : memref<1x79x128xi32, #tpu.memory_space<hbm>> -> memref<79x128xi32, #tpu.memory_space<hbm>>
    %dma_start3A_24 = arith.constant 0 : i32
    %dma_start3A_25 = arith.constant 0 : i32
    %dma_start3A_26 = tpu.memref_slice %arg3[%add3A, %dma_start3A_24, %dma_start3A_25] : memref<32x79x128xi32, #tpu.memory_space<hbm>> -> memref<1x79x128xi32, #tpu.memory_space<hbm>>
    %dma_start3A_27 = tpu.memref_squeeze %dma_start3A_26 : memref<1x79x128xi32, #tpu.memory_space<hbm>> -> memref<79x128xi32, #tpu.memory_space<hbm>>
    tpu.enqueue_dma source(%dma_start3A_27 : memref<79x128xi32, #tpu.memory_space<hbm>>) target(%arg8 : memref<79x128xi32, #tpu.memory_space<vmem>>) target_semaphore(%arg17 : memref<!tpu.dma_semaphore, #tpu.memory_space<semaphore_mem>>)
    %scan3A = arith.constant 0 : i32
    %scan3A_28 = arith.constant 40 : i32
    %scan3A_29 = arith.addi %scan3A, %scan3A_28 : i32
    %scan3A_30 = arith.constant 1 : i32
    scf.for %scan3A_80 = %scan3A to %scan3A_29 step %scan3A_30  : i32 {
      %mul3A_81 = arith.constant 16 : i32
      %mul3A_82 = arith.muli %scan3A_80, %mul3A_81 : i32
      %add3A_83 = arith.constant 0 : i32
      %add3A_84 = arith.addi %add3A_83, %mul3A_82 : i32
      %broadcast_in_dim3A = arith.constant 0.000000e+00 : f32
      %broadcast_in_dim3A_85 = vector.broadcast %broadcast_in_dim3A : f32 to vector<16xf32>
      %swap3A = arith.index_cast %add3A_84 : i32 to index
      %swap3A_86 = tpu.vector_load %arg13[%swap3A] {strides = array<i32>} : memref<640xf32, #tpu.memory_space<vmem>>, vector<16xf32>,
      %swap3A_87 = vector.shape_cast %swap3A_86 : vector<16xf32> to vector<16xf32>
      %swap3A_88 = vector.shape_cast %broadcast_in_dim3A_85 : vector<16xf32> to vector<16xf32>
      tpu.vector_store %arg13[%swap3A], %swap3A_88 {strides = array<i32>} : memref<640xf32, #tpu.memory_space<vmem>>, vector<16xf32>,
    }
    %scan3A_31 = arith.constant 40 : i32
    %mul3A_32 = arith.constant 640 : i32
    %mul3A_33 = arith.muli %arg1, %mul3A_32 : i32
    "tpu.region"() ({
      %run_scoped3A_80 = tpu.sem_alloc : memref<!tpu.dma_semaphore, #tpu.memory_space<semaphore_mem>>
      %dma_start3A_81 = tpu.memref_slice %arg15[%mul3A_33] : memref<10240xf32, #tpu.memory_space<vmem_shared>> -> memref<640xf32, #tpu.memory_space<vmem_shared>>
      %dma_start3A_82 = tpu.memref_slice %arg15[%mul3A_33] : memref<10240xf32, #tpu.memory_space<vmem_shared>> -> memref<640xf32, #tpu.memory_space<vmem_shared>>
      tpu.enqueue_dma source(%arg13 : memref<640xf32, #tpu.memory_space<vmem>>) target(%dma_start3A_82 : memref<640xf32, #tpu.memory_space<vmem_shared>>) target_semaphore(%run_scoped3A_80 : memref<!tpu.dma_semaphore, #tpu.memory_space<semaphore_mem>>)
      %dma_wait3A_83 = tpu.memref_slice %arg15[%mul3A_33] : memref<10240xf32, #tpu.memory_space<vmem_shared>> -> memref<640xf32, #tpu.memory_space<vmem_shared>>
      %dma_wait3A_84 = tpu.memref_slice %arg15[%mul3A_33] : memref<10240xf32, #tpu.memory_space<vmem_shared>> -> memref<640xf32, #tpu.memory_space<vmem_shared>>
      tpu.wait_dma2 semaphore(%run_scoped3A_80 : memref<!tpu.dma_semaphore, #tpu.memory_space<semaphore_mem>>) src(%arg13 : memref<640xf32, #tpu.memory_space<vmem>>) dst(%dma_wait3A_84 : memref<640xf32, #tpu.memory_space<vmem_shared>>)
      tpu.yield
    }) : () -> ()
    %dma_wait3A = arith.constant 0 : i32
    %dma_wait3A_34 = tpu.memref_slice %arg4[%dma_wait3A, %mul3A_2] : memref<2x10240xf32, #tpu.memory_space<hbm>> -> memref<1x640xf32, #tpu.memory_space<hbm>>
    %dma_wait3A_35 = tpu.memref_squeeze %dma_wait3A_34 : memref<1x640xf32, #tpu.memory_space<hbm>> -> memref<640xf32, #tpu.memory_space<hbm>>
    %dma_wait3A_36 = tpu.memref_slice %arg4[%dma_wait3A, %mul3A_2] : memref<2x10240xf32, #tpu.memory_space<hbm>> -> memref<1x640xf32, #tpu.memory_space<hbm>>
    %dma_wait3A_37 = tpu.memref_squeeze %dma_wait3A_36 : memref<1x640xf32, #tpu.memory_space<hbm>> -> memref<640xf32, #tpu.memory_space<hbm>>
    tpu.wait_dma2 semaphore(%arg16 : memref<!tpu.dma_semaphore, #tpu.memory_space<semaphore_mem>>) src(%dma_wait3A_37 : memref<640xf32, #tpu.memory_space<hbm>>) dst(%arg10 : memref<640xf32, #tpu.memory_space<vmem>>)
    %dma_wait3A_38 = arith.constant 1 : i32
    %dma_wait3A_39 = tpu.memref_slice %arg4[%dma_wait3A_38, %mul3A_2] : memref<2x10240xf32, #tpu.memory_space<hbm>> -> memref<1x640xf32, #tpu.memory_space<hbm>>
    %dma_wait3A_40 = tpu.memref_squeeze %dma_wait3A_39 : memref<1x640xf32, #tpu.memory_space<hbm>> -> memref<640xf32, #tpu.memory_space<hbm>>
    %dma_wait3A_41 = tpu.memref_slice %arg4[%dma_wait3A_38, %mul3A_2] : memref<2x10240xf32, #tpu.memory_space<hbm>> -> memref<1x640xf32, #tpu.memory_space<hbm>>
    %dma_wait3A_42 = tpu.memref_squeeze %dma_wait3A_41 : memref<1x640xf32, #tpu.memory_space<hbm>> -> memref<640xf32, #tpu.memory_space<hbm>>
    tpu.wait_dma2 semaphore(%arg16 : memref<!tpu.dma_semaphore, #tpu.memory_space<semaphore_mem>>) src(%dma_wait3A_42 : memref<640xf32, #tpu.memory_space<hbm>>) dst(%arg11 : memref<640xf32, #tpu.memory_space<vmem>>)
    %scan3A_43 = arith.constant 0 : i32
    %scan3A_44 = arith.constant 40 : i32
    %scan3A_45 = arith.addi %scan3A_43, %scan3A_44 : i32
    %scan3A_46 = arith.constant 1 : i32
    scf.for %scan3A_80 = %scan3A_43 to %scan3A_45 step %scan3A_46  : i32 {
      %mul3A_81 = arith.constant 16 : i32
      %mul3A_82 = arith.muli %scan3A_80, %mul3A_81 : i32
      %add3A_83 = arith.constant 0 : i32
      %add3A_84 = arith.addi %add3A_83, %mul3A_82 : i32
      %get3A = arith.index_cast %add3A_84 : i32 to index
      %get3A_85 = tpu.vector_load %arg10[%get3A] {strides = array<i32>} : memref<640xf32, #tpu.memory_space<vmem>>, vector<16xf32>,
      %get3A_86 = vector.shape_cast %get3A_85 : vector<16xf32> to vector<16xf32>
      %get3A_87 = arith.index_cast %add3A_84 : i32 to index
      %get3A_88 = tpu.vector_load %arg11[%get3A_87] {strides = array<i32>} : memref<640xf32, #tpu.memory_space<vmem>>, vector<16xf32>,
      %get3A_89 = vector.shape_cast %get3A_88 : vector<16xf32> to vector<16xf32>
      %add3A_90 = arith.addf %get3A_86, %get3A_89 : vector<16xf32>
      %add3A_91 = arith.constant 1.000000e+00 : f32
      %add3A_92 = vector.broadcast %add3A_91 : f32 to vector<16xf32>
      %add3A_93 = arith.addf %add3A_90, %add3A_92 : vector<16xf32>
      %bitcast_convert_type3A = tpu.bitcast %add3A_93 : vector<16xf32> -> vector<16xi32>
      %shift_right_arithmetic3A = arith.constant 1 : i32
      %shift_right_arithmetic3A_94 = vector.broadcast %shift_right_arithmetic3A : i32 to vector<16xi32>
      %shift_right_arithmetic3A_95 = arith.shrsi %bitcast_convert_type3A, %shift_right_arithmetic3A_94 : vector<16xi32>
      %sub3A = arith.constant 1597463007 : i32
      %sub3A_96 = vector.broadcast %sub3A : i32 to vector<16xi32>
      %sub3A_97 = arith.subi %sub3A_96, %shift_right_arithmetic3A_95 : vector<16xi32>
      %bitcast_convert_type3A_98 = tpu.bitcast %sub3A_97 : vector<16xi32> -> vector<16xf32>
      %mul3A_99 = arith.constant 5.000000e-01 : f32
      %mul3A_100 = vector.broadcast %mul3A_99 : f32 to vector<16xf32>
      %mul3A_101 = arith.mulf %mul3A_100, %add3A_93 : vector<16xf32>
      %mul3A_102 = arith.mulf %mul3A_101, %bitcast_convert_type3A_98 : vector<16xf32>
      %mul3A_103 = arith.mulf %mul3A_102, %bitcast_convert_type3A_98 : vector<16xf32>
      %sub3A_104 = arith.constant 1.500000e+00 : f32
      %sub3A_105 = vector.broadcast %sub3A_104 : f32 to vector<16xf32>
      %sub3A_106 = arith.subf %sub3A_105, %mul3A_103 : vector<16xf32>
      %mul3A_107 = arith.mulf %bitcast_convert_type3A_98, %sub3A_106 : vector<16xf32>
      %mul3A_108 = arith.constant 5.000000e-01 : f32
      %mul3A_109 = vector.broadcast %mul3A_108 : f32 to vector<16xf32>
      %mul3A_110 = arith.mulf %mul3A_109, %add3A_93 : vector<16xf32>
      %mul3A_111 = arith.mulf %mul3A_110, %mul3A_107 : vector<16xf32>
      %mul3A_112 = arith.mulf %mul3A_111, %mul3A_107 : vector<16xf32>
      %sub3A_113 = arith.constant 1.500000e+00 : f32
      %sub3A_114 = vector.broadcast %sub3A_113 : f32 to vector<16xf32>
      %sub3A_115 = arith.subf %sub3A_114, %mul3A_112 : vector<16xf32>
      %mul3A_116 = arith.mulf %mul3A_107, %sub3A_115 : vector<16xf32>
      %mul3A_117 = arith.constant 5.000000e-01 : f32
      %mul3A_118 = vector.broadcast %mul3A_117 : f32 to vector<16xf32>
      %mul3A_119 = arith.mulf %mul3A_118, %add3A_93 : vector<16xf32>
      %mul3A_120 = arith.mulf %mul3A_119, %mul3A_116 : vector<16xf32>
      %mul3A_121 = arith.mulf %mul3A_120, %mul3A_116 : vector<16xf32>
      %sub3A_122 = arith.constant 1.500000e+00 : f32
      %sub3A_123 = vector.broadcast %sub3A_122 : f32 to vector<16xf32>
      %sub3A_124 = arith.subf %sub3A_123, %mul3A_121 : vector<16xf32>
      %mul3A_125 = arith.mulf %mul3A_116, %sub3A_124 : vector<16xf32>
      %add3A_126 = arith.addi %mul3A_2, %add3A_84 : i32
      %iota3A = tpu.iota {dimensions = array<i32: 0>} : vector<16xi32>
      %add3A_127 = vector.broadcast %add3A_126 : i32 to vector<16xi32>
      %add3A_128 = arith.addi %add3A_127, %iota3A : vector<16xi32>
      %lt3A = arith.constant 10000 : i32
      %lt3A_129 = vector.broadcast %lt3A : i32 to vector<16xi32>
      %lt3A_130 = arith.cmpi slt, %add3A_128, %lt3A_129 : vector<16xi32>
      %jit3A = arith.constant 0.000000e+00 : f32
      %broadcast_in_dim3A = vector.broadcast %jit3A : f32 to vector<16xf32>
      %select_n3A = arith.select %lt3A_130, %mul3A_125, %broadcast_in_dim3A : vector<16xi1>, vector<16xf32>
      %swap3A = arith.index_cast %add3A_84 : i32 to index
      %swap3A_131 = tpu.vector_load %arg12[%swap3A] {strides = array<i32>} : memref<640xf32, #tpu.memory_space<vmem>>, vector<16xf32>,
      %swap3A_132 = vector.shape_cast %swap3A_131 : vector<16xf32> to vector<16xf32>
      %swap3A_133 = vector.shape_cast %select_n3A : vector<16xf32> to vector<16xf32>
      tpu.vector_store %arg12[%swap3A], %swap3A_133 {strides = array<i32>} : memref<640xf32, #tpu.memory_space<vmem>>, vector<16xf32>,
    }
    %scan3A_47 = arith.constant 40 : i32
    "tpu.region"() ({
      %run_scoped3A_80 = tpu.sem_alloc : memref<!tpu.dma_semaphore, #tpu.memory_space<semaphore_mem>>
      %dma_start3A_81 = tpu.memref_slice %arg14[%mul3A_2] : memref<10240xf32, #tpu.memory_space<vmem_shared>> -> memref<640xf32, #tpu.memory_space<vmem_shared>>
      %dma_start3A_82 = tpu.memref_slice %arg14[%mul3A_2] : memref<10240xf32, #tpu.memory_space<vmem_shared>> -> memref<640xf32, #tpu.memory_space<vmem_shared>>
      tpu.enqueue_dma source(%arg12 : memref<640xf32, #tpu.memory_space<vmem>>) target(%dma_start3A_82 : memref<640xf32, #tpu.memory_space<vmem_shared>>) target_semaphore(%run_scoped3A_80 : memref<!tpu.dma_semaphore, #tpu.memory_space<semaphore_mem>>)
      %dma_wait3A_83 = tpu.memref_slice %arg14[%mul3A_2] : memref<10240xf32, #tpu.memory_space<vmem_shared>> -> memref<640xf32, #tpu.memory_space<vmem_shared>>
      %dma_wait3A_84 = tpu.memref_slice %arg14[%mul3A_2] : memref<10240xf32, #tpu.memory_space<vmem_shared>> -> memref<640xf32, #tpu.memory_space<vmem_shared>>
      tpu.wait_dma2 semaphore(%run_scoped3A_80 : memref<!tpu.dma_semaphore, #tpu.memory_space<semaphore_mem>>) src(%arg12 : memref<640xf32, #tpu.memory_space<vmem>>) dst(%dma_wait3A_84 : memref<640xf32, #tpu.memory_space<vmem_shared>>)
      tpu.yield
    }) : () -> ()
    %eq3A = arith.constant 0 : i32
    %eq3A_48 = arith.cmpi eq, %arg0, %eq3A : i32
    %convert_element_type3A = arith.extui %eq3A_48 : i1 to i32
    %cond3A = arith.constant 0 : i32
    %cond3A_49 = arith.cmpi ne, %convert_element_type3A, %cond3A : i32
    scf.if %cond3A_49 {
      "tpu.region"() ({
        %run_scoped3A_80 = tpu.sem_alloc : memref<!tpu.dma_semaphore, #tpu.memory_space<semaphore_mem>>
        %dma_start3A_81 = tpu.memref_slice %arg6[%mul3A_2] : memref<10240xf32, #tpu.memory_space<hbm>> -> memref<640xf32, #tpu.memory_space<hbm>>
        %dma_start3A_82 = tpu.memref_slice %arg6[%mul3A_2] : memref<10240xf32, #tpu.memory_space<hbm>> -> memref<640xf32, #tpu.memory_space<hbm>>
        tpu.enqueue_dma source(%arg12 : memref<640xf32, #tpu.memory_space<vmem>>) target(%dma_start3A_82 : memref<640xf32, #tpu.memory_space<hbm>>) target_semaphore(%run_scoped3A_80 : memref<!tpu.dma_semaphore, #tpu.memory_space<semaphore_mem>>)
        %dma_wait3A_83 = tpu.memref_slice %arg6[%mul3A_2] : memref<10240xf32, #tpu.memory_space<hbm>> -> memref<640xf32, #tpu.memory_space<hbm>>
        %dma_wait3A_84 = tpu.memref_slice %arg6[%mul3A_2] : memref<10240xf32, #tpu.memory_space<hbm>> -> memref<640xf32, #tpu.memory_space<hbm>>
        tpu.wait_dma2 semaphore(%run_scoped3A_80 : memref<!tpu.dma_semaphore, #tpu.memory_space<semaphore_mem>>) src(%arg12 : memref<640xf32, #tpu.memory_space<vmem>>) dst(%dma_wait3A_84 : memref<640xf32, #tpu.memory_space<hbm>>)
        tpu.yield
      }) : () -> ()
    } else {
    }
    %dma_wait3A_50 = arith.constant 0 : i32
    %dma_wait3A_51 = arith.constant 0 : i32
    %dma_wait3A_52 = tpu.memref_slice %arg2[%add3A, %dma_wait3A_50, %dma_wait3A_51] : memref<32x79x128xi32, #tpu.memory_space<hbm>> -> memref<1x79x128xi32, #tpu.memory_space<hbm>>
    %dma_wait3A_53 = tpu.memref_squeeze %dma_wait3A_52 : memref<1x79x128xi32, #tpu.memory_space<hbm>> -> memref<79x128xi32, #tpu.memory_space<hbm>>
    %dma_wait3A_54 = arith.constant 0 : i32
    %dma_wait3A_55 = arith.constant 0 : i32
    %dma_wait3A_56 = tpu.memref_slice %arg2[%add3A, %dma_wait3A_54, %dma_wait3A_55] : memref<32x79x128xi32, #tpu.memory_space<hbm>> -> memref<1x79x128xi32, #tpu.memory_space<hbm>>
    %dma_wait3A_57 = tpu.memref_squeeze %dma_wait3A_56 : memref<1x79x128xi32, #tpu.memory_space<hbm>> -> memref<79x128xi32, #tpu.memory_space<hbm>>
    tpu.wait_dma2 semaphore(%arg17 : memref<!tpu.dma_semaphore, #tpu.memory_space<semaphore_mem>>) src(%dma_wait3A_57 : memref<79x128xi32, #tpu.memory_space<hbm>>) dst(%arg7 : memref<79x128xi32, #tpu.memory_space<vmem>>)
    %dma_wait3A_58 = arith.constant 0 : i32
    %dma_wait3A_59 = arith.constant 0 : i32
    %dma_wait3A_60 = tpu.memref_slice %arg3[%add3A, %dma_wait3A_58, %dma_wait3A_59] : memref<32x79x128xi32, #tpu.memory_space<hbm>> -> memref<1x79x128xi32, #tpu.memory_space<hbm>>
    %dma_wait3A_61 = tpu.memref_squeeze %dma_wait3A_60 : memref<1x79x128xi32, #tpu.memory_space<hbm>> -> memref<79x128xi32, #tpu.memory_space<hbm>>
    %dma_wait3A_62 = arith.constant 0 : i32
    %dma_wait3A_63 = arith.constant 0 : i32
    %dma_wait3A_64 = tpu.memref_slice %arg3[%add3A, %dma_wait3A_62, %dma_wait3A_63] : memref<32x79x128xi32, #tpu.memory_space<hbm>> -> memref<1x79x128xi32, #tpu.memory_space<hbm>>
    %dma_wait3A_65 = tpu.memref_squeeze %dma_wait3A_64 : memref<1x79x128xi32, #tpu.memory_space<hbm>> -> memref<79x128xi32, #tpu.memory_space<hbm>>
    tpu.wait_dma2 semaphore(%arg17 : memref<!tpu.dma_semaphore, #tpu.memory_space<semaphore_mem>>) src(%dma_wait3A_65 : memref<79x128xi32, #tpu.memory_space<hbm>>) dst(%arg8 : memref<79x128xi32, #tpu.memory_space<vmem>>)
    %barrier3A = arith.constant 0 : index
    tpu.barrier barrier_id(%barrier3A)
    %scan3A_66 = arith.constant 0 : i32
    %scan3A_67 = arith.constant 6 : i32
    %scan3A_68 = arith.addi %scan3A_66, %scan3A_67 : i32
    %scan3A_69 = arith.constant 1 : i32
    scf.for %scan3A_80 = %scan3A_66 to %scan3A_68 step %scan3A_69  : i32 {
      %mul3A_81 = arith.constant 13 : i32
      %mul3A_82 = arith.muli %scan3A_80, %mul3A_81 : i32
      %add3A_83 = arith.constant 0 : i32
      %add3A_84 = arith.addi %add3A_83, %mul3A_82 : i32
      %add3A_85 = arith.constant 0 : i32
      %add3A_86 = arith.addi %add3A_84, %add3A_85 : i32
      %dma_start3A_87 = arith.constant 0 : i32
      %dma_start3A_88 = arith.constant 0 : i32
      %dma_start3A_89 = tpu.memref_slice %arg9[%dma_start3A_87, %dma_start3A_88] : memref<13x128xf32, #tpu.memory_space<vmem>> -> memref<1x128xf32, #tpu.memory_space<vmem>>
      %dma_start3A_90 = tpu.memref_squeeze %dma_start3A_89 : memref<1x128xf32, #tpu.memory_space<vmem>> -> memref<128xf32, #tpu.memory_space<vmem>>
      %dma_start3A_91 = arith.constant 0 : i32
      %dma_start3A_92 = tpu.memref_slice %arg7[%add3A_86, %dma_start3A_91] : memref<79x128xi32, #tpu.memory_space<vmem>> -> memref<1x128xi32, #tpu.memory_space<vmem>>
      %dma_start3A_93 = tpu.memref_squeeze %dma_start3A_92 : memref<1x128xi32, #tpu.memory_space<vmem>> -> memref<128xi32, #tpu.memory_space<vmem>>
      %dma_start3A_94 = arith.constant 0 : i32
      %dma_start3A_95 = tpu.memref_slice %arg14[%dma_start3A_94] : memref<10240xf32, #tpu.memory_space<vmem_shared>> -> memref<10240xf32, #tpu.memory_space<vmem_shared>>
      tpu.enqueue_indirect_dma source(%dma_start3A_95 : memref<10240xf32, #tpu.memory_space<vmem_shared>>) target(%dma_start3A_90 : memref<128xf32, #tpu.memory_space<vmem>>) offsets(%dma_start3A_93 : memref<128xi32, #tpu.memory_space<vmem>>) semaphore(%arg17 : memref<!tpu.dma_semaphore, #tpu.memory_space<semaphore_mem>>)
      %add3A_96 = arith.constant 1 : i32
      %add3A_97 = arith.addi %add3A_84, %add3A_96 : i32
      %dma_start3A_98 = arith.constant 1 : i32
      %dma_start3A_99 = arith.constant 0 : i32
      %dma_start3A_100 = tpu.memref_slice %arg9[%dma_start3A_98, %dma_start3A_99] : memref<13x128xf32, #tpu.memory_space<vmem>> -> memref<1x128xf32, #tpu.memory_space<vmem>>
      %dma_start3A_101 = tpu.memref_squeeze %dma_start3A_100 : memref<1x128xf32, #tpu.memory_space<vmem>> -> memref<128xf32, #tpu.memory_space<vmem>>
      %dma_start3A_102 = arith.constant 0 : i32
      %dma_start3A_103 = tpu.memref_slice %arg7[%add3A_97, %dma_start3A_102] : memref<79x128xi32, #tpu.memory_space<vmem>> -> memref<1x128xi32, #tpu.memory_space<vmem>>
      %dma_start3A_104 = tpu.memref_squeeze %dma_start3A_103 : memref<1x128xi32, #tpu.memory_space<vmem>> -> memref<128xi32, #tpu.memory_space<vmem>>
      %dma_start3A_105 = arith.constant 0 : i32
      %dma_start3A_106 = tpu.memref_slice %arg14[%dma_start3A_105] : memref<10240xf32, #tpu.memory_space<vmem_shared>> -> memref<10240xf32, #tpu.memory_space<vmem_shared>>
      tpu.enqueue_indirect_dma source(%dma_start3A_106 : memref<10240xf32, #tpu.memory_space<vmem_shared>>) target(%dma_start3A_101 : memref<128xf32, #tpu.memory_space<vmem>>) offsets(%dma_start3A_104 : memref<128xi32, #tpu.memory_space<vmem>>) semaphore(%arg17 : memref<!tpu.dma_semaphore, #tpu.memory_space<semaphore_mem>>)
      %add3A_107 = arith.constant 2 : i32
      %add3A_108 = arith.addi %add3A_84, %add3A_107 : i32
      %dma_start3A_109 = arith.constant 2 : i32
      %dma_start3A_110 = arith.constant 0 : i32
      %dma_start3A_111 = tpu.memref_slice %arg9[%dma_start3A_109, %dma_start3A_110] : memref<13x128xf32, #tpu.memory_space<vmem>> -> memref<1x128xf32, #tpu.memory_space<vmem>>
      %dma_start3A_112 = tpu.memref_squeeze %dma_start3A_111 : memref<1x128xf32, #tpu.memory_space<vmem>> -> memref<128xf32, #tpu.memory_space<vmem>>
      %dma_start3A_113 = arith.constant 0 : i32
      %dma_start3A_114 = tpu.memref_slice %arg7[%add3A_108, %dma_start3A_113] : memref<79x128xi32, #tpu.memory_space<vmem>> -> memref<1x128xi32, #tpu.memory_space<vmem>>
      %dma_start3A_115 = tpu.memref_squeeze %dma_start3A_114 : memref<1x128xi32, #tpu.memory_space<vmem>> -> memref<128xi32, #tpu.memory_space<vmem>>
      %dma_start3A_116 = arith.constant 0 : i32
      %dma_start3A_117 = tpu.memref_slice %arg14[%dma_start3A_116] : memref<10240xf32, #tpu.memory_space<vmem_shared>> -> memref<10240xf32, #tpu.memory_space<vmem_shared>>
      tpu.enqueue_indirect_dma source(%dma_start3A_117 : memref<10240xf32, #tpu.memory_space<vmem_shared>>) target(%dma_start3A_112 : memref<128xf32, #tpu.memory_space<vmem>>) offsets(%dma_start3A_115 : memref<128xi32, #tpu.memory_space<vmem>>) semaphore(%arg17 : memref<!tpu.dma_semaphore, #tpu.memory_space<semaphore_mem>>)
      %add3A_118 = arith.constant 3 : i32
      %add3A_119 = arith.addi %add3A_84, %add3A_118 : i32
      %dma_start3A_120 = arith.constant 3 : i32
      %dma_start3A_121 = arith.constant 0 : i32
      %dma_start3A_122 = tpu.memref_slice %arg9[%dma_start3A_120, %dma_start3A_121] : memref<13x128xf32, #tpu.memory_space<vmem>> -> memref<1x128xf32, #tpu.memory_space<vmem>>
      %dma_start3A_123 = tpu.memref_squeeze %dma_start3A_122 : memref<1x128xf32, #tpu.memory_space<vmem>> -> memref<128xf32, #tpu.memory_space<vmem>>
      %dma_start3A_124 = arith.constant 0 : i32
      %dma_start3A_125 = tpu.memref_slice %arg7[%add3A_119, %dma_start3A_124] : memref<79x128xi32, #tpu.memory_space<vmem>> -> memref<1x128xi32, #tpu.memory_space<vmem>>
      %dma_start3A_126 = tpu.memref_squeeze %dma_start3A_125 : memref<1x128xi32, #tpu.memory_space<vmem>> -> memref<128xi32, #tpu.memory_space<vmem>>
      %dma_start3A_127 = arith.constant 0 : i32
      %dma_start3A_128 = tpu.memref_slice %arg14[%dma_start3A_127] : memref<10240xf32, #tpu.memory_space<vmem_shared>> -> memref<10240xf32, #tpu.memory_space<vmem_shared>>
      tpu.enqueue_indirect_dma source(%dma_start3A_128 : memref<10240xf32, #tpu.memory_space<vmem_shared>>) target(%dma_start3A_123 : memref<128xf32, #tpu.memory_space<vmem>>) offsets(%dma_start3A_126 : memref<128xi32, #tpu.memory_space<vmem>>) semaphore(%arg17 : memref<!tpu.dma_semaphore, #tpu.memory_space<semaphore_mem>>)
      %add3A_129 = arith.constant 4 : i32
      %add3A_130 = arith.addi %add3A_84, %add3A_129 : i32
      %dma_start3A_131 = arith.constant 4 : i32
      %dma_start3A_132 = arith.constant 0 : i32
      %dma_start3A_133 = tpu.memref_slice %arg9[%dma_start3A_131, %dma_start3A_132] : memref<13x128xf32, #tpu.memory_space<vmem>> -> memref<1x128xf32, #tpu.memory_space<vmem>>
      %dma_start3A_134 = tpu.memref_squeeze %dma_start3A_133 : memref<1x128xf32, #tpu.memory_space<vmem>> -> memref<128xf32, #tpu.memory_space<vmem>>
      %dma_start3A_135 = arith.constant 0 : i32
      %dma_start3A_136 = tpu.memref_slice %arg7[%add3A_130, %dma_start3A_135] : memref<79x128xi32, #tpu.memory_space<vmem>> -> memref<1x128xi32, #tpu.memory_space<vmem>>
      %dma_start3A_137 = tpu.memref_squeeze %dma_start3A_136 : memref<1x128xi32, #tpu.memory_space<vmem>> -> memref<128xi32, #tpu.memory_space<vmem>>
      %dma_start3A_138 = arith.constant 0 : i32
      %dma_start3A_139 = tpu.memref_slice %arg14[%dma_start3A_138] : memref<10240xf32, #tpu.memory_space<vmem_shared>> -> memref<10240xf32, #tpu.memory_space<vmem_shared>>
      tpu.enqueue_indirect_dma source(%dma_start3A_139 : memref<10240xf32, #tpu.memory_space<vmem_shared>>) target(%dma_start3A_134 : memref<128xf32, #tpu.memory_space<vmem>>) offsets(%dma_start3A_137 : memref<128xi32, #tpu.memory_space<vmem>>) semaphore(%arg17 : memref<!tpu.dma_semaphore, #tpu.memory_space<semaphore_mem>>)
      %add3A_140 = arith.constant 5 : i32
      %add3A_141 = arith.addi %add3A_84, %add3A_140 : i32
      %dma_start3A_142 = arith.constant 5 : i32
      %dma_start3A_143 = arith.constant 0 : i32
      %dma_start3A_144 = tpu.memref_slice %arg9[%dma_start3A_142, %dma_start3A_143] : memref<13x128xf32, #tpu.memory_space<vmem>> -> memref<1x128xf32, #tpu.memory_space<vmem>>
      %dma_start3A_145 = tpu.memref_squeeze %dma_start3A_144 : memref<1x128xf32, #tpu.memory_space<vmem>> -> memref<128xf32, #tpu.memory_space<vmem>>
      %dma_start3A_146 = arith.constant 0 : i32
      %dma_start3A_147 = tpu.memref_slice %arg7[%add3A_141, %dma_start3A_146] : memref<79x128xi32, #tpu.memory_space<vmem>> -> memref<1x128xi32, #tpu.memory_space<vmem>>
      %dma_start3A_148 = tpu.memref_squeeze %dma_start3A_147 : memref<1x128xi32, #tpu.memory_space<vmem>> -> memref<128xi32, #tpu.memory_space<vmem>>
      %dma_start3A_149 = arith.constant 0 : i32
      %dma_start3A_150 = tpu.memref_slice %arg14[%dma_start3A_149] : memref<10240xf32, #tpu.memory_space<vmem_shared>> -> memref<10240xf32, #tpu.memory_space<vmem_shared>>
      tpu.enqueue_indirect_dma source(%dma_start3A_150 : memref<10240xf32, #tpu.memory_space<vmem_shared>>) target(%dma_start3A_145 : memref<128xf32, #tpu.memory_space<vmem>>) offsets(%dma_start3A_148 : memref<128xi32, #tpu.memory_space<vmem>>) semaphore(%arg17 : memref<!tpu.dma_semaphore, #tpu.memory_space<semaphore_mem>>)
      %add3A_151 = arith.constant 6 : i32
      %add3A_152 = arith.addi %add3A_84, %add3A_151 : i32
      %dma_start3A_153 = arith.constant 6 : i32
      %dma_start3A_154 = arith.constant 0 : i32
      %dma_start3A_155 = tpu.memref_slice %arg9[%dma_start3A_153, %dma_start3A_154] : memref<13x128xf32, #tpu.memory_space<vmem>> -> memref<1x128xf32, #tpu.memory_space<vmem>>
      %dma_start3A_156 = tpu.memref_squeeze %dma_start3A_155 : memref<1x128xf32, #tpu.memory_space<vmem>> -> memref<128xf32, #tpu.memory_space<vmem>>
      %dma_start3A_157 = arith.constant 0 : i32
      %dma_start3A_158 = tpu.memref_slice %arg7[%add3A_152, %dma_start3A_157] : memref<79x128xi32, #tpu.memory_space<vmem>> -> memref<1x128xi32, #tpu.memory_space<vmem>>
      %dma_start3A_159 = tpu.memref_squeeze %dma_start3A_158 : memref<1x128xi32, #tpu.memory_space<vmem>> -> memref<128xi32, #tpu.memory_space<vmem>>
      %dma_start3A_160 = arith.constant 0 : i32
      %dma_start3A_161 = tpu.memref_slice %arg14[%dma_start3A_160] : memref<10240xf32, #tpu.memory_space<vmem_shared>> -> memref<10240xf32, #tpu.memory_space<vmem_shared>>
      tpu.enqueue_indirect_dma source(%dma_start3A_161 : memref<10240xf32, #tpu.memory_space<vmem_shared>>) target(%dma_start3A_156 : memref<128xf32, #tpu.memory_space<vmem>>) offsets(%dma_start3A_159 : memref<128xi32, #tpu.memory_space<vmem>>) semaphore(%arg17 : memref<!tpu.dma_semaphore, #tpu.memory_space<semaphore_mem>>)
      %add3A_162 = arith.constant 7 : i32
      %add3A_163 = arith.addi %add3A_84, %add3A_162 : i32
      %dma_start3A_164 = arith.constant 7 : i32
      %dma_start3A_165 = arith.constant 0 : i32
      %dma_start3A_166 = tpu.memref_slice %arg9[%dma_start3A_164, %dma_start3A_165] : memref<13x128xf32, #tpu.memory_space<vmem>> -> memref<1x128xf32, #tpu.memory_space<vmem>>
      %dma_start3A_167 = tpu.memref_squeeze %dma_start3A_166 : memref<1x128xf32, #tpu.memory_space<vmem>> -> memref<128xf32, #tpu.memory_space<vmem>>
      %dma_start3A_168 = arith.constant 0 : i32
      %dma_start3A_169 = tpu.memref_slice %arg7[%add3A_163, %dma_start3A_168] : memref<79x128xi32, #tpu.memory_space<vmem>> -> memref<1x128xi32, #tpu.memory_space<vmem>>
      %dma_start3A_170 = tpu.memref_squeeze %dma_start3A_169 : memref<1x128xi32, #tpu.memory_space<vmem>> -> memref<128xi32, #tpu.memory_space<vmem>>
      %dma_start3A_171 = arith.constant 0 : i32
      %dma_start3A_172 = tpu.memref_slice %arg14[%dma_start3A_171] : memref<10240xf32, #tpu.memory_space<vmem_shared>> -> memref<10240xf32, #tpu.memory_space<vmem_shared>>
      tpu.enqueue_indirect_dma source(%dma_start3A_172 : memref<10240xf32, #tpu.memory_space<vmem_shared>>) target(%dma_start3A_167 : memref<128xf32, #tpu.memory_space<vmem>>) offsets(%dma_start3A_170 : memref<128xi32, #tpu.memory_space<vmem>>) semaphore(%arg17 : memref<!tpu.dma_semaphore, #tpu.memory_space<semaphore_mem>>)
      %add3A_173 = arith.constant 8 : i32
      %add3A_174 = arith.addi %add3A_84, %add3A_173 : i32
      %dma_start3A_175 = arith.constant 8 : i32
      %dma_start3A_176 = arith.constant 0 : i32
      %dma_start3A_177 = tpu.memref_slice %arg9[%dma_start3A_175, %dma_start3A_176] : memref<13x128xf32, #tpu.memory_space<vmem>> -> memref<1x128xf32, #tpu.memory_space<vmem>>
      %dma_start3A_178 = tpu.memref_squeeze %dma_start3A_177 : memref<1x128xf32, #tpu.memory_space<vmem>> -> memref<128xf32, #tpu.memory_space<vmem>>
      %dma_start3A_179 = arith.constant 0 : i32
      %dma_start3A_180 = tpu.memref_slice %arg7[%add3A_174, %dma_start3A_179] : memref<79x128xi32, #tpu.memory_space<vmem>> -> memref<1x128xi32, #tpu.memory_space<vmem>>
      %dma_start3A_181 = tpu.memref_squeeze %dma_start3A_180 : memref<1x128xi32, #tpu.memory_space<vmem>> -> memref<128xi32, #tpu.memory_space<vmem>>
      %dma_start3A_182 = arith.constant 0 : i32
      %dma_start3A_183 = tpu.memref_slice %arg14[%dma_start3A_182] : memref<10240xf32, #tpu.memory_space<vmem_shared>> -> memref<10240xf32, #tpu.memory_space<vmem_shared>>
      tpu.enqueue_indirect_dma source(%dma_start3A_183 : memref<10240xf32, #tpu.memory_space<vmem_shared>>) target(%dma_start3A_178 : memref<128xf32, #tpu.memory_space<vmem>>) offsets(%dma_start3A_181 : memref<128xi32, #tpu.memory_space<vmem>>) semaphore(%arg17 : memref<!tpu.dma_semaphore, #tpu.memory_space<semaphore_mem>>)
      %add3A_184 = arith.constant 9 : i32
      %add3A_185 = arith.addi %add3A_84, %add3A_184 : i32
      %dma_start3A_186 = arith.constant 9 : i32
      %dma_start3A_187 = arith.constant 0 : i32
      %dma_start3A_188 = tpu.memref_slice %arg9[%dma_start3A_186, %dma_start3A_187] : memref<13x128xf32, #tpu.memory_space<vmem>> -> memref<1x128xf32, #tpu.memory_space<vmem>>
      %dma_start3A_189 = tpu.memref_squeeze %dma_start3A_188 : memref<1x128xf32, #tpu.memory_space<vmem>> -> memref<128xf32, #tpu.memory_space<vmem>>
      %dma_start3A_190 = arith.constant 0 : i32
      %dma_start3A_191 = tpu.memref_slice %arg7[%add3A_185, %dma_start3A_190] : memref<79x128xi32, #tpu.memory_space<vmem>> -> memref<1x128xi32, #tpu.memory_space<vmem>>
      %dma_start3A_192 = tpu.memref_squeeze %dma_start3A_191 : memref<1x128xi32, #tpu.memory_space<vmem>> -> memref<128xi32, #tpu.memory_space<vmem>>
      %dma_start3A_193 = arith.constant 0 : i32
      %dma_start3A_194 = tpu.memref_slice %arg14[%dma_start3A_193] : memref<10240xf32, #tpu.memory_space<vmem_shared>> -> memref<10240xf32, #tpu.memory_space<vmem_shared>>
      tpu.enqueue_indirect_dma source(%dma_start3A_194 : memref<10240xf32, #tpu.memory_space<vmem_shared>>) target(%dma_start3A_189 : memref<128xf32, #tpu.memory_space<vmem>>) offsets(%dma_start3A_192 : memref<128xi32, #tpu.memory_space<vmem>>) semaphore(%arg17 : memref<!tpu.dma_semaphore, #tpu.memory_space<semaphore_mem>>)
      %add3A_195 = arith.constant 10 : i32
      %add3A_196 = arith.addi %add3A_84, %add3A_195 : i32
      %dma_start3A_197 = arith.constant 10 : i32
      %dma_start3A_198 = arith.constant 0 : i32
      %dma_start3A_199 = tpu.memref_slice %arg9[%dma_start3A_197, %dma_start3A_198] : memref<13x128xf32, #tpu.memory_space<vmem>> -> memref<1x128xf32, #tpu.memory_space<vmem>>
      %dma_start3A_200 = tpu.memref_squeeze %dma_start3A_199 : memref<1x128xf32, #tpu.memory_space<vmem>> -> memref<128xf32, #tpu.memory_space<vmem>>
      %dma_start3A_201 = arith.constant 0 : i32
      %dma_start3A_202 = tpu.memref_slice %arg7[%add3A_196, %dma_start3A_201] : memref<79x128xi32, #tpu.memory_space<vmem>> -> memref<1x128xi32, #tpu.memory_space<vmem>>
      %dma_start3A_203 = tpu.memref_squeeze %dma_start3A_202 : memref<1x128xi32, #tpu.memory_space<vmem>> -> memref<128xi32, #tpu.memory_space<vmem>>
      %dma_start3A_204 = arith.constant 0 : i32
      %dma_start3A_205 = tpu.memref_slice %arg14[%dma_start3A_204] : memref<10240xf32, #tpu.memory_space<vmem_shared>> -> memref<10240xf32, #tpu.memory_space<vmem_shared>>
      tpu.enqueue_indirect_dma source(%dma_start3A_205 : memref<10240xf32, #tpu.memory_space<vmem_shared>>) target(%dma_start3A_200 : memref<128xf32, #tpu.memory_space<vmem>>) offsets(%dma_start3A_203 : memref<128xi32, #tpu.memory_space<vmem>>) semaphore(%arg17 : memref<!tpu.dma_semaphore, #tpu.memory_space<semaphore_mem>>)
      %add3A_206 = arith.constant 11 : i32
      %add3A_207 = arith.addi %add3A_84, %add3A_206 : i32
      %dma_start3A_208 = arith.constant 11 : i32
      %dma_start3A_209 = arith.constant 0 : i32
      %dma_start3A_210 = tpu.memref_slice %arg9[%dma_start3A_208, %dma_start3A_209] : memref<13x128xf32, #tpu.memory_space<vmem>> -> memref<1x128xf32, #tpu.memory_space<vmem>>
      %dma_start3A_211 = tpu.memref_squeeze %dma_start3A_210 : memref<1x128xf32, #tpu.memory_space<vmem>> -> memref<128xf32, #tpu.memory_space<vmem>>
      %dma_start3A_212 = arith.constant 0 : i32
      %dma_start3A_213 = tpu.memref_slice %arg7[%add3A_207, %dma_start3A_212] : memref<79x128xi32, #tpu.memory_space<vmem>> -> memref<1x128xi32, #tpu.memory_space<vmem>>
      %dma_start3A_214 = tpu.memref_squeeze %dma_start3A_213 : memref<1x128xi32, #tpu.memory_space<vmem>> -> memref<128xi32, #tpu.memory_space<vmem>>
      %dma_start3A_215 = arith.constant 0 : i32
      %dma_start3A_216 = tpu.memref_slice %arg14[%dma_start3A_215] : memref<10240xf32, #tpu.memory_space<vmem_shared>> -> memref<10240xf32, #tpu.memory_space<vmem_shared>>
      tpu.enqueue_indirect_dma source(%dma_start3A_216 : memref<10240xf32, #tpu.memory_space<vmem_shared>>) target(%dma_start3A_211 : memref<128xf32, #tpu.memory_space<vmem>>) offsets(%dma_start3A_214 : memref<128xi32, #tpu.memory_space<vmem>>) semaphore(%arg17 : memref<!tpu.dma_semaphore, #tpu.memory_space<semaphore_mem>>)
      %add3A_217 = arith.constant 12 : i32
      %add3A_218 = arith.addi %add3A_84, %add3A_217 : i32
      %dma_start3A_219 = arith.constant 12 : i32
      %dma_start3A_220 = arith.constant 0 : i32
      %dma_start3A_221 = tpu.memref_slice %arg9[%dma_start3A_219, %dma_start3A_220] : memref<13x128xf32, #tpu.memory_space<vmem>> -> memref<1x128xf32, #tpu.memory_space<vmem>>
      %dma_start3A_222 = tpu.memref_squeeze %dma_start3A_221 : memref<1x128xf32, #tpu.memory_space<vmem>> -> memref<128xf32, #tpu.memory_space<vmem>>
      %dma_start3A_223 = arith.constant 0 : i32
      %dma_start3A_224 = tpu.memref_slice %arg7[%add3A_218, %dma_start3A_223] : memref<79x128xi32, #tpu.memory_space<vmem>> -> memref<1x128xi32, #tpu.memory_space<vmem>>
      %dma_start3A_225 = tpu.memref_squeeze %dma_start3A_224 : memref<1x128xi32, #tpu.memory_space<vmem>> -> memref<128xi32, #tpu.memory_space<vmem>>
      %dma_start3A_226 = arith.constant 0 : i32
      %dma_start3A_227 = tpu.memref_slice %arg14[%dma_start3A_226] : memref<10240xf32, #tpu.memory_space<vmem_shared>> -> memref<10240xf32, #tpu.memory_space<vmem_shared>>
      tpu.enqueue_indirect_dma source(%dma_start3A_227 : memref<10240xf32, #tpu.memory_space<vmem_shared>>) target(%dma_start3A_222 : memref<128xf32, #tpu.memory_space<vmem>>) offsets(%dma_start3A_225 : memref<128xi32, #tpu.memory_space<vmem>>) semaphore(%arg17 : memref<!tpu.dma_semaphore, #tpu.memory_space<semaphore_mem>>)
      %add3A_228 = arith.constant 0 : i32
      %add3A_229 = arith.addi %add3A_84, %add3A_228 : i32
      %dma_wait3A_230 = arith.constant 0 : i32
      %dma_wait3A_231 = arith.constant 0 : i32
      %dma_wait3A_232 = tpu.memref_slice %arg9[%dma_wait3A_230, %dma_wait3A_231] : memref<13x128xf32, #tpu.memory_space<vmem>> -> memref<1x128xf32, #tpu.memory_space<vmem>>
      %dma_wait3A_233 = tpu.memref_squeeze %dma_wait3A_232 : memref<1x128xf32, #tpu.memory_space<vmem>> -> memref<128xf32, #tpu.memory_space<vmem>>
      %dma_wait3A_234 = arith.constant 0 : i32
      %dma_wait3A_235 = tpu.memref_slice %arg7[%add3A_229, %dma_wait3A_234] : memref<79x128xi32, #tpu.memory_space<vmem>> -> memref<1x128xi32, #tpu.memory_space<vmem>>
      %dma_wait3A_236 = tpu.memref_squeeze %dma_wait3A_235 : memref<1x128xi32, #tpu.memory_space<vmem>> -> memref<128xi32, #tpu.memory_space<vmem>>
      %dma_wait3A_237 = arith.constant 0 : i32
      %dma_wait3A_238 = tpu.memref_slice %arg14[%dma_wait3A_237] : memref<10240xf32, #tpu.memory_space<vmem_shared>> -> memref<10240xf32, #tpu.memory_space<vmem_shared>>
      tpu.wait_indirect_dma semaphore(%arg17 : memref<!tpu.dma_semaphore, #tpu.memory_space<semaphore_mem>>) src(%dma_wait3A_238 : memref<10240xf32, #tpu.memory_space<vmem_shared>>) dst(%dma_wait3A_233 : memref<128xf32, #tpu.memory_space<vmem>>)
      %add3A_239 = arith.constant 1 : i32
      %add3A_240 = arith.addi %add3A_84, %add3A_239 : i32
      %dma_wait3A_241 = arith.constant 1 : i32
      %dma_wait3A_242 = arith.constant 0 : i32
      %dma_wait3A_243 = tpu.memref_slice %arg9[%dma_wait3A_241, %dma_wait3A_242] : memref<13x128xf32, #tpu.memory_space<vmem>> -> memref<1x128xf32, #tpu.memory_space<vmem>>
      %dma_wait3A_244 = tpu.memref_squeeze %dma_wait3A_243 : memref<1x128xf32, #tpu.memory_space<vmem>> -> memref<128xf32, #tpu.memory_space<vmem>>
      %dma_wait3A_245 = arith.constant 0 : i32
      %dma_wait3A_246 = tpu.memref_slice %arg7[%add3A_240, %dma_wait3A_245] : memref<79x128xi32, #tpu.memory_space<vmem>> -> memref<1x128xi32, #tpu.memory_space<vmem>>
      %dma_wait3A_247 = tpu.memref_squeeze %dma_wait3A_246 : memref<1x128xi32, #tpu.memory_space<vmem>> -> memref<128xi32, #tpu.memory_space<vmem>>
      %dma_wait3A_248 = arith.constant 0 : i32
      %dma_wait3A_249 = tpu.memref_slice %arg14[%dma_wait3A_248] : memref<10240xf32, #tpu.memory_space<vmem_shared>> -> memref<10240xf32, #tpu.memory_space<vmem_shared>>
      tpu.wait_indirect_dma semaphore(%arg17 : memref<!tpu.dma_semaphore, #tpu.memory_space<semaphore_mem>>) src(%dma_wait3A_249 : memref<10240xf32, #tpu.memory_space<vmem_shared>>) dst(%dma_wait3A_244 : memref<128xf32, #tpu.memory_space<vmem>>)
      %add3A_250 = arith.constant 2 : i32
      %add3A_251 = arith.addi %add3A_84, %add3A_250 : i32
      %dma_wait3A_252 = arith.constant 2 : i32
      %dma_wait3A_253 = arith.constant 0 : i32
      %dma_wait3A_254 = tpu.memref_slice %arg9[%dma_wait3A_252, %dma_wait3A_253] : memref<13x128xf32, #tpu.memory_space<vmem>> -> memref<1x128xf32, #tpu.memory_space<vmem>>
      %dma_wait3A_255 = tpu.memref_squeeze %dma_wait3A_254 : memref<1x128xf32, #tpu.memory_space<vmem>> -> memref<128xf32, #tpu.memory_space<vmem>>
      %dma_wait3A_256 = arith.constant 0 : i32
      %dma_wait3A_257 = tpu.memref_slice %arg7[%add3A_251, %dma_wait3A_256] : memref<79x128xi32, #tpu.memory_space<vmem>> -> memref<1x128xi32, #tpu.memory_space<vmem>>
      %dma_wait3A_258 = tpu.memref_squeeze %dma_wait3A_257 : memref<1x128xi32, #tpu.memory_space<vmem>> -> memref<128xi32, #tpu.memory_space<vmem>>
      %dma_wait3A_259 = arith.constant 0 : i32
      %dma_wait3A_260 = tpu.memref_slice %arg14[%dma_wait3A_259] : memref<10240xf32, #tpu.memory_space<vmem_shared>> -> memref<10240xf32, #tpu.memory_space<vmem_shared>>
      tpu.wait_indirect_dma semaphore(%arg17 : memref<!tpu.dma_semaphore, #tpu.memory_space<semaphore_mem>>) src(%dma_wait3A_260 : memref<10240xf32, #tpu.memory_space<vmem_shared>>) dst(%dma_wait3A_255 : memref<128xf32, #tpu.memory_space<vmem>>)
      %add3A_261 = arith.constant 3 : i32
      %add3A_262 = arith.addi %add3A_84, %add3A_261 : i32
      %dma_wait3A_263 = arith.constant 3 : i32
      %dma_wait3A_264 = arith.constant 0 : i32
      %dma_wait3A_265 = tpu.memref_slice %arg9[%dma_wait3A_263, %dma_wait3A_264] : memref<13x128xf32, #tpu.memory_space<vmem>> -> memref<1x128xf32, #tpu.memory_space<vmem>>
      %dma_wait3A_266 = tpu.memref_squeeze %dma_wait3A_265 : memref<1x128xf32, #tpu.memory_space<vmem>> -> memref<128xf32, #tpu.memory_space<vmem>>
      %dma_wait3A_267 = arith.constant 0 : i32
      %dma_wait3A_268 = tpu.memref_slice %arg7[%add3A_262, %dma_wait3A_267] : memref<79x128xi32, #tpu.memory_space<vmem>> -> memref<1x128xi32, #tpu.memory_space<vmem>>
      %dma_wait3A_269 = tpu.memref_squeeze %dma_wait3A_268 : memref<1x128xi32, #tpu.memory_space<vmem>> -> memref<128xi32, #tpu.memory_space<vmem>>
      %dma_wait3A_270 = arith.constant 0 : i32
      %dma_wait3A_271 = tpu.memref_slice %arg14[%dma_wait3A_270] : memref<10240xf32, #tpu.memory_space<vmem_shared>> -> memref<10240xf32, #tpu.memory_space<vmem_shared>>
      tpu.wait_indirect_dma semaphore(%arg17 : memref<!tpu.dma_semaphore, #tpu.memory_space<semaphore_mem>>) src(%dma_wait3A_271 : memref<10240xf32, #tpu.memory_space<vmem_shared>>) dst(%dma_wait3A_266 : memref<128xf32, #tpu.memory_space<vmem>>)
      %add3A_272 = arith.constant 4 : i32
      %add3A_273 = arith.addi %add3A_84, %add3A_272 : i32
      %dma_wait3A_274 = arith.constant 4 : i32
      %dma_wait3A_275 = arith.constant 0 : i32
      %dma_wait3A_276 = tpu.memref_slice %arg9[%dma_wait3A_274, %dma_wait3A_275] : memref<13x128xf32, #tpu.memory_space<vmem>> -> memref<1x128xf32, #tpu.memory_space<vmem>>
      %dma_wait3A_277 = tpu.memref_squeeze %dma_wait3A_276 : memref<1x128xf32, #tpu.memory_space<vmem>> -> memref<128xf32, #tpu.memory_space<vmem>>
      %dma_wait3A_278 = arith.constant 0 : i32
      %dma_wait3A_279 = tpu.memref_slice %arg7[%add3A_273, %dma_wait3A_278] : memref<79x128xi32, #tpu.memory_space<vmem>> -> memref<1x128xi32, #tpu.memory_space<vmem>>
      %dma_wait3A_280 = tpu.memref_squeeze %dma_wait3A_279 : memref<1x128xi32, #tpu.memory_space<vmem>> -> memref<128xi32, #tpu.memory_space<vmem>>
      %dma_wait3A_281 = arith.constant 0 : i32
      %dma_wait3A_282 = tpu.memref_slice %arg14[%dma_wait3A_281] : memref<10240xf32, #tpu.memory_space<vmem_shared>> -> memref<10240xf32, #tpu.memory_space<vmem_shared>>
      tpu.wait_indirect_dma semaphore(%arg17 : memref<!tpu.dma_semaphore, #tpu.memory_space<semaphore_mem>>) src(%dma_wait3A_282 : memref<10240xf32, #tpu.memory_space<vmem_shared>>) dst(%dma_wait3A_277 : memref<128xf32, #tpu.memory_space<vmem>>)
      %add3A_283 = arith.constant 5 : i32
      %add3A_284 = arith.addi %add3A_84, %add3A_283 : i32
      %dma_wait3A_285 = arith.constant 5 : i32
      %dma_wait3A_286 = arith.constant 0 : i32
      %dma_wait3A_287 = tpu.memref_slice %arg9[%dma_wait3A_285, %dma_wait3A_286] : memref<13x128xf32, #tpu.memory_space<vmem>> -> memref<1x128xf32, #tpu.memory_space<vmem>>
      %dma_wait3A_288 = tpu.memref_squeeze %dma_wait3A_287 : memref<1x128xf32, #tpu.memory_space<vmem>> -> memref<128xf32, #tpu.memory_space<vmem>>
      %dma_wait3A_289 = arith.constant 0 : i32
      %dma_wait3A_290 = tpu.memref_slice %arg7[%add3A_284, %dma_wait3A_289] : memref<79x128xi32, #tpu.memory_space<vmem>> -> memref<1x128xi32, #tpu.memory_space<vmem>>
      %dma_wait3A_291 = tpu.memref_squeeze %dma_wait3A_290 : memref<1x128xi32, #tpu.memory_space<vmem>> -> memref<128xi32, #tpu.memory_space<vmem>>
      %dma_wait3A_292 = arith.constant 0 : i32
      %dma_wait3A_293 = tpu.memref_slice %arg14[%dma_wait3A_292] : memref<10240xf32, #tpu.memory_space<vmem_shared>> -> memref<10240xf32, #tpu.memory_space<vmem_shared>>
      tpu.wait_indirect_dma semaphore(%arg17 : memref<!tpu.dma_semaphore, #tpu.memory_space<semaphore_mem>>) src(%dma_wait3A_293 : memref<10240xf32, #tpu.memory_space<vmem_shared>>) dst(%dma_wait3A_288 : memref<128xf32, #tpu.memory_space<vmem>>)
      %add3A_294 = arith.constant 6 : i32
      %add3A_295 = arith.addi %add3A_84, %add3A_294 : i32
      %dma_wait3A_296 = arith.constant 6 : i32
      %dma_wait3A_297 = arith.constant 0 : i32
      %dma_wait3A_298 = tpu.memref_slice %arg9[%dma_wait3A_296, %dma_wait3A_297] : memref<13x128xf32, #tpu.memory_space<vmem>> -> memref<1x128xf32, #tpu.memory_space<vmem>>
      %dma_wait3A_299 = tpu.memref_squeeze %dma_wait3A_298 : memref<1x128xf32, #tpu.memory_space<vmem>> -> memref<128xf32, #tpu.memory_space<vmem>>
      %dma_wait3A_300 = arith.constant 0 : i32
      %dma_wait3A_301 = tpu.memref_slice %arg7[%add3A_295, %dma_wait3A_300] : memref<79x128xi32, #tpu.memory_space<vmem>> -> memref<1x128xi32, #tpu.memory_space<vmem>>
      %dma_wait3A_302 = tpu.memref_squeeze %dma_wait3A_301 : memref<1x128xi32, #tpu.memory_space<vmem>> -> memref<128xi32, #tpu.memory_space<vmem>>
      %dma_wait3A_303 = arith.constant 0 : i32
      %dma_wait3A_304 = tpu.memref_slice %arg14[%dma_wait3A_303] : memref<10240xf32, #tpu.memory_space<vmem_shared>> -> memref<10240xf32, #tpu.memory_space<vmem_shared>>
      tpu.wait_indirect_dma semaphore(%arg17 : memref<!tpu.dma_semaphore, #tpu.memory_space<semaphore_mem>>) src(%dma_wait3A_304 : memref<10240xf32, #tpu.memory_space<vmem_shared>>) dst(%dma_wait3A_299 : memref<128xf32, #tpu.memory_space<vmem>>)
      %add3A_305 = arith.constant 7 : i32
      %add3A_306 = arith.addi %add3A_84, %add3A_305 : i32
      %dma_wait3A_307 = arith.constant 7 : i32
      %dma_wait3A_308 = arith.constant 0 : i32
      %dma_wait3A_309 = tpu.memref_slice %arg9[%dma_wait3A_307, %dma_wait3A_308] : memref<13x128xf32, #tpu.memory_space<vmem>> -> memref<1x128xf32, #tpu.memory_space<vmem>>
      %dma_wait3A_310 = tpu.memref_squeeze %dma_wait3A_309 : memref<1x128xf32, #tpu.memory_space<vmem>> -> memref<128xf32, #tpu.memory_space<vmem>>
      %dma_wait3A_311 = arith.constant 0 : i32
      %dma_wait3A_312 = tpu.memref_slice %arg7[%add3A_306, %dma_wait3A_311] : memref<79x128xi32, #tpu.memory_space<vmem>> -> memref<1x128xi32, #tpu.memory_space<vmem>>
      %dma_wait3A_313 = tpu.memref_squeeze %dma_wait3A_312 : memref<1x128xi32, #tpu.memory_space<vmem>> -> memref<128xi32, #tpu.memory_space<vmem>>
      %dma_wait3A_314 = arith.constant 0 : i32
      %dma_wait3A_315 = tpu.memref_slice %arg14[%dma_wait3A_314] : memref<10240xf32, #tpu.memory_space<vmem_shared>> -> memref<10240xf32, #tpu.memory_space<vmem_shared>>
      tpu.wait_indirect_dma semaphore(%arg17 : memref<!tpu.dma_semaphore, #tpu.memory_space<semaphore_mem>>) src(%dma_wait3A_315 : memref<10240xf32, #tpu.memory_space<vmem_shared>>) dst(%dma_wait3A_310 : memref<128xf32, #tpu.memory_space<vmem>>)
      %add3A_316 = arith.constant 8 : i32
      %add3A_317 = arith.addi %add3A_84, %add3A_316 : i32
      %dma_wait3A_318 = arith.constant 8 : i32
      %dma_wait3A_319 = arith.constant 0 : i32
      %dma_wait3A_320 = tpu.memref_slice %arg9[%dma_wait3A_318, %dma_wait3A_319] : memref<13x128xf32, #tpu.memory_space<vmem>> -> memref<1x128xf32, #tpu.memory_space<vmem>>
      %dma_wait3A_321 = tpu.memref_squeeze %dma_wait3A_320 : memref<1x128xf32, #tpu.memory_space<vmem>> -> memref<128xf32, #tpu.memory_space<vmem>>
      %dma_wait3A_322 = arith.constant 0 : i32
      %dma_wait3A_323 = tpu.memref_slice %arg7[%add3A_317, %dma_wait3A_322] : memref<79x128xi32, #tpu.memory_space<vmem>> -> memref<1x128xi32, #tpu.memory_space<vmem>>
      %dma_wait3A_324 = tpu.memref_squeeze %dma_wait3A_323 : memref<1x128xi32, #tpu.memory_space<vmem>> -> memref<128xi32, #tpu.memory_space<vmem>>
      %dma_wait3A_325 = arith.constant 0 : i32
      %dma_wait3A_326 = tpu.memref_slice %arg14[%dma_wait3A_325] : memref<10240xf32, #tpu.memory_space<vmem_shared>> -> memref<10240xf32, #tpu.memory_space<vmem_shared>>
      tpu.wait_indirect_dma semaphore(%arg17 : memref<!tpu.dma_semaphore, #tpu.memory_space<semaphore_mem>>) src(%dma_wait3A_326 : memref<10240xf32, #tpu.memory_space<vmem_shared>>) dst(%dma_wait3A_321 : memref<128xf32, #tpu.memory_space<vmem>>)
      %add3A_327 = arith.constant 9 : i32
      %add3A_328 = arith.addi %add3A_84, %add3A_327 : i32
      %dma_wait3A_329 = arith.constant 9 : i32
      %dma_wait3A_330 = arith.constant 0 : i32
      %dma_wait3A_331 = tpu.memref_slice %arg9[%dma_wait3A_329, %dma_wait3A_330] : memref<13x128xf32, #tpu.memory_space<vmem>> -> memref<1x128xf32, #tpu.memory_space<vmem>>
      %dma_wait3A_332 = tpu.memref_squeeze %dma_wait3A_331 : memref<1x128xf32, #tpu.memory_space<vmem>> -> memref<128xf32, #tpu.memory_space<vmem>>
      %dma_wait3A_333 = arith.constant 0 : i32
      %dma_wait3A_334 = tpu.memref_slice %arg7[%add3A_328, %dma_wait3A_333] : memref<79x128xi32, #tpu.memory_space<vmem>> -> memref<1x128xi32, #tpu.memory_space<vmem>>
      %dma_wait3A_335 = tpu.memref_squeeze %dma_wait3A_334 : memref<1x128xi32, #tpu.memory_space<vmem>> -> memref<128xi32, #tpu.memory_space<vmem>>
      %dma_wait3A_336 = arith.constant 0 : i32
      %dma_wait3A_337 = tpu.memref_slice %arg14[%dma_wait3A_336] : memref<10240xf32, #tpu.memory_space<vmem_shared>> -> memref<10240xf32, #tpu.memory_space<vmem_shared>>
      tpu.wait_indirect_dma semaphore(%arg17 : memref<!tpu.dma_semaphore, #tpu.memory_space<semaphore_mem>>) src(%dma_wait3A_337 : memref<10240xf32, #tpu.memory_space<vmem_shared>>) dst(%dma_wait3A_332 : memref<128xf32, #tpu.memory_space<vmem>>)
      %add3A_338 = arith.constant 10 : i32
      %add3A_339 = arith.addi %add3A_84, %add3A_338 : i32
      %dma_wait3A_340 = arith.constant 10 : i32
      %dma_wait3A_341 = arith.constant 0 : i32
      %dma_wait3A_342 = tpu.memref_slice %arg9[%dma_wait3A_340, %dma_wait3A_341] : memref<13x128xf32, #tpu.memory_space<vmem>> -> memref<1x128xf32, #tpu.memory_space<vmem>>
      %dma_wait3A_343 = tpu.memref_squeeze %dma_wait3A_342 : memref<1x128xf32, #tpu.memory_space<vmem>> -> memref<128xf32, #tpu.memory_space<vmem>>
      %dma_wait3A_344 = arith.constant 0 : i32
      %dma_wait3A_345 = tpu.memref_slice %arg7[%add3A_339, %dma_wait3A_344] : memref<79x128xi32, #tpu.memory_space<vmem>> -> memref<1x128xi32, #tpu.memory_space<vmem>>
      %dma_wait3A_346 = tpu.memref_squeeze %dma_wait3A_345 : memref<1x128xi32, #tpu.memory_space<vmem>> -> memref<128xi32, #tpu.memory_space<vmem>>
      %dma_wait3A_347 = arith.constant 0 : i32
      %dma_wait3A_348 = tpu.memref_slice %arg14[%dma_wait3A_347] : memref<10240xf32, #tpu.memory_space<vmem_shared>> -> memref<10240xf32, #tpu.memory_space<vmem_shared>>
      tpu.wait_indirect_dma semaphore(%arg17 : memref<!tpu.dma_semaphore, #tpu.memory_space<semaphore_mem>>) src(%dma_wait3A_348 : memref<10240xf32, #tpu.memory_space<vmem_shared>>) dst(%dma_wait3A_343 : memref<128xf32, #tpu.memory_space<vmem>>)
      %add3A_349 = arith.constant 11 : i32
      %add3A_350 = arith.addi %add3A_84, %add3A_349 : i32
      %dma_wait3A_351 = arith.constant 11 : i32
      %dma_wait3A_352 = arith.constant 0 : i32
      %dma_wait3A_353 = tpu.memref_slice %arg9[%dma_wait3A_351, %dma_wait3A_352] : memref<13x128xf32, #tpu.memory_space<vmem>> -> memref<1x128xf32, #tpu.memory_space<vmem>>
      %dma_wait3A_354 = tpu.memref_squeeze %dma_wait3A_353 : memref<1x128xf32, #tpu.memory_space<vmem>> -> memref<128xf32, #tpu.memory_space<vmem>>
      %dma_wait3A_355 = arith.constant 0 : i32
      %dma_wait3A_356 = tpu.memref_slice %arg7[%add3A_350, %dma_wait3A_355] : memref<79x128xi32, #tpu.memory_space<vmem>> -> memref<1x128xi32, #tpu.memory_space<vmem>>
      %dma_wait3A_357 = tpu.memref_squeeze %dma_wait3A_356 : memref<1x128xi32, #tpu.memory_space<vmem>> -> memref<128xi32, #tpu.memory_space<vmem>>
      %dma_wait3A_358 = arith.constant 0 : i32
      %dma_wait3A_359 = tpu.memref_slice %arg14[%dma_wait3A_358] : memref<10240xf32, #tpu.memory_space<vmem_shared>> -> memref<10240xf32, #tpu.memory_space<vmem_shared>>
      tpu.wait_indirect_dma semaphore(%arg17 : memref<!tpu.dma_semaphore, #tpu.memory_space<semaphore_mem>>) src(%dma_wait3A_359 : memref<10240xf32, #tpu.memory_space<vmem_shared>>) dst(%dma_wait3A_354 : memref<128xf32, #tpu.memory_space<vmem>>)
      %add3A_360 = arith.constant 12 : i32
      %add3A_361 = arith.addi %add3A_84, %add3A_360 : i32
      %dma_wait3A_362 = arith.constant 12 : i32
      %dma_wait3A_363 = arith.constant 0 : i32
      %dma_wait3A_364 = tpu.memref_slice %arg9[%dma_wait3A_362, %dma_wait3A_363] : memref<13x128xf32, #tpu.memory_space<vmem>> -> memref<1x128xf32, #tpu.memory_space<vmem>>
      %dma_wait3A_365 = tpu.memref_squeeze %dma_wait3A_364 : memref<1x128xf32, #tpu.memory_space<vmem>> -> memref<128xf32, #tpu.memory_space<vmem>>
      %dma_wait3A_366 = arith.constant 0 : i32
      %dma_wait3A_367 = tpu.memref_slice %arg7[%add3A_361, %dma_wait3A_366] : memref<79x128xi32, #tpu.memory_space<vmem>> -> memref<1x128xi32, #tpu.memory_space<vmem>>
      %dma_wait3A_368 = tpu.memref_squeeze %dma_wait3A_367 : memref<1x128xi32, #tpu.memory_space<vmem>> -> memref<128xi32, #tpu.memory_space<vmem>>
      %dma_wait3A_369 = arith.constant 0 : i32
      %dma_wait3A_370 = tpu.memref_slice %arg14[%dma_wait3A_369] : memref<10240xf32, #tpu.memory_space<vmem_shared>> -> memref<10240xf32, #tpu.memory_space<vmem_shared>>
      tpu.wait_indirect_dma semaphore(%arg17 : memref<!tpu.dma_semaphore, #tpu.memory_space<semaphore_mem>>) src(%dma_wait3A_370 : memref<10240xf32, #tpu.memory_space<vmem_shared>>) dst(%dma_wait3A_365 : memref<128xf32, #tpu.memory_space<vmem>>)
      %add3A_371 = arith.constant 0 : i32
      %add3A_372 = arith.addi %add3A_84, %add3A_371 : i32
      %dma_start3A_373 = arith.constant 0 : i32
      %dma_start3A_374 = arith.constant 0 : i32
      %dma_start3A_375 = tpu.memref_slice %arg9[%dma_start3A_373, %dma_start3A_374] : memref<13x128xf32, #tpu.memory_space<vmem>> -> memref<1x128xf32, #tpu.memory_space<vmem>>
      %dma_start3A_376 = tpu.memref_squeeze %dma_start3A_375 : memref<1x128xf32, #tpu.memory_space<vmem>> -> memref<128xf32, #tpu.memory_space<vmem>>
      %dma_start3A_377 = arith.constant 0 : i32
      %dma_start3A_378 = tpu.memref_slice %arg8[%add3A_372, %dma_start3A_377] : memref<79x128xi32, #tpu.memory_space<vmem>> -> memref<1x128xi32, #tpu.memory_space<vmem>>
      %dma_start3A_379 = tpu.memref_squeeze %dma_start3A_378 : memref<1x128xi32, #tpu.memory_space<vmem>> -> memref<128xi32, #tpu.memory_space<vmem>>
      %dma_start3A_380 = arith.constant 0 : i32
      %dma_start3A_381 = tpu.memref_slice %arg15[%dma_start3A_380] : memref<10240xf32, #tpu.memory_space<vmem_shared>> -> memref<10240xf32, #tpu.memory_space<vmem_shared>>
      tpu.enqueue_indirect_dma source(%dma_start3A_376 : memref<128xf32, #tpu.memory_space<vmem>>) target(%dma_start3A_381 : memref<10240xf32, #tpu.memory_space<vmem_shared>>) offsets(%dma_start3A_379 : memref<128xi32, #tpu.memory_space<vmem>>) semaphore(%arg17 : memref<!tpu.dma_semaphore, #tpu.memory_space<semaphore_mem>>) {add = true}
      %add3A_382 = arith.constant 1 : i32
      %add3A_383 = arith.addi %add3A_84, %add3A_382 : i32
      %dma_start3A_384 = arith.constant 1 : i32
      %dma_start3A_385 = arith.constant 0 : i32
      %dma_start3A_386 = tpu.memref_slice %arg9[%dma_start3A_384, %dma_start3A_385] : memref<13x128xf32, #tpu.memory_space<vmem>> -> memref<1x128xf32, #tpu.memory_space<vmem>>
      %dma_start3A_387 = tpu.memref_squeeze %dma_start3A_386 : memref<1x128xf32, #tpu.memory_space<vmem>> -> memref<128xf32, #tpu.memory_space<vmem>>
      %dma_start3A_388 = arith.constant 0 : i32
      %dma_start3A_389 = tpu.memref_slice %arg8[%add3A_383, %dma_start3A_388] : memref<79x128xi32, #tpu.memory_space<vmem>> -> memref<1x128xi32, #tpu.memory_space<vmem>>
      %dma_start3A_390 = tpu.memref_squeeze %dma_start3A_389 : memref<1x128xi32, #tpu.memory_space<vmem>> -> memref<128xi32, #tpu.memory_space<vmem>>
      %dma_start3A_391 = arith.constant 0 : i32
      %dma_start3A_392 = tpu.memref_slice %arg15[%dma_start3A_391] : memref<10240xf32, #tpu.memory_space<vmem_shared>> -> memref<10240xf32, #tpu.memory_space<vmem_shared>>
      tpu.enqueue_indirect_dma source(%dma_start3A_387 : memref<128xf32, #tpu.memory_space<vmem>>) target(%dma_start3A_392 : memref<10240xf32, #tpu.memory_space<vmem_shared>>) offsets(%dma_start3A_390 : memref<128xi32, #tpu.memory_space<vmem>>) semaphore(%arg17 : memref<!tpu.dma_semaphore, #tpu.memory_space<semaphore_mem>>) {add = true}
      %add3A_393 = arith.constant 2 : i32
      %add3A_394 = arith.addi %add3A_84, %add3A_393 : i32
      %dma_start3A_395 = arith.constant 2 : i32
      %dma_start3A_396 = arith.constant 0 : i32
      %dma_start3A_397 = tpu.memref_slice %arg9[%dma_start3A_395, %dma_start3A_396] : memref<13x128xf32, #tpu.memory_space<vmem>> -> memref<1x128xf32, #tpu.memory_space<vmem>>
      %dma_start3A_398 = tpu.memref_squeeze %dma_start3A_397 : memref<1x128xf32, #tpu.memory_space<vmem>> -> memref<128xf32, #tpu.memory_space<vmem>>
      %dma_start3A_399 = arith.constant 0 : i32
      %dma_start3A_400 = tpu.memref_slice %arg8[%add3A_394, %dma_start3A_399] : memref<79x128xi32, #tpu.memory_space<vmem>> -> memref<1x128xi32, #tpu.memory_space<vmem>>
      %dma_start3A_401 = tpu.memref_squeeze %dma_start3A_400 : memref<1x128xi32, #tpu.memory_space<vmem>> -> memref<128xi32, #tpu.memory_space<vmem>>
      %dma_start3A_402 = arith.constant 0 : i32
      %dma_start3A_403 = tpu.memref_slice %arg15[%dma_start3A_402] : memref<10240xf32, #tpu.memory_space<vmem_shared>> -> memref<10240xf32, #tpu.memory_space<vmem_shared>>
      tpu.enqueue_indirect_dma source(%dma_start3A_398 : memref<128xf32, #tpu.memory_space<vmem>>) target(%dma_start3A_403 : memref<10240xf32, #tpu.memory_space<vmem_shared>>) offsets(%dma_start3A_401 : memref<128xi32, #tpu.memory_space<vmem>>) semaphore(%arg17 : memref<!tpu.dma_semaphore, #tpu.memory_space<semaphore_mem>>) {add = true}
      %add3A_404 = arith.constant 3 : i32
      %add3A_405 = arith.addi %add3A_84, %add3A_404 : i32
      %dma_start3A_406 = arith.constant 3 : i32
      %dma_start3A_407 = arith.constant 0 : i32
      %dma_start3A_408 = tpu.memref_slice %arg9[%dma_start3A_406, %dma_start3A_407] : memref<13x128xf32, #tpu.memory_space<vmem>> -> memref<1x128xf32, #tpu.memory_space<vmem>>
      %dma_start3A_409 = tpu.memref_squeeze %dma_start3A_408 : memref<1x128xf32, #tpu.memory_space<vmem>> -> memref<128xf32, #tpu.memory_space<vmem>>
      %dma_start3A_410 = arith.constant 0 : i32
      %dma_start3A_411 = tpu.memref_slice %arg8[%add3A_405, %dma_start3A_410] : memref<79x128xi32, #tpu.memory_space<vmem>> -> memref<1x128xi32, #tpu.memory_space<vmem>>
      %dma_start3A_412 = tpu.memref_squeeze %dma_start3A_411 : memref<1x128xi32, #tpu.memory_space<vmem>> -> memref<128xi32, #tpu.memory_space<vmem>>
      %dma_start3A_413 = arith.constant 0 : i32
      %dma_start3A_414 = tpu.memref_slice %arg15[%dma_start3A_413] : memref<10240xf32, #tpu.memory_space<vmem_shared>> -> memref<10240xf32, #tpu.memory_space<vmem_shared>>
      tpu.enqueue_indirect_dma source(%dma_start3A_409 : memref<128xf32, #tpu.memory_space<vmem>>) target(%dma_start3A_414 : memref<10240xf32, #tpu.memory_space<vmem_shared>>) offsets(%dma_start3A_412 : memref<128xi32, #tpu.memory_space<vmem>>) semaphore(%arg17 : memref<!tpu.dma_semaphore, #tpu.memory_space<semaphore_mem>>) {add = true}
      %add3A_415 = arith.constant 4 : i32
      %add3A_416 = arith.addi %add3A_84, %add3A_415 : i32
      %dma_start3A_417 = arith.constant 4 : i32
      %dma_start3A_418 = arith.constant 0 : i32
      %dma_start3A_419 = tpu.memref_slice %arg9[%dma_start3A_417, %dma_start3A_418] : memref<13x128xf32, #tpu.memory_space<vmem>> -> memref<1x128xf32, #tpu.memory_space<vmem>>
      %dma_start3A_420 = tpu.memref_squeeze %dma_start3A_419 : memref<1x128xf32, #tpu.memory_space<vmem>> -> memref<128xf32, #tpu.memory_space<vmem>>
      %dma_start3A_421 = arith.constant 0 : i32
      %dma_start3A_422 = tpu.memref_slice %arg8[%add3A_416, %dma_start3A_421] : memref<79x128xi32, #tpu.memory_space<vmem>> -> memref<1x128xi32, #tpu.memory_space<vmem>>
      %dma_start3A_423 = tpu.memref_squeeze %dma_start3A_422 : memref<1x128xi32, #tpu.memory_space<vmem>> -> memref<128xi32, #tpu.memory_space<vmem>>
      %dma_start3A_424 = arith.constant 0 : i32
      %dma_start3A_425 = tpu.memref_slice %arg15[%dma_start3A_424] : memref<10240xf32, #tpu.memory_space<vmem_shared>> -> memref<10240xf32, #tpu.memory_space<vmem_shared>>
      tpu.enqueue_indirect_dma source(%dma_start3A_420 : memref<128xf32, #tpu.memory_space<vmem>>) target(%dma_start3A_425 : memref<10240xf32, #tpu.memory_space<vmem_shared>>) offsets(%dma_start3A_423 : memref<128xi32, #tpu.memory_space<vmem>>) semaphore(%arg17 : memref<!tpu.dma_semaphore, #tpu.memory_space<semaphore_mem>>) {add = true}
      %add3A_426 = arith.constant 5 : i32
      %add3A_427 = arith.addi %add3A_84, %add3A_426 : i32
      %dma_start3A_428 = arith.constant 5 : i32
      %dma_start3A_429 = arith.constant 0 : i32
      %dma_start3A_430 = tpu.memref_slice %arg9[%dma_start3A_428, %dma_start3A_429] : memref<13x128xf32, #tpu.memory_space<vmem>> -> memref<1x128xf32, #tpu.memory_space<vmem>>
      %dma_start3A_431 = tpu.memref_squeeze %dma_start3A_430 : memref<1x128xf32, #tpu.memory_space<vmem>> -> memref<128xf32, #tpu.memory_space<vmem>>
      %dma_start3A_432 = arith.constant 0 : i32
      %dma_start3A_433 = tpu.memref_slice %arg8[%add3A_427, %dma_start3A_432] : memref<79x128xi32, #tpu.memory_space<vmem>> -> memref<1x128xi32, #tpu.memory_space<vmem>>
      %dma_start3A_434 = tpu.memref_squeeze %dma_start3A_433 : memref<1x128xi32, #tpu.memory_space<vmem>> -> memref<128xi32, #tpu.memory_space<vmem>>
      %dma_start3A_435 = arith.constant 0 : i32
      %dma_start3A_436 = tpu.memref_slice %arg15[%dma_start3A_435] : memref<10240xf32, #tpu.memory_space<vmem_shared>> -> memref<10240xf32, #tpu.memory_space<vmem_shared>>
      tpu.enqueue_indirect_dma source(%dma_start3A_431 : memref<128xf32, #tpu.memory_space<vmem>>) target(%dma_start3A_436 : memref<10240xf32, #tpu.memory_space<vmem_shared>>) offsets(%dma_start3A_434 : memref<128xi32, #tpu.memory_space<vmem>>) semaphore(%arg17 : memref<!tpu.dma_semaphore, #tpu.memory_space<semaphore_mem>>) {add = true}
      %add3A_437 = arith.constant 6 : i32
      %add3A_438 = arith.addi %add3A_84, %add3A_437 : i32
      %dma_start3A_439 = arith.constant 6 : i32
      %dma_start3A_440 = arith.constant 0 : i32
      %dma_start3A_441 = tpu.memref_slice %arg9[%dma_start3A_439, %dma_start3A_440] : memref<13x128xf32, #tpu.memory_space<vmem>> -> memref<1x128xf32, #tpu.memory_space<vmem>>
      %dma_start3A_442 = tpu.memref_squeeze %dma_start3A_441 : memref<1x128xf32, #tpu.memory_space<vmem>> -> memref<128xf32, #tpu.memory_space<vmem>>
      %dma_start3A_443 = arith.constant 0 : i32
      %dma_start3A_444 = tpu.memref_slice %arg8[%add3A_438, %dma_start3A_443] : memref<79x128xi32, #tpu.memory_space<vmem>> -> memref<1x128xi32, #tpu.memory_space<vmem>>
      %dma_start3A_445 = tpu.memref_squeeze %dma_start3A_444 : memref<1x128xi32, #tpu.memory_space<vmem>> -> memref<128xi32, #tpu.memory_space<vmem>>
      %dma_start3A_446 = arith.constant 0 : i32
      %dma_start3A_447 = tpu.memref_slice %arg15[%dma_start3A_446] : memref<10240xf32, #tpu.memory_space<vmem_shared>> -> memref<10240xf32, #tpu.memory_space<vmem_shared>>
      tpu.enqueue_indirect_dma source(%dma_start3A_442 : memref<128xf32, #tpu.memory_space<vmem>>) target(%dma_start3A_447 : memref<10240xf32, #tpu.memory_space<vmem_shared>>) offsets(%dma_start3A_445 : memref<128xi32, #tpu.memory_space<vmem>>) semaphore(%arg17 : memref<!tpu.dma_semaphore, #tpu.memory_space<semaphore_mem>>) {add = true}
      %add3A_448 = arith.constant 7 : i32
      %add3A_449 = arith.addi %add3A_84, %add3A_448 : i32
      %dma_start3A_450 = arith.constant 7 : i32
      %dma_start3A_451 = arith.constant 0 : i32
      %dma_start3A_452 = tpu.memref_slice %arg9[%dma_start3A_450, %dma_start3A_451] : memref<13x128xf32, #tpu.memory_space<vmem>> -> memref<1x128xf32, #tpu.memory_space<vmem>>
      %dma_start3A_453 = tpu.memref_squeeze %dma_start3A_452 : memref<1x128xf32, #tpu.memory_space<vmem>> -> memref<128xf32, #tpu.memory_space<vmem>>
      %dma_start3A_454 = arith.constant 0 : i32
      %dma_start3A_455 = tpu.memref_slice %arg8[%add3A_449, %dma_start3A_454] : memref<79x128xi32, #tpu.memory_space<vmem>> -> memref<1x128xi32, #tpu.memory_space<vmem>>
      %dma_start3A_456 = tpu.memref_squeeze %dma_start3A_455 : memref<1x128xi32, #tpu.memory_space<vmem>> -> memref<128xi32, #tpu.memory_space<vmem>>
      %dma_start3A_457 = arith.constant 0 : i32
      %dma_start3A_458 = tpu.memref_slice %arg15[%dma_start3A_457] : memref<10240xf32, #tpu.memory_space<vmem_shared>> -> memref<10240xf32, #tpu.memory_space<vmem_shared>>
      tpu.enqueue_indirect_dma source(%dma_start3A_453 : memref<128xf32, #tpu.memory_space<vmem>>) target(%dma_start3A_458 : memref<10240xf32, #tpu.memory_space<vmem_shared>>) offsets(%dma_start3A_456 : memref<128xi32, #tpu.memory_space<vmem>>) semaphore(%arg17 : memref<!tpu.dma_semaphore, #tpu.memory_space<semaphore_mem>>) {add = true}
      %add3A_459 = arith.constant 8 : i32
      %add3A_460 = arith.addi %add3A_84, %add3A_459 : i32
      %dma_start3A_461 = arith.constant 8 : i32
      %dma_start3A_462 = arith.constant 0 : i32
      %dma_start3A_463 = tpu.memref_slice %arg9[%dma_start3A_461, %dma_start3A_462] : memref<13x128xf32, #tpu.memory_space<vmem>> -> memref<1x128xf32, #tpu.memory_space<vmem>>
      %dma_start3A_464 = tpu.memref_squeeze %dma_start3A_463 : memref<1x128xf32, #tpu.memory_space<vmem>> -> memref<128xf32, #tpu.memory_space<vmem>>
      %dma_start3A_465 = arith.constant 0 : i32
      %dma_start3A_466 = tpu.memref_slice %arg8[%add3A_460, %dma_start3A_465] : memref<79x128xi32, #tpu.memory_space<vmem>> -> memref<1x128xi32, #tpu.memory_space<vmem>>
      %dma_start3A_467 = tpu.memref_squeeze %dma_start3A_466 : memref<1x128xi32, #tpu.memory_space<vmem>> -> memref<128xi32, #tpu.memory_space<vmem>>
      %dma_start3A_468 = arith.constant 0 : i32
      %dma_start3A_469 = tpu.memref_slice %arg15[%dma_start3A_468] : memref<10240xf32, #tpu.memory_space<vmem_shared>> -> memref<10240xf32, #tpu.memory_space<vmem_shared>>
      tpu.enqueue_indirect_dma source(%dma_start3A_464 : memref<128xf32, #tpu.memory_space<vmem>>) target(%dma_start3A_469 : memref<10240xf32, #tpu.memory_space<vmem_shared>>) offsets(%dma_start3A_467 : memref<128xi32, #tpu.memory_space<vmem>>) semaphore(%arg17 : memref<!tpu.dma_semaphore, #tpu.memory_space<semaphore_mem>>) {add = true}
      %add3A_470 = arith.constant 9 : i32
      %add3A_471 = arith.addi %add3A_84, %add3A_470 : i32
      %dma_start3A_472 = arith.constant 9 : i32
      %dma_start3A_473 = arith.constant 0 : i32
      %dma_start3A_474 = tpu.memref_slice %arg9[%dma_start3A_472, %dma_start3A_473] : memref<13x128xf32, #tpu.memory_space<vmem>> -> memref<1x128xf32, #tpu.memory_space<vmem>>
      %dma_start3A_475 = tpu.memref_squeeze %dma_start3A_474 : memref<1x128xf32, #tpu.memory_space<vmem>> -> memref<128xf32, #tpu.memory_space<vmem>>
      %dma_start3A_476 = arith.constant 0 : i32
      %dma_start3A_477 = tpu.memref_slice %arg8[%add3A_471, %dma_start3A_476] : memref<79x128xi32, #tpu.memory_space<vmem>> -> memref<1x128xi32, #tpu.memory_space<vmem>>
      %dma_start3A_478 = tpu.memref_squeeze %dma_start3A_477 : memref<1x128xi32, #tpu.memory_space<vmem>> -> memref<128xi32, #tpu.memory_space<vmem>>
      %dma_start3A_479 = arith.constant 0 : i32
      %dma_start3A_480 = tpu.memref_slice %arg15[%dma_start3A_479] : memref<10240xf32, #tpu.memory_space<vmem_shared>> -> memref<10240xf32, #tpu.memory_space<vmem_shared>>
      tpu.enqueue_indirect_dma source(%dma_start3A_475 : memref<128xf32, #tpu.memory_space<vmem>>) target(%dma_start3A_480 : memref<10240xf32, #tpu.memory_space<vmem_shared>>) offsets(%dma_start3A_478 : memref<128xi32, #tpu.memory_space<vmem>>) semaphore(%arg17 : memref<!tpu.dma_semaphore, #tpu.memory_space<semaphore_mem>>) {add = true}
      %add3A_481 = arith.constant 10 : i32
      %add3A_482 = arith.addi %add3A_84, %add3A_481 : i32
      %dma_start3A_483 = arith.constant 10 : i32
      %dma_start3A_484 = arith.constant 0 : i32
      %dma_start3A_485 = tpu.memref_slice %arg9[%dma_start3A_483, %dma_start3A_484] : memref<13x128xf32, #tpu.memory_space<vmem>> -> memref<1x128xf32, #tpu.memory_space<vmem>>
      %dma_start3A_486 = tpu.memref_squeeze %dma_start3A_485 : memref<1x128xf32, #tpu.memory_space<vmem>> -> memref<128xf32, #tpu.memory_space<vmem>>
      %dma_start3A_487 = arith.constant 0 : i32
      %dma_start3A_488 = tpu.memref_slice %arg8[%add3A_482, %dma_start3A_487] : memref<79x128xi32, #tpu.memory_space<vmem>> -> memref<1x128xi32, #tpu.memory_space<vmem>>
      %dma_start3A_489 = tpu.memref_squeeze %dma_start3A_488 : memref<1x128xi32, #tpu.memory_space<vmem>> -> memref<128xi32, #tpu.memory_space<vmem>>
      %dma_start3A_490 = arith.constant 0 : i32
      %dma_start3A_491 = tpu.memref_slice %arg15[%dma_start3A_490] : memref<10240xf32, #tpu.memory_space<vmem_shared>> -> memref<10240xf32, #tpu.memory_space<vmem_shared>>
      tpu.enqueue_indirect_dma source(%dma_start3A_486 : memref<128xf32, #tpu.memory_space<vmem>>) target(%dma_start3A_491 : memref<10240xf32, #tpu.memory_space<vmem_shared>>) offsets(%dma_start3A_489 : memref<128xi32, #tpu.memory_space<vmem>>) semaphore(%arg17 : memref<!tpu.dma_semaphore, #tpu.memory_space<semaphore_mem>>) {add = true}
      %add3A_492 = arith.constant 11 : i32
      %add3A_493 = arith.addi %add3A_84, %add3A_492 : i32
      %dma_start3A_494 = arith.constant 11 : i32
      %dma_start3A_495 = arith.constant 0 : i32
      %dma_start3A_496 = tpu.memref_slice %arg9[%dma_start3A_494, %dma_start3A_495] : memref<13x128xf32, #tpu.memory_space<vmem>> -> memref<1x128xf32, #tpu.memory_space<vmem>>
      %dma_start3A_497 = tpu.memref_squeeze %dma_start3A_496 : memref<1x128xf32, #tpu.memory_space<vmem>> -> memref<128xf32, #tpu.memory_space<vmem>>
      %dma_start3A_498 = arith.constant 0 : i32
      %dma_start3A_499 = tpu.memref_slice %arg8[%add3A_493, %dma_start3A_498] : memref<79x128xi32, #tpu.memory_space<vmem>> -> memref<1x128xi32, #tpu.memory_space<vmem>>
      %dma_start3A_500 = tpu.memref_squeeze %dma_start3A_499 : memref<1x128xi32, #tpu.memory_space<vmem>> -> memref<128xi32, #tpu.memory_space<vmem>>
      %dma_start3A_501 = arith.constant 0 : i32
      %dma_start3A_502 = tpu.memref_slice %arg15[%dma_start3A_501] : memref<10240xf32, #tpu.memory_space<vmem_shared>> -> memref<10240xf32, #tpu.memory_space<vmem_shared>>
      tpu.enqueue_indirect_dma source(%dma_start3A_497 : memref<128xf32, #tpu.memory_space<vmem>>) target(%dma_start3A_502 : memref<10240xf32, #tpu.memory_space<vmem_shared>>) offsets(%dma_start3A_500 : memref<128xi32, #tpu.memory_space<vmem>>) semaphore(%arg17 : memref<!tpu.dma_semaphore, #tpu.memory_space<semaphore_mem>>) {add = true}
      %add3A_503 = arith.constant 12 : i32
      %add3A_504 = arith.addi %add3A_84, %add3A_503 : i32
      %dma_start3A_505 = arith.constant 12 : i32
      %dma_start3A_506 = arith.constant 0 : i32
      %dma_start3A_507 = tpu.memref_slice %arg9[%dma_start3A_505, %dma_start3A_506] : memref<13x128xf32, #tpu.memory_space<vmem>> -> memref<1x128xf32, #tpu.memory_space<vmem>>
      %dma_start3A_508 = tpu.memref_squeeze %dma_start3A_507 : memref<1x128xf32, #tpu.memory_space<vmem>> -> memref<128xf32, #tpu.memory_space<vmem>>
      %dma_start3A_509 = arith.constant 0 : i32
      %dma_start3A_510 = tpu.memref_slice %arg8[%add3A_504, %dma_start3A_509] : memref<79x128xi32, #tpu.memory_space<vmem>> -> memref<1x128xi32, #tpu.memory_space<vmem>>
      %dma_start3A_511 = tpu.memref_squeeze %dma_start3A_510 : memref<1x128xi32, #tpu.memory_space<vmem>> -> memref<128xi32, #tpu.memory_space<vmem>>
      %dma_start3A_512 = arith.constant 0 : i32
      %dma_start3A_513 = tpu.memref_slice %arg15[%dma_start3A_512] : memref<10240xf32, #tpu.memory_space<vmem_shared>> -> memref<10240xf32, #tpu.memory_space<vmem_shared>>
      tpu.enqueue_indirect_dma source(%dma_start3A_508 : memref<128xf32, #tpu.memory_space<vmem>>) target(%dma_start3A_513 : memref<10240xf32, #tpu.memory_space<vmem_shared>>) offsets(%dma_start3A_511 : memref<128xi32, #tpu.memory_space<vmem>>) semaphore(%arg17 : memref<!tpu.dma_semaphore, #tpu.memory_space<semaphore_mem>>) {add = true}
      %add3A_514 = arith.constant 0 : i32
      %add3A_515 = arith.addi %add3A_84, %add3A_514 : i32
      %dma_wait3A_516 = arith.constant 0 : i32
      %dma_wait3A_517 = arith.constant 0 : i32
      %dma_wait3A_518 = tpu.memref_slice %arg9[%dma_wait3A_516, %dma_wait3A_517] : memref<13x128xf32, #tpu.memory_space<vmem>> -> memref<1x128xf32, #tpu.memory_space<vmem>>
      %dma_wait3A_519 = tpu.memref_squeeze %dma_wait3A_518 : memref<1x128xf32, #tpu.memory_space<vmem>> -> memref<128xf32, #tpu.memory_space<vmem>>
      %dma_wait3A_520 = arith.constant 0 : i32
      %dma_wait3A_521 = tpu.memref_slice %arg8[%add3A_515, %dma_wait3A_520] : memref<79x128xi32, #tpu.memory_space<vmem>> -> memref<1x128xi32, #tpu.memory_space<vmem>>
      %dma_wait3A_522 = tpu.memref_squeeze %dma_wait3A_521 : memref<1x128xi32, #tpu.memory_space<vmem>> -> memref<128xi32, #tpu.memory_space<vmem>>
      %dma_wait3A_523 = arith.constant 0 : i32
      %dma_wait3A_524 = tpu.memref_slice %arg15[%dma_wait3A_523] : memref<10240xf32, #tpu.memory_space<vmem_shared>> -> memref<10240xf32, #tpu.memory_space<vmem_shared>>
      tpu.wait_indirect_dma semaphore(%arg17 : memref<!tpu.dma_semaphore, #tpu.memory_space<semaphore_mem>>) src(%dma_wait3A_519 : memref<128xf32, #tpu.memory_space<vmem>>) dst(%dma_wait3A_524 : memref<10240xf32, #tpu.memory_space<vmem_shared>>)
      %add3A_525 = arith.constant 1 : i32
      %add3A_526 = arith.addi %add3A_84, %add3A_525 : i32
      %dma_wait3A_527 = arith.constant 1 : i32
      %dma_wait3A_528 = arith.constant 0 : i32
      %dma_wait3A_529 = tpu.memref_slice %arg9[%dma_wait3A_527, %dma_wait3A_528] : memref<13x128xf32, #tpu.memory_space<vmem>> -> memref<1x128xf32, #tpu.memory_space<vmem>>
      %dma_wait3A_530 = tpu.memref_squeeze %dma_wait3A_529 : memref<1x128xf32, #tpu.memory_space<vmem>> -> memref<128xf32, #tpu.memory_space<vmem>>
      %dma_wait3A_531 = arith.constant 0 : i32
      %dma_wait3A_532 = tpu.memref_slice %arg8[%add3A_526, %dma_wait3A_531] : memref<79x128xi32, #tpu.memory_space<vmem>> -> memref<1x128xi32, #tpu.memory_space<vmem>>
      %dma_wait3A_533 = tpu.memref_squeeze %dma_wait3A_532 : memref<1x128xi32, #tpu.memory_space<vmem>> -> memref<128xi32, #tpu.memory_space<vmem>>
      %dma_wait3A_534 = arith.constant 0 : i32
      %dma_wait3A_535 = tpu.memref_slice %arg15[%dma_wait3A_534] : memref<10240xf32, #tpu.memory_space<vmem_shared>> -> memref<10240xf32, #tpu.memory_space<vmem_shared>>
      tpu.wait_indirect_dma semaphore(%arg17 : memref<!tpu.dma_semaphore, #tpu.memory_space<semaphore_mem>>) src(%dma_wait3A_530 : memref<128xf32, #tpu.memory_space<vmem>>) dst(%dma_wait3A_535 : memref<10240xf32, #tpu.memory_space<vmem_shared>>)
      %add3A_536 = arith.constant 2 : i32
      %add3A_537 = arith.addi %add3A_84, %add3A_536 : i32
      %dma_wait3A_538 = arith.constant 2 : i32
      %dma_wait3A_539 = arith.constant 0 : i32
      %dma_wait3A_540 = tpu.memref_slice %arg9[%dma_wait3A_538, %dma_wait3A_539] : memref<13x128xf32, #tpu.memory_space<vmem>> -> memref<1x128xf32, #tpu.memory_space<vmem>>
      %dma_wait3A_541 = tpu.memref_squeeze %dma_wait3A_540 : memref<1x128xf32, #tpu.memory_space<vmem>> -> memref<128xf32, #tpu.memory_space<vmem>>
      %dma_wait3A_542 = arith.constant 0 : i32
      %dma_wait3A_543 = tpu.memref_slice %arg8[%add3A_537, %dma_wait3A_542] : memref<79x128xi32, #tpu.memory_space<vmem>> -> memref<1x128xi32, #tpu.memory_space<vmem>>
      %dma_wait3A_544 = tpu.memref_squeeze %dma_wait3A_543 : memref<1x128xi32, #tpu.memory_space<vmem>> -> memref<128xi32, #tpu.memory_space<vmem>>
      %dma_wait3A_545 = arith.constant 0 : i32
      %dma_wait3A_546 = tpu.memref_slice %arg15[%dma_wait3A_545] : memref<10240xf32, #tpu.memory_space<vmem_shared>> -> memref<10240xf32, #tpu.memory_space<vmem_shared>>
      tpu.wait_indirect_dma semaphore(%arg17 : memref<!tpu.dma_semaphore, #tpu.memory_space<semaphore_mem>>) src(%dma_wait3A_541 : memref<128xf32, #tpu.memory_space<vmem>>) dst(%dma_wait3A_546 : memref<10240xf32, #tpu.memory_space<vmem_shared>>)
      %add3A_547 = arith.constant 3 : i32
      %add3A_548 = arith.addi %add3A_84, %add3A_547 : i32
      %dma_wait3A_549 = arith.constant 3 : i32
      %dma_wait3A_550 = arith.constant 0 : i32
      %dma_wait3A_551 = tpu.memref_slice %arg9[%dma_wait3A_549, %dma_wait3A_550] : memref<13x128xf32, #tpu.memory_space<vmem>> -> memref<1x128xf32, #tpu.memory_space<vmem>>
      %dma_wait3A_552 = tpu.memref_squeeze %dma_wait3A_551 : memref<1x128xf32, #tpu.memory_space<vmem>> -> memref<128xf32, #tpu.memory_space<vmem>>
      %dma_wait3A_553 = arith.constant 0 : i32
      %dma_wait3A_554 = tpu.memref_slice %arg8[%add3A_548, %dma_wait3A_553] : memref<79x128xi32, #tpu.memory_space<vmem>> -> memref<1x128xi32, #tpu.memory_space<vmem>>
      %dma_wait3A_555 = tpu.memref_squeeze %dma_wait3A_554 : memref<1x128xi32, #tpu.memory_space<vmem>> -> memref<128xi32, #tpu.memory_space<vmem>>
      %dma_wait3A_556 = arith.constant 0 : i32
      %dma_wait3A_557 = tpu.memref_slice %arg15[%dma_wait3A_556] : memref<10240xf32, #tpu.memory_space<vmem_shared>> -> memref<10240xf32, #tpu.memory_space<vmem_shared>>
      tpu.wait_indirect_dma semaphore(%arg17 : memref<!tpu.dma_semaphore, #tpu.memory_space<semaphore_mem>>) src(%dma_wait3A_552 : memref<128xf32, #tpu.memory_space<vmem>>) dst(%dma_wait3A_557 : memref<10240xf32, #tpu.memory_space<vmem_shared>>)
      %add3A_558 = arith.constant 4 : i32
      %add3A_559 = arith.addi %add3A_84, %add3A_558 : i32
      %dma_wait3A_560 = arith.constant 4 : i32
      %dma_wait3A_561 = arith.constant 0 : i32
      %dma_wait3A_562 = tpu.memref_slice %arg9[%dma_wait3A_560, %dma_wait3A_561] : memref<13x128xf32, #tpu.memory_space<vmem>> -> memref<1x128xf32, #tpu.memory_space<vmem>>
      %dma_wait3A_563 = tpu.memref_squeeze %dma_wait3A_562 : memref<1x128xf32, #tpu.memory_space<vmem>> -> memref<128xf32, #tpu.memory_space<vmem>>
      %dma_wait3A_564 = arith.constant 0 : i32
      %dma_wait3A_565 = tpu.memref_slice %arg8[%add3A_559, %dma_wait3A_564] : memref<79x128xi32, #tpu.memory_space<vmem>> -> memref<1x128xi32, #tpu.memory_space<vmem>>
      %dma_wait3A_566 = tpu.memref_squeeze %dma_wait3A_565 : memref<1x128xi32, #tpu.memory_space<vmem>> -> memref<128xi32, #tpu.memory_space<vmem>>
      %dma_wait3A_567 = arith.constant 0 : i32
      %dma_wait3A_568 = tpu.memref_slice %arg15[%dma_wait3A_567] : memref<10240xf32, #tpu.memory_space<vmem_shared>> -> memref<10240xf32, #tpu.memory_space<vmem_shared>>
      tpu.wait_indirect_dma semaphore(%arg17 : memref<!tpu.dma_semaphore, #tpu.memory_space<semaphore_mem>>) src(%dma_wait3A_563 : memref<128xf32, #tpu.memory_space<vmem>>) dst(%dma_wait3A_568 : memref<10240xf32, #tpu.memory_space<vmem_shared>>)
      %add3A_569 = arith.constant 5 : i32
      %add3A_570 = arith.addi %add3A_84, %add3A_569 : i32
      %dma_wait3A_571 = arith.constant 5 : i32
      %dma_wait3A_572 = arith.constant 0 : i32
      %dma_wait3A_573 = tpu.memref_slice %arg9[%dma_wait3A_571, %dma_wait3A_572] : memref<13x128xf32, #tpu.memory_space<vmem>> -> memref<1x128xf32, #tpu.memory_space<vmem>>
      %dma_wait3A_574 = tpu.memref_squeeze %dma_wait3A_573 : memref<1x128xf32, #tpu.memory_space<vmem>> -> memref<128xf32, #tpu.memory_space<vmem>>
      %dma_wait3A_575 = arith.constant 0 : i32
      %dma_wait3A_576 = tpu.memref_slice %arg8[%add3A_570, %dma_wait3A_575] : memref<79x128xi32, #tpu.memory_space<vmem>> -> memref<1x128xi32, #tpu.memory_space<vmem>>
      %dma_wait3A_577 = tpu.memref_squeeze %dma_wait3A_576 : memref<1x128xi32, #tpu.memory_space<vmem>> -> memref<128xi32, #tpu.memory_space<vmem>>
      %dma_wait3A_578 = arith.constant 0 : i32
      %dma_wait3A_579 = tpu.memref_slice %arg15[%dma_wait3A_578] : memref<10240xf32, #tpu.memory_space<vmem_shared>> -> memref<10240xf32, #tpu.memory_space<vmem_shared>>
      tpu.wait_indirect_dma semaphore(%arg17 : memref<!tpu.dma_semaphore, #tpu.memory_space<semaphore_mem>>) src(%dma_wait3A_574 : memref<128xf32, #tpu.memory_space<vmem>>) dst(%dma_wait3A_579 : memref<10240xf32, #tpu.memory_space<vmem_shared>>)
      %add3A_580 = arith.constant 6 : i32
      %add3A_581 = arith.addi %add3A_84, %add3A_580 : i32
      %dma_wait3A_582 = arith.constant 6 : i32
      %dma_wait3A_583 = arith.constant 0 : i32
      %dma_wait3A_584 = tpu.memref_slice %arg9[%dma_wait3A_582, %dma_wait3A_583] : memref<13x128xf32, #tpu.memory_space<vmem>> -> memref<1x128xf32, #tpu.memory_space<vmem>>
      %dma_wait3A_585 = tpu.memref_squeeze %dma_wait3A_584 : memref<1x128xf32, #tpu.memory_space<vmem>> -> memref<128xf32, #tpu.memory_space<vmem>>
      %dma_wait3A_586 = arith.constant 0 : i32
      %dma_wait3A_587 = tpu.memref_slice %arg8[%add3A_581, %dma_wait3A_586] : memref<79x128xi32, #tpu.memory_space<vmem>> -> memref<1x128xi32, #tpu.memory_space<vmem>>
      %dma_wait3A_588 = tpu.memref_squeeze %dma_wait3A_587 : memref<1x128xi32, #tpu.memory_space<vmem>> -> memref<128xi32, #tpu.memory_space<vmem>>
      %dma_wait3A_589 = arith.constant 0 : i32
      %dma_wait3A_590 = tpu.memref_slice %arg15[%dma_wait3A_589] : memref<10240xf32, #tpu.memory_space<vmem_shared>> -> memref<10240xf32, #tpu.memory_space<vmem_shared>>
      tpu.wait_indirect_dma semaphore(%arg17 : memref<!tpu.dma_semaphore, #tpu.memory_space<semaphore_mem>>) src(%dma_wait3A_585 : memref<128xf32, #tpu.memory_space<vmem>>) dst(%dma_wait3A_590 : memref<10240xf32, #tpu.memory_space<vmem_shared>>)
      %add3A_591 = arith.constant 7 : i32
      %add3A_592 = arith.addi %add3A_84, %add3A_591 : i32
      %dma_wait3A_593 = arith.constant 7 : i32
      %dma_wait3A_594 = arith.constant 0 : i32
      %dma_wait3A_595 = tpu.memref_slice %arg9[%dma_wait3A_593, %dma_wait3A_594] : memref<13x128xf32, #tpu.memory_space<vmem>> -> memref<1x128xf32, #tpu.memory_space<vmem>>
      %dma_wait3A_596 = tpu.memref_squeeze %dma_wait3A_595 : memref<1x128xf32, #tpu.memory_space<vmem>> -> memref<128xf32, #tpu.memory_space<vmem>>
      %dma_wait3A_597 = arith.constant 0 : i32
      %dma_wait3A_598 = tpu.memref_slice %arg8[%add3A_592, %dma_wait3A_597] : memref<79x128xi32, #tpu.memory_space<vmem>> -> memref<1x128xi32, #tpu.memory_space<vmem>>
      %dma_wait3A_599 = tpu.memref_squeeze %dma_wait3A_598 : memref<1x128xi32, #tpu.memory_space<vmem>> -> memref<128xi32, #tpu.memory_space<vmem>>
      %dma_wait3A_600 = arith.constant 0 : i32
      %dma_wait3A_601 = tpu.memref_slice %arg15[%dma_wait3A_600] : memref<10240xf32, #tpu.memory_space<vmem_shared>> -> memref<10240xf32, #tpu.memory_space<vmem_shared>>
      tpu.wait_indirect_dma semaphore(%arg17 : memref<!tpu.dma_semaphore, #tpu.memory_space<semaphore_mem>>) src(%dma_wait3A_596 : memref<128xf32, #tpu.memory_space<vmem>>) dst(%dma_wait3A_601 : memref<10240xf32, #tpu.memory_space<vmem_shared>>)
      %add3A_602 = arith.constant 8 : i32
      %add3A_603 = arith.addi %add3A_84, %add3A_602 : i32
      %dma_wait3A_604 = arith.constant 8 : i32
      %dma_wait3A_605 = arith.constant 0 : i32
      %dma_wait3A_606 = tpu.memref_slice %arg9[%dma_wait3A_604, %dma_wait3A_605] : memref<13x128xf32, #tpu.memory_space<vmem>> -> memref<1x128xf32, #tpu.memory_space<vmem>>
      %dma_wait3A_607 = tpu.memref_squeeze %dma_wait3A_606 : memref<1x128xf32, #tpu.memory_space<vmem>> -> memref<128xf32, #tpu.memory_space<vmem>>
      %dma_wait3A_608 = arith.constant 0 : i32
      %dma_wait3A_609 = tpu.memref_slice %arg8[%add3A_603, %dma_wait3A_608] : memref<79x128xi32, #tpu.memory_space<vmem>> -> memref<1x128xi32, #tpu.memory_space<vmem>>
      %dma_wait3A_610 = tpu.memref_squeeze %dma_wait3A_609 : memref<1x128xi32, #tpu.memory_space<vmem>> -> memref<128xi32, #tpu.memory_space<vmem>>
      %dma_wait3A_611 = arith.constant 0 : i32
      %dma_wait3A_612 = tpu.memref_slice %arg15[%dma_wait3A_611] : memref<10240xf32, #tpu.memory_space<vmem_shared>> -> memref<10240xf32, #tpu.memory_space<vmem_shared>>
      tpu.wait_indirect_dma semaphore(%arg17 : memref<!tpu.dma_semaphore, #tpu.memory_space<semaphore_mem>>) src(%dma_wait3A_607 : memref<128xf32, #tpu.memory_space<vmem>>) dst(%dma_wait3A_612 : memref<10240xf32, #tpu.memory_space<vmem_shared>>)
      %add3A_613 = arith.constant 9 : i32
      %add3A_614 = arith.addi %add3A_84, %add3A_613 : i32
      %dma_wait3A_615 = arith.constant 9 : i32
      %dma_wait3A_616 = arith.constant 0 : i32
      %dma_wait3A_617 = tpu.memref_slice %arg9[%dma_wait3A_615, %dma_wait3A_616] : memref<13x128xf32, #tpu.memory_space<vmem>> -> memref<1x128xf32, #tpu.memory_space<vmem>>
      %dma_wait3A_618 = tpu.memref_squeeze %dma_wait3A_617 : memref<1x128xf32, #tpu.memory_space<vmem>> -> memref<128xf32, #tpu.memory_space<vmem>>
      %dma_wait3A_619 = arith.constant 0 : i32
      %dma_wait3A_620 = tpu.memref_slice %arg8[%add3A_614, %dma_wait3A_619] : memref<79x128xi32, #tpu.memory_space<vmem>> -> memref<1x128xi32, #tpu.memory_space<vmem>>
      %dma_wait3A_621 = tpu.memref_squeeze %dma_wait3A_620 : memref<1x128xi32, #tpu.memory_space<vmem>> -> memref<128xi32, #tpu.memory_space<vmem>>
      %dma_wait3A_622 = arith.constant 0 : i32
      %dma_wait3A_623 = tpu.memref_slice %arg15[%dma_wait3A_622] : memref<10240xf32, #tpu.memory_space<vmem_shared>> -> memref<10240xf32, #tpu.memory_space<vmem_shared>>
      tpu.wait_indirect_dma semaphore(%arg17 : memref<!tpu.dma_semaphore, #tpu.memory_space<semaphore_mem>>) src(%dma_wait3A_618 : memref<128xf32, #tpu.memory_space<vmem>>) dst(%dma_wait3A_623 : memref<10240xf32, #tpu.memory_space<vmem_shared>>)
      %add3A_624 = arith.constant 10 : i32
      %add3A_625 = arith.addi %add3A_84, %add3A_624 : i32
      %dma_wait3A_626 = arith.constant 10 : i32
      %dma_wait3A_627 = arith.constant 0 : i32
      %dma_wait3A_628 = tpu.memref_slice %arg9[%dma_wait3A_626, %dma_wait3A_627] : memref<13x128xf32, #tpu.memory_space<vmem>> -> memref<1x128xf32, #tpu.memory_space<vmem>>
      %dma_wait3A_629 = tpu.memref_squeeze %dma_wait3A_628 : memref<1x128xf32, #tpu.memory_space<vmem>> -> memref<128xf32, #tpu.memory_space<vmem>>
      %dma_wait3A_630 = arith.constant 0 : i32
      %dma_wait3A_631 = tpu.memref_slice %arg8[%add3A_625, %dma_wait3A_630] : memref<79x128xi32, #tpu.memory_space<vmem>> -> memref<1x128xi32, #tpu.memory_space<vmem>>
      %dma_wait3A_632 = tpu.memref_squeeze %dma_wait3A_631 : memref<1x128xi32, #tpu.memory_space<vmem>> -> memref<128xi32, #tpu.memory_space<vmem>>
      %dma_wait3A_633 = arith.constant 0 : i32
      %dma_wait3A_634 = tpu.memref_slice %arg15[%dma_wait3A_633] : memref<10240xf32, #tpu.memory_space<vmem_shared>> -> memref<10240xf32, #tpu.memory_space<vmem_shared>>
      tpu.wait_indirect_dma semaphore(%arg17 : memref<!tpu.dma_semaphore, #tpu.memory_space<semaphore_mem>>) src(%dma_wait3A_629 : memref<128xf32, #tpu.memory_space<vmem>>) dst(%dma_wait3A_634 : memref<10240xf32, #tpu.memory_space<vmem_shared>>)
      %add3A_635 = arith.constant 11 : i32
      %add3A_636 = arith.addi %add3A_84, %add3A_635 : i32
      %dma_wait3A_637 = arith.constant 11 : i32
      %dma_wait3A_638 = arith.constant 0 : i32
      %dma_wait3A_639 = tpu.memref_slice %arg9[%dma_wait3A_637, %dma_wait3A_638] : memref<13x128xf32, #tpu.memory_space<vmem>> -> memref<1x128xf32, #tpu.memory_space<vmem>>
      %dma_wait3A_640 = tpu.memref_squeeze %dma_wait3A_639 : memref<1x128xf32, #tpu.memory_space<vmem>> -> memref<128xf32, #tpu.memory_space<vmem>>
      %dma_wait3A_641 = arith.constant 0 : i32
      %dma_wait3A_642 = tpu.memref_slice %arg8[%add3A_636, %dma_wait3A_641] : memref<79x128xi32, #tpu.memory_space<vmem>> -> memref<1x128xi32, #tpu.memory_space<vmem>>
      %dma_wait3A_643 = tpu.memref_squeeze %dma_wait3A_642 : memref<1x128xi32, #tpu.memory_space<vmem>> -> memref<128xi32, #tpu.memory_space<vmem>>
      %dma_wait3A_644 = arith.constant 0 : i32
      %dma_wait3A_645 = tpu.memref_slice %arg15[%dma_wait3A_644] : memref<10240xf32, #tpu.memory_space<vmem_shared>> -> memref<10240xf32, #tpu.memory_space<vmem_shared>>
      tpu.wait_indirect_dma semaphore(%arg17 : memref<!tpu.dma_semaphore, #tpu.memory_space<semaphore_mem>>) src(%dma_wait3A_640 : memref<128xf32, #tpu.memory_space<vmem>>) dst(%dma_wait3A_645 : memref<10240xf32, #tpu.memory_space<vmem_shared>>)
      %add3A_646 = arith.constant 12 : i32
      %add3A_647 = arith.addi %add3A_84, %add3A_646 : i32
      %dma_wait3A_648 = arith.constant 12 : i32
      %dma_wait3A_649 = arith.constant 0 : i32
      %dma_wait3A_650 = tpu.memref_slice %arg9[%dma_wait3A_648, %dma_wait3A_649] : memref<13x128xf32, #tpu.memory_space<vmem>> -> memref<1x128xf32, #tpu.memory_space<vmem>>
      %dma_wait3A_651 = tpu.memref_squeeze %dma_wait3A_650 : memref<1x128xf32, #tpu.memory_space<vmem>> -> memref<128xf32, #tpu.memory_space<vmem>>
      %dma_wait3A_652 = arith.constant 0 : i32
      %dma_wait3A_653 = tpu.memref_slice %arg8[%add3A_647, %dma_wait3A_652] : memref<79x128xi32, #tpu.memory_space<vmem>> -> memref<1x128xi32, #tpu.memory_space<vmem>>
      %dma_wait3A_654 = tpu.memref_squeeze %dma_wait3A_653 : memref<1x128xi32, #tpu.memory_space<vmem>> -> memref<128xi32, #tpu.memory_space<vmem>>
      %dma_wait3A_655 = arith.constant 0 : i32
      %dma_wait3A_656 = tpu.memref_slice %arg15[%dma_wait3A_655] : memref<10240xf32, #tpu.memory_space<vmem_shared>> -> memref<10240xf32, #tpu.memory_space<vmem_shared>>
      tpu.wait_indirect_dma semaphore(%arg17 : memref<!tpu.dma_semaphore, #tpu.memory_space<semaphore_mem>>) src(%dma_wait3A_651 : memref<128xf32, #tpu.memory_space<vmem>>) dst(%dma_wait3A_656 : memref<10240xf32, #tpu.memory_space<vmem_shared>>)
    }
    %scan3A_70 = arith.constant 6 : i32
    %run_scoped3A = arith.constant 78 : i32
    %run_scoped3A_71 = arith.constant 0 : i32
    "tpu.region"() ({
      %run_scoped3A_80 = tpu.sem_alloc : memref<!tpu.dma_semaphore, #tpu.memory_space<semaphore_mem>>
      %dma_start3A_81 = arith.constant 0 : i32
      %dma_start3A_82 = tpu.memref_slice %arg9[%run_scoped3A_71, %dma_start3A_81] : memref<13x128xf32, #tpu.memory_space<vmem>> -> memref<1x128xf32, #tpu.memory_space<vmem>>
      %dma_start3A_83 = tpu.memref_squeeze %dma_start3A_82 : memref<1x128xf32, #tpu.memory_space<vmem>> -> memref<128xf32, #tpu.memory_space<vmem>>
      %dma_start3A_84 = arith.constant 0 : i32
      %dma_start3A_85 = tpu.memref_slice %arg7[%run_scoped3A, %dma_start3A_84] : memref<79x128xi32, #tpu.memory_space<vmem>> -> memref<1x128xi32, #tpu.memory_space<vmem>>
      %dma_start3A_86 = tpu.memref_squeeze %dma_start3A_85 : memref<1x128xi32, #tpu.memory_space<vmem>> -> memref<128xi32, #tpu.memory_space<vmem>>
      %dma_start3A_87 = arith.constant 0 : i32
      %dma_start3A_88 = tpu.memref_slice %arg14[%dma_start3A_87] : memref<10240xf32, #tpu.memory_space<vmem_shared>> -> memref<10240xf32, #tpu.memory_space<vmem_shared>>
      tpu.enqueue_indirect_dma source(%dma_start3A_88 : memref<10240xf32, #tpu.memory_space<vmem_shared>>) target(%dma_start3A_83 : memref<128xf32, #tpu.memory_space<vmem>>) offsets(%dma_start3A_86 : memref<128xi32, #tpu.memory_space<vmem>>) semaphore(%run_scoped3A_80 : memref<!tpu.dma_semaphore, #tpu.memory_space<semaphore_mem>>)
      %dma_wait3A_89 = arith.constant 0 : i32
      %dma_wait3A_90 = tpu.memref_slice %arg9[%run_scoped3A_71, %dma_wait3A_89] : memref<13x128xf32, #tpu.memory_space<vmem>> -> memref<1x128xf32, #tpu.memory_space<vmem>>
      %dma_wait3A_91 = tpu.memref_squeeze %dma_wait3A_90 : memref<1x128xf32, #tpu.memory_space<vmem>> -> memref<128xf32, #tpu.memory_space<vmem>>
      %dma_wait3A_92 = arith.constant 0 : i32
      %dma_wait3A_93 = tpu.memref_slice %arg7[%run_scoped3A, %dma_wait3A_92] : memref<79x128xi32, #tpu.memory_space<vmem>> -> memref<1x128xi32, #tpu.memory_space<vmem>>
      %dma_wait3A_94 = tpu.memref_squeeze %dma_wait3A_93 : memref<1x128xi32, #tpu.memory_space<vmem>> -> memref<128xi32, #tpu.memory_space<vmem>>
      %dma_wait3A_95 = arith.constant 0 : i32
      %dma_wait3A_96 = tpu.memref_slice %arg14[%dma_wait3A_95] : memref<10240xf32, #tpu.memory_space<vmem_shared>> -> memref<10240xf32, #tpu.memory_space<vmem_shared>>
      tpu.wait_indirect_dma semaphore(%run_scoped3A_80 : memref<!tpu.dma_semaphore, #tpu.memory_space<semaphore_mem>>) src(%dma_wait3A_96 : memref<10240xf32, #tpu.memory_space<vmem_shared>>) dst(%dma_wait3A_91 : memref<128xf32, #tpu.memory_space<vmem>>)
      tpu.yield
    }) : () -> ()
    %run_scoped3A_72 = arith.constant 0 : i32
    %run_scoped3A_73 = arith.constant 78 : i32
    "tpu.region"() ({
      %run_scoped3A_80 = tpu.sem_alloc : memref<!tpu.dma_semaphore, #tpu.memory_space<semaphore_mem>>
      %dma_start3A_81 = arith.constant 0 : i32
      %dma_start3A_82 = tpu.memref_slice %arg9[%run_scoped3A_72, %dma_start3A_81] : memref<13x128xf32, #tpu.memory_space<vmem>> -> memref<1x128xf32, #tpu.memory_space<vmem>>
      %dma_start3A_83 = tpu.memref_squeeze %dma_start3A_82 : memref<1x128xf32, #tpu.memory_space<vmem>> -> memref<128xf32, #tpu.memory_space<vmem>>
      %dma_start3A_84 = arith.constant 0 : i32
      %dma_start3A_85 = tpu.memref_slice %arg8[%run_scoped3A_73, %dma_start3A_84] : memref<79x128xi32, #tpu.memory_space<vmem>> -> memref<1x128xi32, #tpu.memory_space<vmem>>
      %dma_start3A_86 = tpu.memref_squeeze %dma_start3A_85 : memref<1x128xi32, #tpu.memory_space<vmem>> -> memref<128xi32, #tpu.memory_space<vmem>>
      %dma_start3A_87 = arith.constant 0 : i32
      %dma_start3A_88 = tpu.memref_slice %arg15[%dma_start3A_87] : memref<10240xf32, #tpu.memory_space<vmem_shared>> -> memref<10240xf32, #tpu.memory_space<vmem_shared>>
      tpu.enqueue_indirect_dma source(%dma_start3A_83 : memref<128xf32, #tpu.memory_space<vmem>>) target(%dma_start3A_88 : memref<10240xf32, #tpu.memory_space<vmem_shared>>) offsets(%dma_start3A_86 : memref<128xi32, #tpu.memory_space<vmem>>) semaphore(%run_scoped3A_80 : memref<!tpu.dma_semaphore, #tpu.memory_space<semaphore_mem>>) {add = true}
      %dma_wait3A_89 = arith.constant 0 : i32
      %dma_wait3A_90 = tpu.memref_slice %arg9[%run_scoped3A_72, %dma_wait3A_89] : memref<13x128xf32, #tpu.memory_space<vmem>> -> memref<1x128xf32, #tpu.memory_space<vmem>>
      %dma_wait3A_91 = tpu.memref_squeeze %dma_wait3A_90 : memref<1x128xf32, #tpu.memory_space<vmem>> -> memref<128xf32, #tpu.memory_space<vmem>>
      %dma_wait3A_92 = arith.constant 0 : i32
      %dma_wait3A_93 = tpu.memref_slice %arg8[%run_scoped3A_73, %dma_wait3A_92] : memref<79x128xi32, #tpu.memory_space<vmem>> -> memref<1x128xi32, #tpu.memory_space<vmem>>
      %dma_wait3A_94 = tpu.memref_squeeze %dma_wait3A_93 : memref<1x128xi32, #tpu.memory_space<vmem>> -> memref<128xi32, #tpu.memory_space<vmem>>
      %dma_wait3A_95 = arith.constant 0 : i32
      %dma_wait3A_96 = tpu.memref_slice %arg15[%dma_wait3A_95] : memref<10240xf32, #tpu.memory_space<vmem_shared>> -> memref<10240xf32, #tpu.memory_space<vmem_shared>>
      tpu.wait_indirect_dma semaphore(%run_scoped3A_80 : memref<!tpu.dma_semaphore, #tpu.memory_space<semaphore_mem>>) src(%dma_wait3A_91 : memref<128xf32, #tpu.memory_space<vmem>>) dst(%dma_wait3A_96 : memref<10240xf32, #tpu.memory_space<vmem_shared>>)
      tpu.yield
    }) : () -> ()
    %barrier3A_74 = arith.constant 0 : index
    tpu.barrier barrier_id(%barrier3A_74)
    %eq3A_75 = arith.constant 0 : i32
    %eq3A_76 = arith.cmpi eq, %arg1, %eq3A_75 : i32
    %convert_element_type3A_77 = arith.extui %eq3A_76 : i1 to i32
    %cond3A_78 = arith.constant 0 : i32
    %cond3A_79 = arith.cmpi ne, %convert_element_type3A_77, %cond3A_78 : i32
    scf.if %cond3A_79 {
      "tpu.region"() ({
        %run_scoped3A_80 = tpu.sem_alloc : memref<!tpu.dma_semaphore, #tpu.memory_space<semaphore_mem>>
        %dma_start3A_81 = arith.constant 0 : i32
        %dma_start3A_82 = tpu.memref_slice %arg5[%arg0, %dma_start3A_81] : memref<2x10240xf32, #tpu.memory_space<hbm>> -> memref<1x10240xf32, #tpu.memory_space<hbm>>
        %dma_start3A_83 = tpu.memref_squeeze %dma_start3A_82 : memref<1x10240xf32, #tpu.memory_space<hbm>> -> memref<10240xf32, #tpu.memory_space<hbm>>
        tpu.enqueue_dma source(%arg15 : memref<10240xf32, #tpu.memory_space<vmem_shared>>) target(%dma_start3A_83 : memref<10240xf32, #tpu.memory_space<hbm>>) target_semaphore(%run_scoped3A_80 : memref<!tpu.dma_semaphore, #tpu.memory_space<semaphore_mem>>)
        %dma_wait3A_84 = arith.constant 0 : i32
        %dma_wait3A_85 = tpu.memref_slice %arg5[%arg0, %dma_wait3A_84] : memref<2x10240xf32, #tpu.memory_space<hbm>> -> memref<1x10240xf32, #tpu.memory_space<hbm>>
        %dma_wait3A_86 = tpu.memref_squeeze %dma_wait3A_85 : memref<1x10240xf32, #tpu.memory_space<hbm>> -> memref<10240xf32, #tpu.memory_space<hbm>>
        tpu.wait_dma2 semaphore(%run_scoped3A_80 : memref<!tpu.dma_semaphore, #tpu.memory_space<semaphore_mem>>) src(%arg15 : memref<10240xf32, #tpu.memory_space<vmem_shared>>) dst(%dma_wait3A_86 : memref<10240xf32, #tpu.memory_space<hbm>>)
        tpu.yield
      }) : () -> ()
    } else {
    }
    return
  }
}

#map = affine_map<(d0, d1) -> (0, 0, 0)>
#map1 = affine_map<(d0, d1) -> (0, 0)>
#map2 = affine_map<(d0, d1) -> (0)>
module attributes {stable_mosaic.version = 14 : i64} {
  func.func @_sc_pass_b(%arg0: i32, %arg1: i32, %arg2: memref<32x79x128xi32, #tpu.memory_space<hbm>>, %arg3: memref<32x79x128xi32, #tpu.memory_space<hbm>>, %arg4: memref<2x10240xf32, #tpu.memory_space<hbm>>, %arg5: memref<10240xf32, #tpu.memory_space<hbm>>, %arg6: memref<2x10240xf32, #tpu.memory_space<hbm>>, %arg7: memref<10240xf32, #tpu.memory_space<hbm>>, %arg8: memref<10240xf32, #tpu.memory_space<hbm>>, %arg9: memref<79x128xi32, #tpu.memory_space<vmem>>, %arg10: memref<79x128xi32, #tpu.memory_space<vmem>>, %arg11: memref<13x128xf32, #tpu.memory_space<vmem>>, %arg12: memref<640xf32, #tpu.memory_space<vmem>>, %arg13: memref<640xf32, #tpu.memory_space<vmem>>, %arg14: memref<640xf32, #tpu.memory_space<vmem>>, %arg15: memref<640xf32, #tpu.memory_space<vmem>>, %arg16: memref<640xf32, #tpu.memory_space<vmem>>, %arg17: memref<640xf32, #tpu.memory_space<vmem>>, %arg18: memref<10240xf32, #tpu.memory_space<vmem_shared>>, %arg19: memref<10240xf32, #tpu.memory_space<vmem_shared>>, %arg20: memref<!tpu.dma_semaphore, #tpu.memory_space<semaphore_mem>>, %arg21: memref<!tpu.dma_semaphore, #tpu.memory_space<semaphore_mem>>) attributes {dimension_semantics = [#tpu.dimension_semantics<core_parallel>, #tpu.dimension_semantics<subcore_parallel>], iteration_bounds = array<i64: 2, 16>, scalar_prefetch = 0 : i64, scratch_operands = 13 : i64, tpu.core_type = #tpu.core_type<sc_vector_subcore>, window_params = [{transform_indices = #map}, {transform_indices = #map}, {transform_indices = #map1}, {transform_indices = #map2}, {transform_indices = #map1}, {transform_indices = #map2}, {transform_indices = #map2}]} {
    %mul3A = arith.constant 16 : i32
    %mul3A_0 = arith.muli %arg0, %mul3A : i32
    %add3A = arith.addi %mul3A_0, %arg1 : i32
    %mul3A_1 = arith.constant 640 : i32
    %mul3A_2 = arith.muli %arg1, %mul3A_1 : i32
    %dma_start3A = arith.constant 0 : i32
    %dma_start3A_3 = tpu.memref_slice %arg4[%dma_start3A, %mul3A_2] : memref<2x10240xf32, #tpu.memory_space<hbm>> -> memref<1x640xf32, #tpu.memory_space<hbm>>
    %dma_start3A_4 = tpu.memref_squeeze %dma_start3A_3 : memref<1x640xf32, #tpu.memory_space<hbm>> -> memref<640xf32, #tpu.memory_space<hbm>>
    %dma_start3A_5 = tpu.memref_slice %arg4[%dma_start3A, %mul3A_2] : memref<2x10240xf32, #tpu.memory_space<hbm>> -> memref<1x640xf32, #tpu.memory_space<hbm>>
    %dma_start3A_6 = tpu.memref_squeeze %dma_start3A_5 : memref<1x640xf32, #tpu.memory_space<hbm>> -> memref<640xf32, #tpu.memory_space<hbm>>
    tpu.enqueue_dma source(%dma_start3A_6 : memref<640xf32, #tpu.memory_space<hbm>>) target(%arg12 : memref<640xf32, #tpu.memory_space<vmem>>) target_semaphore(%arg20 : memref<!tpu.dma_semaphore, #tpu.memory_space<semaphore_mem>>)
    %dma_start3A_7 = arith.constant 1 : i32
    %dma_start3A_8 = tpu.memref_slice %arg4[%dma_start3A_7, %mul3A_2] : memref<2x10240xf32, #tpu.memory_space<hbm>> -> memref<1x640xf32, #tpu.memory_space<hbm>>
    %dma_start3A_9 = tpu.memref_squeeze %dma_start3A_8 : memref<1x640xf32, #tpu.memory_space<hbm>> -> memref<640xf32, #tpu.memory_space<hbm>>
    %dma_start3A_10 = tpu.memref_slice %arg4[%dma_start3A_7, %mul3A_2] : memref<2x10240xf32, #tpu.memory_space<hbm>> -> memref<1x640xf32, #tpu.memory_space<hbm>>
    %dma_start3A_11 = tpu.memref_squeeze %dma_start3A_10 : memref<1x640xf32, #tpu.memory_space<hbm>> -> memref<640xf32, #tpu.memory_space<hbm>>
    tpu.enqueue_dma source(%dma_start3A_11 : memref<640xf32, #tpu.memory_space<hbm>>) target(%arg13 : memref<640xf32, #tpu.memory_space<vmem>>) target_semaphore(%arg20 : memref<!tpu.dma_semaphore, #tpu.memory_space<semaphore_mem>>)
    %dma_start3A_12 = tpu.memref_slice %arg5[%mul3A_2] : memref<10240xf32, #tpu.memory_space<hbm>> -> memref<640xf32, #tpu.memory_space<hbm>>
    %dma_start3A_13 = tpu.memref_slice %arg5[%mul3A_2] : memref<10240xf32, #tpu.memory_space<hbm>> -> memref<640xf32, #tpu.memory_space<hbm>>
    tpu.enqueue_dma source(%dma_start3A_13 : memref<640xf32, #tpu.memory_space<hbm>>) target(%arg14 : memref<640xf32, #tpu.memory_space<vmem>>) target_semaphore(%arg20 : memref<!tpu.dma_semaphore, #tpu.memory_space<semaphore_mem>>)
    %dma_start3A_14 = arith.constant 0 : i32
    %dma_start3A_15 = arith.constant 0 : i32
    %dma_start3A_16 = tpu.memref_slice %arg2[%add3A, %dma_start3A_14, %dma_start3A_15] : memref<32x79x128xi32, #tpu.memory_space<hbm>> -> memref<1x79x128xi32, #tpu.memory_space<hbm>>
    %dma_start3A_17 = tpu.memref_squeeze %dma_start3A_16 : memref<1x79x128xi32, #tpu.memory_space<hbm>> -> memref<79x128xi32, #tpu.memory_space<hbm>>
    %dma_start3A_18 = arith.constant 0 : i32
    %dma_start3A_19 = arith.constant 0 : i32
    %dma_start3A_20 = tpu.memref_slice %arg2[%add3A, %dma_start3A_18, %dma_start3A_19] : memref<32x79x128xi32, #tpu.memory_space<hbm>> -> memref<1x79x128xi32, #tpu.memory_space<hbm>>
    %dma_start3A_21 = tpu.memref_squeeze %dma_start3A_20 : memref<1x79x128xi32, #tpu.memory_space<hbm>> -> memref<79x128xi32, #tpu.memory_space<hbm>>
    tpu.enqueue_dma source(%dma_start3A_21 : memref<79x128xi32, #tpu.memory_space<hbm>>) target(%arg9 : memref<79x128xi32, #tpu.memory_space<vmem>>) target_semaphore(%arg21 : memref<!tpu.dma_semaphore, #tpu.memory_space<semaphore_mem>>)
    %dma_start3A_22 = arith.constant 0 : i32
    %dma_start3A_23 = arith.constant 0 : i32
    %dma_start3A_24 = tpu.memref_slice %arg3[%add3A, %dma_start3A_22, %dma_start3A_23] : memref<32x79x128xi32, #tpu.memory_space<hbm>> -> memref<1x79x128xi32, #tpu.memory_space<hbm>>
    %dma_start3A_25 = tpu.memref_squeeze %dma_start3A_24 : memref<1x79x128xi32, #tpu.memory_space<hbm>> -> memref<79x128xi32, #tpu.memory_space<hbm>>
    %dma_start3A_26 = arith.constant 0 : i32
    %dma_start3A_27 = arith.constant 0 : i32
    %dma_start3A_28 = tpu.memref_slice %arg3[%add3A, %dma_start3A_26, %dma_start3A_27] : memref<32x79x128xi32, #tpu.memory_space<hbm>> -> memref<1x79x128xi32, #tpu.memory_space<hbm>>
    %dma_start3A_29 = tpu.memref_squeeze %dma_start3A_28 : memref<1x79x128xi32, #tpu.memory_space<hbm>> -> memref<79x128xi32, #tpu.memory_space<hbm>>
    tpu.enqueue_dma source(%dma_start3A_29 : memref<79x128xi32, #tpu.memory_space<hbm>>) target(%arg10 : memref<79x128xi32, #tpu.memory_space<vmem>>) target_semaphore(%arg21 : memref<!tpu.dma_semaphore, #tpu.memory_space<semaphore_mem>>)
    %scan3A = arith.constant 0 : i32
    %scan3A_30 = arith.constant 40 : i32
    %scan3A_31 = arith.addi %scan3A, %scan3A_30 : i32
    %scan3A_32 = arith.constant 1 : i32
    scf.for %scan3A_84 = %scan3A to %scan3A_31 step %scan3A_32  : i32 {
      %mul3A_85 = arith.constant 16 : i32
      %mul3A_86 = arith.muli %scan3A_84, %mul3A_85 : i32
      %add3A_87 = arith.constant 0 : i32
      %add3A_88 = arith.addi %add3A_87, %mul3A_86 : i32
      %broadcast_in_dim3A = arith.constant 0.000000e+00 : f32
      %broadcast_in_dim3A_89 = vector.broadcast %broadcast_in_dim3A : f32 to vector<16xf32>
      %swap3A = arith.index_cast %add3A_88 : i32 to index
      %swap3A_90 = tpu.vector_load %arg17[%swap3A] {strides = array<i32>} : memref<640xf32, #tpu.memory_space<vmem>>, vector<16xf32>,
      %swap3A_91 = vector.shape_cast %swap3A_90 : vector<16xf32> to vector<16xf32>
      %swap3A_92 = vector.shape_cast %broadcast_in_dim3A_89 : vector<16xf32> to vector<16xf32>
      tpu.vector_store %arg17[%swap3A], %swap3A_92 {strides = array<i32>} : memref<640xf32, #tpu.memory_space<vmem>>, vector<16xf32>,
    }
    %scan3A_33 = arith.constant 40 : i32
    %mul3A_34 = arith.constant 640 : i32
    %mul3A_35 = arith.muli %arg1, %mul3A_34 : i32
    "tpu.region"() ({
      %run_scoped3A_84 = tpu.sem_alloc : memref<!tpu.dma_semaphore, #tpu.memory_space<semaphore_mem>>
      %dma_start3A_85 = tpu.memref_slice %arg19[%mul3A_35] : memref<10240xf32, #tpu.memory_space<vmem_shared>> -> memref<640xf32, #tpu.memory_space<vmem_shared>>
      %dma_start3A_86 = tpu.memref_slice %arg19[%mul3A_35] : memref<10240xf32, #tpu.memory_space<vmem_shared>> -> memref<640xf32, #tpu.memory_space<vmem_shared>>
      tpu.enqueue_dma source(%arg17 : memref<640xf32, #tpu.memory_space<vmem>>) target(%dma_start3A_86 : memref<640xf32, #tpu.memory_space<vmem_shared>>) target_semaphore(%run_scoped3A_84 : memref<!tpu.dma_semaphore, #tpu.memory_space<semaphore_mem>>)
      %dma_wait3A_87 = tpu.memref_slice %arg19[%mul3A_35] : memref<10240xf32, #tpu.memory_space<vmem_shared>> -> memref<640xf32, #tpu.memory_space<vmem_shared>>
      %dma_wait3A_88 = tpu.memref_slice %arg19[%mul3A_35] : memref<10240xf32, #tpu.memory_space<vmem_shared>> -> memref<640xf32, #tpu.memory_space<vmem_shared>>
      tpu.wait_dma2 semaphore(%run_scoped3A_84 : memref<!tpu.dma_semaphore, #tpu.memory_space<semaphore_mem>>) src(%arg17 : memref<640xf32, #tpu.memory_space<vmem>>) dst(%dma_wait3A_88 : memref<640xf32, #tpu.memory_space<vmem_shared>>)
      tpu.yield
    }) : () -> ()
    %dma_wait3A = arith.constant 0 : i32
    %dma_wait3A_36 = tpu.memref_slice %arg4[%dma_wait3A, %mul3A_2] : memref<2x10240xf32, #tpu.memory_space<hbm>> -> memref<1x640xf32, #tpu.memory_space<hbm>>
    %dma_wait3A_37 = tpu.memref_squeeze %dma_wait3A_36 : memref<1x640xf32, #tpu.memory_space<hbm>> -> memref<640xf32, #tpu.memory_space<hbm>>
    %dma_wait3A_38 = tpu.memref_slice %arg4[%dma_wait3A, %mul3A_2] : memref<2x10240xf32, #tpu.memory_space<hbm>> -> memref<1x640xf32, #tpu.memory_space<hbm>>
    %dma_wait3A_39 = tpu.memref_squeeze %dma_wait3A_38 : memref<1x640xf32, #tpu.memory_space<hbm>> -> memref<640xf32, #tpu.memory_space<hbm>>
    tpu.wait_dma2 semaphore(%arg20 : memref<!tpu.dma_semaphore, #tpu.memory_space<semaphore_mem>>) src(%dma_wait3A_39 : memref<640xf32, #tpu.memory_space<hbm>>) dst(%arg12 : memref<640xf32, #tpu.memory_space<vmem>>)
    %dma_wait3A_40 = arith.constant 1 : i32
    %dma_wait3A_41 = tpu.memref_slice %arg4[%dma_wait3A_40, %mul3A_2] : memref<2x10240xf32, #tpu.memory_space<hbm>> -> memref<1x640xf32, #tpu.memory_space<hbm>>
    %dma_wait3A_42 = tpu.memref_squeeze %dma_wait3A_41 : memref<1x640xf32, #tpu.memory_space<hbm>> -> memref<640xf32, #tpu.memory_space<hbm>>
    %dma_wait3A_43 = tpu.memref_slice %arg4[%dma_wait3A_40, %mul3A_2] : memref<2x10240xf32, #tpu.memory_space<hbm>> -> memref<1x640xf32, #tpu.memory_space<hbm>>
    %dma_wait3A_44 = tpu.memref_squeeze %dma_wait3A_43 : memref<1x640xf32, #tpu.memory_space<hbm>> -> memref<640xf32, #tpu.memory_space<hbm>>
    tpu.wait_dma2 semaphore(%arg20 : memref<!tpu.dma_semaphore, #tpu.memory_space<semaphore_mem>>) src(%dma_wait3A_44 : memref<640xf32, #tpu.memory_space<hbm>>) dst(%arg13 : memref<640xf32, #tpu.memory_space<vmem>>)
    %dma_wait3A_45 = tpu.memref_slice %arg5[%mul3A_2] : memref<10240xf32, #tpu.memory_space<hbm>> -> memref<640xf32, #tpu.memory_space<hbm>>
    %dma_wait3A_46 = tpu.memref_slice %arg5[%mul3A_2] : memref<10240xf32, #tpu.memory_space<hbm>> -> memref<640xf32, #tpu.memory_space<hbm>>
    tpu.wait_dma2 semaphore(%arg20 : memref<!tpu.dma_semaphore, #tpu.memory_space<semaphore_mem>>) src(%dma_wait3A_46 : memref<640xf32, #tpu.memory_space<hbm>>) dst(%arg14 : memref<640xf32, #tpu.memory_space<vmem>>)
    %scan3A_47 = arith.constant 0 : i32
    %scan3A_48 = arith.constant 40 : i32
    %scan3A_49 = arith.addi %scan3A_47, %scan3A_48 : i32
    %scan3A_50 = arith.constant 1 : i32
    scf.for %scan3A_84 = %scan3A_47 to %scan3A_49 step %scan3A_50  : i32 {
      %mul3A_85 = arith.constant 16 : i32
      %mul3A_86 = arith.muli %scan3A_84, %mul3A_85 : i32
      %add3A_87 = arith.constant 0 : i32
      %add3A_88 = arith.addi %add3A_87, %mul3A_86 : i32
      %get3A = arith.index_cast %add3A_88 : i32 to index
      %get3A_89 = tpu.vector_load %arg14[%get3A] {strides = array<i32>} : memref<640xf32, #tpu.memory_space<vmem>>, vector<16xf32>,
      %get3A_90 = vector.shape_cast %get3A_89 : vector<16xf32> to vector<16xf32>
      %get3A_91 = arith.index_cast %add3A_88 : i32 to index
      %get3A_92 = tpu.vector_load %arg12[%get3A_91] {strides = array<i32>} : memref<640xf32, #tpu.memory_space<vmem>>, vector<16xf32>,
      %get3A_93 = vector.shape_cast %get3A_92 : vector<16xf32> to vector<16xf32>
      %get3A_94 = arith.index_cast %add3A_88 : i32 to index
      %get3A_95 = tpu.vector_load %arg13[%get3A_94] {strides = array<i32>} : memref<640xf32, #tpu.memory_space<vmem>>, vector<16xf32>,
      %get3A_96 = vector.shape_cast %get3A_95 : vector<16xf32> to vector<16xf32>
      %add3A_97 = arith.addf %get3A_93, %get3A_96 : vector<16xf32>
      %add3A_98 = arith.addf %add3A_97, %get3A_90 : vector<16xf32>
      %mul3A_99 = arith.mulf %get3A_90, %add3A_98 : vector<16xf32>
      %swap3A = arith.index_cast %add3A_88 : i32 to index
      %swap3A_100 = tpu.vector_load %arg16[%swap3A] {strides = array<i32>} : memref<640xf32, #tpu.memory_space<vmem>>, vector<16xf32>,
      %swap3A_101 = vector.shape_cast %swap3A_100 : vector<16xf32> to vector<16xf32>
      %swap3A_102 = vector.shape_cast %mul3A_99 : vector<16xf32> to vector<16xf32>
      tpu.vector_store %arg16[%swap3A], %swap3A_102 {strides = array<i32>} : memref<640xf32, #tpu.memory_space<vmem>>, vector<16xf32>,
      %mul3A_103 = arith.mulf %mul3A_99, %get3A_90 : vector<16xf32>
      %swap3A_104 = arith.index_cast %add3A_88 : i32 to index
      %swap3A_105 = tpu.vector_load %arg15[%swap3A_104] {strides = array<i32>} : memref<640xf32, #tpu.memory_space<vmem>>, vector<16xf32>,
      %swap3A_106 = vector.shape_cast %swap3A_105 : vector<16xf32> to vector<16xf32>
      %swap3A_107 = vector.shape_cast %mul3A_103 : vector<16xf32> to vector<16xf32>
      tpu.vector_store %arg15[%swap3A_104], %swap3A_107 {strides = array<i32>} : memref<640xf32, #tpu.memory_space<vmem>>, vector<16xf32>,
    }
    %scan3A_51 = arith.constant 40 : i32
    "tpu.region"() ({
      %run_scoped3A_84 = tpu.sem_alloc : memref<!tpu.dma_semaphore, #tpu.memory_space<semaphore_mem>>
      %dma_start3A_85 = tpu.memref_slice %arg18[%mul3A_2] : memref<10240xf32, #tpu.memory_space<vmem_shared>> -> memref<640xf32, #tpu.memory_space<vmem_shared>>
      %dma_start3A_86 = tpu.memref_slice %arg18[%mul3A_2] : memref<10240xf32, #tpu.memory_space<vmem_shared>> -> memref<640xf32, #tpu.memory_space<vmem_shared>>
      tpu.enqueue_dma source(%arg15 : memref<640xf32, #tpu.memory_space<vmem>>) target(%dma_start3A_86 : memref<640xf32, #tpu.memory_space<vmem_shared>>) target_semaphore(%run_scoped3A_84 : memref<!tpu.dma_semaphore, #tpu.memory_space<semaphore_mem>>)
      %dma_wait3A_87 = tpu.memref_slice %arg18[%mul3A_2] : memref<10240xf32, #tpu.memory_space<vmem_shared>> -> memref<640xf32, #tpu.memory_space<vmem_shared>>
      %dma_wait3A_88 = tpu.memref_slice %arg18[%mul3A_2] : memref<10240xf32, #tpu.memory_space<vmem_shared>> -> memref<640xf32, #tpu.memory_space<vmem_shared>>
      tpu.wait_dma2 semaphore(%run_scoped3A_84 : memref<!tpu.dma_semaphore, #tpu.memory_space<semaphore_mem>>) src(%arg15 : memref<640xf32, #tpu.memory_space<vmem>>) dst(%dma_wait3A_88 : memref<640xf32, #tpu.memory_space<vmem_shared>>)
      tpu.yield
    }) : () -> ()
    %eq3A = arith.constant 0 : i32
    %eq3A_52 = arith.cmpi eq, %arg0, %eq3A : i32
    %convert_element_type3A = arith.extui %eq3A_52 : i1 to i32
    %cond3A = arith.constant 0 : i32
    %cond3A_53 = arith.cmpi ne, %convert_element_type3A, %cond3A : i32
    scf.if %cond3A_53 {
      "tpu.region"() ({
        %run_scoped3A_84 = tpu.sem_alloc : memref<!tpu.dma_semaphore, #tpu.memory_space<semaphore_mem>>
        %dma_start3A_85 = tpu.memref_slice %arg7[%mul3A_2] : memref<10240xf32, #tpu.memory_space<hbm>> -> memref<640xf32, #tpu.memory_space<hbm>>
        %dma_start3A_86 = tpu.memref_slice %arg7[%mul3A_2] : memref<10240xf32, #tpu.memory_space<hbm>> -> memref<640xf32, #tpu.memory_space<hbm>>
        tpu.enqueue_dma source(%arg15 : memref<640xf32, #tpu.memory_space<vmem>>) target(%dma_start3A_86 : memref<640xf32, #tpu.memory_space<hbm>>) target_semaphore(%run_scoped3A_84 : memref<!tpu.dma_semaphore, #tpu.memory_space<semaphore_mem>>)
        %dma_wait3A_87 = tpu.memref_slice %arg7[%mul3A_2] : memref<10240xf32, #tpu.memory_space<hbm>> -> memref<640xf32, #tpu.memory_space<hbm>>
        %dma_wait3A_88 = tpu.memref_slice %arg7[%mul3A_2] : memref<10240xf32, #tpu.memory_space<hbm>> -> memref<640xf32, #tpu.memory_space<hbm>>
        tpu.wait_dma2 semaphore(%run_scoped3A_84 : memref<!tpu.dma_semaphore, #tpu.memory_space<semaphore_mem>>) src(%arg15 : memref<640xf32, #tpu.memory_space<vmem>>) dst(%dma_wait3A_88 : memref<640xf32, #tpu.memory_space<hbm>>)
        tpu.yield
      }) : () -> ()
      "tpu.region"() ({
        %run_scoped3A_84 = tpu.sem_alloc : memref<!tpu.dma_semaphore, #tpu.memory_space<semaphore_mem>>
        %dma_start3A_85 = tpu.memref_slice %arg8[%mul3A_2] : memref<10240xf32, #tpu.memory_space<hbm>> -> memref<640xf32, #tpu.memory_space<hbm>>
        %dma_start3A_86 = tpu.memref_slice %arg8[%mul3A_2] : memref<10240xf32, #tpu.memory_space<hbm>> -> memref<640xf32, #tpu.memory_space<hbm>>
        tpu.enqueue_dma source(%arg16 : memref<640xf32, #tpu.memory_space<vmem>>) target(%dma_start3A_86 : memref<640xf32, #tpu.memory_space<hbm>>) target_semaphore(%run_scoped3A_84 : memref<!tpu.dma_semaphore, #tpu.memory_space<semaphore_mem>>)
        %dma_wait3A_87 = tpu.memref_slice %arg8[%mul3A_2] : memref<10240xf32, #tpu.memory_space<hbm>> -> memref<640xf32, #tpu.memory_space<hbm>>
        %dma_wait3A_88 = tpu.memref_slice %arg8[%mul3A_2] : memref<10240xf32, #tpu.memory_space<hbm>> -> memref<640xf32, #tpu.memory_space<hbm>>
        tpu.wait_dma2 semaphore(%run_scoped3A_84 : memref<!tpu.dma_semaphore, #tpu.memory_space<semaphore_mem>>) src(%arg16 : memref<640xf32, #tpu.memory_space<vmem>>) dst(%dma_wait3A_88 : memref<640xf32, #tpu.memory_space<hbm>>)
        tpu.yield
      }) : () -> ()
    } else {
    }
    %dma_wait3A_54 = arith.constant 0 : i32
    %dma_wait3A_55 = arith.constant 0 : i32
    %dma_wait3A_56 = tpu.memref_slice %arg2[%add3A, %dma_wait3A_54, %dma_wait3A_55] : memref<32x79x128xi32, #tpu.memory_space<hbm>> -> memref<1x79x128xi32, #tpu.memory_space<hbm>>
    %dma_wait3A_57 = tpu.memref_squeeze %dma_wait3A_56 : memref<1x79x128xi32, #tpu.memory_space<hbm>> -> memref<79x128xi32, #tpu.memory_space<hbm>>
    %dma_wait3A_58 = arith.constant 0 : i32
    %dma_wait3A_59 = arith.constant 0 : i32
    %dma_wait3A_60 = tpu.memref_slice %arg2[%add3A, %dma_wait3A_58, %dma_wait3A_59] : memref<32x79x128xi32, #tpu.memory_space<hbm>> -> memref<1x79x128xi32, #tpu.memory_space<hbm>>
    %dma_wait3A_61 = tpu.memref_squeeze %dma_wait3A_60 : memref<1x79x128xi32, #tpu.memory_space<hbm>> -> memref<79x128xi32, #tpu.memory_space<hbm>>
    tpu.wait_dma2 semaphore(%arg21 : memref<!tpu.dma_semaphore, #tpu.memory_space<semaphore_mem>>) src(%dma_wait3A_61 : memref<79x128xi32, #tpu.memory_space<hbm>>) dst(%arg9 : memref<79x128xi32, #tpu.memory_space<vmem>>)
    %dma_wait3A_62 = arith.constant 0 : i32
    %dma_wait3A_63 = arith.constant 0 : i32
    %dma_wait3A_64 = tpu.memref_slice %arg3[%add3A, %dma_wait3A_62, %dma_wait3A_63] : memref<32x79x128xi32, #tpu.memory_space<hbm>> -> memref<1x79x128xi32, #tpu.memory_space<hbm>>
    %dma_wait3A_65 = tpu.memref_squeeze %dma_wait3A_64 : memref<1x79x128xi32, #tpu.memory_space<hbm>> -> memref<79x128xi32, #tpu.memory_space<hbm>>
    %dma_wait3A_66 = arith.constant 0 : i32
    %dma_wait3A_67 = arith.constant 0 : i32
    %dma_wait3A_68 = tpu.memref_slice %arg3[%add3A, %dma_wait3A_66, %dma_wait3A_67] : memref<32x79x128xi32, #tpu.memory_space<hbm>> -> memref<1x79x128xi32, #tpu.memory_space<hbm>>
    %dma_wait3A_69 = tpu.memref_squeeze %dma_wait3A_68 : memref<1x79x128xi32, #tpu.memory_space<hbm>> -> memref<79x128xi32, #tpu.memory_space<hbm>>
    tpu.wait_dma2 semaphore(%arg21 : memref<!tpu.dma_semaphore, #tpu.memory_space<semaphore_mem>>) src(%dma_wait3A_69 : memref<79x128xi32, #tpu.memory_space<hbm>>) dst(%arg10 : memref<79x128xi32, #tpu.memory_space<vmem>>)
    %barrier3A = arith.constant 0 : index
    tpu.barrier barrier_id(%barrier3A)
    %scan3A_70 = arith.constant 0 : i32
    %scan3A_71 = arith.constant 6 : i32
    %scan3A_72 = arith.addi %scan3A_70, %scan3A_71 : i32
    %scan3A_73 = arith.constant 1 : i32
    scf.for %scan3A_84 = %scan3A_70 to %scan3A_72 step %scan3A_73  : i32 {
      %mul3A_85 = arith.constant 13 : i32
      %mul3A_86 = arith.muli %scan3A_84, %mul3A_85 : i32
      %add3A_87 = arith.constant 0 : i32
      %add3A_88 = arith.addi %add3A_87, %mul3A_86 : i32
      %add3A_89 = arith.constant 0 : i32
      %add3A_90 = arith.addi %add3A_88, %add3A_89 : i32
      %dma_start3A_91 = arith.constant 0 : i32
      %dma_start3A_92 = arith.constant 0 : i32
      %dma_start3A_93 = tpu.memref_slice %arg11[%dma_start3A_91, %dma_start3A_92] : memref<13x128xf32, #tpu.memory_space<vmem>> -> memref<1x128xf32, #tpu.memory_space<vmem>>
      %dma_start3A_94 = tpu.memref_squeeze %dma_start3A_93 : memref<1x128xf32, #tpu.memory_space<vmem>> -> memref<128xf32, #tpu.memory_space<vmem>>
      %dma_start3A_95 = arith.constant 0 : i32
      %dma_start3A_96 = tpu.memref_slice %arg9[%add3A_90, %dma_start3A_95] : memref<79x128xi32, #tpu.memory_space<vmem>> -> memref<1x128xi32, #tpu.memory_space<vmem>>
      %dma_start3A_97 = tpu.memref_squeeze %dma_start3A_96 : memref<1x128xi32, #tpu.memory_space<vmem>> -> memref<128xi32, #tpu.memory_space<vmem>>
      %dma_start3A_98 = arith.constant 0 : i32
      %dma_start3A_99 = tpu.memref_slice %arg18[%dma_start3A_98] : memref<10240xf32, #tpu.memory_space<vmem_shared>> -> memref<10240xf32, #tpu.memory_space<vmem_shared>>
      tpu.enqueue_indirect_dma source(%dma_start3A_99 : memref<10240xf32, #tpu.memory_space<vmem_shared>>) target(%dma_start3A_94 : memref<128xf32, #tpu.memory_space<vmem>>) offsets(%dma_start3A_97 : memref<128xi32, #tpu.memory_space<vmem>>) semaphore(%arg21 : memref<!tpu.dma_semaphore, #tpu.memory_space<semaphore_mem>>)
      %add3A_100 = arith.constant 1 : i32
      %add3A_101 = arith.addi %add3A_88, %add3A_100 : i32
      %dma_start3A_102 = arith.constant 1 : i32
      %dma_start3A_103 = arith.constant 0 : i32
      %dma_start3A_104 = tpu.memref_slice %arg11[%dma_start3A_102, %dma_start3A_103] : memref<13x128xf32, #tpu.memory_space<vmem>> -> memref<1x128xf32, #tpu.memory_space<vmem>>
      %dma_start3A_105 = tpu.memref_squeeze %dma_start3A_104 : memref<1x128xf32, #tpu.memory_space<vmem>> -> memref<128xf32, #tpu.memory_space<vmem>>
      %dma_start3A_106 = arith.constant 0 : i32
      %dma_start3A_107 = tpu.memref_slice %arg9[%add3A_101, %dma_start3A_106] : memref<79x128xi32, #tpu.memory_space<vmem>> -> memref<1x128xi32, #tpu.memory_space<vmem>>
      %dma_start3A_108 = tpu.memref_squeeze %dma_start3A_107 : memref<1x128xi32, #tpu.memory_space<vmem>> -> memref<128xi32, #tpu.memory_space<vmem>>
      %dma_start3A_109 = arith.constant 0 : i32
      %dma_start3A_110 = tpu.memref_slice %arg18[%dma_start3A_109] : memref<10240xf32, #tpu.memory_space<vmem_shared>> -> memref<10240xf32, #tpu.memory_space<vmem_shared>>
      tpu.enqueue_indirect_dma source(%dma_start3A_110 : memref<10240xf32, #tpu.memory_space<vmem_shared>>) target(%dma_start3A_105 : memref<128xf32, #tpu.memory_space<vmem>>) offsets(%dma_start3A_108 : memref<128xi32, #tpu.memory_space<vmem>>) semaphore(%arg21 : memref<!tpu.dma_semaphore, #tpu.memory_space<semaphore_mem>>)
      %add3A_111 = arith.constant 2 : i32
      %add3A_112 = arith.addi %add3A_88, %add3A_111 : i32
      %dma_start3A_113 = arith.constant 2 : i32
      %dma_start3A_114 = arith.constant 0 : i32
      %dma_start3A_115 = tpu.memref_slice %arg11[%dma_start3A_113, %dma_start3A_114] : memref<13x128xf32, #tpu.memory_space<vmem>> -> memref<1x128xf32, #tpu.memory_space<vmem>>
      %dma_start3A_116 = tpu.memref_squeeze %dma_start3A_115 : memref<1x128xf32, #tpu.memory_space<vmem>> -> memref<128xf32, #tpu.memory_space<vmem>>
      %dma_start3A_117 = arith.constant 0 : i32
      %dma_start3A_118 = tpu.memref_slice %arg9[%add3A_112, %dma_start3A_117] : memref<79x128xi32, #tpu.memory_space<vmem>> -> memref<1x128xi32, #tpu.memory_space<vmem>>
      %dma_start3A_119 = tpu.memref_squeeze %dma_start3A_118 : memref<1x128xi32, #tpu.memory_space<vmem>> -> memref<128xi32, #tpu.memory_space<vmem>>
      %dma_start3A_120 = arith.constant 0 : i32
      %dma_start3A_121 = tpu.memref_slice %arg18[%dma_start3A_120] : memref<10240xf32, #tpu.memory_space<vmem_shared>> -> memref<10240xf32, #tpu.memory_space<vmem_shared>>
      tpu.enqueue_indirect_dma source(%dma_start3A_121 : memref<10240xf32, #tpu.memory_space<vmem_shared>>) target(%dma_start3A_116 : memref<128xf32, #tpu.memory_space<vmem>>) offsets(%dma_start3A_119 : memref<128xi32, #tpu.memory_space<vmem>>) semaphore(%arg21 : memref<!tpu.dma_semaphore, #tpu.memory_space<semaphore_mem>>)
      %add3A_122 = arith.constant 3 : i32
      %add3A_123 = arith.addi %add3A_88, %add3A_122 : i32
      %dma_start3A_124 = arith.constant 3 : i32
      %dma_start3A_125 = arith.constant 0 : i32
      %dma_start3A_126 = tpu.memref_slice %arg11[%dma_start3A_124, %dma_start3A_125] : memref<13x128xf32, #tpu.memory_space<vmem>> -> memref<1x128xf32, #tpu.memory_space<vmem>>
      %dma_start3A_127 = tpu.memref_squeeze %dma_start3A_126 : memref<1x128xf32, #tpu.memory_space<vmem>> -> memref<128xf32, #tpu.memory_space<vmem>>
      %dma_start3A_128 = arith.constant 0 : i32
      %dma_start3A_129 = tpu.memref_slice %arg9[%add3A_123, %dma_start3A_128] : memref<79x128xi32, #tpu.memory_space<vmem>> -> memref<1x128xi32, #tpu.memory_space<vmem>>
      %dma_start3A_130 = tpu.memref_squeeze %dma_start3A_129 : memref<1x128xi32, #tpu.memory_space<vmem>> -> memref<128xi32, #tpu.memory_space<vmem>>
      %dma_start3A_131 = arith.constant 0 : i32
      %dma_start3A_132 = tpu.memref_slice %arg18[%dma_start3A_131] : memref<10240xf32, #tpu.memory_space<vmem_shared>> -> memref<10240xf32, #tpu.memory_space<vmem_shared>>
      tpu.enqueue_indirect_dma source(%dma_start3A_132 : memref<10240xf32, #tpu.memory_space<vmem_shared>>) target(%dma_start3A_127 : memref<128xf32, #tpu.memory_space<vmem>>) offsets(%dma_start3A_130 : memref<128xi32, #tpu.memory_space<vmem>>) semaphore(%arg21 : memref<!tpu.dma_semaphore, #tpu.memory_space<semaphore_mem>>)
      %add3A_133 = arith.constant 4 : i32
      %add3A_134 = arith.addi %add3A_88, %add3A_133 : i32
      %dma_start3A_135 = arith.constant 4 : i32
      %dma_start3A_136 = arith.constant 0 : i32
      %dma_start3A_137 = tpu.memref_slice %arg11[%dma_start3A_135, %dma_start3A_136] : memref<13x128xf32, #tpu.memory_space<vmem>> -> memref<1x128xf32, #tpu.memory_space<vmem>>
      %dma_start3A_138 = tpu.memref_squeeze %dma_start3A_137 : memref<1x128xf32, #tpu.memory_space<vmem>> -> memref<128xf32, #tpu.memory_space<vmem>>
      %dma_start3A_139 = arith.constant 0 : i32
      %dma_start3A_140 = tpu.memref_slice %arg9[%add3A_134, %dma_start3A_139] : memref<79x128xi32, #tpu.memory_space<vmem>> -> memref<1x128xi32, #tpu.memory_space<vmem>>
      %dma_start3A_141 = tpu.memref_squeeze %dma_start3A_140 : memref<1x128xi32, #tpu.memory_space<vmem>> -> memref<128xi32, #tpu.memory_space<vmem>>
      %dma_start3A_142 = arith.constant 0 : i32
      %dma_start3A_143 = tpu.memref_slice %arg18[%dma_start3A_142] : memref<10240xf32, #tpu.memory_space<vmem_shared>> -> memref<10240xf32, #tpu.memory_space<vmem_shared>>
      tpu.enqueue_indirect_dma source(%dma_start3A_143 : memref<10240xf32, #tpu.memory_space<vmem_shared>>) target(%dma_start3A_138 : memref<128xf32, #tpu.memory_space<vmem>>) offsets(%dma_start3A_141 : memref<128xi32, #tpu.memory_space<vmem>>) semaphore(%arg21 : memref<!tpu.dma_semaphore, #tpu.memory_space<semaphore_mem>>)
      %add3A_144 = arith.constant 5 : i32
      %add3A_145 = arith.addi %add3A_88, %add3A_144 : i32
      %dma_start3A_146 = arith.constant 5 : i32
      %dma_start3A_147 = arith.constant 0 : i32
      %dma_start3A_148 = tpu.memref_slice %arg11[%dma_start3A_146, %dma_start3A_147] : memref<13x128xf32, #tpu.memory_space<vmem>> -> memref<1x128xf32, #tpu.memory_space<vmem>>
      %dma_start3A_149 = tpu.memref_squeeze %dma_start3A_148 : memref<1x128xf32, #tpu.memory_space<vmem>> -> memref<128xf32, #tpu.memory_space<vmem>>
      %dma_start3A_150 = arith.constant 0 : i32
      %dma_start3A_151 = tpu.memref_slice %arg9[%add3A_145, %dma_start3A_150] : memref<79x128xi32, #tpu.memory_space<vmem>> -> memref<1x128xi32, #tpu.memory_space<vmem>>
      %dma_start3A_152 = tpu.memref_squeeze %dma_start3A_151 : memref<1x128xi32, #tpu.memory_space<vmem>> -> memref<128xi32, #tpu.memory_space<vmem>>
      %dma_start3A_153 = arith.constant 0 : i32
      %dma_start3A_154 = tpu.memref_slice %arg18[%dma_start3A_153] : memref<10240xf32, #tpu.memory_space<vmem_shared>> -> memref<10240xf32, #tpu.memory_space<vmem_shared>>
      tpu.enqueue_indirect_dma source(%dma_start3A_154 : memref<10240xf32, #tpu.memory_space<vmem_shared>>) target(%dma_start3A_149 : memref<128xf32, #tpu.memory_space<vmem>>) offsets(%dma_start3A_152 : memref<128xi32, #tpu.memory_space<vmem>>) semaphore(%arg21 : memref<!tpu.dma_semaphore, #tpu.memory_space<semaphore_mem>>)
      %add3A_155 = arith.constant 6 : i32
      %add3A_156 = arith.addi %add3A_88, %add3A_155 : i32
      %dma_start3A_157 = arith.constant 6 : i32
      %dma_start3A_158 = arith.constant 0 : i32
      %dma_start3A_159 = tpu.memref_slice %arg11[%dma_start3A_157, %dma_start3A_158] : memref<13x128xf32, #tpu.memory_space<vmem>> -> memref<1x128xf32, #tpu.memory_space<vmem>>
      %dma_start3A_160 = tpu.memref_squeeze %dma_start3A_159 : memref<1x128xf32, #tpu.memory_space<vmem>> -> memref<128xf32, #tpu.memory_space<vmem>>
      %dma_start3A_161 = arith.constant 0 : i32
      %dma_start3A_162 = tpu.memref_slice %arg9[%add3A_156, %dma_start3A_161] : memref<79x128xi32, #tpu.memory_space<vmem>> -> memref<1x128xi32, #tpu.memory_space<vmem>>
      %dma_start3A_163 = tpu.memref_squeeze %dma_start3A_162 : memref<1x128xi32, #tpu.memory_space<vmem>> -> memref<128xi32, #tpu.memory_space<vmem>>
      %dma_start3A_164 = arith.constant 0 : i32
      %dma_start3A_165 = tpu.memref_slice %arg18[%dma_start3A_164] : memref<10240xf32, #tpu.memory_space<vmem_shared>> -> memref<10240xf32, #tpu.memory_space<vmem_shared>>
      tpu.enqueue_indirect_dma source(%dma_start3A_165 : memref<10240xf32, #tpu.memory_space<vmem_shared>>) target(%dma_start3A_160 : memref<128xf32, #tpu.memory_space<vmem>>) offsets(%dma_start3A_163 : memref<128xi32, #tpu.memory_space<vmem>>) semaphore(%arg21 : memref<!tpu.dma_semaphore, #tpu.memory_space<semaphore_mem>>)
      %add3A_166 = arith.constant 7 : i32
      %add3A_167 = arith.addi %add3A_88, %add3A_166 : i32
      %dma_start3A_168 = arith.constant 7 : i32
      %dma_start3A_169 = arith.constant 0 : i32
      %dma_start3A_170 = tpu.memref_slice %arg11[%dma_start3A_168, %dma_start3A_169] : memref<13x128xf32, #tpu.memory_space<vmem>> -> memref<1x128xf32, #tpu.memory_space<vmem>>
      %dma_start3A_171 = tpu.memref_squeeze %dma_start3A_170 : memref<1x128xf32, #tpu.memory_space<vmem>> -> memref<128xf32, #tpu.memory_space<vmem>>
      %dma_start3A_172 = arith.constant 0 : i32
      %dma_start3A_173 = tpu.memref_slice %arg9[%add3A_167, %dma_start3A_172] : memref<79x128xi32, #tpu.memory_space<vmem>> -> memref<1x128xi32, #tpu.memory_space<vmem>>
      %dma_start3A_174 = tpu.memref_squeeze %dma_start3A_173 : memref<1x128xi32, #tpu.memory_space<vmem>> -> memref<128xi32, #tpu.memory_space<vmem>>
      %dma_start3A_175 = arith.constant 0 : i32
      %dma_start3A_176 = tpu.memref_slice %arg18[%dma_start3A_175] : memref<10240xf32, #tpu.memory_space<vmem_shared>> -> memref<10240xf32, #tpu.memory_space<vmem_shared>>
      tpu.enqueue_indirect_dma source(%dma_start3A_176 : memref<10240xf32, #tpu.memory_space<vmem_shared>>) target(%dma_start3A_171 : memref<128xf32, #tpu.memory_space<vmem>>) offsets(%dma_start3A_174 : memref<128xi32, #tpu.memory_space<vmem>>) semaphore(%arg21 : memref<!tpu.dma_semaphore, #tpu.memory_space<semaphore_mem>>)
      %add3A_177 = arith.constant 8 : i32
      %add3A_178 = arith.addi %add3A_88, %add3A_177 : i32
      %dma_start3A_179 = arith.constant 8 : i32
      %dma_start3A_180 = arith.constant 0 : i32
      %dma_start3A_181 = tpu.memref_slice %arg11[%dma_start3A_179, %dma_start3A_180] : memref<13x128xf32, #tpu.memory_space<vmem>> -> memref<1x128xf32, #tpu.memory_space<vmem>>
      %dma_start3A_182 = tpu.memref_squeeze %dma_start3A_181 : memref<1x128xf32, #tpu.memory_space<vmem>> -> memref<128xf32, #tpu.memory_space<vmem>>
      %dma_start3A_183 = arith.constant 0 : i32
      %dma_start3A_184 = tpu.memref_slice %arg9[%add3A_178, %dma_start3A_183] : memref<79x128xi32, #tpu.memory_space<vmem>> -> memref<1x128xi32, #tpu.memory_space<vmem>>
      %dma_start3A_185 = tpu.memref_squeeze %dma_start3A_184 : memref<1x128xi32, #tpu.memory_space<vmem>> -> memref<128xi32, #tpu.memory_space<vmem>>
      %dma_start3A_186 = arith.constant 0 : i32
      %dma_start3A_187 = tpu.memref_slice %arg18[%dma_start3A_186] : memref<10240xf32, #tpu.memory_space<vmem_shared>> -> memref<10240xf32, #tpu.memory_space<vmem_shared>>
      tpu.enqueue_indirect_dma source(%dma_start3A_187 : memref<10240xf32, #tpu.memory_space<vmem_shared>>) target(%dma_start3A_182 : memref<128xf32, #tpu.memory_space<vmem>>) offsets(%dma_start3A_185 : memref<128xi32, #tpu.memory_space<vmem>>) semaphore(%arg21 : memref<!tpu.dma_semaphore, #tpu.memory_space<semaphore_mem>>)
      %add3A_188 = arith.constant 9 : i32
      %add3A_189 = arith.addi %add3A_88, %add3A_188 : i32
      %dma_start3A_190 = arith.constant 9 : i32
      %dma_start3A_191 = arith.constant 0 : i32
      %dma_start3A_192 = tpu.memref_slice %arg11[%dma_start3A_190, %dma_start3A_191] : memref<13x128xf32, #tpu.memory_space<vmem>> -> memref<1x128xf32, #tpu.memory_space<vmem>>
      %dma_start3A_193 = tpu.memref_squeeze %dma_start3A_192 : memref<1x128xf32, #tpu.memory_space<vmem>> -> memref<128xf32, #tpu.memory_space<vmem>>
      %dma_start3A_194 = arith.constant 0 : i32
      %dma_start3A_195 = tpu.memref_slice %arg9[%add3A_189, %dma_start3A_194] : memref<79x128xi32, #tpu.memory_space<vmem>> -> memref<1x128xi32, #tpu.memory_space<vmem>>
      %dma_start3A_196 = tpu.memref_squeeze %dma_start3A_195 : memref<1x128xi32, #tpu.memory_space<vmem>> -> memref<128xi32, #tpu.memory_space<vmem>>
      %dma_start3A_197 = arith.constant 0 : i32
      %dma_start3A_198 = tpu.memref_slice %arg18[%dma_start3A_197] : memref<10240xf32, #tpu.memory_space<vmem_shared>> -> memref<10240xf32, #tpu.memory_space<vmem_shared>>
      tpu.enqueue_indirect_dma source(%dma_start3A_198 : memref<10240xf32, #tpu.memory_space<vmem_shared>>) target(%dma_start3A_193 : memref<128xf32, #tpu.memory_space<vmem>>) offsets(%dma_start3A_196 : memref<128xi32, #tpu.memory_space<vmem>>) semaphore(%arg21 : memref<!tpu.dma_semaphore, #tpu.memory_space<semaphore_mem>>)
      %add3A_199 = arith.constant 10 : i32
      %add3A_200 = arith.addi %add3A_88, %add3A_199 : i32
      %dma_start3A_201 = arith.constant 10 : i32
      %dma_start3A_202 = arith.constant 0 : i32
      %dma_start3A_203 = tpu.memref_slice %arg11[%dma_start3A_201, %dma_start3A_202] : memref<13x128xf32, #tpu.memory_space<vmem>> -> memref<1x128xf32, #tpu.memory_space<vmem>>
      %dma_start3A_204 = tpu.memref_squeeze %dma_start3A_203 : memref<1x128xf32, #tpu.memory_space<vmem>> -> memref<128xf32, #tpu.memory_space<vmem>>
      %dma_start3A_205 = arith.constant 0 : i32
      %dma_start3A_206 = tpu.memref_slice %arg9[%add3A_200, %dma_start3A_205] : memref<79x128xi32, #tpu.memory_space<vmem>> -> memref<1x128xi32, #tpu.memory_space<vmem>>
      %dma_start3A_207 = tpu.memref_squeeze %dma_start3A_206 : memref<1x128xi32, #tpu.memory_space<vmem>> -> memref<128xi32, #tpu.memory_space<vmem>>
      %dma_start3A_208 = arith.constant 0 : i32
      %dma_start3A_209 = tpu.memref_slice %arg18[%dma_start3A_208] : memref<10240xf32, #tpu.memory_space<vmem_shared>> -> memref<10240xf32, #tpu.memory_space<vmem_shared>>
      tpu.enqueue_indirect_dma source(%dma_start3A_209 : memref<10240xf32, #tpu.memory_space<vmem_shared>>) target(%dma_start3A_204 : memref<128xf32, #tpu.memory_space<vmem>>) offsets(%dma_start3A_207 : memref<128xi32, #tpu.memory_space<vmem>>) semaphore(%arg21 : memref<!tpu.dma_semaphore, #tpu.memory_space<semaphore_mem>>)
      %add3A_210 = arith.constant 11 : i32
      %add3A_211 = arith.addi %add3A_88, %add3A_210 : i32
      %dma_start3A_212 = arith.constant 11 : i32
      %dma_start3A_213 = arith.constant 0 : i32
      %dma_start3A_214 = tpu.memref_slice %arg11[%dma_start3A_212, %dma_start3A_213] : memref<13x128xf32, #tpu.memory_space<vmem>> -> memref<1x128xf32, #tpu.memory_space<vmem>>
      %dma_start3A_215 = tpu.memref_squeeze %dma_start3A_214 : memref<1x128xf32, #tpu.memory_space<vmem>> -> memref<128xf32, #tpu.memory_space<vmem>>
      %dma_start3A_216 = arith.constant 0 : i32
      %dma_start3A_217 = tpu.memref_slice %arg9[%add3A_211, %dma_start3A_216] : memref<79x128xi32, #tpu.memory_space<vmem>> -> memref<1x128xi32, #tpu.memory_space<vmem>>
      %dma_start3A_218 = tpu.memref_squeeze %dma_start3A_217 : memref<1x128xi32, #tpu.memory_space<vmem>> -> memref<128xi32, #tpu.memory_space<vmem>>
      %dma_start3A_219 = arith.constant 0 : i32
      %dma_start3A_220 = tpu.memref_slice %arg18[%dma_start3A_219] : memref<10240xf32, #tpu.memory_space<vmem_shared>> -> memref<10240xf32, #tpu.memory_space<vmem_shared>>
      tpu.enqueue_indirect_dma source(%dma_start3A_220 : memref<10240xf32, #tpu.memory_space<vmem_shared>>) target(%dma_start3A_215 : memref<128xf32, #tpu.memory_space<vmem>>) offsets(%dma_start3A_218 : memref<128xi32, #tpu.memory_space<vmem>>) semaphore(%arg21 : memref<!tpu.dma_semaphore, #tpu.memory_space<semaphore_mem>>)
      %add3A_221 = arith.constant 12 : i32
      %add3A_222 = arith.addi %add3A_88, %add3A_221 : i32
      %dma_start3A_223 = arith.constant 12 : i32
      %dma_start3A_224 = arith.constant 0 : i32
      %dma_start3A_225 = tpu.memref_slice %arg11[%dma_start3A_223, %dma_start3A_224] : memref<13x128xf32, #tpu.memory_space<vmem>> -> memref<1x128xf32, #tpu.memory_space<vmem>>
      %dma_start3A_226 = tpu.memref_squeeze %dma_start3A_225 : memref<1x128xf32, #tpu.memory_space<vmem>> -> memref<128xf32, #tpu.memory_space<vmem>>
      %dma_start3A_227 = arith.constant 0 : i32
      %dma_start3A_228 = tpu.memref_slice %arg9[%add3A_222, %dma_start3A_227] : memref<79x128xi32, #tpu.memory_space<vmem>> -> memref<1x128xi32, #tpu.memory_space<vmem>>
      %dma_start3A_229 = tpu.memref_squeeze %dma_start3A_228 : memref<1x128xi32, #tpu.memory_space<vmem>> -> memref<128xi32, #tpu.memory_space<vmem>>
      %dma_start3A_230 = arith.constant 0 : i32
      %dma_start3A_231 = tpu.memref_slice %arg18[%dma_start3A_230] : memref<10240xf32, #tpu.memory_space<vmem_shared>> -> memref<10240xf32, #tpu.memory_space<vmem_shared>>
      tpu.enqueue_indirect_dma source(%dma_start3A_231 : memref<10240xf32, #tpu.memory_space<vmem_shared>>) target(%dma_start3A_226 : memref<128xf32, #tpu.memory_space<vmem>>) offsets(%dma_start3A_229 : memref<128xi32, #tpu.memory_space<vmem>>) semaphore(%arg21 : memref<!tpu.dma_semaphore, #tpu.memory_space<semaphore_mem>>)
      %add3A_232 = arith.constant 0 : i32
      %add3A_233 = arith.addi %add3A_88, %add3A_232 : i32
      %dma_wait3A_234 = arith.constant 0 : i32
      %dma_wait3A_235 = arith.constant 0 : i32
      %dma_wait3A_236 = tpu.memref_slice %arg11[%dma_wait3A_234, %dma_wait3A_235] : memref<13x128xf32, #tpu.memory_space<vmem>> -> memref<1x128xf32, #tpu.memory_space<vmem>>
      %dma_wait3A_237 = tpu.memref_squeeze %dma_wait3A_236 : memref<1x128xf32, #tpu.memory_space<vmem>> -> memref<128xf32, #tpu.memory_space<vmem>>
      %dma_wait3A_238 = arith.constant 0 : i32
      %dma_wait3A_239 = tpu.memref_slice %arg9[%add3A_233, %dma_wait3A_238] : memref<79x128xi32, #tpu.memory_space<vmem>> -> memref<1x128xi32, #tpu.memory_space<vmem>>
      %dma_wait3A_240 = tpu.memref_squeeze %dma_wait3A_239 : memref<1x128xi32, #tpu.memory_space<vmem>> -> memref<128xi32, #tpu.memory_space<vmem>>
      %dma_wait3A_241 = arith.constant 0 : i32
      %dma_wait3A_242 = tpu.memref_slice %arg18[%dma_wait3A_241] : memref<10240xf32, #tpu.memory_space<vmem_shared>> -> memref<10240xf32, #tpu.memory_space<vmem_shared>>
      tpu.wait_indirect_dma semaphore(%arg21 : memref<!tpu.dma_semaphore, #tpu.memory_space<semaphore_mem>>) src(%dma_wait3A_242 : memref<10240xf32, #tpu.memory_space<vmem_shared>>) dst(%dma_wait3A_237 : memref<128xf32, #tpu.memory_space<vmem>>)
      %add3A_243 = arith.constant 1 : i32
      %add3A_244 = arith.addi %add3A_88, %add3A_243 : i32
      %dma_wait3A_245 = arith.constant 1 : i32
      %dma_wait3A_246 = arith.constant 0 : i32
      %dma_wait3A_247 = tpu.memref_slice %arg11[%dma_wait3A_245, %dma_wait3A_246] : memref<13x128xf32, #tpu.memory_space<vmem>> -> memref<1x128xf32, #tpu.memory_space<vmem>>
      %dma_wait3A_248 = tpu.memref_squeeze %dma_wait3A_247 : memref<1x128xf32, #tpu.memory_space<vmem>> -> memref<128xf32, #tpu.memory_space<vmem>>
      %dma_wait3A_249 = arith.constant 0 : i32
      %dma_wait3A_250 = tpu.memref_slice %arg9[%add3A_244, %dma_wait3A_249] : memref<79x128xi32, #tpu.memory_space<vmem>> -> memref<1x128xi32, #tpu.memory_space<vmem>>
      %dma_wait3A_251 = tpu.memref_squeeze %dma_wait3A_250 : memref<1x128xi32, #tpu.memory_space<vmem>> -> memref<128xi32, #tpu.memory_space<vmem>>
      %dma_wait3A_252 = arith.constant 0 : i32
      %dma_wait3A_253 = tpu.memref_slice %arg18[%dma_wait3A_252] : memref<10240xf32, #tpu.memory_space<vmem_shared>> -> memref<10240xf32, #tpu.memory_space<vmem_shared>>
      tpu.wait_indirect_dma semaphore(%arg21 : memref<!tpu.dma_semaphore, #tpu.memory_space<semaphore_mem>>) src(%dma_wait3A_253 : memref<10240xf32, #tpu.memory_space<vmem_shared>>) dst(%dma_wait3A_248 : memref<128xf32, #tpu.memory_space<vmem>>)
      %add3A_254 = arith.constant 2 : i32
      %add3A_255 = arith.addi %add3A_88, %add3A_254 : i32
      %dma_wait3A_256 = arith.constant 2 : i32
      %dma_wait3A_257 = arith.constant 0 : i32
      %dma_wait3A_258 = tpu.memref_slice %arg11[%dma_wait3A_256, %dma_wait3A_257] : memref<13x128xf32, #tpu.memory_space<vmem>> -> memref<1x128xf32, #tpu.memory_space<vmem>>
      %dma_wait3A_259 = tpu.memref_squeeze %dma_wait3A_258 : memref<1x128xf32, #tpu.memory_space<vmem>> -> memref<128xf32, #tpu.memory_space<vmem>>
      %dma_wait3A_260 = arith.constant 0 : i32
      %dma_wait3A_261 = tpu.memref_slice %arg9[%add3A_255, %dma_wait3A_260] : memref<79x128xi32, #tpu.memory_space<vmem>> -> memref<1x128xi32, #tpu.memory_space<vmem>>
      %dma_wait3A_262 = tpu.memref_squeeze %dma_wait3A_261 : memref<1x128xi32, #tpu.memory_space<vmem>> -> memref<128xi32, #tpu.memory_space<vmem>>
      %dma_wait3A_263 = arith.constant 0 : i32
      %dma_wait3A_264 = tpu.memref_slice %arg18[%dma_wait3A_263] : memref<10240xf32, #tpu.memory_space<vmem_shared>> -> memref<10240xf32, #tpu.memory_space<vmem_shared>>
      tpu.wait_indirect_dma semaphore(%arg21 : memref<!tpu.dma_semaphore, #tpu.memory_space<semaphore_mem>>) src(%dma_wait3A_264 : memref<10240xf32, #tpu.memory_space<vmem_shared>>) dst(%dma_wait3A_259 : memref<128xf32, #tpu.memory_space<vmem>>)
      %add3A_265 = arith.constant 3 : i32
      %add3A_266 = arith.addi %add3A_88, %add3A_265 : i32
      %dma_wait3A_267 = arith.constant 3 : i32
      %dma_wait3A_268 = arith.constant 0 : i32
      %dma_wait3A_269 = tpu.memref_slice %arg11[%dma_wait3A_267, %dma_wait3A_268] : memref<13x128xf32, #tpu.memory_space<vmem>> -> memref<1x128xf32, #tpu.memory_space<vmem>>
      %dma_wait3A_270 = tpu.memref_squeeze %dma_wait3A_269 : memref<1x128xf32, #tpu.memory_space<vmem>> -> memref<128xf32, #tpu.memory_space<vmem>>
      %dma_wait3A_271 = arith.constant 0 : i32
      %dma_wait3A_272 = tpu.memref_slice %arg9[%add3A_266, %dma_wait3A_271] : memref<79x128xi32, #tpu.memory_space<vmem>> -> memref<1x128xi32, #tpu.memory_space<vmem>>
      %dma_wait3A_273 = tpu.memref_squeeze %dma_wait3A_272 : memref<1x128xi32, #tpu.memory_space<vmem>> -> memref<128xi32, #tpu.memory_space<vmem>>
      %dma_wait3A_274 = arith.constant 0 : i32
      %dma_wait3A_275 = tpu.memref_slice %arg18[%dma_wait3A_274] : memref<10240xf32, #tpu.memory_space<vmem_shared>> -> memref<10240xf32, #tpu.memory_space<vmem_shared>>
      tpu.wait_indirect_dma semaphore(%arg21 : memref<!tpu.dma_semaphore, #tpu.memory_space<semaphore_mem>>) src(%dma_wait3A_275 : memref<10240xf32, #tpu.memory_space<vmem_shared>>) dst(%dma_wait3A_270 : memref<128xf32, #tpu.memory_space<vmem>>)
      %add3A_276 = arith.constant 4 : i32
      %add3A_277 = arith.addi %add3A_88, %add3A_276 : i32
      %dma_wait3A_278 = arith.constant 4 : i32
      %dma_wait3A_279 = arith.constant 0 : i32
      %dma_wait3A_280 = tpu.memref_slice %arg11[%dma_wait3A_278, %dma_wait3A_279] : memref<13x128xf32, #tpu.memory_space<vmem>> -> memref<1x128xf32, #tpu.memory_space<vmem>>
      %dma_wait3A_281 = tpu.memref_squeeze %dma_wait3A_280 : memref<1x128xf32, #tpu.memory_space<vmem>> -> memref<128xf32, #tpu.memory_space<vmem>>
      %dma_wait3A_282 = arith.constant 0 : i32
      %dma_wait3A_283 = tpu.memref_slice %arg9[%add3A_277, %dma_wait3A_282] : memref<79x128xi32, #tpu.memory_space<vmem>> -> memref<1x128xi32, #tpu.memory_space<vmem>>
      %dma_wait3A_284 = tpu.memref_squeeze %dma_wait3A_283 : memref<1x128xi32, #tpu.memory_space<vmem>> -> memref<128xi32, #tpu.memory_space<vmem>>
      %dma_wait3A_285 = arith.constant 0 : i32
      %dma_wait3A_286 = tpu.memref_slice %arg18[%dma_wait3A_285] : memref<10240xf32, #tpu.memory_space<vmem_shared>> -> memref<10240xf32, #tpu.memory_space<vmem_shared>>
      tpu.wait_indirect_dma semaphore(%arg21 : memref<!tpu.dma_semaphore, #tpu.memory_space<semaphore_mem>>) src(%dma_wait3A_286 : memref<10240xf32, #tpu.memory_space<vmem_shared>>) dst(%dma_wait3A_281 : memref<128xf32, #tpu.memory_space<vmem>>)
      %add3A_287 = arith.constant 5 : i32
      %add3A_288 = arith.addi %add3A_88, %add3A_287 : i32
      %dma_wait3A_289 = arith.constant 5 : i32
      %dma_wait3A_290 = arith.constant 0 : i32
      %dma_wait3A_291 = tpu.memref_slice %arg11[%dma_wait3A_289, %dma_wait3A_290] : memref<13x128xf32, #tpu.memory_space<vmem>> -> memref<1x128xf32, #tpu.memory_space<vmem>>
      %dma_wait3A_292 = tpu.memref_squeeze %dma_wait3A_291 : memref<1x128xf32, #tpu.memory_space<vmem>> -> memref<128xf32, #tpu.memory_space<vmem>>
      %dma_wait3A_293 = arith.constant 0 : i32
      %dma_wait3A_294 = tpu.memref_slice %arg9[%add3A_288, %dma_wait3A_293] : memref<79x128xi32, #tpu.memory_space<vmem>> -> memref<1x128xi32, #tpu.memory_space<vmem>>
      %dma_wait3A_295 = tpu.memref_squeeze %dma_wait3A_294 : memref<1x128xi32, #tpu.memory_space<vmem>> -> memref<128xi32, #tpu.memory_space<vmem>>
      %dma_wait3A_296 = arith.constant 0 : i32
      %dma_wait3A_297 = tpu.memref_slice %arg18[%dma_wait3A_296] : memref<10240xf32, #tpu.memory_space<vmem_shared>> -> memref<10240xf32, #tpu.memory_space<vmem_shared>>
      tpu.wait_indirect_dma semaphore(%arg21 : memref<!tpu.dma_semaphore, #tpu.memory_space<semaphore_mem>>) src(%dma_wait3A_297 : memref<10240xf32, #tpu.memory_space<vmem_shared>>) dst(%dma_wait3A_292 : memref<128xf32, #tpu.memory_space<vmem>>)
      %add3A_298 = arith.constant 6 : i32
      %add3A_299 = arith.addi %add3A_88, %add3A_298 : i32
      %dma_wait3A_300 = arith.constant 6 : i32
      %dma_wait3A_301 = arith.constant 0 : i32
      %dma_wait3A_302 = tpu.memref_slice %arg11[%dma_wait3A_300, %dma_wait3A_301] : memref<13x128xf32, #tpu.memory_space<vmem>> -> memref<1x128xf32, #tpu.memory_space<vmem>>
      %dma_wait3A_303 = tpu.memref_squeeze %dma_wait3A_302 : memref<1x128xf32, #tpu.memory_space<vmem>> -> memref<128xf32, #tpu.memory_space<vmem>>
      %dma_wait3A_304 = arith.constant 0 : i32
      %dma_wait3A_305 = tpu.memref_slice %arg9[%add3A_299, %dma_wait3A_304] : memref<79x128xi32, #tpu.memory_space<vmem>> -> memref<1x128xi32, #tpu.memory_space<vmem>>
      %dma_wait3A_306 = tpu.memref_squeeze %dma_wait3A_305 : memref<1x128xi32, #tpu.memory_space<vmem>> -> memref<128xi32, #tpu.memory_space<vmem>>
      %dma_wait3A_307 = arith.constant 0 : i32
      %dma_wait3A_308 = tpu.memref_slice %arg18[%dma_wait3A_307] : memref<10240xf32, #tpu.memory_space<vmem_shared>> -> memref<10240xf32, #tpu.memory_space<vmem_shared>>
      tpu.wait_indirect_dma semaphore(%arg21 : memref<!tpu.dma_semaphore, #tpu.memory_space<semaphore_mem>>) src(%dma_wait3A_308 : memref<10240xf32, #tpu.memory_space<vmem_shared>>) dst(%dma_wait3A_303 : memref<128xf32, #tpu.memory_space<vmem>>)
      %add3A_309 = arith.constant 7 : i32
      %add3A_310 = arith.addi %add3A_88, %add3A_309 : i32
      %dma_wait3A_311 = arith.constant 7 : i32
      %dma_wait3A_312 = arith.constant 0 : i32
      %dma_wait3A_313 = tpu.memref_slice %arg11[%dma_wait3A_311, %dma_wait3A_312] : memref<13x128xf32, #tpu.memory_space<vmem>> -> memref<1x128xf32, #tpu.memory_space<vmem>>
      %dma_wait3A_314 = tpu.memref_squeeze %dma_wait3A_313 : memref<1x128xf32, #tpu.memory_space<vmem>> -> memref<128xf32, #tpu.memory_space<vmem>>
      %dma_wait3A_315 = arith.constant 0 : i32
      %dma_wait3A_316 = tpu.memref_slice %arg9[%add3A_310, %dma_wait3A_315] : memref<79x128xi32, #tpu.memory_space<vmem>> -> memref<1x128xi32, #tpu.memory_space<vmem>>
      %dma_wait3A_317 = tpu.memref_squeeze %dma_wait3A_316 : memref<1x128xi32, #tpu.memory_space<vmem>> -> memref<128xi32, #tpu.memory_space<vmem>>
      %dma_wait3A_318 = arith.constant 0 : i32
      %dma_wait3A_319 = tpu.memref_slice %arg18[%dma_wait3A_318] : memref<10240xf32, #tpu.memory_space<vmem_shared>> -> memref<10240xf32, #tpu.memory_space<vmem_shared>>
      tpu.wait_indirect_dma semaphore(%arg21 : memref<!tpu.dma_semaphore, #tpu.memory_space<semaphore_mem>>) src(%dma_wait3A_319 : memref<10240xf32, #tpu.memory_space<vmem_shared>>) dst(%dma_wait3A_314 : memref<128xf32, #tpu.memory_space<vmem>>)
      %add3A_320 = arith.constant 8 : i32
      %add3A_321 = arith.addi %add3A_88, %add3A_320 : i32
      %dma_wait3A_322 = arith.constant 8 : i32
      %dma_wait3A_323 = arith.constant 0 : i32
      %dma_wait3A_324 = tpu.memref_slice %arg11[%dma_wait3A_322, %dma_wait3A_323] : memref<13x128xf32, #tpu.memory_space<vmem>> -> memref<1x128xf32, #tpu.memory_space<vmem>>
      %dma_wait3A_325 = tpu.memref_squeeze %dma_wait3A_324 : memref<1x128xf32, #tpu.memory_space<vmem>> -> memref<128xf32, #tpu.memory_space<vmem>>
      %dma_wait3A_326 = arith.constant 0 : i32
      %dma_wait3A_327 = tpu.memref_slice %arg9[%add3A_321, %dma_wait3A_326] : memref<79x128xi32, #tpu.memory_space<vmem>> -> memref<1x128xi32, #tpu.memory_space<vmem>>
      %dma_wait3A_328 = tpu.memref_squeeze %dma_wait3A_327 : memref<1x128xi32, #tpu.memory_space<vmem>> -> memref<128xi32, #tpu.memory_space<vmem>>
      %dma_wait3A_329 = arith.constant 0 : i32
      %dma_wait3A_330 = tpu.memref_slice %arg18[%dma_wait3A_329] : memref<10240xf32, #tpu.memory_space<vmem_shared>> -> memref<10240xf32, #tpu.memory_space<vmem_shared>>
      tpu.wait_indirect_dma semaphore(%arg21 : memref<!tpu.dma_semaphore, #tpu.memory_space<semaphore_mem>>) src(%dma_wait3A_330 : memref<10240xf32, #tpu.memory_space<vmem_shared>>) dst(%dma_wait3A_325 : memref<128xf32, #tpu.memory_space<vmem>>)
      %add3A_331 = arith.constant 9 : i32
      %add3A_332 = arith.addi %add3A_88, %add3A_331 : i32
      %dma_wait3A_333 = arith.constant 9 : i32
      %dma_wait3A_334 = arith.constant 0 : i32
      %dma_wait3A_335 = tpu.memref_slice %arg11[%dma_wait3A_333, %dma_wait3A_334] : memref<13x128xf32, #tpu.memory_space<vmem>> -> memref<1x128xf32, #tpu.memory_space<vmem>>
      %dma_wait3A_336 = tpu.memref_squeeze %dma_wait3A_335 : memref<1x128xf32, #tpu.memory_space<vmem>> -> memref<128xf32, #tpu.memory_space<vmem>>
      %dma_wait3A_337 = arith.constant 0 : i32
      %dma_wait3A_338 = tpu.memref_slice %arg9[%add3A_332, %dma_wait3A_337] : memref<79x128xi32, #tpu.memory_space<vmem>> -> memref<1x128xi32, #tpu.memory_space<vmem>>
      %dma_wait3A_339 = tpu.memref_squeeze %dma_wait3A_338 : memref<1x128xi32, #tpu.memory_space<vmem>> -> memref<128xi32, #tpu.memory_space<vmem>>
      %dma_wait3A_340 = arith.constant 0 : i32
      %dma_wait3A_341 = tpu.memref_slice %arg18[%dma_wait3A_340] : memref<10240xf32, #tpu.memory_space<vmem_shared>> -> memref<10240xf32, #tpu.memory_space<vmem_shared>>
      tpu.wait_indirect_dma semaphore(%arg21 : memref<!tpu.dma_semaphore, #tpu.memory_space<semaphore_mem>>) src(%dma_wait3A_341 : memref<10240xf32, #tpu.memory_space<vmem_shared>>) dst(%dma_wait3A_336 : memref<128xf32, #tpu.memory_space<vmem>>)
      %add3A_342 = arith.constant 10 : i32
      %add3A_343 = arith.addi %add3A_88, %add3A_342 : i32
      %dma_wait3A_344 = arith.constant 10 : i32
      %dma_wait3A_345 = arith.constant 0 : i32
      %dma_wait3A_346 = tpu.memref_slice %arg11[%dma_wait3A_344, %dma_wait3A_345] : memref<13x128xf32, #tpu.memory_space<vmem>> -> memref<1x128xf32, #tpu.memory_space<vmem>>
      %dma_wait3A_347 = tpu.memref_squeeze %dma_wait3A_346 : memref<1x128xf32, #tpu.memory_space<vmem>> -> memref<128xf32, #tpu.memory_space<vmem>>
      %dma_wait3A_348 = arith.constant 0 : i32
      %dma_wait3A_349 = tpu.memref_slice %arg9[%add3A_343, %dma_wait3A_348] : memref<79x128xi32, #tpu.memory_space<vmem>> -> memref<1x128xi32, #tpu.memory_space<vmem>>
      %dma_wait3A_350 = tpu.memref_squeeze %dma_wait3A_349 : memref<1x128xi32, #tpu.memory_space<vmem>> -> memref<128xi32, #tpu.memory_space<vmem>>
      %dma_wait3A_351 = arith.constant 0 : i32
      %dma_wait3A_352 = tpu.memref_slice %arg18[%dma_wait3A_351] : memref<10240xf32, #tpu.memory_space<vmem_shared>> -> memref<10240xf32, #tpu.memory_space<vmem_shared>>
      tpu.wait_indirect_dma semaphore(%arg21 : memref<!tpu.dma_semaphore, #tpu.memory_space<semaphore_mem>>) src(%dma_wait3A_352 : memref<10240xf32, #tpu.memory_space<vmem_shared>>) dst(%dma_wait3A_347 : memref<128xf32, #tpu.memory_space<vmem>>)
      %add3A_353 = arith.constant 11 : i32
      %add3A_354 = arith.addi %add3A_88, %add3A_353 : i32
      %dma_wait3A_355 = arith.constant 11 : i32
      %dma_wait3A_356 = arith.constant 0 : i32
      %dma_wait3A_357 = tpu.memref_slice %arg11[%dma_wait3A_355, %dma_wait3A_356] : memref<13x128xf32, #tpu.memory_space<vmem>> -> memref<1x128xf32, #tpu.memory_space<vmem>>
      %dma_wait3A_358 = tpu.memref_squeeze %dma_wait3A_357 : memref<1x128xf32, #tpu.memory_space<vmem>> -> memref<128xf32, #tpu.memory_space<vmem>>
      %dma_wait3A_359 = arith.constant 0 : i32
      %dma_wait3A_360 = tpu.memref_slice %arg9[%add3A_354, %dma_wait3A_359] : memref<79x128xi32, #tpu.memory_space<vmem>> -> memref<1x128xi32, #tpu.memory_space<vmem>>
      %dma_wait3A_361 = tpu.memref_squeeze %dma_wait3A_360 : memref<1x128xi32, #tpu.memory_space<vmem>> -> memref<128xi32, #tpu.memory_space<vmem>>
      %dma_wait3A_362 = arith.constant 0 : i32
      %dma_wait3A_363 = tpu.memref_slice %arg18[%dma_wait3A_362] : memref<10240xf32, #tpu.memory_space<vmem_shared>> -> memref<10240xf32, #tpu.memory_space<vmem_shared>>
      tpu.wait_indirect_dma semaphore(%arg21 : memref<!tpu.dma_semaphore, #tpu.memory_space<semaphore_mem>>) src(%dma_wait3A_363 : memref<10240xf32, #tpu.memory_space<vmem_shared>>) dst(%dma_wait3A_358 : memref<128xf32, #tpu.memory_space<vmem>>)
      %add3A_364 = arith.constant 12 : i32
      %add3A_365 = arith.addi %add3A_88, %add3A_364 : i32
      %dma_wait3A_366 = arith.constant 12 : i32
      %dma_wait3A_367 = arith.constant 0 : i32
      %dma_wait3A_368 = tpu.memref_slice %arg11[%dma_wait3A_366, %dma_wait3A_367] : memref<13x128xf32, #tpu.memory_space<vmem>> -> memref<1x128xf32, #tpu.memory_space<vmem>>
      %dma_wait3A_369 = tpu.memref_squeeze %dma_wait3A_368 : memref<1x128xf32, #tpu.memory_space<vmem>> -> memref<128xf32, #tpu.memory_space<vmem>>
      %dma_wait3A_370 = arith.constant 0 : i32
      %dma_wait3A_371 = tpu.memref_slice %arg9[%add3A_365, %dma_wait3A_370] : memref<79x128xi32, #tpu.memory_space<vmem>> -> memref<1x128xi32, #tpu.memory_space<vmem>>
      %dma_wait3A_372 = tpu.memref_squeeze %dma_wait3A_371 : memref<1x128xi32, #tpu.memory_space<vmem>> -> memref<128xi32, #tpu.memory_space<vmem>>
      %dma_wait3A_373 = arith.constant 0 : i32
      %dma_wait3A_374 = tpu.memref_slice %arg18[%dma_wait3A_373] : memref<10240xf32, #tpu.memory_space<vmem_shared>> -> memref<10240xf32, #tpu.memory_space<vmem_shared>>
      tpu.wait_indirect_dma semaphore(%arg21 : memref<!tpu.dma_semaphore, #tpu.memory_space<semaphore_mem>>) src(%dma_wait3A_374 : memref<10240xf32, #tpu.memory_space<vmem_shared>>) dst(%dma_wait3A_369 : memref<128xf32, #tpu.memory_space<vmem>>)
      %add3A_375 = arith.constant 0 : i32
      %add3A_376 = arith.addi %add3A_88, %add3A_375 : i32
      %dma_start3A_377 = arith.constant 0 : i32
      %dma_start3A_378 = arith.constant 0 : i32
      %dma_start3A_379 = tpu.memref_slice %arg11[%dma_start3A_377, %dma_start3A_378] : memref<13x128xf32, #tpu.memory_space<vmem>> -> memref<1x128xf32, #tpu.memory_space<vmem>>
      %dma_start3A_380 = tpu.memref_squeeze %dma_start3A_379 : memref<1x128xf32, #tpu.memory_space<vmem>> -> memref<128xf32, #tpu.memory_space<vmem>>
      %dma_start3A_381 = arith.constant 0 : i32
      %dma_start3A_382 = tpu.memref_slice %arg10[%add3A_376, %dma_start3A_381] : memref<79x128xi32, #tpu.memory_space<vmem>> -> memref<1x128xi32, #tpu.memory_space<vmem>>
      %dma_start3A_383 = tpu.memref_squeeze %dma_start3A_382 : memref<1x128xi32, #tpu.memory_space<vmem>> -> memref<128xi32, #tpu.memory_space<vmem>>
      %dma_start3A_384 = arith.constant 0 : i32
      %dma_start3A_385 = tpu.memref_slice %arg19[%dma_start3A_384] : memref<10240xf32, #tpu.memory_space<vmem_shared>> -> memref<10240xf32, #tpu.memory_space<vmem_shared>>
      tpu.enqueue_indirect_dma source(%dma_start3A_380 : memref<128xf32, #tpu.memory_space<vmem>>) target(%dma_start3A_385 : memref<10240xf32, #tpu.memory_space<vmem_shared>>) offsets(%dma_start3A_383 : memref<128xi32, #tpu.memory_space<vmem>>) semaphore(%arg21 : memref<!tpu.dma_semaphore, #tpu.memory_space<semaphore_mem>>) {add = true}
      %add3A_386 = arith.constant 1 : i32
      %add3A_387 = arith.addi %add3A_88, %add3A_386 : i32
      %dma_start3A_388 = arith.constant 1 : i32
      %dma_start3A_389 = arith.constant 0 : i32
      %dma_start3A_390 = tpu.memref_slice %arg11[%dma_start3A_388, %dma_start3A_389] : memref<13x128xf32, #tpu.memory_space<vmem>> -> memref<1x128xf32, #tpu.memory_space<vmem>>
      %dma_start3A_391 = tpu.memref_squeeze %dma_start3A_390 : memref<1x128xf32, #tpu.memory_space<vmem>> -> memref<128xf32, #tpu.memory_space<vmem>>
      %dma_start3A_392 = arith.constant 0 : i32
      %dma_start3A_393 = tpu.memref_slice %arg10[%add3A_387, %dma_start3A_392] : memref<79x128xi32, #tpu.memory_space<vmem>> -> memref<1x128xi32, #tpu.memory_space<vmem>>
      %dma_start3A_394 = tpu.memref_squeeze %dma_start3A_393 : memref<1x128xi32, #tpu.memory_space<vmem>> -> memref<128xi32, #tpu.memory_space<vmem>>
      %dma_start3A_395 = arith.constant 0 : i32
      %dma_start3A_396 = tpu.memref_slice %arg19[%dma_start3A_395] : memref<10240xf32, #tpu.memory_space<vmem_shared>> -> memref<10240xf32, #tpu.memory_space<vmem_shared>>
      tpu.enqueue_indirect_dma source(%dma_start3A_391 : memref<128xf32, #tpu.memory_space<vmem>>) target(%dma_start3A_396 : memref<10240xf32, #tpu.memory_space<vmem_shared>>) offsets(%dma_start3A_394 : memref<128xi32, #tpu.memory_space<vmem>>) semaphore(%arg21 : memref<!tpu.dma_semaphore, #tpu.memory_space<semaphore_mem>>) {add = true}
      %add3A_397 = arith.constant 2 : i32
      %add3A_398 = arith.addi %add3A_88, %add3A_397 : i32
      %dma_start3A_399 = arith.constant 2 : i32
      %dma_start3A_400 = arith.constant 0 : i32
      %dma_start3A_401 = tpu.memref_slice %arg11[%dma_start3A_399, %dma_start3A_400] : memref<13x128xf32, #tpu.memory_space<vmem>> -> memref<1x128xf32, #tpu.memory_space<vmem>>
      %dma_start3A_402 = tpu.memref_squeeze %dma_start3A_401 : memref<1x128xf32, #tpu.memory_space<vmem>> -> memref<128xf32, #tpu.memory_space<vmem>>
      %dma_start3A_403 = arith.constant 0 : i32
      %dma_start3A_404 = tpu.memref_slice %arg10[%add3A_398, %dma_start3A_403] : memref<79x128xi32, #tpu.memory_space<vmem>> -> memref<1x128xi32, #tpu.memory_space<vmem>>
      %dma_start3A_405 = tpu.memref_squeeze %dma_start3A_404 : memref<1x128xi32, #tpu.memory_space<vmem>> -> memref<128xi32, #tpu.memory_space<vmem>>
      %dma_start3A_406 = arith.constant 0 : i32
      %dma_start3A_407 = tpu.memref_slice %arg19[%dma_start3A_406] : memref<10240xf32, #tpu.memory_space<vmem_shared>> -> memref<10240xf32, #tpu.memory_space<vmem_shared>>
      tpu.enqueue_indirect_dma source(%dma_start3A_402 : memref<128xf32, #tpu.memory_space<vmem>>) target(%dma_start3A_407 : memref<10240xf32, #tpu.memory_space<vmem_shared>>) offsets(%dma_start3A_405 : memref<128xi32, #tpu.memory_space<vmem>>) semaphore(%arg21 : memref<!tpu.dma_semaphore, #tpu.memory_space<semaphore_mem>>) {add = true}
      %add3A_408 = arith.constant 3 : i32
      %add3A_409 = arith.addi %add3A_88, %add3A_408 : i32
      %dma_start3A_410 = arith.constant 3 : i32
      %dma_start3A_411 = arith.constant 0 : i32
      %dma_start3A_412 = tpu.memref_slice %arg11[%dma_start3A_410, %dma_start3A_411] : memref<13x128xf32, #tpu.memory_space<vmem>> -> memref<1x128xf32, #tpu.memory_space<vmem>>
      %dma_start3A_413 = tpu.memref_squeeze %dma_start3A_412 : memref<1x128xf32, #tpu.memory_space<vmem>> -> memref<128xf32, #tpu.memory_space<vmem>>
      %dma_start3A_414 = arith.constant 0 : i32
      %dma_start3A_415 = tpu.memref_slice %arg10[%add3A_409, %dma_start3A_414] : memref<79x128xi32, #tpu.memory_space<vmem>> -> memref<1x128xi32, #tpu.memory_space<vmem>>
      %dma_start3A_416 = tpu.memref_squeeze %dma_start3A_415 : memref<1x128xi32, #tpu.memory_space<vmem>> -> memref<128xi32, #tpu.memory_space<vmem>>
      %dma_start3A_417 = arith.constant 0 : i32
      %dma_start3A_418 = tpu.memref_slice %arg19[%dma_start3A_417] : memref<10240xf32, #tpu.memory_space<vmem_shared>> -> memref<10240xf32, #tpu.memory_space<vmem_shared>>
      tpu.enqueue_indirect_dma source(%dma_start3A_413 : memref<128xf32, #tpu.memory_space<vmem>>) target(%dma_start3A_418 : memref<10240xf32, #tpu.memory_space<vmem_shared>>) offsets(%dma_start3A_416 : memref<128xi32, #tpu.memory_space<vmem>>) semaphore(%arg21 : memref<!tpu.dma_semaphore, #tpu.memory_space<semaphore_mem>>) {add = true}
      %add3A_419 = arith.constant 4 : i32
      %add3A_420 = arith.addi %add3A_88, %add3A_419 : i32
      %dma_start3A_421 = arith.constant 4 : i32
      %dma_start3A_422 = arith.constant 0 : i32
      %dma_start3A_423 = tpu.memref_slice %arg11[%dma_start3A_421, %dma_start3A_422] : memref<13x128xf32, #tpu.memory_space<vmem>> -> memref<1x128xf32, #tpu.memory_space<vmem>>
      %dma_start3A_424 = tpu.memref_squeeze %dma_start3A_423 : memref<1x128xf32, #tpu.memory_space<vmem>> -> memref<128xf32, #tpu.memory_space<vmem>>
      %dma_start3A_425 = arith.constant 0 : i32
      %dma_start3A_426 = tpu.memref_slice %arg10[%add3A_420, %dma_start3A_425] : memref<79x128xi32, #tpu.memory_space<vmem>> -> memref<1x128xi32, #tpu.memory_space<vmem>>
      %dma_start3A_427 = tpu.memref_squeeze %dma_start3A_426 : memref<1x128xi32, #tpu.memory_space<vmem>> -> memref<128xi32, #tpu.memory_space<vmem>>
      %dma_start3A_428 = arith.constant 0 : i32
      %dma_start3A_429 = tpu.memref_slice %arg19[%dma_start3A_428] : memref<10240xf32, #tpu.memory_space<vmem_shared>> -> memref<10240xf32, #tpu.memory_space<vmem_shared>>
      tpu.enqueue_indirect_dma source(%dma_start3A_424 : memref<128xf32, #tpu.memory_space<vmem>>) target(%dma_start3A_429 : memref<10240xf32, #tpu.memory_space<vmem_shared>>) offsets(%dma_start3A_427 : memref<128xi32, #tpu.memory_space<vmem>>) semaphore(%arg21 : memref<!tpu.dma_semaphore, #tpu.memory_space<semaphore_mem>>) {add = true}
      %add3A_430 = arith.constant 5 : i32
      %add3A_431 = arith.addi %add3A_88, %add3A_430 : i32
      %dma_start3A_432 = arith.constant 5 : i32
      %dma_start3A_433 = arith.constant 0 : i32
      %dma_start3A_434 = tpu.memref_slice %arg11[%dma_start3A_432, %dma_start3A_433] : memref<13x128xf32, #tpu.memory_space<vmem>> -> memref<1x128xf32, #tpu.memory_space<vmem>>
      %dma_start3A_435 = tpu.memref_squeeze %dma_start3A_434 : memref<1x128xf32, #tpu.memory_space<vmem>> -> memref<128xf32, #tpu.memory_space<vmem>>
      %dma_start3A_436 = arith.constant 0 : i32
      %dma_start3A_437 = tpu.memref_slice %arg10[%add3A_431, %dma_start3A_436] : memref<79x128xi32, #tpu.memory_space<vmem>> -> memref<1x128xi32, #tpu.memory_space<vmem>>
      %dma_start3A_438 = tpu.memref_squeeze %dma_start3A_437 : memref<1x128xi32, #tpu.memory_space<vmem>> -> memref<128xi32, #tpu.memory_space<vmem>>
      %dma_start3A_439 = arith.constant 0 : i32
      %dma_start3A_440 = tpu.memref_slice %arg19[%dma_start3A_439] : memref<10240xf32, #tpu.memory_space<vmem_shared>> -> memref<10240xf32, #tpu.memory_space<vmem_shared>>
      tpu.enqueue_indirect_dma source(%dma_start3A_435 : memref<128xf32, #tpu.memory_space<vmem>>) target(%dma_start3A_440 : memref<10240xf32, #tpu.memory_space<vmem_shared>>) offsets(%dma_start3A_438 : memref<128xi32, #tpu.memory_space<vmem>>) semaphore(%arg21 : memref<!tpu.dma_semaphore, #tpu.memory_space<semaphore_mem>>) {add = true}
      %add3A_441 = arith.constant 6 : i32
      %add3A_442 = arith.addi %add3A_88, %add3A_441 : i32
      %dma_start3A_443 = arith.constant 6 : i32
      %dma_start3A_444 = arith.constant 0 : i32
      %dma_start3A_445 = tpu.memref_slice %arg11[%dma_start3A_443, %dma_start3A_444] : memref<13x128xf32, #tpu.memory_space<vmem>> -> memref<1x128xf32, #tpu.memory_space<vmem>>
      %dma_start3A_446 = tpu.memref_squeeze %dma_start3A_445 : memref<1x128xf32, #tpu.memory_space<vmem>> -> memref<128xf32, #tpu.memory_space<vmem>>
      %dma_start3A_447 = arith.constant 0 : i32
      %dma_start3A_448 = tpu.memref_slice %arg10[%add3A_442, %dma_start3A_447] : memref<79x128xi32, #tpu.memory_space<vmem>> -> memref<1x128xi32, #tpu.memory_space<vmem>>
      %dma_start3A_449 = tpu.memref_squeeze %dma_start3A_448 : memref<1x128xi32, #tpu.memory_space<vmem>> -> memref<128xi32, #tpu.memory_space<vmem>>
      %dma_start3A_450 = arith.constant 0 : i32
      %dma_start3A_451 = tpu.memref_slice %arg19[%dma_start3A_450] : memref<10240xf32, #tpu.memory_space<vmem_shared>> -> memref<10240xf32, #tpu.memory_space<vmem_shared>>
      tpu.enqueue_indirect_dma source(%dma_start3A_446 : memref<128xf32, #tpu.memory_space<vmem>>) target(%dma_start3A_451 : memref<10240xf32, #tpu.memory_space<vmem_shared>>) offsets(%dma_start3A_449 : memref<128xi32, #tpu.memory_space<vmem>>) semaphore(%arg21 : memref<!tpu.dma_semaphore, #tpu.memory_space<semaphore_mem>>) {add = true}
      %add3A_452 = arith.constant 7 : i32
      %add3A_453 = arith.addi %add3A_88, %add3A_452 : i32
      %dma_start3A_454 = arith.constant 7 : i32
      %dma_start3A_455 = arith.constant 0 : i32
      %dma_start3A_456 = tpu.memref_slice %arg11[%dma_start3A_454, %dma_start3A_455] : memref<13x128xf32, #tpu.memory_space<vmem>> -> memref<1x128xf32, #tpu.memory_space<vmem>>
      %dma_start3A_457 = tpu.memref_squeeze %dma_start3A_456 : memref<1x128xf32, #tpu.memory_space<vmem>> -> memref<128xf32, #tpu.memory_space<vmem>>
      %dma_start3A_458 = arith.constant 0 : i32
      %dma_start3A_459 = tpu.memref_slice %arg10[%add3A_453, %dma_start3A_458] : memref<79x128xi32, #tpu.memory_space<vmem>> -> memref<1x128xi32, #tpu.memory_space<vmem>>
      %dma_start3A_460 = tpu.memref_squeeze %dma_start3A_459 : memref<1x128xi32, #tpu.memory_space<vmem>> -> memref<128xi32, #tpu.memory_space<vmem>>
      %dma_start3A_461 = arith.constant 0 : i32
      %dma_start3A_462 = tpu.memref_slice %arg19[%dma_start3A_461] : memref<10240xf32, #tpu.memory_space<vmem_shared>> -> memref<10240xf32, #tpu.memory_space<vmem_shared>>
      tpu.enqueue_indirect_dma source(%dma_start3A_457 : memref<128xf32, #tpu.memory_space<vmem>>) target(%dma_start3A_462 : memref<10240xf32, #tpu.memory_space<vmem_shared>>) offsets(%dma_start3A_460 : memref<128xi32, #tpu.memory_space<vmem>>) semaphore(%arg21 : memref<!tpu.dma_semaphore, #tpu.memory_space<semaphore_mem>>) {add = true}
      %add3A_463 = arith.constant 8 : i32
      %add3A_464 = arith.addi %add3A_88, %add3A_463 : i32
      %dma_start3A_465 = arith.constant 8 : i32
      %dma_start3A_466 = arith.constant 0 : i32
      %dma_start3A_467 = tpu.memref_slice %arg11[%dma_start3A_465, %dma_start3A_466] : memref<13x128xf32, #tpu.memory_space<vmem>> -> memref<1x128xf32, #tpu.memory_space<vmem>>
      %dma_start3A_468 = tpu.memref_squeeze %dma_start3A_467 : memref<1x128xf32, #tpu.memory_space<vmem>> -> memref<128xf32, #tpu.memory_space<vmem>>
      %dma_start3A_469 = arith.constant 0 : i32
      %dma_start3A_470 = tpu.memref_slice %arg10[%add3A_464, %dma_start3A_469] : memref<79x128xi32, #tpu.memory_space<vmem>> -> memref<1x128xi32, #tpu.memory_space<vmem>>
      %dma_start3A_471 = tpu.memref_squeeze %dma_start3A_470 : memref<1x128xi32, #tpu.memory_space<vmem>> -> memref<128xi32, #tpu.memory_space<vmem>>
      %dma_start3A_472 = arith.constant 0 : i32
      %dma_start3A_473 = tpu.memref_slice %arg19[%dma_start3A_472] : memref<10240xf32, #tpu.memory_space<vmem_shared>> -> memref<10240xf32, #tpu.memory_space<vmem_shared>>
      tpu.enqueue_indirect_dma source(%dma_start3A_468 : memref<128xf32, #tpu.memory_space<vmem>>) target(%dma_start3A_473 : memref<10240xf32, #tpu.memory_space<vmem_shared>>) offsets(%dma_start3A_471 : memref<128xi32, #tpu.memory_space<vmem>>) semaphore(%arg21 : memref<!tpu.dma_semaphore, #tpu.memory_space<semaphore_mem>>) {add = true}
      %add3A_474 = arith.constant 9 : i32
      %add3A_475 = arith.addi %add3A_88, %add3A_474 : i32
      %dma_start3A_476 = arith.constant 9 : i32
      %dma_start3A_477 = arith.constant 0 : i32
      %dma_start3A_478 = tpu.memref_slice %arg11[%dma_start3A_476, %dma_start3A_477] : memref<13x128xf32, #tpu.memory_space<vmem>> -> memref<1x128xf32, #tpu.memory_space<vmem>>
      %dma_start3A_479 = tpu.memref_squeeze %dma_start3A_478 : memref<1x128xf32, #tpu.memory_space<vmem>> -> memref<128xf32, #tpu.memory_space<vmem>>
      %dma_start3A_480 = arith.constant 0 : i32
      %dma_start3A_481 = tpu.memref_slice %arg10[%add3A_475, %dma_start3A_480] : memref<79x128xi32, #tpu.memory_space<vmem>> -> memref<1x128xi32, #tpu.memory_space<vmem>>
      %dma_start3A_482 = tpu.memref_squeeze %dma_start3A_481 : memref<1x128xi32, #tpu.memory_space<vmem>> -> memref<128xi32, #tpu.memory_space<vmem>>
      %dma_start3A_483 = arith.constant 0 : i32
      %dma_start3A_484 = tpu.memref_slice %arg19[%dma_start3A_483] : memref<10240xf32, #tpu.memory_space<vmem_shared>> -> memref<10240xf32, #tpu.memory_space<vmem_shared>>
      tpu.enqueue_indirect_dma source(%dma_start3A_479 : memref<128xf32, #tpu.memory_space<vmem>>) target(%dma_start3A_484 : memref<10240xf32, #tpu.memory_space<vmem_shared>>) offsets(%dma_start3A_482 : memref<128xi32, #tpu.memory_space<vmem>>) semaphore(%arg21 : memref<!tpu.dma_semaphore, #tpu.memory_space<semaphore_mem>>) {add = true}
      %add3A_485 = arith.constant 10 : i32
      %add3A_486 = arith.addi %add3A_88, %add3A_485 : i32
      %dma_start3A_487 = arith.constant 10 : i32
      %dma_start3A_488 = arith.constant 0 : i32
      %dma_start3A_489 = tpu.memref_slice %arg11[%dma_start3A_487, %dma_start3A_488] : memref<13x128xf32, #tpu.memory_space<vmem>> -> memref<1x128xf32, #tpu.memory_space<vmem>>
      %dma_start3A_490 = tpu.memref_squeeze %dma_start3A_489 : memref<1x128xf32, #tpu.memory_space<vmem>> -> memref<128xf32, #tpu.memory_space<vmem>>
      %dma_start3A_491 = arith.constant 0 : i32
      %dma_start3A_492 = tpu.memref_slice %arg10[%add3A_486, %dma_start3A_491] : memref<79x128xi32, #tpu.memory_space<vmem>> -> memref<1x128xi32, #tpu.memory_space<vmem>>
      %dma_start3A_493 = tpu.memref_squeeze %dma_start3A_492 : memref<1x128xi32, #tpu.memory_space<vmem>> -> memref<128xi32, #tpu.memory_space<vmem>>
      %dma_start3A_494 = arith.constant 0 : i32
      %dma_start3A_495 = tpu.memref_slice %arg19[%dma_start3A_494] : memref<10240xf32, #tpu.memory_space<vmem_shared>> -> memref<10240xf32, #tpu.memory_space<vmem_shared>>
      tpu.enqueue_indirect_dma source(%dma_start3A_490 : memref<128xf32, #tpu.memory_space<vmem>>) target(%dma_start3A_495 : memref<10240xf32, #tpu.memory_space<vmem_shared>>) offsets(%dma_start3A_493 : memref<128xi32, #tpu.memory_space<vmem>>) semaphore(%arg21 : memref<!tpu.dma_semaphore, #tpu.memory_space<semaphore_mem>>) {add = true}
      %add3A_496 = arith.constant 11 : i32
      %add3A_497 = arith.addi %add3A_88, %add3A_496 : i32
      %dma_start3A_498 = arith.constant 11 : i32
      %dma_start3A_499 = arith.constant 0 : i32
      %dma_start3A_500 = tpu.memref_slice %arg11[%dma_start3A_498, %dma_start3A_499] : memref<13x128xf32, #tpu.memory_space<vmem>> -> memref<1x128xf32, #tpu.memory_space<vmem>>
      %dma_start3A_501 = tpu.memref_squeeze %dma_start3A_500 : memref<1x128xf32, #tpu.memory_space<vmem>> -> memref<128xf32, #tpu.memory_space<vmem>>
      %dma_start3A_502 = arith.constant 0 : i32
      %dma_start3A_503 = tpu.memref_slice %arg10[%add3A_497, %dma_start3A_502] : memref<79x128xi32, #tpu.memory_space<vmem>> -> memref<1x128xi32, #tpu.memory_space<vmem>>
      %dma_start3A_504 = tpu.memref_squeeze %dma_start3A_503 : memref<1x128xi32, #tpu.memory_space<vmem>> -> memref<128xi32, #tpu.memory_space<vmem>>
      %dma_start3A_505 = arith.constant 0 : i32
      %dma_start3A_506 = tpu.memref_slice %arg19[%dma_start3A_505] : memref<10240xf32, #tpu.memory_space<vmem_shared>> -> memref<10240xf32, #tpu.memory_space<vmem_shared>>
      tpu.enqueue_indirect_dma source(%dma_start3A_501 : memref<128xf32, #tpu.memory_space<vmem>>) target(%dma_start3A_506 : memref<10240xf32, #tpu.memory_space<vmem_shared>>) offsets(%dma_start3A_504 : memref<128xi32, #tpu.memory_space<vmem>>) semaphore(%arg21 : memref<!tpu.dma_semaphore, #tpu.memory_space<semaphore_mem>>) {add = true}
      %add3A_507 = arith.constant 12 : i32
      %add3A_508 = arith.addi %add3A_88, %add3A_507 : i32
      %dma_start3A_509 = arith.constant 12 : i32
      %dma_start3A_510 = arith.constant 0 : i32
      %dma_start3A_511 = tpu.memref_slice %arg11[%dma_start3A_509, %dma_start3A_510] : memref<13x128xf32, #tpu.memory_space<vmem>> -> memref<1x128xf32, #tpu.memory_space<vmem>>
      %dma_start3A_512 = tpu.memref_squeeze %dma_start3A_511 : memref<1x128xf32, #tpu.memory_space<vmem>> -> memref<128xf32, #tpu.memory_space<vmem>>
      %dma_start3A_513 = arith.constant 0 : i32
      %dma_start3A_514 = tpu.memref_slice %arg10[%add3A_508, %dma_start3A_513] : memref<79x128xi32, #tpu.memory_space<vmem>> -> memref<1x128xi32, #tpu.memory_space<vmem>>
      %dma_start3A_515 = tpu.memref_squeeze %dma_start3A_514 : memref<1x128xi32, #tpu.memory_space<vmem>> -> memref<128xi32, #tpu.memory_space<vmem>>
      %dma_start3A_516 = arith.constant 0 : i32
      %dma_start3A_517 = tpu.memref_slice %arg19[%dma_start3A_516] : memref<10240xf32, #tpu.memory_space<vmem_shared>> -> memref<10240xf32, #tpu.memory_space<vmem_shared>>
      tpu.enqueue_indirect_dma source(%dma_start3A_512 : memref<128xf32, #tpu.memory_space<vmem>>) target(%dma_start3A_517 : memref<10240xf32, #tpu.memory_space<vmem_shared>>) offsets(%dma_start3A_515 : memref<128xi32, #tpu.memory_space<vmem>>) semaphore(%arg21 : memref<!tpu.dma_semaphore, #tpu.memory_space<semaphore_mem>>) {add = true}
      %add3A_518 = arith.constant 0 : i32
      %add3A_519 = arith.addi %add3A_88, %add3A_518 : i32
      %dma_wait3A_520 = arith.constant 0 : i32
      %dma_wait3A_521 = arith.constant 0 : i32
      %dma_wait3A_522 = tpu.memref_slice %arg11[%dma_wait3A_520, %dma_wait3A_521] : memref<13x128xf32, #tpu.memory_space<vmem>> -> memref<1x128xf32, #tpu.memory_space<vmem>>
      %dma_wait3A_523 = tpu.memref_squeeze %dma_wait3A_522 : memref<1x128xf32, #tpu.memory_space<vmem>> -> memref<128xf32, #tpu.memory_space<vmem>>
      %dma_wait3A_524 = arith.constant 0 : i32
      %dma_wait3A_525 = tpu.memref_slice %arg10[%add3A_519, %dma_wait3A_524] : memref<79x128xi32, #tpu.memory_space<vmem>> -> memref<1x128xi32, #tpu.memory_space<vmem>>
      %dma_wait3A_526 = tpu.memref_squeeze %dma_wait3A_525 : memref<1x128xi32, #tpu.memory_space<vmem>> -> memref<128xi32, #tpu.memory_space<vmem>>
      %dma_wait3A_527 = arith.constant 0 : i32
      %dma_wait3A_528 = tpu.memref_slice %arg19[%dma_wait3A_527] : memref<10240xf32, #tpu.memory_space<vmem_shared>> -> memref<10240xf32, #tpu.memory_space<vmem_shared>>
      tpu.wait_indirect_dma semaphore(%arg21 : memref<!tpu.dma_semaphore, #tpu.memory_space<semaphore_mem>>) src(%dma_wait3A_523 : memref<128xf32, #tpu.memory_space<vmem>>) dst(%dma_wait3A_528 : memref<10240xf32, #tpu.memory_space<vmem_shared>>)
      %add3A_529 = arith.constant 1 : i32
      %add3A_530 = arith.addi %add3A_88, %add3A_529 : i32
      %dma_wait3A_531 = arith.constant 1 : i32
      %dma_wait3A_532 = arith.constant 0 : i32
      %dma_wait3A_533 = tpu.memref_slice %arg11[%dma_wait3A_531, %dma_wait3A_532] : memref<13x128xf32, #tpu.memory_space<vmem>> -> memref<1x128xf32, #tpu.memory_space<vmem>>
      %dma_wait3A_534 = tpu.memref_squeeze %dma_wait3A_533 : memref<1x128xf32, #tpu.memory_space<vmem>> -> memref<128xf32, #tpu.memory_space<vmem>>
      %dma_wait3A_535 = arith.constant 0 : i32
      %dma_wait3A_536 = tpu.memref_slice %arg10[%add3A_530, %dma_wait3A_535] : memref<79x128xi32, #tpu.memory_space<vmem>> -> memref<1x128xi32, #tpu.memory_space<vmem>>
      %dma_wait3A_537 = tpu.memref_squeeze %dma_wait3A_536 : memref<1x128xi32, #tpu.memory_space<vmem>> -> memref<128xi32, #tpu.memory_space<vmem>>
      %dma_wait3A_538 = arith.constant 0 : i32
      %dma_wait3A_539 = tpu.memref_slice %arg19[%dma_wait3A_538] : memref<10240xf32, #tpu.memory_space<vmem_shared>> -> memref<10240xf32, #tpu.memory_space<vmem_shared>>
      tpu.wait_indirect_dma semaphore(%arg21 : memref<!tpu.dma_semaphore, #tpu.memory_space<semaphore_mem>>) src(%dma_wait3A_534 : memref<128xf32, #tpu.memory_space<vmem>>) dst(%dma_wait3A_539 : memref<10240xf32, #tpu.memory_space<vmem_shared>>)
      %add3A_540 = arith.constant 2 : i32
      %add3A_541 = arith.addi %add3A_88, %add3A_540 : i32
      %dma_wait3A_542 = arith.constant 2 : i32
      %dma_wait3A_543 = arith.constant 0 : i32
      %dma_wait3A_544 = tpu.memref_slice %arg11[%dma_wait3A_542, %dma_wait3A_543] : memref<13x128xf32, #tpu.memory_space<vmem>> -> memref<1x128xf32, #tpu.memory_space<vmem>>
      %dma_wait3A_545 = tpu.memref_squeeze %dma_wait3A_544 : memref<1x128xf32, #tpu.memory_space<vmem>> -> memref<128xf32, #tpu.memory_space<vmem>>
      %dma_wait3A_546 = arith.constant 0 : i32
      %dma_wait3A_547 = tpu.memref_slice %arg10[%add3A_541, %dma_wait3A_546] : memref<79x128xi32, #tpu.memory_space<vmem>> -> memref<1x128xi32, #tpu.memory_space<vmem>>
      %dma_wait3A_548 = tpu.memref_squeeze %dma_wait3A_547 : memref<1x128xi32, #tpu.memory_space<vmem>> -> memref<128xi32, #tpu.memory_space<vmem>>
      %dma_wait3A_549 = arith.constant 0 : i32
      %dma_wait3A_550 = tpu.memref_slice %arg19[%dma_wait3A_549] : memref<10240xf32, #tpu.memory_space<vmem_shared>> -> memref<10240xf32, #tpu.memory_space<vmem_shared>>
      tpu.wait_indirect_dma semaphore(%arg21 : memref<!tpu.dma_semaphore, #tpu.memory_space<semaphore_mem>>) src(%dma_wait3A_545 : memref<128xf32, #tpu.memory_space<vmem>>) dst(%dma_wait3A_550 : memref<10240xf32, #tpu.memory_space<vmem_shared>>)
      %add3A_551 = arith.constant 3 : i32
      %add3A_552 = arith.addi %add3A_88, %add3A_551 : i32
      %dma_wait3A_553 = arith.constant 3 : i32
      %dma_wait3A_554 = arith.constant 0 : i32
      %dma_wait3A_555 = tpu.memref_slice %arg11[%dma_wait3A_553, %dma_wait3A_554] : memref<13x128xf32, #tpu.memory_space<vmem>> -> memref<1x128xf32, #tpu.memory_space<vmem>>
      %dma_wait3A_556 = tpu.memref_squeeze %dma_wait3A_555 : memref<1x128xf32, #tpu.memory_space<vmem>> -> memref<128xf32, #tpu.memory_space<vmem>>
      %dma_wait3A_557 = arith.constant 0 : i32
      %dma_wait3A_558 = tpu.memref_slice %arg10[%add3A_552, %dma_wait3A_557] : memref<79x128xi32, #tpu.memory_space<vmem>> -> memref<1x128xi32, #tpu.memory_space<vmem>>
      %dma_wait3A_559 = tpu.memref_squeeze %dma_wait3A_558 : memref<1x128xi32, #tpu.memory_space<vmem>> -> memref<128xi32, #tpu.memory_space<vmem>>
      %dma_wait3A_560 = arith.constant 0 : i32
      %dma_wait3A_561 = tpu.memref_slice %arg19[%dma_wait3A_560] : memref<10240xf32, #tpu.memory_space<vmem_shared>> -> memref<10240xf32, #tpu.memory_space<vmem_shared>>
      tpu.wait_indirect_dma semaphore(%arg21 : memref<!tpu.dma_semaphore, #tpu.memory_space<semaphore_mem>>) src(%dma_wait3A_556 : memref<128xf32, #tpu.memory_space<vmem>>) dst(%dma_wait3A_561 : memref<10240xf32, #tpu.memory_space<vmem_shared>>)
      %add3A_562 = arith.constant 4 : i32
      %add3A_563 = arith.addi %add3A_88, %add3A_562 : i32
      %dma_wait3A_564 = arith.constant 4 : i32
      %dma_wait3A_565 = arith.constant 0 : i32
      %dma_wait3A_566 = tpu.memref_slice %arg11[%dma_wait3A_564, %dma_wait3A_565] : memref<13x128xf32, #tpu.memory_space<vmem>> -> memref<1x128xf32, #tpu.memory_space<vmem>>
      %dma_wait3A_567 = tpu.memref_squeeze %dma_wait3A_566 : memref<1x128xf32, #tpu.memory_space<vmem>> -> memref<128xf32, #tpu.memory_space<vmem>>
      %dma_wait3A_568 = arith.constant 0 : i32
      %dma_wait3A_569 = tpu.memref_slice %arg10[%add3A_563, %dma_wait3A_568] : memref<79x128xi32, #tpu.memory_space<vmem>> -> memref<1x128xi32, #tpu.memory_space<vmem>>
      %dma_wait3A_570 = tpu.memref_squeeze %dma_wait3A_569 : memref<1x128xi32, #tpu.memory_space<vmem>> -> memref<128xi32, #tpu.memory_space<vmem>>
      %dma_wait3A_571 = arith.constant 0 : i32
      %dma_wait3A_572 = tpu.memref_slice %arg19[%dma_wait3A_571] : memref<10240xf32, #tpu.memory_space<vmem_shared>> -> memref<10240xf32, #tpu.memory_space<vmem_shared>>
      tpu.wait_indirect_dma semaphore(%arg21 : memref<!tpu.dma_semaphore, #tpu.memory_space<semaphore_mem>>) src(%dma_wait3A_567 : memref<128xf32, #tpu.memory_space<vmem>>) dst(%dma_wait3A_572 : memref<10240xf32, #tpu.memory_space<vmem_shared>>)
      %add3A_573 = arith.constant 5 : i32
      %add3A_574 = arith.addi %add3A_88, %add3A_573 : i32
      %dma_wait3A_575 = arith.constant 5 : i32
      %dma_wait3A_576 = arith.constant 0 : i32
      %dma_wait3A_577 = tpu.memref_slice %arg11[%dma_wait3A_575, %dma_wait3A_576] : memref<13x128xf32, #tpu.memory_space<vmem>> -> memref<1x128xf32, #tpu.memory_space<vmem>>
      %dma_wait3A_578 = tpu.memref_squeeze %dma_wait3A_577 : memref<1x128xf32, #tpu.memory_space<vmem>> -> memref<128xf32, #tpu.memory_space<vmem>>
      %dma_wait3A_579 = arith.constant 0 : i32
      %dma_wait3A_580 = tpu.memref_slice %arg10[%add3A_574, %dma_wait3A_579] : memref<79x128xi32, #tpu.memory_space<vmem>> -> memref<1x128xi32, #tpu.memory_space<vmem>>
      %dma_wait3A_581 = tpu.memref_squeeze %dma_wait3A_580 : memref<1x128xi32, #tpu.memory_space<vmem>> -> memref<128xi32, #tpu.memory_space<vmem>>
      %dma_wait3A_582 = arith.constant 0 : i32
      %dma_wait3A_583 = tpu.memref_slice %arg19[%dma_wait3A_582] : memref<10240xf32, #tpu.memory_space<vmem_shared>> -> memref<10240xf32, #tpu.memory_space<vmem_shared>>
      tpu.wait_indirect_dma semaphore(%arg21 : memref<!tpu.dma_semaphore, #tpu.memory_space<semaphore_mem>>) src(%dma_wait3A_578 : memref<128xf32, #tpu.memory_space<vmem>>) dst(%dma_wait3A_583 : memref<10240xf32, #tpu.memory_space<vmem_shared>>)
      %add3A_584 = arith.constant 6 : i32
      %add3A_585 = arith.addi %add3A_88, %add3A_584 : i32
      %dma_wait3A_586 = arith.constant 6 : i32
      %dma_wait3A_587 = arith.constant 0 : i32
      %dma_wait3A_588 = tpu.memref_slice %arg11[%dma_wait3A_586, %dma_wait3A_587] : memref<13x128xf32, #tpu.memory_space<vmem>> -> memref<1x128xf32, #tpu.memory_space<vmem>>
      %dma_wait3A_589 = tpu.memref_squeeze %dma_wait3A_588 : memref<1x128xf32, #tpu.memory_space<vmem>> -> memref<128xf32, #tpu.memory_space<vmem>>
      %dma_wait3A_590 = arith.constant 0 : i32
      %dma_wait3A_591 = tpu.memref_slice %arg10[%add3A_585, %dma_wait3A_590] : memref<79x128xi32, #tpu.memory_space<vmem>> -> memref<1x128xi32, #tpu.memory_space<vmem>>
      %dma_wait3A_592 = tpu.memref_squeeze %dma_wait3A_591 : memref<1x128xi32, #tpu.memory_space<vmem>> -> memref<128xi32, #tpu.memory_space<vmem>>
      %dma_wait3A_593 = arith.constant 0 : i32
      %dma_wait3A_594 = tpu.memref_slice %arg19[%dma_wait3A_593] : memref<10240xf32, #tpu.memory_space<vmem_shared>> -> memref<10240xf32, #tpu.memory_space<vmem_shared>>
      tpu.wait_indirect_dma semaphore(%arg21 : memref<!tpu.dma_semaphore, #tpu.memory_space<semaphore_mem>>) src(%dma_wait3A_589 : memref<128xf32, #tpu.memory_space<vmem>>) dst(%dma_wait3A_594 : memref<10240xf32, #tpu.memory_space<vmem_shared>>)
      %add3A_595 = arith.constant 7 : i32
      %add3A_596 = arith.addi %add3A_88, %add3A_595 : i32
      %dma_wait3A_597 = arith.constant 7 : i32
      %dma_wait3A_598 = arith.constant 0 : i32
      %dma_wait3A_599 = tpu.memref_slice %arg11[%dma_wait3A_597, %dma_wait3A_598] : memref<13x128xf32, #tpu.memory_space<vmem>> -> memref<1x128xf32, #tpu.memory_space<vmem>>
      %dma_wait3A_600 = tpu.memref_squeeze %dma_wait3A_599 : memref<1x128xf32, #tpu.memory_space<vmem>> -> memref<128xf32, #tpu.memory_space<vmem>>
      %dma_wait3A_601 = arith.constant 0 : i32
      %dma_wait3A_602 = tpu.memref_slice %arg10[%add3A_596, %dma_wait3A_601] : memref<79x128xi32, #tpu.memory_space<vmem>> -> memref<1x128xi32, #tpu.memory_space<vmem>>
      %dma_wait3A_603 = tpu.memref_squeeze %dma_wait3A_602 : memref<1x128xi32, #tpu.memory_space<vmem>> -> memref<128xi32, #tpu.memory_space<vmem>>
      %dma_wait3A_604 = arith.constant 0 : i32
      %dma_wait3A_605 = tpu.memref_slice %arg19[%dma_wait3A_604] : memref<10240xf32, #tpu.memory_space<vmem_shared>> -> memref<10240xf32, #tpu.memory_space<vmem_shared>>
      tpu.wait_indirect_dma semaphore(%arg21 : memref<!tpu.dma_semaphore, #tpu.memory_space<semaphore_mem>>) src(%dma_wait3A_600 : memref<128xf32, #tpu.memory_space<vmem>>) dst(%dma_wait3A_605 : memref<10240xf32, #tpu.memory_space<vmem_shared>>)
      %add3A_606 = arith.constant 8 : i32
      %add3A_607 = arith.addi %add3A_88, %add3A_606 : i32
      %dma_wait3A_608 = arith.constant 8 : i32
      %dma_wait3A_609 = arith.constant 0 : i32
      %dma_wait3A_610 = tpu.memref_slice %arg11[%dma_wait3A_608, %dma_wait3A_609] : memref<13x128xf32, #tpu.memory_space<vmem>> -> memref<1x128xf32, #tpu.memory_space<vmem>>
      %dma_wait3A_611 = tpu.memref_squeeze %dma_wait3A_610 : memref<1x128xf32, #tpu.memory_space<vmem>> -> memref<128xf32, #tpu.memory_space<vmem>>
      %dma_wait3A_612 = arith.constant 0 : i32
      %dma_wait3A_613 = tpu.memref_slice %arg10[%add3A_607, %dma_wait3A_612] : memref<79x128xi32, #tpu.memory_space<vmem>> -> memref<1x128xi32, #tpu.memory_space<vmem>>
      %dma_wait3A_614 = tpu.memref_squeeze %dma_wait3A_613 : memref<1x128xi32, #tpu.memory_space<vmem>> -> memref<128xi32, #tpu.memory_space<vmem>>
      %dma_wait3A_615 = arith.constant 0 : i32
      %dma_wait3A_616 = tpu.memref_slice %arg19[%dma_wait3A_615] : memref<10240xf32, #tpu.memory_space<vmem_shared>> -> memref<10240xf32, #tpu.memory_space<vmem_shared>>
      tpu.wait_indirect_dma semaphore(%arg21 : memref<!tpu.dma_semaphore, #tpu.memory_space<semaphore_mem>>) src(%dma_wait3A_611 : memref<128xf32, #tpu.memory_space<vmem>>) dst(%dma_wait3A_616 : memref<10240xf32, #tpu.memory_space<vmem_shared>>)
      %add3A_617 = arith.constant 9 : i32
      %add3A_618 = arith.addi %add3A_88, %add3A_617 : i32
      %dma_wait3A_619 = arith.constant 9 : i32
      %dma_wait3A_620 = arith.constant 0 : i32
      %dma_wait3A_621 = tpu.memref_slice %arg11[%dma_wait3A_619, %dma_wait3A_620] : memref<13x128xf32, #tpu.memory_space<vmem>> -> memref<1x128xf32, #tpu.memory_space<vmem>>
      %dma_wait3A_622 = tpu.memref_squeeze %dma_wait3A_621 : memref<1x128xf32, #tpu.memory_space<vmem>> -> memref<128xf32, #tpu.memory_space<vmem>>
      %dma_wait3A_623 = arith.constant 0 : i32
      %dma_wait3A_624 = tpu.memref_slice %arg10[%add3A_618, %dma_wait3A_623] : memref<79x128xi32, #tpu.memory_space<vmem>> -> memref<1x128xi32, #tpu.memory_space<vmem>>
      %dma_wait3A_625 = tpu.memref_squeeze %dma_wait3A_624 : memref<1x128xi32, #tpu.memory_space<vmem>> -> memref<128xi32, #tpu.memory_space<vmem>>
      %dma_wait3A_626 = arith.constant 0 : i32
      %dma_wait3A_627 = tpu.memref_slice %arg19[%dma_wait3A_626] : memref<10240xf32, #tpu.memory_space<vmem_shared>> -> memref<10240xf32, #tpu.memory_space<vmem_shared>>
      tpu.wait_indirect_dma semaphore(%arg21 : memref<!tpu.dma_semaphore, #tpu.memory_space<semaphore_mem>>) src(%dma_wait3A_622 : memref<128xf32, #tpu.memory_space<vmem>>) dst(%dma_wait3A_627 : memref<10240xf32, #tpu.memory_space<vmem_shared>>)
      %add3A_628 = arith.constant 10 : i32
      %add3A_629 = arith.addi %add3A_88, %add3A_628 : i32
      %dma_wait3A_630 = arith.constant 10 : i32
      %dma_wait3A_631 = arith.constant 0 : i32
      %dma_wait3A_632 = tpu.memref_slice %arg11[%dma_wait3A_630, %dma_wait3A_631] : memref<13x128xf32, #tpu.memory_space<vmem>> -> memref<1x128xf32, #tpu.memory_space<vmem>>
      %dma_wait3A_633 = tpu.memref_squeeze %dma_wait3A_632 : memref<1x128xf32, #tpu.memory_space<vmem>> -> memref<128xf32, #tpu.memory_space<vmem>>
      %dma_wait3A_634 = arith.constant 0 : i32
      %dma_wait3A_635 = tpu.memref_slice %arg10[%add3A_629, %dma_wait3A_634] : memref<79x128xi32, #tpu.memory_space<vmem>> -> memref<1x128xi32, #tpu.memory_space<vmem>>
      %dma_wait3A_636 = tpu.memref_squeeze %dma_wait3A_635 : memref<1x128xi32, #tpu.memory_space<vmem>> -> memref<128xi32, #tpu.memory_space<vmem>>
      %dma_wait3A_637 = arith.constant 0 : i32
      %dma_wait3A_638 = tpu.memref_slice %arg19[%dma_wait3A_637] : memref<10240xf32, #tpu.memory_space<vmem_shared>> -> memref<10240xf32, #tpu.memory_space<vmem_shared>>
      tpu.wait_indirect_dma semaphore(%arg21 : memref<!tpu.dma_semaphore, #tpu.memory_space<semaphore_mem>>) src(%dma_wait3A_633 : memref<128xf32, #tpu.memory_space<vmem>>) dst(%dma_wait3A_638 : memref<10240xf32, #tpu.memory_space<vmem_shared>>)
      %add3A_639 = arith.constant 11 : i32
      %add3A_640 = arith.addi %add3A_88, %add3A_639 : i32
      %dma_wait3A_641 = arith.constant 11 : i32
      %dma_wait3A_642 = arith.constant 0 : i32
      %dma_wait3A_643 = tpu.memref_slice %arg11[%dma_wait3A_641, %dma_wait3A_642] : memref<13x128xf32, #tpu.memory_space<vmem>> -> memref<1x128xf32, #tpu.memory_space<vmem>>
      %dma_wait3A_644 = tpu.memref_squeeze %dma_wait3A_643 : memref<1x128xf32, #tpu.memory_space<vmem>> -> memref<128xf32, #tpu.memory_space<vmem>>
      %dma_wait3A_645 = arith.constant 0 : i32
      %dma_wait3A_646 = tpu.memref_slice %arg10[%add3A_640, %dma_wait3A_645] : memref<79x128xi32, #tpu.memory_space<vmem>> -> memref<1x128xi32, #tpu.memory_space<vmem>>
      %dma_wait3A_647 = tpu.memref_squeeze %dma_wait3A_646 : memref<1x128xi32, #tpu.memory_space<vmem>> -> memref<128xi32, #tpu.memory_space<vmem>>
      %dma_wait3A_648 = arith.constant 0 : i32
      %dma_wait3A_649 = tpu.memref_slice %arg19[%dma_wait3A_648] : memref<10240xf32, #tpu.memory_space<vmem_shared>> -> memref<10240xf32, #tpu.memory_space<vmem_shared>>
      tpu.wait_indirect_dma semaphore(%arg21 : memref<!tpu.dma_semaphore, #tpu.memory_space<semaphore_mem>>) src(%dma_wait3A_644 : memref<128xf32, #tpu.memory_space<vmem>>) dst(%dma_wait3A_649 : memref<10240xf32, #tpu.memory_space<vmem_shared>>)
      %add3A_650 = arith.constant 12 : i32
      %add3A_651 = arith.addi %add3A_88, %add3A_650 : i32
      %dma_wait3A_652 = arith.constant 12 : i32
      %dma_wait3A_653 = arith.constant 0 : i32
      %dma_wait3A_654 = tpu.memref_slice %arg11[%dma_wait3A_652, %dma_wait3A_653] : memref<13x128xf32, #tpu.memory_space<vmem>> -> memref<1x128xf32, #tpu.memory_space<vmem>>
      %dma_wait3A_655 = tpu.memref_squeeze %dma_wait3A_654 : memref<1x128xf32, #tpu.memory_space<vmem>> -> memref<128xf32, #tpu.memory_space<vmem>>
      %dma_wait3A_656 = arith.constant 0 : i32
      %dma_wait3A_657 = tpu.memref_slice %arg10[%add3A_651, %dma_wait3A_656] : memref<79x128xi32, #tpu.memory_space<vmem>> -> memref<1x128xi32, #tpu.memory_space<vmem>>
      %dma_wait3A_658 = tpu.memref_squeeze %dma_wait3A_657 : memref<1x128xi32, #tpu.memory_space<vmem>> -> memref<128xi32, #tpu.memory_space<vmem>>
      %dma_wait3A_659 = arith.constant 0 : i32
      %dma_wait3A_660 = tpu.memref_slice %arg19[%dma_wait3A_659] : memref<10240xf32, #tpu.memory_space<vmem_shared>> -> memref<10240xf32, #tpu.memory_space<vmem_shared>>
      tpu.wait_indirect_dma semaphore(%arg21 : memref<!tpu.dma_semaphore, #tpu.memory_space<semaphore_mem>>) src(%dma_wait3A_655 : memref<128xf32, #tpu.memory_space<vmem>>) dst(%dma_wait3A_660 : memref<10240xf32, #tpu.memory_space<vmem_shared>>)
    }
    %scan3A_74 = arith.constant 6 : i32
    %run_scoped3A = arith.constant 78 : i32
    %run_scoped3A_75 = arith.constant 0 : i32
    "tpu.region"() ({
      %run_scoped3A_84 = tpu.sem_alloc : memref<!tpu.dma_semaphore, #tpu.memory_space<semaphore_mem>>
      %dma_start3A_85 = arith.constant 0 : i32
      %dma_start3A_86 = tpu.memref_slice %arg11[%run_scoped3A_75, %dma_start3A_85] : memref<13x128xf32, #tpu.memory_space<vmem>> -> memref<1x128xf32, #tpu.memory_space<vmem>>
      %dma_start3A_87 = tpu.memref_squeeze %dma_start3A_86 : memref<1x128xf32, #tpu.memory_space<vmem>> -> memref<128xf32, #tpu.memory_space<vmem>>
      %dma_start3A_88 = arith.constant 0 : i32
      %dma_start3A_89 = tpu.memref_slice %arg9[%run_scoped3A, %dma_start3A_88] : memref<79x128xi32, #tpu.memory_space<vmem>> -> memref<1x128xi32, #tpu.memory_space<vmem>>
      %dma_start3A_90 = tpu.memref_squeeze %dma_start3A_89 : memref<1x128xi32, #tpu.memory_space<vmem>> -> memref<128xi32, #tpu.memory_space<vmem>>
      %dma_start3A_91 = arith.constant 0 : i32
      %dma_start3A_92 = tpu.memref_slice %arg18[%dma_start3A_91] : memref<10240xf32, #tpu.memory_space<vmem_shared>> -> memref<10240xf32, #tpu.memory_space<vmem_shared>>
      tpu.enqueue_indirect_dma source(%dma_start3A_92 : memref<10240xf32, #tpu.memory_space<vmem_shared>>) target(%dma_start3A_87 : memref<128xf32, #tpu.memory_space<vmem>>) offsets(%dma_start3A_90 : memref<128xi32, #tpu.memory_space<vmem>>) semaphore(%run_scoped3A_84 : memref<!tpu.dma_semaphore, #tpu.memory_space<semaphore_mem>>)
      %dma_wait3A_93 = arith.constant 0 : i32
      %dma_wait3A_94 = tpu.memref_slice %arg11[%run_scoped3A_75, %dma_wait3A_93] : memref<13x128xf32, #tpu.memory_space<vmem>> -> memref<1x128xf32, #tpu.memory_space<vmem>>
      %dma_wait3A_95 = tpu.memref_squeeze %dma_wait3A_94 : memref<1x128xf32, #tpu.memory_space<vmem>> -> memref<128xf32, #tpu.memory_space<vmem>>
      %dma_wait3A_96 = arith.constant 0 : i32
      %dma_wait3A_97 = tpu.memref_slice %arg9[%run_scoped3A, %dma_wait3A_96] : memref<79x128xi32, #tpu.memory_space<vmem>> -> memref<1x128xi32, #tpu.memory_space<vmem>>
      %dma_wait3A_98 = tpu.memref_squeeze %dma_wait3A_97 : memref<1x128xi32, #tpu.memory_space<vmem>> -> memref<128xi32, #tpu.memory_space<vmem>>
      %dma_wait3A_99 = arith.constant 0 : i32
      %dma_wait3A_100 = tpu.memref_slice %arg18[%dma_wait3A_99] : memref<10240xf32, #tpu.memory_space<vmem_shared>> -> memref<10240xf32, #tpu.memory_space<vmem_shared>>
      tpu.wait_indirect_dma semaphore(%run_scoped3A_84 : memref<!tpu.dma_semaphore, #tpu.memory_space<semaphore_mem>>) src(%dma_wait3A_100 : memref<10240xf32, #tpu.memory_space<vmem_shared>>) dst(%dma_wait3A_95 : memref<128xf32, #tpu.memory_space<vmem>>)
      tpu.yield
    }) : () -> ()
    %run_scoped3A_76 = arith.constant 0 : i32
    %run_scoped3A_77 = arith.constant 78 : i32
    "tpu.region"() ({
      %run_scoped3A_84 = tpu.sem_alloc : memref<!tpu.dma_semaphore, #tpu.memory_space<semaphore_mem>>
      %dma_start3A_85 = arith.constant 0 : i32
      %dma_start3A_86 = tpu.memref_slice %arg11[%run_scoped3A_76, %dma_start3A_85] : memref<13x128xf32, #tpu.memory_space<vmem>> -> memref<1x128xf32, #tpu.memory_space<vmem>>
      %dma_start3A_87 = tpu.memref_squeeze %dma_start3A_86 : memref<1x128xf32, #tpu.memory_space<vmem>> -> memref<128xf32, #tpu.memory_space<vmem>>
      %dma_start3A_88 = arith.constant 0 : i32
      %dma_start3A_89 = tpu.memref_slice %arg10[%run_scoped3A_77, %dma_start3A_88] : memref<79x128xi32, #tpu.memory_space<vmem>> -> memref<1x128xi32, #tpu.memory_space<vmem>>
      %dma_start3A_90 = tpu.memref_squeeze %dma_start3A_89 : memref<1x128xi32, #tpu.memory_space<vmem>> -> memref<128xi32, #tpu.memory_space<vmem>>
      %dma_start3A_91 = arith.constant 0 : i32
      %dma_start3A_92 = tpu.memref_slice %arg19[%dma_start3A_91] : memref<10240xf32, #tpu.memory_space<vmem_shared>> -> memref<10240xf32, #tpu.memory_space<vmem_shared>>
      tpu.enqueue_indirect_dma source(%dma_start3A_87 : memref<128xf32, #tpu.memory_space<vmem>>) target(%dma_start3A_92 : memref<10240xf32, #tpu.memory_space<vmem_shared>>) offsets(%dma_start3A_90 : memref<128xi32, #tpu.memory_space<vmem>>) semaphore(%run_scoped3A_84 : memref<!tpu.dma_semaphore, #tpu.memory_space<semaphore_mem>>) {add = true}
      %dma_wait3A_93 = arith.constant 0 : i32
      %dma_wait3A_94 = tpu.memref_slice %arg11[%run_scoped3A_76, %dma_wait3A_93] : memref<13x128xf32, #tpu.memory_space<vmem>> -> memref<1x128xf32, #tpu.memory_space<vmem>>
      %dma_wait3A_95 = tpu.memref_squeeze %dma_wait3A_94 : memref<1x128xf32, #tpu.memory_space<vmem>> -> memref<128xf32, #tpu.memory_space<vmem>>
      %dma_wait3A_96 = arith.constant 0 : i32
      %dma_wait3A_97 = tpu.memref_slice %arg10[%run_scoped3A_77, %dma_wait3A_96] : memref<79x128xi32, #tpu.memory_space<vmem>> -> memref<1x128xi32, #tpu.memory_space<vmem>>
      %dma_wait3A_98 = tpu.memref_squeeze %dma_wait3A_97 : memref<1x128xi32, #tpu.memory_space<vmem>> -> memref<128xi32, #tpu.memory_space<vmem>>
      %dma_wait3A_99 = arith.constant 0 : i32
      %dma_wait3A_100 = tpu.memref_slice %arg19[%dma_wait3A_99] : memref<10240xf32, #tpu.memory_space<vmem_shared>> -> memref<10240xf32, #tpu.memory_space<vmem_shared>>
      tpu.wait_indirect_dma semaphore(%run_scoped3A_84 : memref<!tpu.dma_semaphore, #tpu.memory_space<semaphore_mem>>) src(%dma_wait3A_95 : memref<128xf32, #tpu.memory_space<vmem>>) dst(%dma_wait3A_100 : memref<10240xf32, #tpu.memory_space<vmem_shared>>)
      tpu.yield
    }) : () -> ()
    %barrier3A_78 = arith.constant 0 : index
    tpu.barrier barrier_id(%barrier3A_78)
    %eq3A_79 = arith.constant 0 : i32
    %eq3A_80 = arith.cmpi eq, %arg1, %eq3A_79 : i32
    %convert_element_type3A_81 = arith.extui %eq3A_80 : i1 to i32
    %cond3A_82 = arith.constant 0 : i32
    %cond3A_83 = arith.cmpi ne, %convert_element_type3A_81, %cond3A_82 : i32
    scf.if %cond3A_83 {
      "tpu.region"() ({
        %run_scoped3A_84 = tpu.sem_alloc : memref<!tpu.dma_semaphore, #tpu.memory_space<semaphore_mem>>
        %dma_start3A_85 = arith.constant 0 : i32
        %dma_start3A_86 = tpu.memref_slice %arg6[%arg0, %dma_start3A_85] : memref<2x10240xf32, #tpu.memory_space<hbm>> -> memref<1x10240xf32, #tpu.memory_space<hbm>>
        %dma_start3A_87 = tpu.memref_squeeze %dma_start3A_86 : memref<1x10240xf32, #tpu.memory_space<hbm>> -> memref<10240xf32, #tpu.memory_space<hbm>>
        tpu.enqueue_dma source(%arg19 : memref<10240xf32, #tpu.memory_space<vmem_shared>>) target(%dma_start3A_87 : memref<10240xf32, #tpu.memory_space<hbm>>) target_semaphore(%run_scoped3A_84 : memref<!tpu.dma_semaphore, #tpu.memory_space<semaphore_mem>>)
        %dma_wait3A_88 = arith.constant 0 : i32
        %dma_wait3A_89 = tpu.memref_slice %arg6[%arg0, %dma_wait3A_88] : memref<2x10240xf32, #tpu.memory_space<hbm>> -> memref<1x10240xf32, #tpu.memory_space<hbm>>
        %dma_wait3A_90 = tpu.memref_squeeze %dma_wait3A_89 : memref<1x10240xf32, #tpu.memory_space<hbm>> -> memref<10240xf32, #tpu.memory_space<hbm>>
        tpu.wait_dma2 semaphore(%run_scoped3A_84 : memref<!tpu.dma_semaphore, #tpu.memory_space<semaphore_mem>>) src(%arg19 : memref<10240xf32, #tpu.memory_space<vmem_shared>>) dst(%dma_wait3A_90 : memref<10240xf32, #tpu.memory_space<hbm>>)
        tpu.yield
      }) : () -> ()
    } else {
    }
    return
  }
}

module attributes {stable_mosaic.version = 14 : i64} {
  func.func @_tc_final_body(%arg0: memref<2x1x10240xf32, #tpu.memory_space<vmem>>, %arg1: memref<1x10240xf32, #tpu.memory_space<vmem>>, %arg2: memref<1x10240xf32, #tpu.memory_space<vmem>>, %arg3: memref<1x10240xf32, #tpu.memory_space<vmem>>, %arg4: memref<10000x128xf32, #tpu.memory_space<vmem>>, %arg5: memref<128x128xf32, #tpu.memory_space<vmem>>, %arg6: memref<1x128xf32, #tpu.memory_space<vmem>>, %arg7: memref<128x128xf32, #tpu.memory_space<vmem>>, %arg8: memref<1x128xf32, #tpu.memory_space<vmem>>, %arg9: memref<1x128xf32, #tpu.memory_space<vmem>>) attributes {dimension_semantics = [], scalar_prefetch = 0 : i64, scratch_operands = 0 : i64, tpu.core_type = #tpu.core_type<tc>} {
    %get3A = arith.constant 0 : index
    %get3A_0 = arith.constant 0 : index
    %get3A_1 = arith.constant 0 : index
    %get3A_2 = vector.load %arg0[%get3A, %get3A_0, %get3A_1] : memref<2x1x10240xf32, #tpu.memory_space<vmem>>, vector<2x1x10240xf32>
    %get3A_3 = arith.constant 0 : index
    %get3A_4 = arith.constant 0 : index
    %get3A_5 = vector.load %arg1[%get3A_3, %get3A_4] : memref<1x10240xf32, #tpu.memory_space<vmem>>, vector<1x10240xf32>
    %slice3A = vector.extract_strided_slice %get3A_2 {offsets = [0, 0, 0], sizes = [1, 1, 10240], strides = [1, 1, 1]} : vector<2x1x10240xf32> to vector<1x1x10240xf32>
    %squeeze3A = vector.shape_cast %slice3A : vector<1x1x10240xf32> to vector<1x10240xf32>
    %slice3A_6 = vector.extract_strided_slice %get3A_2 {offsets = [1, 0, 0], sizes = [1, 1, 10240], strides = [1, 1, 1]} : vector<2x1x10240xf32> to vector<1x1x10240xf32>
    %squeeze3A_7 = vector.shape_cast %slice3A_6 : vector<1x1x10240xf32> to vector<1x10240xf32>
    %add3A = arith.addf %squeeze3A, %squeeze3A_7 : vector<1x10240xf32>
    %get3A_8 = arith.constant 0 : index
    %get3A_9 = arith.constant 0 : index
    %get3A_10 = vector.load %arg2[%get3A_8, %get3A_9] : memref<1x10240xf32, #tpu.memory_space<vmem>>, vector<1x10240xf32>
    %add3A_11 = arith.addf %add3A, %get3A_10 : vector<1x10240xf32>
    %mul3A = arith.mulf %get3A_5, %add3A_11 : vector<1x10240xf32>
    %slice3A_12 = vector.extract_strided_slice %mul3A {offsets = [0, 0], sizes = [1, 10000], strides = [1, 1]} : vector<1x10240xf32> to vector<1x10000xf32>
    %get3A_13 = arith.constant 0 : index
    %get3A_14 = arith.constant 0 : index
    %get3A_15 = vector.load %arg4[%get3A_13, %get3A_14] : memref<10000x128xf32, #tpu.memory_space<vmem>>, vector<10000x128xf32>
    %dot_general3A = arith.constant dense<0.000000e+00> : vector<1x128xf32>
    %dot_general3A_16 = tpu.matmul %slice3A_12, %get3A_15, %dot_general3A {dimension_numbers = #tpu.dot_dimension_numbers<[1], [0], [0], [1], [0, 0, 1, 1], [], []>, transpose_lhs_hint = false} : vector<1x10000xf32>, vector<10000x128xf32>, vector<1x128xf32> -> vector<1x128xf32>
    %get3A_17 = arith.constant 0 : index
    %get3A_18 = arith.constant 0 : index
    %get3A_19 = vector.load %arg3[%get3A_17, %get3A_18] : memref<1x10240xf32, #tpu.memory_space<vmem>>, vector<1x10240xf32>
    %reduce_sum3A = vector.shape_cast %get3A_19 : vector<1x10240xf32> to vector<1x1x10240xf32>
    %reduce_sum3A_20 = arith.constant dense<0.000000e+00> : vector<1xf32>
    %reduce_sum3A_21 = vector.multi_reduction <add>, %reduce_sum3A, %reduce_sum3A_20 [1, 2] : vector<1x1x10240xf32> to vector<1xf32>
    %reduce_sum3A_22 = vector.shape_cast %reduce_sum3A_21 : vector<1xf32> to vector<1x1x1xf32>
    %reduce_sum3A_23 = vector.extract %reduce_sum3A_22[0, 0, 0] : f32 from vector<1x1x1xf32>
    %get3A_24 = arith.constant 0 : index
    %get3A_25 = arith.constant 0 : index
    %get3A_26 = vector.load %arg5[%get3A_24, %get3A_25] : memref<128x128xf32, #tpu.memory_space<vmem>>, vector<128x128xf32>
    %dot_general3A_27 = arith.constant dense<0.000000e+00> : vector<1x128xf32>
    %dot_general3A_28 = tpu.matmul %dot_general3A_16, %get3A_26, %dot_general3A_27 {dimension_numbers = #tpu.dot_dimension_numbers<[1], [0], [0], [1], [0, 0, 1, 1], [], []>, transpose_lhs_hint = false} : vector<1x128xf32>, vector<128x128xf32>, vector<1x128xf32> -> vector<1x128xf32>
    %get3A_29 = arith.constant 0 : index
    %get3A_30 = arith.constant 0 : index
    %get3A_31 = vector.load %arg6[%get3A_29, %get3A_30] : memref<1x128xf32, #tpu.memory_space<vmem>>, vector<1x128xf32>
    %mul3A_32 = vector.broadcast %reduce_sum3A_23 : f32 to vector<1x128xf32>
    %mul3A_33 = arith.mulf %mul3A_32, %get3A_31 : vector<1x128xf32>
    %add3A_34 = arith.addf %dot_general3A_28, %mul3A_33 : vector<1x128xf32>
    %get3A_35 = arith.constant 0 : index
    %get3A_36 = arith.constant 0 : index
    %get3A_37 = vector.load %arg7[%get3A_35, %get3A_36] : memref<128x128xf32, #tpu.memory_space<vmem>>, vector<128x128xf32>
    %dot_general3A_38 = arith.constant dense<0.000000e+00> : vector<1x128xf32>
    %dot_general3A_39 = tpu.matmul %add3A_34, %get3A_37, %dot_general3A_38 {dimension_numbers = #tpu.dot_dimension_numbers<[1], [0], [0], [1], [0, 0, 1, 1], [], []>, transpose_lhs_hint = false} : vector<1x128xf32>, vector<128x128xf32>, vector<1x128xf32> -> vector<1x128xf32>
    %sqrt3A = arith.constant 1.000000e+04 : f32
    %sqrt3A_40 = math.sqrt %sqrt3A : f32
    %div3A = vector.broadcast %sqrt3A_40 : f32 to vector<1x128xf32>
    %div3A_41 = arith.divf %dot_general3A_39, %div3A : vector<1x128xf32>
    %get3A_42 = arith.constant 0 : index
    %get3A_43 = arith.constant 0 : index
    %get3A_44 = vector.load %arg8[%get3A_42, %get3A_43] : memref<1x128xf32, #tpu.memory_space<vmem>>, vector<1x128xf32>
    %mul3A_45 = vector.broadcast %sqrt3A_40 : f32 to vector<1x128xf32>
    %mul3A_46 = arith.mulf %mul3A_45, %get3A_44 : vector<1x128xf32>
    %add3A_47 = arith.addf %div3A_41, %mul3A_46 : vector<1x128xf32>
    %swap3A = arith.constant 0 : index
    %swap3A_48 = arith.constant 0 : index
    %swap3A_49 = vector.load %arg9[%swap3A, %swap3A_48] : memref<1x128xf32, #tpu.memory_space<vmem>>, vector<1x128xf32>
    tpu.vector_store %arg9[%swap3A, %swap3A_48], %add3A_47 {strides = array<i32>} : memref<1x128xf32, #tpu.memory_space<vmem>>, vector<1x128xf32>,
    return
  }
}

</mosaic_0001>

<sc_bundles>
// kernel: kernel.12.cloned.1.call-start
scs
__scs_entry_jumppad:
0x0: {  	(pc) =	sbr.rel $0x88, $3  }
0x1: {  	(tag) =	ssettag $0x0;
	lr =	simm.s32 $0x1  }
0x2: {  	[smem:$0x3F9B] =	sst lr;
	_ =	strace $0xD0000000  }
0x3: {  	_ = 	snop  }
0x4: {  	_ = 	snop  }
0x5: {  	_ = 	snop  }
0x6: {  	_ = 	snop  }
0x7: {  	_ = 	snop  }
__scs_overlays_trampoline_lowered:
0x8: {  	[smem:$0x3FAA] =	sst s0  }
0x9: {  	[smem:$0x3FAB] =	sst s1  }
0xa: {  	[smem:$0x3FAC] =	sst s2  }
0xb: {  	[smem:$0x3FAD] =	sst s3  }
0xc: {  	[smem:$0x3FAE] =	sst s4  }
0xd: {  	[smem:$0x3FAF] =	sst s5  }
0xe: {  	[smem:$0x3FB0] =	sst s6  }
0xf: {  	[smem:$0x3FB1] =	sst s7  }
0x10: {  	[smem:$0x3FB2] =	sst s8  }
0x11: {  	[smem:$0x3FB3] =	sst s9;
	s0 =	simm.s32 @!p0 $0x0  }
0x12: {  	s1 =	sld [smem:$0x3F99];
	s0 =	simm.s32 @p0 $0x1  }
0x13: {  	[smem:$0x3FB4] =	sst s0;
	s0 =	simm.s32 @!p1 $0x0  }
0x14: {  	s2 =	sld [smem:$0x3F98];
	s0 =	simm.s32 @p1 $0x1  }
0x15: {  	[smem:$0x3FB5] =	sst s0;
	s0 =	simm.s32 @!p2 $0x0  }
0x16: {  	s3 =	sld [smem:$0x3FDB];
	s0 =	simm.s32 @p2 $0x1  }
0x17: {  	s4 =	simm.s32 $0x1BF5;
	[smem:$0x3FB7] =	sst s0  }
0x18: {  	s0 =	sld [smem:$0x3F9A];
	_ =	swait.ge [sflag:s4], $0x0  }
0x19: {  	s7 =	sld [smem:$0x3F9B]  }
0x1a: {  	s8 =	sadd.s32 $0xFFFFE003, lr  }
0x1b: {  	s9 =	sadd.s32 $0xFFFFFEF7, lr;
	s5 =	simm.s32 $0xFFFFFFFF;
	p2 =	slt.u32 s8, $0xFFFFF086  }
0x1c: {  	p1 =	slt.u32 s9, $0xF7A;
	s5 =	simm.s32 @!p2 $0x0  }
0x1d: {  	s5 =	simm.s32 @p1 $0x1;
	p0 =	seq.s32 s7, s2  }
0x1e: {  	s7 =	smul.u32 @!p0 $0xF7A, s2;
	p2 =	seq.s32 @!p0 s5, $0x0  }
0x1f: {  	s9 =	smul.u32 $0xF7A, s1;
	s8 =	simm.s32 @!p0 $0x1BF5;
	p2 =	por !p2, p0  }
0x20: {  	[sflag:s8] =	ssyncset.s32 @!p0 $0xFFFFF086;
	s6 =	sadd.s32 @!p0 s3, s7;
	s7 =	simm.s32 @!p0 $0x108  }
0x21: {  	s3 =	sadd.s32 s3, s9;
	s6 =	sadd.s32 @!p0 $0x88, s6;
	s7 =	simm.s32 @p2 $0x1082  }
0x22: {  	[simem:s7], [sflag:s8] =	dma.local @!p0 [hbm:s6], $0xF7A  }
0x23: {  	s9 =	sor.u32 $0xD0000000, s2;
	s6 =	simm.s32 $0x108;
	_ =	swait.ge @!p0 [sflag:s8], $0x0  }
0x24: {  	s3 =	sadd.s32 $0x88, s3;
	s6 =	simm.s32 @!p1 $0x1082;
	[sflag:s4] =	ssyncset.s32 $0xFFFFF086  }
0x25: {  	[simem:s6], [sflag:s4] =	dma.local [hbm:s3], $0xF7A  }
0x26: {  	[smem:$0x3F9B] =	sst s1;
	(tag) =	ssettag s2;
	_ =	strace s9  }
0x27: {  	s1 =	sld [smem:$0x3FAB]  }
0x28: {  	s2 =	sld [smem:$0x3FAC]  }
0x29: {  	s4 =	sld [smem:$0x3FAE]  }
0x2a: {  	p0 =	seq.s32 s5, $0x0;
	s5 =	sld [smem:$0x3FAF]  }
0x2b: {  	s6 =	sld [smem:$0x3FB0]  }
0x2c: {  	s7 =	sld [smem:$0x3FB1]  }
0x2d: {  	s3 =	simm.s32 $0x108;
	s8 =	sld [smem:$0x3FB2]  }
0x2e: {  	s3 =	simm.s32 @!p0 $0x1082;
	s9 =	sld [smem:$0x3FB3]  }
0x2f: {  	lr =	sadd.s32 s0, s3;
	s0 =	sld [smem:$0x3FAA]  }
0x30: {  	s3 =	sld [smem:$0x3FAD]  }
0x31: {  	[smem:$0x3FB6] =	sst s10  }
0x32: {  	s10 =	sld [smem:$0x3FB4];
	_ =	sdelay $0x3  }
0x33: {  	p0 =	seq.s32 s10, $0x1;
	s10 =	sld [smem:$0x3FB6];
	_ =	sdelay $0x3  }
0x34: {  	[smem:$0x3FB6] =	sst s10  }
0x35: {  	s10 =	sld [smem:$0x3FB5];
	_ =	sdelay $0x3  }
0x36: {  	p1 =	seq.s32 s10, $0x1;
	s10 =	sld [smem:$0x3FB6];
	_ =	sdelay $0x3  }
0x37: {  	[smem:$0x3FB6] =	sst s10  }
0x38: {  	s10 =	sld [smem:$0x3FB7]  }
0x39: {  	_ = 	snop;
	(pc) =	sbr.ind lr, $3  }
0x3a: {  	_ = 	snop  }
0x3b: {  	_ = 	snop  }
0x3c: {  	p2 =	seq.s32 s10, $0x1;
	s10 =	sld [smem:$0x3FB6]  }
0x3d: {  	_ =	shalt  }
0x3e: {  	_ =	shalt  }
0x3f: {  	_ =	shalt  }
0x40: {  	_ =	shalt  }
0x41: {  	_ =	shalt  }
0x42: {  	_ =	shalt  }
0x43: {  	_ =	shalt  }
0x44: {  	_ =	shalt  }
0x45: {  	_ =	shalt  }
0x46: {  	_ =	shalt  }
0x47: {  	_ =	shalt  }
0x48: {  	_ =	shalt  }
0x49: {  	_ =	shalt  }
0x4a: {  	_ =	shalt  }
0x4b: {  	_ =	shalt  }
0x4c: {  	_ =	shalt  }
0x4d: {  	_ =	shalt  }
0x4e: {  	_ =	shalt  }
0x4f: {  	_ =	shalt  }
0x50: {  	_ =	shalt  }
0x51: {  	_ =	shalt  }
0x52: {  	_ =	shalt  }
0x53: {  	_ =	shalt  }
0x54: {  	_ =	shalt  }
0x55: {  	_ =	shalt  }
0x56: {  	_ =	shalt  }
0x57: {  	_ =	shalt  }
0x58: {  	_ =	shalt  }
0x59: {  	_ =	shalt  }
0x5a: {  	_ =	shalt  }
0x5b: {  	_ =	shalt  }
0x5c: {  	_ =	shalt  }
0x5d: {  	_ =	shalt  }
0x5e: {  	_ =	shalt  }
0x5f: {  	_ =	shalt  }
0x60: {  	_ =	shalt  }
0x61: {  	_ =	shalt  }
0x62: {  	_ =	shalt  }
0x63: {  	_ =	shalt  }
0x64: {  	_ =	shalt  }
0x65: {  	_ =	shalt  }
0x66: {  	_ =	shalt  }
0x67: {  	_ =	shalt  }
0x68: {  	_ =	shalt  }
0x69: {  	_ =	shalt  }
0x6a: {  	_ =	shalt  }
0x6b: {  	_ =	shalt  }
0x6c: {  	_ =	shalt  }
0x6d: {  	_ =	shalt  }
0x6e: {  	_ =	shalt  }
0x6f: {  	_ =	shalt  }
0x70: {  	_ =	shalt  }
0x71: {  	_ =	shalt  }
0x72: {  	_ =	shalt  }
0x73: {  	_ =	shalt  }
0x74: {  	_ =	shalt  }
0x75: {  	_ =	shalt  }
0x76: {  	_ =	shalt  }
0x77: {  	_ =	shalt  }
0x78: {  	_ =	shalt  }
0x79: {  	_ =	shalt  }
0x7a: {  	_ =	shalt  }
0x7b: {  	_ =	shalt  }
0x7c: {  	_ =	shalt  }
0x7d: {  	_ =	shalt  }
0x7e: {  	_ =	shalt  }
0x7f: {  	_ =	shalt  }
0x80: {  	_ =	shalt  }
0x81: {  	_ =	shalt  }
0x82: {  	_ =	shalt  }
0x83: {  	_ =	shalt  }
0x84: {  	_ =	shalt  }
0x85: {  	_ =	shalt  }
0x86: {  	_ =	shalt  }
0x87: {  	_ =	shalt  }
.Lfunc_end0:
.L_simem_size_0:
called_computation.2_lowered:
.L_overlay_start_0:
0x88: {  	s2 =	sld [smem:$0x3FD9]  }
0x89: {  	s3 =	sld [smem:$0x3FFE];
	_ =	sdelay $0x1  }
0x8a: {  	s1 =	srdreg.scid  }
0x8b: {  	s0 =	sand.u32 $0x1, s1  }
0x8c: {  	s16 =	sshll.u32 s0, $0xA;
	s2 =	sadd.s32 s3, s2  }
0x8d: {  	s2 =	sadd.s32 s2, s16  }
0x8e: {  	[smem:$0x3FC2] =	sst s2  }
0x8f: {  	_ = 	snop  }
0x90: {  	(tm) =	ssettm $0x1  }
0x91: {  	s17 =	sld [smem:$0x3FFB];
	_ =	sdelay $0x3  }
0x92: {  	_ =	strace s17  }
0x93: {  	s2 =	sld [smem:$0x3FFC];
	_ =	sdelay $0x3  }
0x94: {  	_ =	strace s2  }
0x95: {  	s2 =	sld [smem:$0x3FFD];
	_ =	sdelay $0x3  }
0x96: {  	_ =	strace s2  }
0x97: {  	_ =	strace $0x8FFFFFFF  }
0x98: {  	s18 =	sld [smem:$0x3FDB];
	_ =	sdelay $0x1  }
0x99: {  	s19 =	simm.s32 $_scs_section_size  }
0x9a: {  	s4 =	simm.s32 $_size__tile_overlayer_lowered;
	s5 =	simm.s32 $_tile_overlayer_lowered  }
0x9b: {  	s22 =	simm.s32 $0x1BFF;
	s21 =	sshll.u32 s5, $0x1;
	s2 =	sadd.s32 s19, s18  }
0x9c: {  	s6 =	simm.s32 $0x0;
	s20 =	sshll.u32 s4, $0x1;
	s4 =	sadd.s32 s21, s2  }
0x9d: {  	[timem:s6], [sflag:s22] =	dma.local [hbm:s4], s20  }
0x9e: {  	_ =	swait.ge [sflag:s22], s20  }
0x9f: {  	s3 =	ssub.s32 $0x0, s20;
	[sflag:s22] =	ssyncset.done $0x0  }
0xa0: {  	[sflag:s22] =	ssyncadd.s32 s3;
	_ =	sdelay $0x1  }
0xa1: {  	s23 =	simm.s32 $0x1B8B  }
0xa2: {  	_ =	swait.ge [sflag:s23], $0x1  }
0xa3: {  	[sflag:s23] =	ssyncset.done $0x0  }
0xa4: {  	s25 =	simm.s32 $0x1B8E;
	s24 =	sld [smem:$0x3FFE];
	[sflag:s23] =	ssyncadd.s32 $0xFFFFFFFF  }
0xa5: {  	s26 =	simm.s32 $execute0_lowered;
	[smem:$0x3FD2] =	sst s25  }
0xa6: {  	s4 =	sshll.u32 s26, $0x1;
	_ =	strace $0x8000004C;
	[dreg:$0x1] =	wrdreg $0xFFFFFFFF  }
0xa7: {  	s28 =	simm.s32 $_size_execute0_lowered;
	s2 =	sadd.s32 s2, s4;
	[dreg:$0x0] =	wrdreg $0x0  }
0xa8: {  	s4 =	sshll.u32 s28, $0x1;
	[dreg:$0x2] =	wrdreg s2  }
0xa9: {  	[dreg:$0x3] =	wrdreg s4  }
0xaa: {  	[dreg:$0x4] =	wrdreg $0xC0  }
0xab: {  	_ =	task [dreg:s6], $0x5FFFF  }
0xac: {  	[dreg:$0x1] =	wrdreg $0xFFFFFFFF  }
0xad: {  	[dreg:$0x0] =	wrdreg $0x60  }
0xae: {  	[dreg:$0x2] =	wrdreg s24  }
0xaf: {  	[dreg:$0x3] =	wrdreg $0x69800  }
0xb0: {  	[dreg:$0x4] =	wrdreg $0x67000  }
0xb1: {  	[dreg:$0x5] =	wrdreg $0x9  }
0xb2: {  	_ =	task.clear_ibuf [dreg:s6], $0x6FFFF;
	_ =	strace $0x9000004C  }
0xb3: {  	s29 =	simm.s32 $0x9;
	_ =	strace $0x8000004E  }
0xb4: {  	_ =	swait.ge [sflag:s29], $0x1  }
0xb5: {  	[sflag:s29] =	ssyncadd.s32 $0xFFFFFFFF  }
0xb6: {  	_ =	strace $0x9000004E  }
0xb7: {  	_ =	sfence  }
0xb8: {  	s30 =	sld [smem:$0x0];
	_ =	sdelay $0x2  }
0xb9: {  	s31 =	sshll.u32 s1, $0xD;
	s1 =	sshrl.u32 s1, $0x2  }
0xba: {  	s3 =	sand.u32 $0x4000, s31;
	s1 =	sadd.s32 s1, s30  }
0xbb: {  	s0 =	sor.u32 s3, s0;
	s1 =	sshll.u32 s1, $0x11  }
0xbc: {  	s0 =	sor.u32 s1, s0  }
0xbd: {  	s0 =	sadd.s32 $0x8F2B, s0  }
0xbe: {  	[sflag:s0] =	ssyncadd.remote.s32 $0x1  }
0xbf: {  	_ =	sfence.sel $0xFFFF  }
0xc0: {  	[dreg:$0x0] =	wrdreg $0xFFFFFFFF;
	(pc) =	sbr.abs _section_cstart, $3  }
0xc1: {  	[dreg:$0x1] =	wrdreg $0xFFFFFFFF  }
0xc2: {  	_ =	task.clear_ibuf [dreg:s6], $0x2FFFF;
	_ =	strace $0x9FFFFFFF  }
0xc3: {  	(tm) =	ssettm $0x7FFFFFFF  }
tec
execute0_lowered:
.L_overlay_start_1:
0x0: {  	(tag) =	ssettag $0x1  }
0x1: {  	s4 =	rddreg [dreg:$0x0]  }
0x2: {  	s0 =	srdreg.scid;
	s1 =	rddreg [dreg:$0x1]  }
0x3: {  	s5 =	stileid.u32;
	s2 =	rddreg [dreg:$0x2]  }
0x4: {  	s3 =	simm.s32 $0x0;
	s15 =	simm.s32 $0x80;
	s22 =	simm.s32 $0x3  }
0x5: {  	s28 =	simm.s32 $0x5080;
	s29 =	simm.s32 $0x5100;
	s30 =	simm.s32 $0x5180  }
0x6: {  	s31 =	simm.s32 $0x5200;
	s17 =	simm.s32 $0x5300;
	s18 =	simm.s32 $0x5380  }
0x7: {  	s19 =	simm.s32 $0x5400;
	s20 =	simm.s32 $0x5480;
	s21 =	simm.s32 $0x5500  }
0x8: {  	s16 =	simm.s32 $0x0;
	s0 =	sand.u32 $0x1, s0;
	s8 =	smul.u32 $0xA0, s5  }
0x9: {  	[smem:$0x7FF] =	sst s3;
	s10 =	smul.u32 $0x280, s5;
	p0 =	sne.s32 s5, $0x0  }
0xa: {  	s6 =	sshll.u32 s0, $0x4;
	_ =	strace $0x8000004D;
	s9 =	ssub.s32 $0x2, s0  }
0xb: {  	p1 =	sne.s32 s0, $0x0;
	s0 =	simm.s32 $0x5280;
	s7 =	sor.u32 s5, s6  }
0xc: {  	s8 =	sadd.s32 s8, s4;
	s6 =	sadd.s32 s6, s4;
	s11 =	sshrl.u32 s10, $0x3  }
0xd: {  	s12 =	sshrl.u32 s9, $0x1;
	s26 =	sadd.s32 s10, s1;
	s10 =	sadd.s32 s10, s2  }
0xe: {  	s7 =	smul.u32 $0x500, s7;
	s23 =	sadd.s32 $0x16E00, s8;
	[dreg:$0x9] =	wrdreg s26  }
0xf: {  	s14 =	ssub.s32 s9, s12;
	s8 =	sadd.s32 $0x16E10, s8;
	[dreg:$0x4] =	wrdreg s23  }
0x10: {  	s13 =	sadd.s32 $0xC400, s6;
	s26 =	simm.s32 $0x5000;
	[dreg:$0x5] =	wrdreg s8  }
0x11: {  	s14 =	smax.u32 s14, $0x1;
	s7 =	sadd.s32 s7, s4;
	s4 =	sadd.s32 s11, s4  }
0x12: {  	s23 =	simm.s32 $0x1;
	s24 =	sadd.s32 $0x17800, s4;
	s25 =	sadd.s32 $0x2400, s7  }
0x13: {  	s7 =	sadd.s32 $0xCE00, s7;
	s11 =	sadd.s32 $0x17E00, s4;
	[dreg:$0x6] =	wrdreg s24  }
0x14: {  	s12 =	sadd.s32 $0x18400, s4;
	s4 =	simm.s32 $0x5600;
	[dreg:$0x7] =	wrdreg s25  }
0x15: {  	v0 =	vimm.f32 $0.0e+00;
	[dreg:$0x8] =	wrdreg s7;
	s25 =	simm.s32 $0x2;
	s24 =	simm.s32 $0x5580  }
.LBB2_1:
0x16: {  	s5 =	rddreg [dreg:$0x4];
	s6 =	simm.s32 $0x100;
	s7 =	simm.s32 $0x5800  }
0x17: {  	[tilespmem:s7], [sflag:$0x1] =	stream.strided.gather [hbm4b:s5+s15], $0x280, s6, s15, $0x38;
	[tilespmem:$0x6C00] =	vst v63  }
0x18: {  	s8 =	rddreg [dreg:$0x5];
	s9 =	simm.s32 $0x5A80  }
0x19: {  	[tilespmem:s9], [sflag:$0x1] =	stream.strided.gather [hbm4b:s8+s15], $0x280, s6, s15, $0x38;
	[tilespmem:$0x6C00] =	vst v63  }
0x1a: {  	s7 =	rddreg [dreg:$0x6];
	s8 =	simm.s32 $0x5D00  }
0x1b: {  	[tilespmem:s8], [sflag:$0x1] =	stream.linear.gather [hbm4b:s7+s3], $0x280, $0x38;
	[tilespmem:$0x6C00] =	vst v63  }
0x1c: {  	s9 =	rddreg [dreg:$0x7]  }
0x1d: {  	[tilespmem:s3], [sflag:$0x2] =	stream.linear.gather [hbm4b:s9+s3], $0x2780, $0x38;
	[tilespmem:$0x6C00] =	vst v63  }
0x1e: {  	s6 =	rddreg [dreg:$0x8];
	s7 =	simm.s32 $0x2800  }
0x1f: {  	[tilespmem:s7], [sflag:$0x2] =	stream.linear.gather [hbm4b:s6+s3], $0x2780, $0x38;
	[tilespmem:$0x6C00] =	vst v63  }
0x20: {  	[tilespmem:$0x6480] =	vst v0  }
0x21: {  	[tilespmem:$0x6490] =	vst v0  }
0x22: {  	[tilespmem:$0x64A0] =	vst v0  }
0x23: {  	[tilespmem:$0x64B0] =	vst v0  }
0x24: {  	[tilespmem:$0x64C0] =	vst v0  }
0x25: {  	[tilespmem:$0x64D0] =	vst v0  }
0x26: {  	[tilespmem:$0x64E0] =	vst v0  }
0x27: {  	[tilespmem:$0x64F0] =	vst v0  }
0x28: {  	[tilespmem:$0x6500] =	vst v0  }
0x29: {  	[tilespmem:$0x6510] =	vst v0  }
0x2a: {  	[tilespmem:$0x6520] =	vst v0  }
0x2b: {  	[tilespmem:$0x6530] =	vst v0  }
0x2c: {  	[tilespmem:$0x6540] =	vst v0  }
0x2d: {  	[tilespmem:$0x6550] =	vst v0  }
0x2e: {  	[tilespmem:$0x6560] =	vst v0  }
0x2f: {  	[tilespmem:$0x6570] =	vst v0  }
0x30: {  	[tilespmem:$0x6580] =	vst v0  }
0x31: {  	[tilespmem:$0x6590] =	vst v0  }
0x32: {  	[tilespmem:$0x65A0] =	vst v0  }
0x33: {  	[tilespmem:$0x65B0] =	vst v0  }
0x34: {  	[tilespmem:$0x65C0] =	vst v0  }
0x35: {  	[tilespmem:$0x65D0] =	vst v0  }
0x36: {  	[tilespmem:$0x65E0] =	vst v0  }
0x37: {  	[tilespmem:$0x65F0] =	vst v0  }
0x38: {  	[tilespmem:$0x6600] =	vst v0  }
0x39: {  	[tilespmem:$0x6610] =	vst v0  }
0x3a: {  	[tilespmem:$0x6620] =	vst v0  }
0x3b: {  	[tilespmem:$0x6630] =	vst v0  }
0x3c: {  	[tilespmem:$0x6640] =	vst v0  }
0x3d: {  	[tilespmem:$0x6650] =	vst v0  }
0x3e: {  	[tilespmem:$0x6660] =	vst v0  }
0x3f: {  	[tilespmem:$0x6670] =	vst v0  }
0x40: {  	[tilespmem:$0x6680] =	vst v0  }
0x41: {  	[tilespmem:$0x6690] =	vst v0  }
0x42: {  	[tilespmem:$0x66A0] =	vst v0  }
0x43: {  	[tilespmem:$0x66B0] =	vst v0  }
0x44: {  	[tilespmem:$0x66C0] =	vst v0  }
0x45: {  	[tilespmem:$0x66D0] =	vst v0  }
0x46: {  	[tilespmem:$0x66E0] =	vst v0  }
0x47: {  	s8 =	rddreg [dreg:$0x9];
	s9 =	simm.s32 $0x6480;
	[tilespmem:$0x66F0] =	vst v0  }
0x48: {  	[spmem:s8] =	stream.linear.scatter [tilespmem:s9], [sflag:$0x3], $0x280, $0x38;
	[tilespmem:$0x6C00] =	vst v63  }
0x49: {  	_ =	swait.ge [sflag:s22], $0x280  }
0x4a: {  	[sflag:s22] =	ssyncset.done $0x0  }
0x4b: {  	[sflag:s22] =	ssyncadd.s32 $0xFFFFFD80  }
0x4c: {  	_ =	swait.ge [sflag:s23], $0x280  }
0x4d: {  	[sflag:s23] =	ssyncset.done $0x0  }
0x4e: {  	[sflag:s23] =	ssyncadd.s32 $0xFFFFFD80  }
0x4f: {  	_ =	swait.ge [sflag:s23], $0x280  }
0x50: {  	[sflag:s23] =	ssyncset.done $0x0  }
0x51: {  	[sflag:s23] =	ssyncadd.s32 $0xFFFFFD80  }
0x52: {  	_ =	swait.ge [sflag:s23], $0x280  }
0x53: {  	[sflag:s23] =	ssyncset.done $0x0  }
0x54: {  	s5 =	simm.s32 $0x0;
	[sflag:s23] =	ssyncadd.s32 $0xFFFFFD80  }
0x55: {  	v2 =	vld [tilespmem:s5+$0x5800]  }
0x56: {  	v3 =	vld [tilespmem:s5+$0x5A80];
	_ =	sdelay $0x1  }
0x57: {  	v1 =	vld [tilespmem:s5+$0x5D00];
	_ =	sdelay $0x1  }
0x58: {  	s6 =	simm.s32 $0x10  }
0x59: {  	v4 =	vld [tilespmem:s6+$0x5A80];
	v3 =	vadd.f32 v3, v2  }
0x5a: {  	v2 =	vld [tilespmem:s6+$0x5800]  }
0x5b: {  	v5 =	vadd.f32 v3, v1  }
0x5c: {  	v3 =	vld [tilespmem:s6+$0x5D00]  }
0x5d: {  	s7 =	simm.s32 $0x80;
	v5 =	vmul.f32 v5, v1  }
.LBB2_2:
0x5e: {  	s8 =	sshra.s32 s7, $0x2;
	p2 =	sne.s32 s7, $0x9C0  }
.Ltmp0:
0x5f: {  	s7 =	sadd.s32 $0x40, s7;
	v6 =	vadd.f32 v4, v2;
	v2 =	vld [tilespmem:s8+$0x5800];
	[tilespmem:s5+$0x6200] =	vst v5;
	v7 =	vmul.f32 v5, v1;
	(pc) =	sbr.rel @p2 .LBB2_2-.Ltmp0, $4  }
0x60: {  	v4 =	vld [tilespmem:s8+$0x5A80]  }
0x61: {  	v5 =	vadd.f32 v6, v3;
	[tilespmem:s5+$0x5F80] =	vst v7;
	v1 =	vmov v3;
	s5 =	smov.u32 s6;
	s6 =	smov.u32 s8  }
0x62: {  	v3 =	vld [tilespmem:s6+$0x5D00]  }
0x63: {  	v5 =	vmul.f32 v5, v1  }
0x64: {  	_ = 	snop  }
0x65: {  	v2 =	vadd.f32 v4, v2;
	_ =	sdelay $0x1  }
0x66: {  	v2 =	vadd.f32 v2, v3;
	_ =	sdelay $0x1  }
0x67: {  	v1 =	vmul.f32 v5, v1;
	v2 =	vmul.f32 v2, v3  }
0x68: {  	[tilespmem:s5+$0x6200] =	vst v5  }
0x69: {  	[tilespmem:s5+$0x5F80] =	vst v1;
	v1 =	vmul.f32 v2, v3  }
0x6a: {  	[tilespmem:s6+$0x6200] =	vst v2  }
0x6b: {  	s7 =	simm.s32 $0x5F80;
	[tilespmem:s6+$0x5F80] =	vst v1  }
0x6c: {  	[spmem:s10] =	stream.linear.scatter [tilespmem:s7], [sflag:$0x3], $0x280, $0x38;
	[tilespmem:$0x6C00] =	vst v63  }
0x6d: {  	_ =	swait.ge [sflag:s22], $0x280  }
0x6e: {  	[sflag:s22] =	ssyncset.done $0x0  }
0x6f: {  	s5 =	simm.s32 @!p1 $0x0;
	s6 =	simm.s32 @!p1 $0x5F80;
	[sflag:s22] =	ssyncadd.s32 $0xFFFFFD80  }
0x70: {  	[hbm4b:s11+s5] =	stream.linear.scatter @!p1 [tilespmem:s6], [sflag:$0x3], $0x280, $0x38;
	[tilespmem:$0x6C00] =	vst v63  }
0x71: {  	s6 =	simm.s32 @!p1 $0x3  }
0x72: {  	_ =	swait.ge @!p1 [sflag:s6], $0x280  }
0x73: {  	[sflag:s6] =	ssyncset.done @!p1 $0x0  }
0x74: {  	s7 =	simm.s32 @!p1 $0x6200;
	[sflag:s6] =	ssyncadd.s32 @!p1 $0xFFFFFD80  }
0x75: {  	[hbm4b:s12+s5] =	stream.linear.scatter @!p1 [tilespmem:s7], [sflag:$0x3], $0x280, $0x38;
	[tilespmem:$0x6C00] =	vst v63  }
0x76: {  	_ =	swait.ge @!p1 [sflag:s6], $0x280  }
0x77: {  	[sflag:s6] =	ssyncset.done @!p1 $0x0  }
0x78: {  	[sflag:s6] =	ssyncadd.s32 @!p1 $0xFFFFFD80  }
0x79: {  	_ =	swait.ge [sflag:s25], $0x2780  }
0x7a: {  	[sflag:s25] =	ssyncset.done $0x0  }
0x7b: {  	[sflag:s25] =	ssyncadd.s32 $0xFFFFD880  }
0x7c: {  	_ =	swait.ge [sflag:s25], $0x2780  }
0x7d: {  	[sflag:s25] =	ssyncset.done $0x0  }
0x7e: {  	[sflag:s25] =	ssyncadd.s32 $0xFFFFD880  }
0x7f: {  	s8 =	simm.s32 $0x0;
	[bflag:$0x0] =	sbarrier.arrive $0xFFFF  }
0x80: {  	[tilespmem:s26], [sflag:$0x2] =	stream.indirect.gather [spmem:s2], $0x1, s8, s15, $0xb8;
	[tilespmem:$0x6C00] =	vst v63  }
0x81: {  	s9 =	simm.s32 $0x80  }
0x82: {  	[tilespmem:s28], [sflag:$0x2] =	stream.indirect.gather [spmem:s2], $0x1, s9, s15, $0xb8;
	[tilespmem:$0x6C00] =	vst v63  }
0x83: {  	s6 =	simm.s32 $0x100  }
0x84: {  	[tilespmem:s29], [sflag:$0x2] =	stream.indirect.gather [spmem:s2], $0x1, s6, s15, $0xb8;
	[tilespmem:$0x6C00] =	vst v63  }
0x85: {  	s7 =	simm.s32 $0x180  }
0x86: {  	[tilespmem:s30], [sflag:$0x2] =	stream.indirect.gather [spmem:s2], $0x1, s7, s15, $0xb8;
	[tilespmem:$0x6C00] =	vst v63  }
0x87: {  	s8 =	simm.s32 $0x200  }
0x88: {  	[tilespmem:s31], [sflag:$0x2] =	stream.indirect.gather [spmem:s2], $0x1, s8, s15, $0xb8;
	[tilespmem:$0x6C00] =	vst v63  }
0x89: {  	s9 =	simm.s32 $0x280  }
0x8a: {  	[tilespmem:s0], [sflag:$0x2] =	stream.indirect.gather [spmem:s2], $0x1, s9, s15, $0xb8;
	[tilespmem:$0x6C00] =	vst v63  }
0x8b: {  	s6 =	simm.s32 $0x300  }
0x8c: {  	[tilespmem:s17], [sflag:$0x2] =	stream.indirect.gather [spmem:s2], $0x1, s6, s15, $0xb8;
	[tilespmem:$0x6C00] =	vst v63  }
0x8d: {  	s7 =	simm.s32 $0x380  }
0x8e: {  	[tilespmem:s18], [sflag:$0x2] =	stream.indirect.gather [spmem:s2], $0x1, s7, s15, $0xb8;
	[tilespmem:$0x6C00] =	vst v63  }
0x8f: {  	s8 =	simm.s32 $0x400  }
0x90: {  	[tilespmem:s19], [sflag:$0x2] =	stream.indirect.gather [spmem:s2], $0x1, s8, s15, $0xb8;
	[tilespmem:$0x6C00] =	vst v63  }
0x91: {  	s9 =	simm.s32 $0x480  }
0x92: {  	[tilespmem:s20], [sflag:$0x2] =	stream.indirect.gather [spmem:s2], $0x1, s9, s15, $0xb8;
	[tilespmem:$0x6C00] =	vst v63  }
0x93: {  	s6 =	simm.s32 $0x500  }
0x94: {  	[tilespmem:s21], [sflag:$0x2] =	stream.indirect.gather [spmem:s2], $0x1, s6, s15, $0xb8;
	[tilespmem:$0x6C00] =	vst v63  }
0x95: {  	s7 =	simm.s32 $0x580  }
0x96: {  	[tilespmem:s24], [sflag:$0x2] =	stream.indirect.gather [spmem:s2], $0x1, s7, s15, $0xb8;
	[tilespmem:$0x6C00] =	vst v63  }
0x97: {  	s8 =	simm.s32 $0x600  }
0x98: {  	[tilespmem:s4], [sflag:$0x2] =	stream.indirect.gather [spmem:s2], $0x1, s8, s15, $0xb8;
	[tilespmem:$0x6C00] =	vst v63  }
0x99: {  	_ =	swait.ge [sflag:s25], $0x80  }
0x9a: {  	[sflag:s25] =	ssyncset.done $0x0  }
0x9b: {  	[sflag:s25] =	ssyncadd.s32 $0xFFFFFF80  }
0x9c: {  	_ =	swait.ge [sflag:s25], $0x80  }
0x9d: {  	[sflag:s25] =	ssyncset.done $0x0  }
0x9e: {  	[sflag:s25] =	ssyncadd.s32 $0xFFFFFF80  }
0x9f: {  	_ =	swait.ge [sflag:s25], $0x80  }
0xa0: {  	[sflag:s25] =	ssyncset.done $0x0  }
0xa1: {  	[sflag:s25] =	ssyncadd.s32 $0xFFFFFF80  }
0xa2: {  	_ =	swait.ge [sflag:s25], $0x80  }
0xa3: {  	[sflag:s25] =	ssyncset.done $0x0  }
0xa4: {  	[sflag:s25] =	ssyncadd.s32 $0xFFFFFF80  }
0xa5: {  	_ =	swait.ge [sflag:s25], $0x80  }
0xa6: {  	[sflag:s25] =	ssyncset.done $0x0  }
0xa7: {  	[sflag:s25] =	ssyncadd.s32 $0xFFFFFF80  }
0xa8: {  	_ =	swait.ge [sflag:s25], $0x80  }
0xa9: {  	[sflag:s25] =	ssyncset.done $0x0  }
0xaa: {  	[sflag:s25] =	ssyncadd.s32 $0xFFFFFF80  }
0xab: {  	_ =	swait.ge [sflag:s25], $0x80  }
0xac: {  	[sflag:s25] =	ssyncset.done $0x0  }
0xad: {  	[sflag:s25] =	ssyncadd.s32 $0xFFFFFF80  }
0xae: {  	_ =	swait.ge [sflag:s25], $0x80  }
0xaf: {  	[sflag:s25] =	ssyncset.done $0x0  }
0xb0: {  	[sflag:s25] =	ssyncadd.s32 $0xFFFFFF80  }
0xb1: {  	_ =	swait.ge [sflag:s25], $0x80  }
0xb2: {  	[sflag:s25] =	ssyncset.done $0x0  }
0xb3: {  	[sflag:s25] =	ssyncadd.s32 $0xFFFFFF80  }
0xb4: {  	_ =	swait.ge [sflag:s25], $0x80  }
0xb5: {  	[sflag:s25] =	ssyncset.done $0x0  }
0xb6: {  	[sflag:s25] =	ssyncadd.s32 $0xFFFFFF80  }
0xb7: {  	_ =	swait.ge [sflag:s25], $0x80  }
0xb8: {  	[sflag:s25] =	ssyncset.done $0x0  }
0xb9: {  	[sflag:s25] =	ssyncadd.s32 $0xFFFFFF80  }
0xba: {  	_ =	swait.ge [sflag:s25], $0x80  }
0xbb: {  	[sflag:s25] =	ssyncset.done $0x0  }
0xbc: {  	[sflag:s25] =	ssyncadd.s32 $0xFFFFFF80  }
0xbd: {  	_ =	swait.ge [sflag:s25], $0x80  }
0xbe: {  	[sflag:s25] =	ssyncset.done $0x0  }
0xbf: {  	s9 =	simm.s32 $0x2800;
	[sflag:s25] =	ssyncadd.s32 $0xFFFFFF80  }
0xc0: {  	[spmem:s1] =	stream.indirect.scatter.add.f32 [tilespmem:s26], [sflag:$0x2], $0x1, s9, s15, $0xb8;
	[tilespmem:$0x6C00] =	vst v63  }
0xc1: {  	s6 =	simm.s32 $0x2880  }
0xc2: {  	[spmem:s1] =	stream.indirect.scatter.add.f32 [tilespmem:s28], [sflag:$0x2], $0x1, s6, s15, $0xb8;
	[tilespmem:$0x6C00] =	vst v63  }
0xc3: {  	s7 =	simm.s32 $0x2900  }
0xc4: {  	[spmem:s1] =	stream.indirect.scatter.add.f32 [tilespmem:s29], [sflag:$0x2], $0x1, s7, s15, $0xb8;
	[tilespmem:$0x6C00] =	vst v63  }
0xc5: {  	s8 =	simm.s32 $0x2980  }
0xc6: {  	[spmem:s1] =	stream.indirect.scatter.add.f32 [tilespmem:s30], [sflag:$0x2], $0x1, s8, s15, $0xb8;
	[tilespmem:$0x6C00] =	vst v63  }
0xc7: {  	s9 =	simm.s32 $0x2A00  }
0xc8: {  	[spmem:s1] =	stream.indirect.scatter.add.f32 [tilespmem:s31], [sflag:$0x2], $0x1, s9, s15, $0xb8;
	[tilespmem:$0x6C00] =	vst v63  }
0xc9: {  	s6 =	simm.s32 $0x2A80  }
0xca: {  	[spmem:s1] =	stream.indirect.scatter.add.f32 [tilespmem:s0], [sflag:$0x2], $0x1, s6, s15, $0xb8;
	[tilespmem:$0x6C00] =	vst v63  }
0xcb: {  	s7 =	simm.s32 $0x2B00  }
0xcc: {  	[spmem:s1] =	stream.indirect.scatter.add.f32 [tilespmem:s17], [sflag:$0x2], $0x1, s7, s15, $0xb8;
	[tilespmem:$0x6C00] =	vst v63  }
0xcd: {  	s8 =	simm.s32 $0x2B80  }
0xce: {  	[spmem:s1] =	stream.indirect.scatter.add.f32 [tilespmem:s18], [sflag:$0x2], $0x1, s8, s15, $0xb8;
	[tilespmem:$0x6C00] =	vst v63  }
0xcf: {  	s9 =	simm.s32 $0x2C00  }
0xd0: {  	[spmem:s1] =	stream.indirect.scatter.add.f32 [tilespmem:s19], [sflag:$0x2], $0x1, s9, s15, $0xb8;
	[tilespmem:$0x6C00] =	vst v63  }
0xd1: {  	s6 =	simm.s32 $0x2C80  }
0xd2: {  	[spmem:s1] =	stream.indirect.scatter.add.f32 [tilespmem:s20], [sflag:$0x2], $0x1, s6, s15, $0xb8;
	[tilespmem:$0x6C00] =	vst v63  }
0xd3: {  	s7 =	simm.s32 $0x2D00  }
0xd4: {  	[spmem:s1] =	stream.indirect.scatter.add.f32 [tilespmem:s21], [sflag:$0x2], $0x1, s7, s15, $0xb8;
	[tilespmem:$0x6C00] =	vst v63  }
0xd5: {  	s8 =	simm.s32 $0x2D80  }
0xd6: {  	[spmem:s1] =	stream.indirect.scatter.add.f32 [tilespmem:s24], [sflag:$0x2], $0x1, s8, s15, $0xb8;
	[tilespmem:$0x6C00] =	vst v63  }
0xd7: {  	s9 =	simm.s32 $0x2E00  }
0xd8: {  	[spmem:s1] =	stream.indirect.scatter.add.f32 [tilespmem:s4], [sflag:$0x2], $0x1, s9, s15, $0xb8;
	[tilespmem:$0x6C00] =	vst v63  }
0xd9: {  	_ =	swait.ge [sflag:s25], $0x80  }
0xda: {  	[sflag:s25] =	ssyncset.done $0x0  }
0xdb: {  	[sflag:s25] =	ssyncadd.s32 $0xFFFFFF80  }
0xdc: {  	_ =	swait.ge [sflag:s25], $0x80  }
0xdd: {  	[sflag:s25] =	ssyncset.done $0x0  }
0xde: {  	[sflag:s25] =	ssyncadd.s32 $0xFFFFFF80  }
0xdf: {  	_ =	swait.ge [sflag:s25], $0x80  }
0xe0: {  	[sflag:s25] =	ssyncset.done $0x0  }
0xe1: {  	[sflag:s25] =	ssyncadd.s32 $0xFFFFFF80  }
0xe2: {  	_ =	swait.ge [sflag:s25], $0x80  }
0xe3: {  	[sflag:s25] =	ssyncset.done $0x0  }
0xe4: {  	[sflag:s25] =	ssyncadd.s32 $0xFFFFFF80  }
0xe5: {  	_ =	swait.ge [sflag:s25], $0x80  }
0xe6: {  	[sflag:s25] =	ssyncset.done $0x0  }
0xe7: {  	[sflag:s25] =	ssyncadd.s32 $0xFFFFFF80  }
0xe8: {  	_ =	swait.ge [sflag:s25], $0x80  }
0xe9: {  	[sflag:s25] =	ssyncset.done $0x0  }
0xea: {  	[sflag:s25] =	ssyncadd.s32 $0xFFFFFF80  }
0xeb: {  	_ =	swait.ge [sflag:s25], $0x80  }
0xec: {  	[sflag:s25] =	ssyncset.done $0x0  }
0xed: {  	[sflag:s25] =	ssyncadd.s32 $0xFFFFFF80  }
0xee: {  	_ =	swait.ge [sflag:s25], $0x80  }
0xef: {  	[sflag:s25] =	ssyncset.done $0x0  }
0xf0: {  	[sflag:s25] =	ssyncadd.s32 $0xFFFFFF80  }
0xf1: {  	_ =	swait.ge [sflag:s25], $0x80  }
0xf2: {  	[sflag:s25] =	ssyncset.done $0x0  }
0xf3: {  	[sflag:s25] =	ssyncadd.s32 $0xFFFFFF80  }
0xf4: {  	_ =	swait.ge [sflag:s25], $0x80  }
0xf5: {  	[sflag:s25] =	ssyncset.done $0x0  }
0xf6: {  	[sflag:s25] =	ssyncadd.s32 $0xFFFFFF80  }
0xf7: {  	_ =	swait.ge [sflag:s25], $0x80  }
0xf8: {  	[sflag:s25] =	ssyncset.done $0x0  }
0xf9: {  	[sflag:s25] =	ssyncadd.s32 $0xFFFFFF80  }
0xfa: {  	_ =	swait.ge [sflag:s25], $0x80  }
0xfb: {  	[sflag:s25] =	ssyncset.done $0x0  }
0xfc: {  	[sflag:s25] =	ssyncadd.s32 $0xFFFFFF80  }
0xfd: {  	_ =	swait.ge [sflag:s25], $0x80  }
0xfe: {  	s5 =	simm.s32 $0x1A00;
	s6 =	simm.s32 $0x3400;
	[sflag:s25] =	ssyncset.done $0x0  }
.LBB2_4:
0xff: {  	s7 =	sshra.s32 s5, $0x2  }
0x100: {  	[sflag:s25] =	ssyncadd.s32 $0xFFFFFF80;
	s5 =	smov.u32 s6;
	s8 =	sadd.s32 $0x1A00, s6  }
0x101: {  	[tilespmem:s26], [sflag:$0x2] =	stream.indirect.gather [spmem:s2], $0x1, s7, s15, $0xb8;
	[tilespmem:$0x6C00] =	vst v63  }
0x102: {  	p2 =	sne.s32 s6, $0x8200;
	s6 =	sadd.s32 $0x80, s7  }
0x103: {  	[tilespmem:s28], [sflag:$0x2] =	stream.indirect.gather [spmem:s2], $0x1, s6, s15, $0xb8;
	[tilespmem:$0x6C00] =	vst v63  }
0x104: {  	s6 =	sadd.s32 $0x100, s7  }
0x105: {  	[tilespmem:s29], [sflag:$0x2] =	stream.indirect.gather [spmem:s2], $0x1, s6, s15, $0xb8;
	[tilespmem:$0x6C00] =	vst v63  }
0x106: {  	s6 =	sadd.s32 $0x180, s7  }
0x107: {  	[tilespmem:s30], [sflag:$0x2] =	stream.indirect.gather [spmem:s2], $0x1, s6, s15, $0xb8;
	[tilespmem:$0x6C00] =	vst v63  }
0x108: {  	s6 =	sadd.s32 $0x200, s7  }
0x109: {  	[tilespmem:s31], [sflag:$0x2] =	stream.indirect.gather [spmem:s2], $0x1, s6, s15, $0xb8;
	[tilespmem:$0x6C00] =	vst v63  }
0x10a: {  	s6 =	sadd.s32 $0x280, s7  }
0x10b: {  	[tilespmem:s0], [sflag:$0x2] =	stream.indirect.gather [spmem:s2], $0x1, s6, s15, $0xb8;
	[tilespmem:$0x6C00] =	vst v63  }
0x10c: {  	s6 =	sadd.s32 $0x300, s7  }
0x10d: {  	[tilespmem:s17], [sflag:$0x2] =	stream.indirect.gather [spmem:s2], $0x1, s6, s15, $0xb8;
	[tilespmem:$0x6C00] =	vst v63  }
0x10e: {  	s6 =	sadd.s32 $0x380, s7  }
0x10f: {  	[tilespmem:s18], [sflag:$0x2] =	stream.indirect.gather [spmem:s2], $0x1, s6, s15, $0xb8;
	[tilespmem:$0x6C00] =	vst v63  }
0x110: {  	s6 =	sadd.s32 $0x400, s7  }
0x111: {  	[tilespmem:s19], [sflag:$0x2] =	stream.indirect.gather [spmem:s2], $0x1, s6, s15, $0xb8;
	[tilespmem:$0x6C00] =	vst v63  }
0x112: {  	s6 =	sadd.s32 $0x480, s7  }
0x113: {  	[tilespmem:s20], [sflag:$0x2] =	stream.indirect.gather [spmem:s2], $0x1, s6, s15, $0xb8;
	[tilespmem:$0x6C00] =	vst v63  }
0x114: {  	s6 =	sadd.s32 $0x500, s7  }
0x115: {  	[tilespmem:s21], [sflag:$0x2] =	stream.indirect.gather [spmem:s2], $0x1, s6, s15, $0xb8;
	[tilespmem:$0x6C00] =	vst v63  }
0x116: {  	s6 =	sadd.s32 $0x580, s7  }
0x117: {  	[tilespmem:s24], [sflag:$0x2] =	stream.indirect.gather [spmem:s2], $0x1, s6, s15, $0xb8;
	[tilespmem:$0x6C00] =	vst v63  }
0x118: {  	s6 =	sadd.s32 $0x600, s7  }
0x119: {  	[tilespmem:s4], [sflag:$0x2] =	stream.indirect.gather [spmem:s2], $0x1, s6, s15, $0xb8;
	[tilespmem:$0x6C00] =	vst v63  }
0x11a: {  	_ =	swait.ge [sflag:s25], $0x80  }
0x11b: {  	[sflag:s25] =	ssyncset.done $0x0  }
0x11c: {  	[sflag:s25] =	ssyncadd.s32 $0xFFFFFF80  }
0x11d: {  	_ =	swait.ge [sflag:s25], $0x80  }
0x11e: {  	[sflag:s25] =	ssyncset.done $0x0  }
0x11f: {  	[sflag:s25] =	ssyncadd.s32 $0xFFFFFF80  }
0x120: {  	_ =	swait.ge [sflag:s25], $0x80  }
0x121: {  	[sflag:s25] =	ssyncset.done $0x0  }
0x122: {  	[sflag:s25] =	ssyncadd.s32 $0xFFFFFF80  }
0x123: {  	_ =	swait.ge [sflag:s25], $0x80  }
0x124: {  	[sflag:s25] =	ssyncset.done $0x0  }
0x125: {  	[sflag:s25] =	ssyncadd.s32 $0xFFFFFF80  }
0x126: {  	_ =	swait.ge [sflag:s25], $0x80  }
0x127: {  	[sflag:s25] =	ssyncset.done $0x0  }
0x128: {  	[sflag:s25] =	ssyncadd.s32 $0xFFFFFF80  }
0x129: {  	_ =	swait.ge [sflag:s25], $0x80  }
0x12a: {  	[sflag:s25] =	ssyncset.done $0x0  }
0x12b: {  	[sflag:s25] =	ssyncadd.s32 $0xFFFFFF80  }
0x12c: {  	_ =	swait.ge [sflag:s25], $0x80  }
0x12d: {  	[sflag:s25] =	ssyncset.done $0x0  }
0x12e: {  	[sflag:s25] =	ssyncadd.s32 $0xFFFFFF80  }
0x12f: {  	_ =	swait.ge [sflag:s25], $0x80  }
0x130: {  	[sflag:s25] =	ssyncset.done $0x0  }
0x131: {  	[sflag:s25] =	ssyncadd.s32 $0xFFFFFF80  }
0x132: {  	_ =	swait.ge [sflag:s25], $0x80  }
0x133: {  	[sflag:s25] =	ssyncset.done $0x0  }
0x134: {  	[sflag:s25] =	ssyncadd.s32 $0xFFFFFF80  }
0x135: {  	_ =	swait.ge [sflag:s25], $0x80  }
0x136: {  	[sflag:s25] =	ssyncset.done $0x0  }
0x137: {  	[sflag:s25] =	ssyncadd.s32 $0xFFFFFF80  }
0x138: {  	_ =	swait.ge [sflag:s25], $0x80  }
0x139: {  	[sflag:s25] =	ssyncset.done $0x0  }
0x13a: {  	[sflag:s25] =	ssyncadd.s32 $0xFFFFFF80  }
0x13b: {  	_ =	swait.ge [sflag:s25], $0x80  }
0x13c: {  	[sflag:s25] =	ssyncset.done $0x0  }
0x13d: {  	[sflag:s25] =	ssyncadd.s32 $0xFFFFFF80  }
0x13e: {  	_ =	swait.ge [sflag:s25], $0x80  }
0x13f: {  	[sflag:s25] =	ssyncset.done $0x0  }
0x140: {  	s6 =	sadd.s32 $0x2800, s7;
	[sflag:s25] =	ssyncadd.s32 $0xFFFFFF80  }
0x141: {  	[spmem:s1] =	stream.indirect.scatter.add.f32 [tilespmem:s26], [sflag:$0x2], $0x1, s6, s15, $0xb8;
	[tilespmem:$0x6C00] =	vst v63  }
0x142: {  	s6 =	sadd.s32 $0x2880, s7  }
0x143: {  	[spmem:s1] =	stream.indirect.scatter.add.f32 [tilespmem:s28], [sflag:$0x2], $0x1, s6, s15, $0xb8;
	[tilespmem:$0x6C00] =	vst v63  }
0x144: {  	s6 =	sadd.s32 $0x2900, s7  }
0x145: {  	[spmem:s1] =	stream.indirect.scatter.add.f32 [tilespmem:s29], [sflag:$0x2], $0x1, s6, s15, $0xb8;
	[tilespmem:$0x6C00] =	vst v63  }
0x146: {  	s6 =	sadd.s32 $0x2980, s7  }
0x147: {  	[spmem:s1] =	stream.indirect.scatter.add.f32 [tilespmem:s30], [sflag:$0x2], $0x1, s6, s15, $0xb8;
	[tilespmem:$0x6C00] =	vst v63  }
0x148: {  	s6 =	sadd.s32 $0x2A00, s7  }
0x149: {  	[spmem:s1] =	stream.indirect.scatter.add.f32 [tilespmem:s31], [sflag:$0x2], $0x1, s6, s15, $0xb8;
	[tilespmem:$0x6C00] =	vst v63  }
0x14a: {  	s6 =	sadd.s32 $0x2A80, s7  }
0x14b: {  	[spmem:s1] =	stream.indirect.scatter.add.f32 [tilespmem:s0], [sflag:$0x2], $0x1, s6, s15, $0xb8;
	[tilespmem:$0x6C00] =	vst v63  }
0x14c: {  	s6 =	sadd.s32 $0x2B00, s7  }
0x14d: {  	[spmem:s1] =	stream.indirect.scatter.add.f32 [tilespmem:s17], [sflag:$0x2], $0x1, s6, s15, $0xb8;
	[tilespmem:$0x6C00] =	vst v63  }
0x14e: {  	s6 =	sadd.s32 $0x2B80, s7  }
0x14f: {  	[spmem:s1] =	stream.indirect.scatter.add.f32 [tilespmem:s18], [sflag:$0x2], $0x1, s6, s15, $0xb8;
	[tilespmem:$0x6C00] =	vst v63  }
0x150: {  	s6 =	sadd.s32 $0x2C00, s7  }
0x151: {  	[spmem:s1] =	stream.indirect.scatter.add.f32 [tilespmem:s19], [sflag:$0x2], $0x1, s6, s15, $0xb8;
	[tilespmem:$0x6C00] =	vst v63  }
0x152: {  	s6 =	sadd.s32 $0x2C80, s7  }
0x153: {  	[spmem:s1] =	stream.indirect.scatter.add.f32 [tilespmem:s20], [sflag:$0x2], $0x1, s6, s15, $0xb8;
	[tilespmem:$0x6C00] =	vst v63  }
0x154: {  	s6 =	sadd.s32 $0x2D00, s7  }
0x155: {  	[spmem:s1] =	stream.indirect.scatter.add.f32 [tilespmem:s21], [sflag:$0x2], $0x1, s6, s15, $0xb8;
	[tilespmem:$0x6C00] =	vst v63  }
0x156: {  	s6 =	sadd.s32 $0x2D80, s7  }
0x157: {  	[spmem:s1] =	stream.indirect.scatter.add.f32 [tilespmem:s24], [sflag:$0x2], $0x1, s6, s15, $0xb8;
	[tilespmem:$0x6C00] =	vst v63  }
0x158: {  	s6 =	sadd.s32 $0x2E00, s7  }
0x159: {  	[spmem:s1] =	stream.indirect.scatter.add.f32 [tilespmem:s4], [sflag:$0x2], $0x1, s6, s15, $0xb8;
	[tilespmem:$0x6C00] =	vst v63  }
0x15a: {  	_ =	swait.ge [sflag:s25], $0x80  }
0x15b: {  	[sflag:s25] =	ssyncset.done $0x0  }
0x15c: {  	[sflag:s25] =	ssyncadd.s32 $0xFFFFFF80  }
0x15d: {  	_ =	swait.ge [sflag:s25], $0x80  }
0x15e: {  	[sflag:s25] =	ssyncset.done $0x0  }
0x15f: {  	[sflag:s25] =	ssyncadd.s32 $0xFFFFFF80  }
0x160: {  	_ =	swait.ge [sflag:s25], $0x80  }
0x161: {  	[sflag:s25] =	ssyncset.done $0x0  }
0x162: {  	[sflag:s25] =	ssyncadd.s32 $0xFFFFFF80  }
0x163: {  	_ =	swait.ge [sflag:s25], $0x80  }
0x164: {  	[sflag:s25] =	ssyncset.done $0x0  }
0x165: {  	[sflag:s25] =	ssyncadd.s32 $0xFFFFFF80  }
0x166: {  	_ =	swait.ge [sflag:s25], $0x80  }
0x167: {  	[sflag:s25] =	ssyncset.done $0x0  }
0x168: {  	[sflag:s25] =	ssyncadd.s32 $0xFFFFFF80  }
0x169: {  	_ =	swait.ge [sflag:s25], $0x80  }
0x16a: {  	[sflag:s25] =	ssyncset.done $0x0  }
0x16b: {  	[sflag:s25] =	ssyncadd.s32 $0xFFFFFF80  }
0x16c: {  	_ =	swait.ge [sflag:s25], $0x80  }
0x16d: {  	[sflag:s25] =	ssyncset.done $0x0  }
0x16e: {  	[sflag:s25] =	ssyncadd.s32 $0xFFFFFF80  }
0x16f: {  	_ =	swait.ge [sflag:s25], $0x80  }
0x170: {  	[sflag:s25] =	ssyncset.done $0x0  }
0x171: {  	[sflag:s25] =	ssyncadd.s32 $0xFFFFFF80  }
0x172: {  	_ =	swait.ge [sflag:s25], $0x80  }
0x173: {  	[sflag:s25] =	ssyncset.done $0x0  }
0x174: {  	[sflag:s25] =	ssyncadd.s32 $0xFFFFFF80  }
0x175: {  	_ =	swait.ge [sflag:s25], $0x80  }
0x176: {  	[sflag:s25] =	ssyncset.done $0x0  }
0x177: {  	[sflag:s25] =	ssyncadd.s32 $0xFFFFFF80  }
0x178: {  	_ =	swait.ge [sflag:s25], $0x80  }
0x179: {  	[sflag:s25] =	ssyncset.done $0x0  }
0x17a: {  	[sflag:s25] =	ssyncadd.s32 $0xFFFFFF80  }
.Ltmp1:
0x17b: {  	_ =	swait.ge [sflag:s25], $0x80;
	(pc) =	sbr.rel @p2 .LBB2_4-.Ltmp1, $4  }
0x17c: {  	[sflag:s25] =	ssyncset.done $0x0  }
0x17d: {  	[sflag:s25] =	ssyncadd.s32 $0xFFFFFF80  }
0x17e: {  	_ =	swait.ge [sflag:s25], $0x80  }
0x17f: {  	s6 =	smov.u32 s8;
	[sflag:s25] =	ssyncset.done $0x0  }
0x180: {  	s5 =	sshra.s32 s5, $0x2;
	[sflag:s25] =	ssyncadd.s32 $0xFFFFFF80  }
0x181: {  	[tilespmem:s26], [sflag:$0x2] =	stream.indirect.gather [spmem:s2], $0x1, s5, s15, $0xb8;
	[tilespmem:$0x6C00] =	vst v63  }
0x182: {  	s6 =	sadd.s32 $0x80, s5  }
0x183: {  	[tilespmem:s28], [sflag:$0x2] =	stream.indirect.gather [spmem:s2], $0x1, s6, s15, $0xb8;
	[tilespmem:$0x6C00] =	vst v63  }
0x184: {  	s9 =	sadd.s32 $0x100, s5  }
0x185: {  	[tilespmem:s29], [sflag:$0x2] =	stream.indirect.gather [spmem:s2], $0x1, s9, s15, $0xb8;
	[tilespmem:$0x6C00] =	vst v63  }
0x186: {  	s7 =	sadd.s32 $0x180, s5  }
0x187: {  	[tilespmem:s30], [sflag:$0x2] =	stream.indirect.gather [spmem:s2], $0x1, s7, s15, $0xb8;
	[tilespmem:$0x6C00] =	vst v63  }
0x188: {  	s8 =	sadd.s32 $0x200, s5  }
0x189: {  	[tilespmem:s31], [sflag:$0x2] =	stream.indirect.gather [spmem:s2], $0x1, s8, s15, $0xb8;
	[tilespmem:$0x6C00] =	vst v63  }
0x18a: {  	s9 =	sadd.s32 $0x280, s5  }
0x18b: {  	[tilespmem:s0], [sflag:$0x2] =	stream.indirect.gather [spmem:s2], $0x1, s9, s15, $0xb8;
	[tilespmem:$0x6C00] =	vst v63  }
0x18c: {  	s7 =	sadd.s32 $0x300, s5  }
0x18d: {  	[tilespmem:s17], [sflag:$0x2] =	stream.indirect.gather [spmem:s2], $0x1, s7, s15, $0xb8;
	[tilespmem:$0x6C00] =	vst v63  }
0x18e: {  	s8 =	sadd.s32 $0x380, s5  }
0x18f: {  	[tilespmem:s18], [sflag:$0x2] =	stream.indirect.gather [spmem:s2], $0x1, s8, s15, $0xb8;
	[tilespmem:$0x6C00] =	vst v63  }
0x190: {  	s9 =	sadd.s32 $0x400, s5  }
0x191: {  	[tilespmem:s19], [sflag:$0x2] =	stream.indirect.gather [spmem:s2], $0x1, s9, s15, $0xb8;
	[tilespmem:$0x6C00] =	vst v63  }
0x192: {  	s7 =	sadd.s32 $0x480, s5  }
0x193: {  	[tilespmem:s20], [sflag:$0x2] =	stream.indirect.gather [spmem:s2], $0x1, s7, s15, $0xb8;
	[tilespmem:$0x6C00] =	vst v63  }
0x194: {  	s8 =	sadd.s32 $0x500, s5  }
0x195: {  	[tilespmem:s21], [sflag:$0x2] =	stream.indirect.gather [spmem:s2], $0x1, s8, s15, $0xb8;
	[tilespmem:$0x6C00] =	vst v63  }
0x196: {  	s9 =	sadd.s32 $0x580, s5  }
0x197: {  	[tilespmem:s24], [sflag:$0x2] =	stream.indirect.gather [spmem:s2], $0x1, s9, s15, $0xb8;
	[tilespmem:$0x6C00] =	vst v63  }
0x198: {  	s7 =	sadd.s32 $0x600, s5  }
0x199: {  	[tilespmem:s4], [sflag:$0x2] =	stream.indirect.gather [spmem:s2], $0x1, s7, s15, $0xb8;
	[tilespmem:$0x6C00] =	vst v63  }
0x19a: {  	_ =	swait.ge [sflag:s25], $0x80  }
0x19b: {  	[sflag:s25] =	ssyncset.done $0x0  }
0x19c: {  	[sflag:s25] =	ssyncadd.s32 $0xFFFFFF80  }
0x19d: {  	_ =	swait.ge [sflag:s25], $0x80  }
0x19e: {  	[sflag:s25] =	ssyncset.done $0x0  }
0x19f: {  	[sflag:s25] =	ssyncadd.s32 $0xFFFFFF80  }
0x1a0: {  	_ =	swait.ge [sflag:s25], $0x80  }
0x1a1: {  	[sflag:s25] =	ssyncset.done $0x0  }
0x1a2: {  	[sflag:s25] =	ssyncadd.s32 $0xFFFFFF80  }
0x1a3: {  	_ =	swait.ge [sflag:s25], $0x80  }
0x1a4: {  	[sflag:s25] =	ssyncset.done $0x0  }
0x1a5: {  	[sflag:s25] =	ssyncadd.s32 $0xFFFFFF80  }
0x1a6: {  	_ =	swait.ge [sflag:s25], $0x80  }
0x1a7: {  	[sflag:s25] =	ssyncset.done $0x0  }
0x1a8: {  	[sflag:s25] =	ssyncadd.s32 $0xFFFFFF80  }
0x1a9: {  	_ =	swait.ge [sflag:s25], $0x80  }
0x1aa: {  	[sflag:s25] =	ssyncset.done $0x0  }
0x1ab: {  	[sflag:s25] =	ssyncadd.s32 $0xFFFFFF80  }
0x1ac: {  	_ =	swait.ge [sflag:s25], $0x80  }
0x1ad: {  	[sflag:s25] =	ssyncset.done $0x0  }
0x1ae: {  	[sflag:s25] =	ssyncadd.s32 $0xFFFFFF80  }
0x1af: {  	_ =	swait.ge [sflag:s25], $0x80  }
0x1b0: {  	[sflag:s25] =	ssyncset.done $0x0  }
0x1b1: {  	[sflag:s25] =	ssyncadd.s32 $0xFFFFFF80  }
0x1b2: {  	_ =	swait.ge [sflag:s25], $0x80  }
0x1b3: {  	[sflag:s25] =	ssyncset.done $0x0  }
0x1b4: {  	[sflag:s25] =	ssyncadd.s32 $0xFFFFFF80  }
0x1b5: {  	_ =	swait.ge [sflag:s25], $0x80  }
0x1b6: {  	[sflag:s25] =	ssyncset.done $0x0  }
0x1b7: {  	[sflag:s25] =	ssyncadd.s32 $0xFFFFFF80  }
0x1b8: {  	_ =	swait.ge [sflag:s25], $0x80  }
0x1b9: {  	[sflag:s25] =	ssyncset.done $0x0  }
0x1ba: {  	[sflag:s25] =	ssyncadd.s32 $0xFFFFFF80  }
0x1bb: {  	_ =	swait.ge [sflag:s25], $0x80  }
0x1bc: {  	[sflag:s25] =	ssyncset.done $0x0  }
0x1bd: {  	[sflag:s25] =	ssyncadd.s32 $0xFFFFFF80  }
0x1be: {  	_ =	swait.ge [sflag:s25], $0x80  }
0x1bf: {  	[sflag:s25] =	ssyncset.done $0x0  }
0x1c0: {  	s8 =	sadd.s32 $0x2800, s5;
	[sflag:s25] =	ssyncadd.s32 $0xFFFFFF80  }
0x1c1: {  	[spmem:s1] =	stream.indirect.scatter.add.f32 [tilespmem:s26], [sflag:$0x2], $0x1, s8, s15, $0xb8;
	[tilespmem:$0x6C00] =	vst v63  }
0x1c2: {  	s9 =	sadd.s32 $0x2880, s5  }
0x1c3: {  	[spmem:s1] =	stream.indirect.scatter.add.f32 [tilespmem:s28], [sflag:$0x2], $0x1, s9, s15, $0xb8;
	[tilespmem:$0x6C00] =	vst v63  }
0x1c4: {  	s7 =	sadd.s32 $0x2900, s5  }
0x1c5: {  	[spmem:s1] =	stream.indirect.scatter.add.f32 [tilespmem:s29], [sflag:$0x2], $0x1, s7, s15, $0xb8;
	[tilespmem:$0x6C00] =	vst v63  }
0x1c6: {  	s8 =	sadd.s32 $0x2980, s5  }
0x1c7: {  	[spmem:s1] =	stream.indirect.scatter.add.f32 [tilespmem:s30], [sflag:$0x2], $0x1, s8, s15, $0xb8;
	[tilespmem:$0x6C00] =	vst v63  }
0x1c8: {  	s9 =	sadd.s32 $0x2A00, s5  }
0x1c9: {  	[spmem:s1] =	stream.indirect.scatter.add.f32 [tilespmem:s31], [sflag:$0x2], $0x1, s9, s15, $0xb8;
	[tilespmem:$0x6C00] =	vst v63  }
0x1ca: {  	s7 =	sadd.s32 $0x2A80, s5  }
0x1cb: {  	[spmem:s1] =	stream.indirect.scatter.add.f32 [tilespmem:s0], [sflag:$0x2], $0x1, s7, s15, $0xb8;
	[tilespmem:$0x6C00] =	vst v63  }
0x1cc: {  	s8 =	sadd.s32 $0x2B00, s5  }
0x1cd: {  	[spmem:s1] =	stream.indirect.scatter.add.f32 [tilespmem:s17], [sflag:$0x2], $0x1, s8, s15, $0xb8;
	[tilespmem:$0x6C00] =	vst v63  }
0x1ce: {  	s9 =	sadd.s32 $0x2B80, s5  }
0x1cf: {  	[spmem:s1] =	stream.indirect.scatter.add.f32 [tilespmem:s18], [sflag:$0x2], $0x1, s9, s15, $0xb8;
	[tilespmem:$0x6C00] =	vst v63  }
0x1d0: {  	s7 =	sadd.s32 $0x2C00, s5  }
0x1d1: {  	[spmem:s1] =	stream.indirect.scatter.add.f32 [tilespmem:s19], [sflag:$0x2], $0x1, s7, s15, $0xb8;
	[tilespmem:$0x6C00] =	vst v63  }
0x1d2: {  	s8 =	sadd.s32 $0x2C80, s5  }
0x1d3: {  	[spmem:s1] =	stream.indirect.scatter.add.f32 [tilespmem:s20], [sflag:$0x2], $0x1, s8, s15, $0xb8;
	[tilespmem:$0x6C00] =	vst v63  }
0x1d4: {  	s9 =	sadd.s32 $0x2D00, s5  }
0x1d5: {  	[spmem:s1] =	stream.indirect.scatter.add.f32 [tilespmem:s21], [sflag:$0x2], $0x1, s9, s15, $0xb8;
	[tilespmem:$0x6C00] =	vst v63  }
0x1d6: {  	s7 =	sadd.s32 $0x2D80, s5  }
0x1d7: {  	[spmem:s1] =	stream.indirect.scatter.add.f32 [tilespmem:s24], [sflag:$0x2], $0x1, s7, s15, $0xb8;
	[tilespmem:$0x6C00] =	vst v63  }
0x1d8: {  	s5 =	sadd.s32 $0x2E00, s5  }
0x1d9: {  	[spmem:s1] =	stream.indirect.scatter.add.f32 [tilespmem:s4], [sflag:$0x2], $0x1, s5, s15, $0xb8;
	[tilespmem:$0x6C00] =	vst v63  }
0x1da: {  	_ =	swait.ge [sflag:s25], $0x80  }
0x1db: {  	[sflag:s25] =	ssyncset.done $0x0  }
0x1dc: {  	[sflag:s25] =	ssyncadd.s32 $0xFFFFFF80  }
0x1dd: {  	_ =	swait.ge [sflag:s25], $0x80  }
0x1de: {  	[sflag:s25] =	ssyncset.done $0x0  }
0x1df: {  	[sflag:s25] =	ssyncadd.s32 $0xFFFFFF80  }
0x1e0: {  	_ =	swait.ge [sflag:s25], $0x80  }
0x1e1: {  	[sflag:s25] =	ssyncset.done $0x0  }
0x1e2: {  	[sflag:s25] =	ssyncadd.s32 $0xFFFFFF80  }
0x1e3: {  	_ =	swait.ge [sflag:s25], $0x80  }
0x1e4: {  	[sflag:s25] =	ssyncset.done $0x0  }
0x1e5: {  	[sflag:s25] =	ssyncadd.s32 $0xFFFFFF80  }
0x1e6: {  	_ =	swait.ge [sflag:s25], $0x80  }
0x1e7: {  	[sflag:s25] =	ssyncset.done $0x0  }
0x1e8: {  	[sflag:s25] =	ssyncadd.s32 $0xFFFFFF80  }
0x1e9: {  	_ =	swait.ge [sflag:s25], $0x80  }
0x1ea: {  	[sflag:s25] =	ssyncset.done $0x0  }
0x1eb: {  	[sflag:s25] =	ssyncadd.s32 $0xFFFFFF80  }
0x1ec: {  	_ =	swait.ge [sflag:s25], $0x80  }
0x1ed: {  	[sflag:s25] =	ssyncset.done $0x0  }
0x1ee: {  	[sflag:s25] =	ssyncadd.s32 $0xFFFFFF80  }
0x1ef: {  	_ =	swait.ge [sflag:s25], $0x80  }
0x1f0: {  	[sflag:s25] =	ssyncset.done $0x0  }
0x1f1: {  	[sflag:s25] =	ssyncadd.s32 $0xFFFFFF80  }
0x1f2: {  	_ =	swait.ge [sflag:s25], $0x80  }
0x1f3: {  	[sflag:s25] =	ssyncset.done $0x0  }
0x1f4: {  	[sflag:s25] =	ssyncadd.s32 $0xFFFFFF80  }
0x1f5: {  	_ =	swait.ge [sflag:s25], $0x80  }
0x1f6: {  	[sflag:s25] =	ssyncset.done $0x0  }
0x1f7: {  	[sflag:s25] =	ssyncadd.s32 $0xFFFFFF80  }
0x1f8: {  	_ =	swait.ge [sflag:s25], $0x80  }
0x1f9: {  	[sflag:s25] =	ssyncset.done $0x0  }
0x1fa: {  	[sflag:s25] =	ssyncadd.s32 $0xFFFFFF80  }
0x1fb: {  	_ =	swait.ge [sflag:s25], $0x80  }
0x1fc: {  	[sflag:s25] =	ssyncset.done $0x0  }
0x1fd: {  	[sflag:s25] =	ssyncadd.s32 $0xFFFFFF80  }
0x1fe: {  	_ =	swait.ge [sflag:s25], $0x80  }
0x1ff: {  	[sflag:s25] =	ssyncset.done $0x0  }
0x200: {  	s8 =	simm.s32 $0x2700;
	[sflag:s25] =	ssyncadd.s32 $0xFFFFFF80  }
0x201: {  	[tilespmem:s26], [sflag:$0x3] =	stream.indirect.gather [spmem:s2], $0x1, s8, s15, $0xb8;
	[tilespmem:$0x6C00] =	vst v63  }
0x202: {  	_ =	swait.ge [sflag:s22], $0x80  }
0x203: {  	[sflag:s22] =	ssyncset.done $0x0  }
0x204: {  	s9 =	simm.s32 $0x4F00;
	[sflag:s22] =	ssyncadd.s32 $0xFFFFFF80  }
0x205: {  	[spmem:s1] =	stream.indirect.scatter.add.f32 [tilespmem:s26], [sflag:$0x3], $0x1, s9, s15, $0xb8;
	[tilespmem:$0x6C00] =	vst v63  }
0x206: {  	s16 =	sadd.s32 $0x1, s16;
	_ =	swait.ge [sflag:s22], $0x80  }
0x207: {  	p2 =	sne.s32 s16, s14;
	s6 =	simm.s32 @!p0 $0x1;
	[sflag:s22] =	ssyncset.done $0x0  }
0x208: {  	s7 =	simm.s32 @!p0 $0x20;
	s5 =	sshrl.u32 @!p0 s1, $0x3;
	[sflag:s22] =	ssyncadd.s32 $0xFFFFFF80  }
0x209: {  	s8 =	simm.s32 @!p0 $0x10;
	s9 =	simm.s32 @!p0 $0x1C03;
	[bflag:$0x0] =	sbarrier.arrive $0xFFFF  }
0x20a: {  	[hbm:s13@s7], [sflag:s9] =	dma.strided @!p0 [spmem:s5@s8], $0x500, s6, $0x10   }
.Ltmp2:
0x20b: {  	_ = 	snop;
	(pc) =	sbr.rel @p2 .LBB2_1-.Ltmp2, $4  }
0x20c: {  	s5 =	simm.s32 @!p0 $0x3  }
0x20d: {  	_ =	swait.ge @!p0 [sflag:s5], $0x500  }
0x20e: {  	[sflag:s5] =	ssyncset.done @!p0 $0x0  }
0x20f: {  	[sflag:s5] =	ssyncadd.s32 @!p0 $0xFFFFFB00  }
0x210: {  	_ =	sfence.sel $0x180000  }
0x211: {  	[bflag:$0x0] =	sbarrier.arrive $0xFFFF  }
0x212: {  	_ =	strace $0x9000004D  }
0x213: {  	[bflag:$0x2] =	sbarrier.arrive $0xFFFF  }
0x214: {  	s0 =	rddreg [dreg:$0x3]  }
0x215: {  	s0 =	sadd.s32 @!p0 $0x100000, s0  }
0x216: {  	[sflag:s0] =	ssyncadd.tile.s32 @!p0 $0x1;
	_ =	shalt  }
.Lfunc_end2:
_tile_overlayer_lowered:
.L_overlay_start_2:
0x217: {  	(tag) =	ssettag $0x2  }
0x218: {  	s0 =	rddreg [dreg:$0x0];
	s2 =	stileid.u32  }
0x219: {  	s1 =	rddreg [dreg:$0x1];
	p0 =	sne.s32 s2, $0x0  }
0x21a: {  	s3 =	rddreg [dreg:$0x2];
	[bflag:$0x3] =	sbarrier.arrive $0xFFFF;
	s2 =	simm.s32 @!p0 $0x1C03  }
0x21b: {  	[timem:s3], [sflag:s2] =	dma.local @!p0 [hbm:s0], s1  }
0x21c: {  	s0 =	simm.s32 @!p0 $0x3  }
0x21d: {  	_ =	swait.ge @!p0 [sflag:s0], s1  }
0x21e: {  	s1 =	ssub.s32 @!p0 $0x0, s1;
	[sflag:s0] =	ssyncset.done @!p0 $0x0  }
0x21f: {  	[sflag:s0] =	ssyncadd.s32 @!p0 s1  }
0x220: {  	[bflag:$0x3] =	sbarrier.arrive $0xFFFF  }
0x221: {  	_ =	shalt  }

// kernel: kernel.6.cloned.1.call-start
scs
__scs_entry_jumppad:
0x0: {  	(pc) =	sbr.rel $0x88, $3  }
0x1: {  	(tag) =	ssettag $0x0;
	lr =	simm.s32 $0x1  }
0x2: {  	[smem:$0x3F9B] =	sst lr;
	_ =	strace $0xD0000000  }
0x3: {  	_ = 	snop  }
0x4: {  	_ = 	snop  }
0x5: {  	_ = 	snop  }
0x6: {  	_ = 	snop  }
0x7: {  	_ = 	snop  }
__scs_overlays_trampoline_lowered:
0x8: {  	[smem:$0x3FAA] =	sst s0  }
0x9: {  	[smem:$0x3FAB] =	sst s1  }
0xa: {  	[smem:$0x3FAC] =	sst s2  }
0xb: {  	[smem:$0x3FAD] =	sst s3  }
0xc: {  	[smem:$0x3FAE] =	sst s4  }
0xd: {  	[smem:$0x3FAF] =	sst s5  }
0xe: {  	[smem:$0x3FB0] =	sst s6  }
0xf: {  	[smem:$0x3FB1] =	sst s7  }
0x10: {  	[smem:$0x3FB2] =	sst s8  }
0x11: {  	[smem:$0x3FB3] =	sst s9;
	s0 =	simm.s32 @!p0 $0x0  }
0x12: {  	s1 =	sld [smem:$0x3F99];
	s0 =	simm.s32 @p0 $0x1  }
0x13: {  	[smem:$0x3FB4] =	sst s0;
	s0 =	simm.s32 @!p1 $0x0  }
0x14: {  	s2 =	sld [smem:$0x3F98];
	s0 =	simm.s32 @p1 $0x1  }
0x15: {  	[smem:$0x3FB5] =	sst s0;
	s0 =	simm.s32 @!p2 $0x0  }
0x16: {  	s3 =	sld [smem:$0x3FDB];
	s0 =	simm.s32 @p2 $0x1  }
0x17: {  	s4 =	simm.s32 $0x1BF5;
	[smem:$0x3FB7] =	sst s0  }
0x18: {  	s0 =	sld [smem:$0x3F9A];
	_ =	swait.ge [sflag:s4], $0x0  }
0x19: {  	s7 =	sld [smem:$0x3F9B]  }
0x1a: {  	s8 =	sadd.s32 $0xFFFFE003, lr  }
0x1b: {  	s9 =	sadd.s32 $0xFFFFFEF7, lr;
	s5 =	simm.s32 $0xFFFFFFFF;
	p2 =	slt.u32 s8, $0xFFFFF086  }
0x1c: {  	p1 =	slt.u32 s9, $0xF7A;
	s5 =	simm.s32 @!p2 $0x0  }
0x1d: {  	s5 =	simm.s32 @p1 $0x1;
	p0 =	seq.s32 s7, s2  }
0x1e: {  	s7 =	smul.u32 @!p0 $0xF7A, s2;
	p2 =	seq.s32 @!p0 s5, $0x0  }
0x1f: {  	s9 =	smul.u32 $0xF7A, s1;
	s8 =	simm.s32 @!p0 $0x1BF5;
	p2 =	por !p2, p0  }
0x20: {  	[sflag:s8] =	ssyncset.s32 @!p0 $0xFFFFF086;
	s6 =	sadd.s32 @!p0 s3, s7;
	s7 =	simm.s32 @!p0 $0x108  }
0x21: {  	s3 =	sadd.s32 s3, s9;
	s6 =	sadd.s32 @!p0 $0x88, s6;
	s7 =	simm.s32 @p2 $0x1082  }
0x22: {  	[simem:s7], [sflag:s8] =	dma.local @!p0 [hbm:s6], $0xF7A  }
0x23: {  	s9 =	sor.u32 $0xD0000000, s2;
	s6 =	simm.s32 $0x108;
	_ =	swait.ge @!p0 [sflag:s8], $0x0  }
0x24: {  	s3 =	sadd.s32 $0x88, s3;
	s6 =	simm.s32 @!p1 $0x1082;
	[sflag:s4] =	ssyncset.s32 $0xFFFFF086  }
0x25: {  	[simem:s6], [sflag:s4] =	dma.local [hbm:s3], $0xF7A  }
0x26: {  	[smem:$0x3F9B] =	sst s1;
	(tag) =	ssettag s2;
	_ =	strace s9  }
0x27: {  	s1 =	sld [smem:$0x3FAB]  }
0x28: {  	s2 =	sld [smem:$0x3FAC]  }
0x29: {  	s4 =	sld [smem:$0x3FAE]  }
0x2a: {  	p0 =	seq.s32 s5, $0x0;
	s5 =	sld [smem:$0x3FAF]  }
0x2b: {  	s6 =	sld [smem:$0x3FB0]  }
0x2c: {  	s7 =	sld [smem:$0x3FB1]  }
0x2d: {  	s3 =	simm.s32 $0x108;
	s8 =	sld [smem:$0x3FB2]  }
0x2e: {  	s3 =	simm.s32 @!p0 $0x1082;
	s9 =	sld [smem:$0x3FB3]  }
0x2f: {  	lr =	sadd.s32 s0, s3;
	s0 =	sld [smem:$0x3FAA]  }
0x30: {  	s3 =	sld [smem:$0x3FAD]  }
0x31: {  	[smem:$0x3FB6] =	sst s10  }
0x32: {  	s10 =	sld [smem:$0x3FB4];
	_ =	sdelay $0x3  }
0x33: {  	p0 =	seq.s32 s10, $0x1;
	s10 =	sld [smem:$0x3FB6];
	_ =	sdelay $0x3  }
0x34: {  	[smem:$0x3FB6] =	sst s10  }
0x35: {  	s10 =	sld [smem:$0x3FB5];
	_ =	sdelay $0x3  }
0x36: {  	p1 =	seq.s32 s10, $0x1;
	s10 =	sld [smem:$0x3FB6];
	_ =	sdelay $0x3  }
0x37: {  	[smem:$0x3FB6] =	sst s10  }
0x38: {  	s10 =	sld [smem:$0x3FB7]  }
0x39: {  	_ = 	snop;
	(pc) =	sbr.ind lr, $3  }
0x3a: {  	_ = 	snop  }
0x3b: {  	_ = 	snop  }
0x3c: {  	p2 =	seq.s32 s10, $0x1;
	s10 =	sld [smem:$0x3FB6]  }
0x3d: {  	_ =	shalt  }
0x3e: {  	_ =	shalt  }
0x3f: {  	_ =	shalt  }
0x40: {  	_ =	shalt  }
0x41: {  	_ =	shalt  }
0x42: {  	_ =	shalt  }
0x43: {  	_ =	shalt  }
0x44: {  	_ =	shalt  }
0x45: {  	_ =	shalt  }
0x46: {  	_ =	shalt  }
0x47: {  	_ =	shalt  }
0x48: {  	_ =	shalt  }
0x49: {  	_ =	shalt  }
0x4a: {  	_ =	shalt  }
0x4b: {  	_ =	shalt  }
0x4c: {  	_ =	shalt  }
0x4d: {  	_ =	shalt  }
0x4e: {  	_ =	shalt  }
0x4f: {  	_ =	shalt  }
0x50: {  	_ =	shalt  }
0x51: {  	_ =	shalt  }
0x52: {  	_ =	shalt  }
0x53: {  	_ =	shalt  }
0x54: {  	_ =	shalt  }
0x55: {  	_ =	shalt  }
0x56: {  	_ =	shalt  }
0x57: {  	_ =	shalt  }
0x58: {  	_ =	shalt  }
0x59: {  	_ =	shalt  }
0x5a: {  	_ =	shalt  }
0x5b: {  	_ =	shalt  }
0x5c: {  	_ =	shalt  }
0x5d: {  	_ =	shalt  }
0x5e: {  	_ =	shalt  }
0x5f: {  	_ =	shalt  }
0x60: {  	_ =	shalt  }
0x61: {  	_ =	shalt  }
0x62: {  	_ =	shalt  }
0x63: {  	_ =	shalt  }
0x64: {  	_ =	shalt  }
0x65: {  	_ =	shalt  }
0x66: {  	_ =	shalt  }
0x67: {  	_ =	shalt  }
0x68: {  	_ =	shalt  }
0x69: {  	_ =	shalt  }
0x6a: {  	_ =	shalt  }
0x6b: {  	_ =	shalt  }
0x6c: {  	_ =	shalt  }
0x6d: {  	_ =	shalt  }
0x6e: {  	_ =	shalt  }
0x6f: {  	_ =	shalt  }
0x70: {  	_ =	shalt  }
0x71: {  	_ =	shalt  }
0x72: {  	_ =	shalt  }
0x73: {  	_ =	shalt  }
0x74: {  	_ =	shalt  }
0x75: {  	_ =	shalt  }
0x76: {  	_ =	shalt  }
0x77: {  	_ =	shalt  }
0x78: {  	_ =	shalt  }
0x79: {  	_ =	shalt  }
0x7a: {  	_ =	shalt  }
0x7b: {  	_ =	shalt  }
0x7c: {  	_ =	shalt  }
0x7d: {  	_ =	shalt  }
0x7e: {  	_ =	shalt  }
0x7f: {  	_ =	shalt  }
0x80: {  	_ =	shalt  }
0x81: {  	_ =	shalt  }
0x82: {  	_ =	shalt  }
0x83: {  	_ =	shalt  }
0x84: {  	_ =	shalt  }
0x85: {  	_ =	shalt  }
0x86: {  	_ =	shalt  }
0x87: {  	_ =	shalt  }
.Lfunc_end0:
.L_simem_size_0:
called_computation_lowered:
.L_overlay_start_0:
0x88: {  	s2 =	sld [smem:$0x3FD9]  }
0x89: {  	s3 =	sld [smem:$0x3FFE];
	_ =	sdelay $0x1  }
0x8a: {  	s1 =	srdreg.scid  }
0x8b: {  	s0 =	sand.u32 $0x1, s1  }
0x8c: {  	s16 =	sshll.u32 s0, $0xA;
	s2 =	sadd.s32 s3, s2  }
0x8d: {  	s2 =	sadd.s32 s2, s16  }
0x8e: {  	[smem:$0x3FC2] =	sst s2  }
0x8f: {  	_ = 	snop  }
0x90: {  	(tm) =	ssettm $0x1  }
0x91: {  	s17 =	sld [smem:$0x3FFB];
	_ =	sdelay $0x3  }
0x92: {  	_ =	strace s17  }
0x93: {  	s2 =	sld [smem:$0x3FFC];
	_ =	sdelay $0x3  }
0x94: {  	_ =	strace s2  }
0x95: {  	s2 =	sld [smem:$0x3FFD];
	_ =	sdelay $0x3  }
0x96: {  	_ =	strace s2  }
0x97: {  	_ =	strace $0x8FFFFFFF  }
0x98: {  	s18 =	sld [smem:$0x3FDB];
	_ =	sdelay $0x1  }
0x99: {  	s19 =	simm.s32 $_scs_section_size  }
0x9a: {  	s4 =	simm.s32 $_size__tile_overlayer_lowered;
	s5 =	simm.s32 $_tile_overlayer_lowered  }
0x9b: {  	s22 =	simm.s32 $0x1BFF;
	s21 =	sshll.u32 s5, $0x1;
	s2 =	sadd.s32 s19, s18  }
0x9c: {  	s6 =	simm.s32 $0x0;
	s20 =	sshll.u32 s4, $0x1;
	s4 =	sadd.s32 s21, s2  }
0x9d: {  	[timem:s6], [sflag:s22] =	dma.local [hbm:s4], s20  }
0x9e: {  	_ =	swait.ge [sflag:s22], s20  }
0x9f: {  	s3 =	ssub.s32 $0x0, s20;
	[sflag:s22] =	ssyncset.done $0x0  }
0xa0: {  	[sflag:s22] =	ssyncadd.s32 s3;
	_ =	sdelay $0x1  }
0xa1: {  	s23 =	simm.s32 $0x1B8B  }
0xa2: {  	_ =	swait.ge [sflag:s23], $0x1  }
0xa3: {  	[sflag:s23] =	ssyncset.done $0x0  }
0xa4: {  	s25 =	simm.s32 $0x1B8E;
	s24 =	sld [smem:$0x3FFE];
	[sflag:s23] =	ssyncadd.s32 $0xFFFFFFFF  }
0xa5: {  	s26 =	simm.s32 $execute0_lowered;
	[smem:$0x3FD2] =	sst s25  }
0xa6: {  	s4 =	sshll.u32 s26, $0x1;
	_ =	strace $0x80000046;
	[dreg:$0x1] =	wrdreg $0xFFFFFFFF  }
0xa7: {  	s28 =	simm.s32 $_size_execute0_lowered;
	s2 =	sadd.s32 s2, s4;
	[dreg:$0x0] =	wrdreg $0x0  }
0xa8: {  	s4 =	sshll.u32 s28, $0x1;
	[dreg:$0x2] =	wrdreg s2  }
0xa9: {  	[dreg:$0x3] =	wrdreg s4  }
0xaa: {  	[dreg:$0x4] =	wrdreg $0xC0  }
0xab: {  	_ =	task [dreg:s6], $0x5FFFF  }
0xac: {  	[dreg:$0x1] =	wrdreg $0xFFFFFFFF  }
0xad: {  	[dreg:$0x0] =	wrdreg $0x60  }
0xae: {  	[dreg:$0x2] =	wrdreg s24  }
0xaf: {  	[dreg:$0x3] =	wrdreg $0x2B000  }
0xb0: {  	[dreg:$0x4] =	wrdreg $0x9  }
0xb1: {  	_ =	task.clear_ibuf [dreg:s6], $0x5FFFF;
	_ =	strace $0x90000046  }
0xb2: {  	s29 =	simm.s32 $0x9;
	_ =	strace $0x80000048  }
0xb3: {  	_ =	swait.ge [sflag:s29], $0x1  }
0xb4: {  	[sflag:s29] =	ssyncadd.s32 $0xFFFFFFFF  }
0xb5: {  	_ =	strace $0x90000048  }
0xb6: {  	_ =	sfence  }
0xb7: {  	s30 =	sld [smem:$0x0];
	_ =	sdelay $0x2  }
0xb8: {  	s31 =	sshll.u32 s1, $0xD;
	s1 =	sshrl.u32 s1, $0x2  }
0xb9: {  	s3 =	sand.u32 $0x4000, s31;
	s1 =	sadd.s32 s1, s30  }
0xba: {  	s0 =	sor.u32 s3, s0;
	s1 =	sshll.u32 s1, $0x11  }
0xbb: {  	s0 =	sor.u32 s1, s0  }
0xbc: {  	s0 =	sadd.s32 $0x8F2B, s0  }
0xbd: {  	[sflag:s0] =	ssyncadd.remote.s32 $0x1  }
0xbe: {  	_ =	sfence.sel $0xFFFF  }
0xbf: {  	[dreg:$0x0] =	wrdreg $0xFFFFFFFF;
	(pc) =	sbr.abs _section_cstart, $3  }
0xc0: {  	[dreg:$0x1] =	wrdreg $0xFFFFFFFF  }
0xc1: {  	_ =	task.clear_ibuf [dreg:s6], $0x2FFFF;
	_ =	strace $0x9FFFFFFF  }
0xc2: {  	(tm) =	ssettm $0x7FFFFFFF  }
0xc3: {  	_ =	shalt  }
tec
execute0_lowered:
.L_overlay_start_1:
0x0: {  	(tag) =	ssettag $0x1  }
0x1: {  	s0 =	srdreg.scid;
	s3 =	rddreg [dreg:$0x0]  }
0x2: {  	s1 =	rddreg [dreg:$0x1];
	s12 =	stileid.u32;
	s2 =	simm.s32 $0x0  }
0x3: {  	s9 =	simm.s32 $0x1;
	s10 =	simm.s32 $0x80;
	s11 =	simm.s32 $0x2800  }
0x4: {  	s14 =	simm.s32 $0x0;
	s4 =	sand.u32 $0x1, s0;
	s0 =	rddreg [dreg:$0x2]  }
0x5: {  	[smem:$0x7FF] =	sst s2;
	s7 =	smul.u32 $0xA00, s12;
	p0 =	sne.s32 s12, $0x0  }
0x6: {  	s5 =	sshll.u32 s4, $0x4;
	_ =	strace $0x80000047;
	s4 =	ssub.s32 $0x2, s4  }
0x7: {  	s13 =	sshrl.u32 @!p0 s1, $0x3;
	s6 =	sor.u32 s12, s5;
	s5 =	sadd.s32 s5, s3  }
0x8: {  	s30 =	sshrl.u32 s4, $0x1;
	s31 =	sshrl.u32 s7, $0x2;
	s6 =	smul.u32 $0x500, s6  }
0x9: {  	s7 =	simm.s32 $0x2880;
	s12 =	simm.s32 $0x2700;
	s8 =	ssub.s32 s4, s30  }
0xa: {  	s4 =	sadd.s32 s31, s1;
	s5 =	sadd.s32 $0xC400, s5;
	s6 =	sadd.s32 s6, s3  }
0xb: {  	v0 =	vimm.f32 $0.0e+00;
	v1 =	vimm.f32 $1.000000000e+00;
	s3 =	sadd.s32 $0x2400, s6;
	s6 =	smax.u32 s8, $0x1;
	s8 =	simm.s32 $0x2  }
.LBB2_1:
0xc: {  	[tilespmem:s2], [sflag:$0x1] =	stream.linear.gather [hbm4b:s3+s2], $0x2780, $0x38;
	[tilespmem:$0x2D80] =	vst v63  }
0xd: {  	[tilespmem:$0x2880] =	vst v0  }
0xe: {  	[tilespmem:$0x2890] =	vst v0  }
0xf: {  	[tilespmem:$0x28A0] =	vst v0  }
0x10: {  	[tilespmem:$0x28B0] =	vst v0  }
0x11: {  	[tilespmem:$0x28C0] =	vst v0  }
0x12: {  	[tilespmem:$0x28D0] =	vst v0  }
0x13: {  	[tilespmem:$0x28E0] =	vst v0  }
0x14: {  	[tilespmem:$0x28F0] =	vst v0  }
0x15: {  	[tilespmem:$0x2900] =	vst v0  }
0x16: {  	[tilespmem:$0x2910] =	vst v0  }
0x17: {  	[tilespmem:$0x2920] =	vst v0  }
0x18: {  	[tilespmem:$0x2930] =	vst v0  }
0x19: {  	[tilespmem:$0x2940] =	vst v0  }
0x1a: {  	[tilespmem:$0x2950] =	vst v0  }
0x1b: {  	[tilespmem:$0x2960] =	vst v0  }
0x1c: {  	[tilespmem:$0x2970] =	vst v0  }
0x1d: {  	[tilespmem:$0x2980] =	vst v0  }
0x1e: {  	[tilespmem:$0x2990] =	vst v0  }
0x1f: {  	[tilespmem:$0x29A0] =	vst v0  }
0x20: {  	[tilespmem:$0x29B0] =	vst v0  }
0x21: {  	[tilespmem:$0x29C0] =	vst v0  }
0x22: {  	[tilespmem:$0x29D0] =	vst v0  }
0x23: {  	[tilespmem:$0x29E0] =	vst v0  }
0x24: {  	[tilespmem:$0x29F0] =	vst v0  }
0x25: {  	[tilespmem:$0x2A00] =	vst v0  }
0x26: {  	[tilespmem:$0x2A10] =	vst v0  }
0x27: {  	[tilespmem:$0x2A20] =	vst v0  }
0x28: {  	[tilespmem:$0x2A30] =	vst v0  }
0x29: {  	[tilespmem:$0x2A40] =	vst v0  }
0x2a: {  	[tilespmem:$0x2A50] =	vst v0  }
0x2b: {  	[tilespmem:$0x2A60] =	vst v0  }
0x2c: {  	[tilespmem:$0x2A70] =	vst v0  }
0x2d: {  	[tilespmem:$0x2A80] =	vst v0  }
0x2e: {  	[tilespmem:$0x2A90] =	vst v0  }
0x2f: {  	[tilespmem:$0x2AA0] =	vst v0  }
0x30: {  	[tilespmem:$0x2AB0] =	vst v0  }
0x31: {  	[tilespmem:$0x2AC0] =	vst v0  }
0x32: {  	[tilespmem:$0x2AD0] =	vst v0  }
0x33: {  	[tilespmem:$0x2AE0] =	vst v0  }
0x34: {  	[tilespmem:$0x2AF0] =	vst v0  }
0x35: {  	[spmem:s4] =	stream.linear.scatter [tilespmem:s7], [sflag:$0x2], $0x280, $0x38;
	[tilespmem:$0x2D80] =	vst v63  }
0x36: {  	_ =	swait.ge [sflag:s8], $0x280  }
0x37: {  	[sflag:s8] =	ssyncset.done $0x0  }
0x38: {  	[sflag:s8] =	ssyncadd.s32 $0xFFFFFD80  }
0x39: {  	[tilespmem:$0x2800] =	vst v1  }
0x3a: {  	[tilespmem:$0x2810] =	vst v1  }
0x3b: {  	[tilespmem:$0x2820] =	vst v1  }
0x3c: {  	[tilespmem:$0x2830] =	vst v1  }
0x3d: {  	[tilespmem:$0x2840] =	vst v1  }
0x3e: {  	[tilespmem:$0x2850] =	vst v1  }
0x3f: {  	[tilespmem:$0x2860] =	vst v1  }
0x40: {  	[tilespmem:$0x2870] =	vst v1  }
0x41: {  	_ =	swait.ge [sflag:s9], $0x2780  }
0x42: {  	[sflag:s9] =	ssyncset.done $0x0  }
0x43: {  	[sflag:s9] =	ssyncadd.s32 $0xFFFFD880  }
0x44: {  	s15 =	simm.s32 $0x0;
	[bflag:$0x0] =	sbarrier.arrive $0xFFFF  }
0x45: {  	[spmem:s1] =	stream.indirect.scatter.add.f32 [tilespmem:s11], [sflag:$0x1], $0x1, s15, s10, $0xb8;
	[tilespmem:$0x2D80] =	vst v63  }
0x46: {  	s19 =	simm.s32 $0x80  }
0x47: {  	[spmem:s1] =	stream.indirect.scatter.add.f32 [tilespmem:s11], [sflag:$0x1], $0x1, s19, s10, $0xb8;
	[tilespmem:$0x2D80] =	vst v63  }
0x48: {  	s20 =	simm.s32 $0x100  }
0x49: {  	[spmem:s1] =	stream.indirect.scatter.add.f32 [tilespmem:s11], [sflag:$0x1], $0x1, s20, s10, $0xb8;
	[tilespmem:$0x2D80] =	vst v63  }
0x4a: {  	s21 =	simm.s32 $0x180  }
0x4b: {  	[spmem:s1] =	stream.indirect.scatter.add.f32 [tilespmem:s11], [sflag:$0x1], $0x1, s21, s10, $0xb8;
	[tilespmem:$0x2D80] =	vst v63  }
0x4c: {  	s22 =	simm.s32 $0x200  }
0x4d: {  	[spmem:s1] =	stream.indirect.scatter.add.f32 [tilespmem:s11], [sflag:$0x1], $0x1, s22, s10, $0xb8;
	[tilespmem:$0x2D80] =	vst v63  }
0x4e: {  	s23 =	simm.s32 $0x280  }
0x4f: {  	[spmem:s1] =	stream.indirect.scatter.add.f32 [tilespmem:s11], [sflag:$0x1], $0x1, s23, s10, $0xb8;
	[tilespmem:$0x2D80] =	vst v63  }
0x50: {  	s24 =	simm.s32 $0x300  }
0x51: {  	[spmem:s1] =	stream.indirect.scatter.add.f32 [tilespmem:s11], [sflag:$0x1], $0x1, s24, s10, $0xb8;
	[tilespmem:$0x2D80] =	vst v63  }
0x52: {  	s25 =	simm.s32 $0x380  }
0x53: {  	[spmem:s1] =	stream.indirect.scatter.add.f32 [tilespmem:s11], [sflag:$0x1], $0x1, s25, s10, $0xb8;
	[tilespmem:$0x2D80] =	vst v63  }
0x54: {  	s26 =	simm.s32 $0x400  }
0x55: {  	[spmem:s1] =	stream.indirect.scatter.add.f32 [tilespmem:s11], [sflag:$0x1], $0x1, s26, s10, $0xb8;
	[tilespmem:$0x2D80] =	vst v63  }
0x56: {  	s28 =	simm.s32 $0x480  }
0x57: {  	[spmem:s1] =	stream.indirect.scatter.add.f32 [tilespmem:s11], [sflag:$0x1], $0x1, s28, s10, $0xb8;
	[tilespmem:$0x2D80] =	vst v63  }
0x58: {  	s29 =	simm.s32 $0x500  }
0x59: {  	[spmem:s1] =	stream.indirect.scatter.add.f32 [tilespmem:s11], [sflag:$0x1], $0x1, s29, s10, $0xb8;
	[tilespmem:$0x2D80] =	vst v63  }
0x5a: {  	s30 =	simm.s32 $0x580  }
0x5b: {  	[spmem:s1] =	stream.indirect.scatter.add.f32 [tilespmem:s11], [sflag:$0x1], $0x1, s30, s10, $0xb8;
	[tilespmem:$0x2D80] =	vst v63  }
0x5c: {  	s31 =	simm.s32 $0x600  }
0x5d: {  	[spmem:s1] =	stream.indirect.scatter.add.f32 [tilespmem:s11], [sflag:$0x1], $0x1, s31, s10, $0xb8;
	[tilespmem:$0x2D80] =	vst v63  }
0x5e: {  	_ =	swait.ge [sflag:s9], $0x80  }
0x5f: {  	[sflag:s9] =	ssyncset.done $0x0  }
0x60: {  	[sflag:s9] =	ssyncadd.s32 $0xFFFFFF80  }
0x61: {  	_ =	swait.ge [sflag:s9], $0x80  }
0x62: {  	[sflag:s9] =	ssyncset.done $0x0  }
0x63: {  	[sflag:s9] =	ssyncadd.s32 $0xFFFFFF80  }
0x64: {  	_ =	swait.ge [sflag:s9], $0x80  }
0x65: {  	[sflag:s9] =	ssyncset.done $0x0  }
0x66: {  	[sflag:s9] =	ssyncadd.s32 $0xFFFFFF80  }
0x67: {  	_ =	swait.ge [sflag:s9], $0x80  }
0x68: {  	[sflag:s9] =	ssyncset.done $0x0  }
0x69: {  	[sflag:s9] =	ssyncadd.s32 $0xFFFFFF80  }
0x6a: {  	_ =	swait.ge [sflag:s9], $0x80  }
0x6b: {  	[sflag:s9] =	ssyncset.done $0x0  }
0x6c: {  	[sflag:s9] =	ssyncadd.s32 $0xFFFFFF80  }
0x6d: {  	_ =	swait.ge [sflag:s9], $0x80  }
0x6e: {  	[sflag:s9] =	ssyncset.done $0x0  }
0x6f: {  	[sflag:s9] =	ssyncadd.s32 $0xFFFFFF80  }
0x70: {  	_ =	swait.ge [sflag:s9], $0x80  }
0x71: {  	[sflag:s9] =	ssyncset.done $0x0  }
0x72: {  	[sflag:s9] =	ssyncadd.s32 $0xFFFFFF80  }
0x73: {  	_ =	swait.ge [sflag:s9], $0x80  }
0x74: {  	[sflag:s9] =	ssyncset.done $0x0  }
0x75: {  	[sflag:s9] =	ssyncadd.s32 $0xFFFFFF80  }
0x76: {  	_ =	swait.ge [sflag:s9], $0x80  }
0x77: {  	[sflag:s9] =	ssyncset.done $0x0  }
0x78: {  	[sflag:s9] =	ssyncadd.s32 $0xFFFFFF80  }
0x79: {  	_ =	swait.ge [sflag:s9], $0x80  }
0x7a: {  	[sflag:s9] =	ssyncset.done $0x0  }
0x7b: {  	[sflag:s9] =	ssyncadd.s32 $0xFFFFFF80  }
0x7c: {  	_ =	swait.ge [sflag:s9], $0x80  }
0x7d: {  	[sflag:s9] =	ssyncset.done $0x0  }
0x7e: {  	[sflag:s9] =	ssyncadd.s32 $0xFFFFFF80  }
0x7f: {  	_ =	swait.ge [sflag:s9], $0x80  }
0x80: {  	[sflag:s9] =	ssyncset.done $0x0  }
0x81: {  	[sflag:s9] =	ssyncadd.s32 $0xFFFFFF80  }
0x82: {  	_ =	swait.ge [sflag:s9], $0x80  }
0x83: {  	s17 =	simm.s32 $0x3400;
	s15 =	simm.s32 $0x1A00;
	[sflag:s9] =	ssyncset.done $0x0  }
.LBB2_2:
0x84: {  	s18 =	sshra.s32 s15, $0x2  }
0x85: {  	[sflag:s9] =	ssyncadd.s32 $0xFFFFFF80;
	s15 =	smov.u32 s17;
	s16 =	sadd.s32 $0x1A00, s17  }
0x86: {  	[spmem:s1] =	stream.indirect.scatter.add.f32 [tilespmem:s11], [sflag:$0x1], $0x1, s18, s10, $0xb8;
	[tilespmem:$0x2D80] =	vst v63  }
0x87: {  	p1 =	sne.s32 s17, $0x8200;
	s17 =	sadd.s32 $0x80, s18  }
0x88: {  	[spmem:s1] =	stream.indirect.scatter.add.f32 [tilespmem:s11], [sflag:$0x1], $0x1, s17, s10, $0xb8;
	[tilespmem:$0x2D80] =	vst v63  }
0x89: {  	s17 =	sadd.s32 $0x100, s18  }
0x8a: {  	[spmem:s1] =	stream.indirect.scatter.add.f32 [tilespmem:s11], [sflag:$0x1], $0x1, s17, s10, $0xb8;
	[tilespmem:$0x2D80] =	vst v63  }
0x8b: {  	s17 =	sadd.s32 $0x180, s18  }
0x8c: {  	[spmem:s1] =	stream.indirect.scatter.add.f32 [tilespmem:s11], [sflag:$0x1], $0x1, s17, s10, $0xb8;
	[tilespmem:$0x2D80] =	vst v63  }
0x8d: {  	s17 =	sadd.s32 $0x200, s18  }
0x8e: {  	[spmem:s1] =	stream.indirect.scatter.add.f32 [tilespmem:s11], [sflag:$0x1], $0x1, s17, s10, $0xb8;
	[tilespmem:$0x2D80] =	vst v63  }
0x8f: {  	s17 =	sadd.s32 $0x280, s18  }
0x90: {  	[spmem:s1] =	stream.indirect.scatter.add.f32 [tilespmem:s11], [sflag:$0x1], $0x1, s17, s10, $0xb8;
	[tilespmem:$0x2D80] =	vst v63  }
0x91: {  	s17 =	sadd.s32 $0x300, s18  }
0x92: {  	[spmem:s1] =	stream.indirect.scatter.add.f32 [tilespmem:s11], [sflag:$0x1], $0x1, s17, s10, $0xb8;
	[tilespmem:$0x2D80] =	vst v63  }
0x93: {  	s17 =	sadd.s32 $0x380, s18  }
0x94: {  	[spmem:s1] =	stream.indirect.scatter.add.f32 [tilespmem:s11], [sflag:$0x1], $0x1, s17, s10, $0xb8;
	[tilespmem:$0x2D80] =	vst v63  }
0x95: {  	s17 =	sadd.s32 $0x400, s18  }
0x96: {  	[spmem:s1] =	stream.indirect.scatter.add.f32 [tilespmem:s11], [sflag:$0x1], $0x1, s17, s10, $0xb8;
	[tilespmem:$0x2D80] =	vst v63  }
0x97: {  	s17 =	sadd.s32 $0x480, s18  }
0x98: {  	[spmem:s1] =	stream.indirect.scatter.add.f32 [tilespmem:s11], [sflag:$0x1], $0x1, s17, s10, $0xb8;
	[tilespmem:$0x2D80] =	vst v63  }
0x99: {  	s17 =	sadd.s32 $0x500, s18  }
0x9a: {  	[spmem:s1] =	stream.indirect.scatter.add.f32 [tilespmem:s11], [sflag:$0x1], $0x1, s17, s10, $0xb8;
	[tilespmem:$0x2D80] =	vst v63  }
0x9b: {  	s17 =	sadd.s32 $0x580, s18  }
0x9c: {  	[spmem:s1] =	stream.indirect.scatter.add.f32 [tilespmem:s11], [sflag:$0x1], $0x1, s17, s10, $0xb8;
	[tilespmem:$0x2D80] =	vst v63  }
0x9d: {  	s17 =	sadd.s32 $0x600, s18  }
0x9e: {  	[spmem:s1] =	stream.indirect.scatter.add.f32 [tilespmem:s11], [sflag:$0x1], $0x1, s17, s10, $0xb8;
	[tilespmem:$0x2D80] =	vst v63  }
0x9f: {  	_ =	swait.ge [sflag:s9], $0x80  }
0xa0: {  	[sflag:s9] =	ssyncset.done $0x0  }
0xa1: {  	[sflag:s9] =	ssyncadd.s32 $0xFFFFFF80  }
0xa2: {  	_ =	swait.ge [sflag:s9], $0x80  }
0xa3: {  	[sflag:s9] =	ssyncset.done $0x0  }
0xa4: {  	[sflag:s9] =	ssyncadd.s32 $0xFFFFFF80  }
0xa5: {  	_ =	swait.ge [sflag:s9], $0x80  }
0xa6: {  	[sflag:s9] =	ssyncset.done $0x0  }
0xa7: {  	[sflag:s9] =	ssyncadd.s32 $0xFFFFFF80  }
0xa8: {  	_ =	swait.ge [sflag:s9], $0x80  }
0xa9: {  	[sflag:s9] =	ssyncset.done $0x0  }
0xaa: {  	[sflag:s9] =	ssyncadd.s32 $0xFFFFFF80  }
0xab: {  	_ =	swait.ge [sflag:s9], $0x80  }
0xac: {  	[sflag:s9] =	ssyncset.done $0x0  }
0xad: {  	[sflag:s9] =	ssyncadd.s32 $0xFFFFFF80  }
0xae: {  	_ =	swait.ge [sflag:s9], $0x80  }
0xaf: {  	[sflag:s9] =	ssyncset.done $0x0  }
0xb0: {  	[sflag:s9] =	ssyncadd.s32 $0xFFFFFF80  }
0xb1: {  	_ =	swait.ge [sflag:s9], $0x80  }
0xb2: {  	[sflag:s9] =	ssyncset.done $0x0  }
0xb3: {  	[sflag:s9] =	ssyncadd.s32 $0xFFFFFF80  }
0xb4: {  	_ =	swait.ge [sflag:s9], $0x80  }
0xb5: {  	[sflag:s9] =	ssyncset.done $0x0  }
0xb6: {  	[sflag:s9] =	ssyncadd.s32 $0xFFFFFF80  }
0xb7: {  	_ =	swait.ge [sflag:s9], $0x80  }
0xb8: {  	[sflag:s9] =	ssyncset.done $0x0  }
0xb9: {  	[sflag:s9] =	ssyncadd.s32 $0xFFFFFF80  }
0xba: {  	_ =	swait.ge [sflag:s9], $0x80  }
0xbb: {  	[sflag:s9] =	ssyncset.done $0x0  }
0xbc: {  	[sflag:s9] =	ssyncadd.s32 $0xFFFFFF80  }
0xbd: {  	_ =	swait.ge [sflag:s9], $0x80  }
0xbe: {  	[sflag:s9] =	ssyncset.done $0x0  }
0xbf: {  	[sflag:s9] =	ssyncadd.s32 $0xFFFFFF80  }
.Ltmp0:
0xc0: {  	_ =	swait.ge [sflag:s9], $0x80;
	(pc) =	sbr.rel @p1 .LBB2_2-.Ltmp0, $4  }
0xc1: {  	[sflag:s9] =	ssyncset.done $0x0  }
0xc2: {  	[sflag:s9] =	ssyncadd.s32 $0xFFFFFF80  }
0xc3: {  	_ =	swait.ge [sflag:s9], $0x80  }
0xc4: {  	s17 =	smov.u32 s16;
	[sflag:s9] =	ssyncset.done $0x0  }
0xc5: {  	s15 =	sshra.s32 s15, $0x2;
	[sflag:s9] =	ssyncadd.s32 $0xFFFFFF80  }
0xc6: {  	[spmem:s1] =	stream.indirect.scatter.add.f32 [tilespmem:s11], [sflag:$0x1], $0x1, s15, s10, $0xb8;
	[tilespmem:$0x2D80] =	vst v63  }
0xc7: {  	s16 =	sadd.s32 $0x80, s15  }
0xc8: {  	[spmem:s1] =	stream.indirect.scatter.add.f32 [tilespmem:s11], [sflag:$0x1], $0x1, s16, s10, $0xb8;
	[tilespmem:$0x2D80] =	vst v63  }
0xc9: {  	s21 =	sadd.s32 $0x100, s15  }
0xca: {  	[spmem:s1] =	stream.indirect.scatter.add.f32 [tilespmem:s11], [sflag:$0x1], $0x1, s21, s10, $0xb8;
	[tilespmem:$0x2D80] =	vst v63  }
0xcb: {  	s22 =	sadd.s32 $0x180, s15  }
0xcc: {  	[spmem:s1] =	stream.indirect.scatter.add.f32 [tilespmem:s11], [sflag:$0x1], $0x1, s22, s10, $0xb8;
	[tilespmem:$0x2D80] =	vst v63  }
0xcd: {  	s23 =	sadd.s32 $0x200, s15  }
0xce: {  	[spmem:s1] =	stream.indirect.scatter.add.f32 [tilespmem:s11], [sflag:$0x1], $0x1, s23, s10, $0xb8;
	[tilespmem:$0x2D80] =	vst v63  }
0xcf: {  	s24 =	sadd.s32 $0x280, s15  }
0xd0: {  	[spmem:s1] =	stream.indirect.scatter.add.f32 [tilespmem:s11], [sflag:$0x1], $0x1, s24, s10, $0xb8;
	[tilespmem:$0x2D80] =	vst v63  }
0xd1: {  	s25 =	sadd.s32 $0x300, s15  }
0xd2: {  	[spmem:s1] =	stream.indirect.scatter.add.f32 [tilespmem:s11], [sflag:$0x1], $0x1, s25, s10, $0xb8;
	[tilespmem:$0x2D80] =	vst v63  }
0xd3: {  	s26 =	sadd.s32 $0x380, s15  }
0xd4: {  	[spmem:s1] =	stream.indirect.scatter.add.f32 [tilespmem:s11], [sflag:$0x1], $0x1, s26, s10, $0xb8;
	[tilespmem:$0x2D80] =	vst v63  }
0xd5: {  	s28 =	sadd.s32 $0x400, s15  }
0xd6: {  	[spmem:s1] =	stream.indirect.scatter.add.f32 [tilespmem:s11], [sflag:$0x1], $0x1, s28, s10, $0xb8;
	[tilespmem:$0x2D80] =	vst v63  }
0xd7: {  	s29 =	sadd.s32 $0x480, s15  }
0xd8: {  	[spmem:s1] =	stream.indirect.scatter.add.f32 [tilespmem:s11], [sflag:$0x1], $0x1, s29, s10, $0xb8;
	[tilespmem:$0x2D80] =	vst v63  }
0xd9: {  	s30 =	sadd.s32 $0x500, s15  }
0xda: {  	[spmem:s1] =	stream.indirect.scatter.add.f32 [tilespmem:s11], [sflag:$0x1], $0x1, s30, s10, $0xb8;
	[tilespmem:$0x2D80] =	vst v63  }
0xdb: {  	s31 =	sadd.s32 $0x580, s15  }
0xdc: {  	[spmem:s1] =	stream.indirect.scatter.add.f32 [tilespmem:s11], [sflag:$0x1], $0x1, s31, s10, $0xb8;
	[tilespmem:$0x2D80] =	vst v63  }
0xdd: {  	s15 =	sadd.s32 $0x600, s15  }
0xde: {  	[spmem:s1] =	stream.indirect.scatter.add.f32 [tilespmem:s11], [sflag:$0x1], $0x1, s15, s10, $0xb8;
	[tilespmem:$0x2D80] =	vst v63  }
0xdf: {  	_ =	swait.ge [sflag:s9], $0x80  }
0xe0: {  	[sflag:s9] =	ssyncset.done $0x0  }
0xe1: {  	[sflag:s9] =	ssyncadd.s32 $0xFFFFFF80  }
0xe2: {  	_ =	swait.ge [sflag:s9], $0x80  }
0xe3: {  	[sflag:s9] =	ssyncset.done $0x0  }
0xe4: {  	[sflag:s9] =	ssyncadd.s32 $0xFFFFFF80  }
0xe5: {  	_ =	swait.ge [sflag:s9], $0x80  }
0xe6: {  	[sflag:s9] =	ssyncset.done $0x0  }
0xe7: {  	[sflag:s9] =	ssyncadd.s32 $0xFFFFFF80  }
0xe8: {  	_ =	swait.ge [sflag:s9], $0x80  }
0xe9: {  	[sflag:s9] =	ssyncset.done $0x0  }
0xea: {  	[sflag:s9] =	ssyncadd.s32 $0xFFFFFF80  }
0xeb: {  	_ =	swait.ge [sflag:s9], $0x80  }
0xec: {  	[sflag:s9] =	ssyncset.done $0x0  }
0xed: {  	[sflag:s9] =	ssyncadd.s32 $0xFFFFFF80  }
0xee: {  	_ =	swait.ge [sflag:s9], $0x80  }
0xef: {  	[sflag:s9] =	ssyncset.done $0x0  }
0xf0: {  	[sflag:s9] =	ssyncadd.s32 $0xFFFFFF80  }
0xf1: {  	_ =	swait.ge [sflag:s9], $0x80  }
0xf2: {  	[sflag:s9] =	ssyncset.done $0x0  }
0xf3: {  	[sflag:s9] =	ssyncadd.s32 $0xFFFFFF80  }
0xf4: {  	_ =	swait.ge [sflag:s9], $0x80  }
0xf5: {  	[sflag:s9] =	ssyncset.done $0x0  }
0xf6: {  	[sflag:s9] =	ssyncadd.s32 $0xFFFFFF80  }
0xf7: {  	_ =	swait.ge [sflag:s9], $0x80  }
0xf8: {  	[sflag:s9] =	ssyncset.done $0x0  }
0xf9: {  	[sflag:s9] =	ssyncadd.s32 $0xFFFFFF80  }
0xfa: {  	_ =	swait.ge [sflag:s9], $0x80  }
0xfb: {  	[sflag:s9] =	ssyncset.done $0x0  }
0xfc: {  	[sflag:s9] =	ssyncadd.s32 $0xFFFFFF80  }
0xfd: {  	_ =	swait.ge [sflag:s9], $0x80  }
0xfe: {  	[sflag:s9] =	ssyncset.done $0x0  }
0xff: {  	[sflag:s9] =	ssyncadd.s32 $0xFFFFFF80  }
0x100: {  	_ =	swait.ge [sflag:s9], $0x80  }
0x101: {  	[sflag:s9] =	ssyncset.done $0x0  }
0x102: {  	[sflag:s9] =	ssyncadd.s32 $0xFFFFFF80  }
0x103: {  	_ =	swait.ge [sflag:s9], $0x80  }
0x104: {  	[sflag:s9] =	ssyncset.done $0x0  }
0x105: {  	[sflag:s9] =	ssyncadd.s32 $0xFFFFFF80  }
0x106: {  	[spmem:s1] =	stream.indirect.scatter.add.f32 [tilespmem:s11], [sflag:$0x2], $0x1, s12, s10, $0xb8;
	[tilespmem:$0x2D80] =	vst v63  }
0x107: {  	_ =	swait.ge [sflag:s8], $0x80  }
0x108: {  	s17 =	simm.s32 @!p0 $0x10;
	s14 =	sadd.s32 $0x1, s14;
	[sflag:s8] =	ssyncset.done $0x0  }
0x109: {  	s18 =	simm.s32 @!p0 $0x1C02;
	p1 =	sne.s32 s14, s6;
	[sflag:s8] =	ssyncadd.s32 $0xFFFFFF80  }
0x10a: {  	s16 =	simm.s32 @!p0 $0x20;
	s15 =	simm.s32 @!p0 $0x1;
	[bflag:$0x0] =	sbarrier.arrive $0xFFFF  }
0x10b: {  	[hbm:s5@s16], [sflag:s18] =	dma.strided @!p0 [spmem:s13@s17], $0x500, s15, $0x10   }
.Ltmp1:
0x10c: {  	_ = 	snop;
	(pc) =	sbr.rel @p1 .LBB2_1-.Ltmp1, $4  }
0x10d: {  	s15 =	simm.s32 @!p0 $0x2  }
0x10e: {  	_ =	swait.ge @!p0 [sflag:s15], $0x500  }
0x10f: {  	[sflag:s15] =	ssyncset.done @!p0 $0x0  }
0x110: {  	[sflag:s15] =	ssyncadd.s32 @!p0 $0xFFFFFB00  }
0x111: {  	_ =	sfence.sel $0x180000  }
0x112: {  	[bflag:$0x0] =	sbarrier.arrive $0xFFFF  }
0x113: {  	_ =	strace $0x90000047  }
0x114: {  	s0 =	sadd.s32 @!p0 $0x100000, s0;
	[bflag:$0x2] =	sbarrier.arrive $0xFFFF  }
0x115: {  	[sflag:s0] =	ssyncadd.tile.s32 @!p0 $0x1;
	_ =	shalt  }
.Lfunc_end2:
_tile_overlayer_lowered:
.L_overlay_start_2:
0x116: {  	(tag) =	ssettag $0x2  }
0x117: {  	s0 =	rddreg [dreg:$0x0];
	s2 =	stileid.u32  }
0x118: {  	s1 =	rddreg [dreg:$0x1];
	p0 =	sne.s32 s2, $0x0  }
0x119: {  	s3 =	rddreg [dreg:$0x2];
	[bflag:$0x3] =	sbarrier.arrive $0xFFFF;
	s2 =	simm.s32 @!p0 $0x1C02  }
0x11a: {  	[timem:s3], [sflag:s2] =	dma.local @!p0 [hbm:s0], s1  }
0x11b: {  	s0 =	simm.s32 @!p0 $0x2  }
0x11c: {  	_ =	swait.ge @!p0 [sflag:s0], s1  }
0x11d: {  	s1 =	ssub.s32 @!p0 $0x0, s1;
	[sflag:s0] =	ssyncset.done @!p0 $0x0  }
0x11e: {  	[sflag:s0] =	ssyncadd.s32 @!p0 s1  }
0x11f: {  	[bflag:$0x3] =	sbarrier.arrive $0xFFFF  }
0x120: {  	_ =	shalt  }

// kernel: kernel.9.cloned.1.call-start
scs
__scs_entry_jumppad:
0x0: {  	(pc) =	sbr.rel $0x88, $3  }
0x1: {  	(tag) =	ssettag $0x0;
	lr =	simm.s32 $0x1  }
0x2: {  	[smem:$0x3F9B] =	sst lr;
	_ =	strace $0xD0000000  }
0x3: {  	_ = 	snop  }
0x4: {  	_ = 	snop  }
0x5: {  	_ = 	snop  }
0x6: {  	_ = 	snop  }
0x7: {  	_ = 	snop  }
__scs_overlays_trampoline_lowered:
0x8: {  	[smem:$0x3FAA] =	sst s0  }
0x9: {  	[smem:$0x3FAB] =	sst s1  }
0xa: {  	[smem:$0x3FAC] =	sst s2  }
0xb: {  	[smem:$0x3FAD] =	sst s3  }
0xc: {  	[smem:$0x3FAE] =	sst s4  }
0xd: {  	[smem:$0x3FAF] =	sst s5  }
0xe: {  	[smem:$0x3FB0] =	sst s6  }
0xf: {  	[smem:$0x3FB1] =	sst s7  }
0x10: {  	[smem:$0x3FB2] =	sst s8  }
0x11: {  	[smem:$0x3FB3] =	sst s9;
	s0 =	simm.s32 @!p0 $0x0  }
0x12: {  	s1 =	sld [smem:$0x3F99];
	s0 =	simm.s32 @p0 $0x1  }
0x13: {  	[smem:$0x3FB4] =	sst s0;
	s0 =	simm.s32 @!p1 $0x0  }
0x14: {  	s2 =	sld [smem:$0x3F98];
	s0 =	simm.s32 @p1 $0x1  }
0x15: {  	[smem:$0x3FB5] =	sst s0;
	s0 =	simm.s32 @!p2 $0x0  }
0x16: {  	s3 =	sld [smem:$0x3FDB];
	s0 =	simm.s32 @p2 $0x1  }
0x17: {  	s4 =	simm.s32 $0x1BF5;
	[smem:$0x3FB7] =	sst s0  }
0x18: {  	s0 =	sld [smem:$0x3F9A];
	_ =	swait.ge [sflag:s4], $0x0  }
0x19: {  	s7 =	sld [smem:$0x3F9B]  }
0x1a: {  	s8 =	sadd.s32 $0xFFFFE003, lr  }
0x1b: {  	s9 =	sadd.s32 $0xFFFFFEF7, lr;
	s5 =	simm.s32 $0xFFFFFFFF;
	p2 =	slt.u32 s8, $0xFFFFF086  }
0x1c: {  	p1 =	slt.u32 s9, $0xF7A;
	s5 =	simm.s32 @!p2 $0x0  }
0x1d: {  	s5 =	simm.s32 @p1 $0x1;
	p0 =	seq.s32 s7, s2  }
0x1e: {  	s7 =	smul.u32 @!p0 $0xF7A, s2;
	p2 =	seq.s32 @!p0 s5, $0x0  }
0x1f: {  	s9 =	smul.u32 $0xF7A, s1;
	s8 =	simm.s32 @!p0 $0x1BF5;
	p2 =	por !p2, p0  }
0x20: {  	[sflag:s8] =	ssyncset.s32 @!p0 $0xFFFFF086;
	s6 =	sadd.s32 @!p0 s3, s7;
	s7 =	simm.s32 @!p0 $0x108  }
0x21: {  	s3 =	sadd.s32 s3, s9;
	s6 =	sadd.s32 @!p0 $0x88, s6;
	s7 =	simm.s32 @p2 $0x1082  }
0x22: {  	[simem:s7], [sflag:s8] =	dma.local @!p0 [hbm:s6], $0xF7A  }
0x23: {  	s9 =	sor.u32 $0xD0000000, s2;
	s6 =	simm.s32 $0x108;
	_ =	swait.ge @!p0 [sflag:s8], $0x0  }
0x24: {  	s3 =	sadd.s32 $0x88, s3;
	s6 =	simm.s32 @!p1 $0x1082;
	[sflag:s4] =	ssyncset.s32 $0xFFFFF086  }
0x25: {  	[simem:s6], [sflag:s4] =	dma.local [hbm:s3], $0xF7A  }
0x26: {  	[smem:$0x3F9B] =	sst s1;
	(tag) =	ssettag s2;
	_ =	strace s9  }
0x27: {  	s1 =	sld [smem:$0x3FAB]  }
0x28: {  	s2 =	sld [smem:$0x3FAC]  }
0x29: {  	s4 =	sld [smem:$0x3FAE]  }
0x2a: {  	p0 =	seq.s32 s5, $0x0;
	s5 =	sld [smem:$0x3FAF]  }
0x2b: {  	s6 =	sld [smem:$0x3FB0]  }
0x2c: {  	s7 =	sld [smem:$0x3FB1]  }
0x2d: {  	s3 =	simm.s32 $0x108;
	s8 =	sld [smem:$0x3FB2]  }
0x2e: {  	s3 =	simm.s32 @!p0 $0x1082;
	s9 =	sld [smem:$0x3FB3]  }
0x2f: {  	lr =	sadd.s32 s0, s3;
	s0 =	sld [smem:$0x3FAA]  }
0x30: {  	s3 =	sld [smem:$0x3FAD]  }
0x31: {  	[smem:$0x3FB6] =	sst s10  }
0x32: {  	s10 =	sld [smem:$0x3FB4];
	_ =	sdelay $0x3  }
0x33: {  	p0 =	seq.s32 s10, $0x1;
	s10 =	sld [smem:$0x3FB6];
	_ =	sdelay $0x3  }
0x34: {  	[smem:$0x3FB6] =	sst s10  }
0x35: {  	s10 =	sld [smem:$0x3FB5];
	_ =	sdelay $0x3  }
0x36: {  	p1 =	seq.s32 s10, $0x1;
	s10 =	sld [smem:$0x3FB6];
	_ =	sdelay $0x3  }
0x37: {  	[smem:$0x3FB6] =	sst s10  }
0x38: {  	s10 =	sld [smem:$0x3FB7]  }
0x39: {  	_ = 	snop;
	(pc) =	sbr.ind lr, $3  }
0x3a: {  	_ = 	snop  }
0x3b: {  	_ = 	snop  }
0x3c: {  	p2 =	seq.s32 s10, $0x1;
	s10 =	sld [smem:$0x3FB6]  }
0x3d: {  	_ =	shalt  }
0x3e: {  	_ =	shalt  }
0x3f: {  	_ =	shalt  }
0x40: {  	_ =	shalt  }
0x41: {  	_ =	shalt  }
0x42: {  	_ =	shalt  }
0x43: {  	_ =	shalt  }
0x44: {  	_ =	shalt  }
0x45: {  	_ =	shalt  }
0x46: {  	_ =	shalt  }
0x47: {  	_ =	shalt  }
0x48: {  	_ =	shalt  }
0x49: {  	_ =	shalt  }
0x4a: {  	_ =	shalt  }
0x4b: {  	_ =	shalt  }
0x4c: {  	_ =	shalt  }
0x4d: {  	_ =	shalt  }
0x4e: {  	_ =	shalt  }
0x4f: {  	_ =	shalt  }
0x50: {  	_ =	shalt  }
0x51: {  	_ =	shalt  }
0x52: {  	_ =	shalt  }
0x53: {  	_ =	shalt  }
0x54: {  	_ =	shalt  }
0x55: {  	_ =	shalt  }
0x56: {  	_ =	shalt  }
0x57: {  	_ =	shalt  }
0x58: {  	_ =	shalt  }
0x59: {  	_ =	shalt  }
0x5a: {  	_ =	shalt  }
0x5b: {  	_ =	shalt  }
0x5c: {  	_ =	shalt  }
0x5d: {  	_ =	shalt  }
0x5e: {  	_ =	shalt  }
0x5f: {  	_ =	shalt  }
0x60: {  	_ =	shalt  }
0x61: {  	_ =	shalt  }
0x62: {  	_ =	shalt  }
0x63: {  	_ =	shalt  }
0x64: {  	_ =	shalt  }
0x65: {  	_ =	shalt  }
0x66: {  	_ =	shalt  }
0x67: {  	_ =	shalt  }
0x68: {  	_ =	shalt  }
0x69: {  	_ =	shalt  }
0x6a: {  	_ =	shalt  }
0x6b: {  	_ =	shalt  }
0x6c: {  	_ =	shalt  }
0x6d: {  	_ =	shalt  }
0x6e: {  	_ =	shalt  }
0x6f: {  	_ =	shalt  }
0x70: {  	_ =	shalt  }
0x71: {  	_ =	shalt  }
0x72: {  	_ =	shalt  }
0x73: {  	_ =	shalt  }
0x74: {  	_ =	shalt  }
0x75: {  	_ =	shalt  }
0x76: {  	_ =	shalt  }
0x77: {  	_ =	shalt  }
0x78: {  	_ =	shalt  }
0x79: {  	_ =	shalt  }
0x7a: {  	_ =	shalt  }
0x7b: {  	_ =	shalt  }
0x7c: {  	_ =	shalt  }
0x7d: {  	_ =	shalt  }
0x7e: {  	_ =	shalt  }
0x7f: {  	_ =	shalt  }
0x80: {  	_ =	shalt  }
0x81: {  	_ =	shalt  }
0x82: {  	_ =	shalt  }
0x83: {  	_ =	shalt  }
0x84: {  	_ =	shalt  }
0x85: {  	_ =	shalt  }
0x86: {  	_ =	shalt  }
0x87: {  	_ =	shalt  }
.Lfunc_end0:
.L_simem_size_0:
called_computation.1_lowered:
.L_overlay_start_0:
0x88: {  	s2 =	sld [smem:$0x3FD9]  }
0x89: {  	s3 =	sld [smem:$0x3FFE];
	_ =	sdelay $0x1  }
0x8a: {  	s1 =	srdreg.scid  }
0x8b: {  	s0 =	sand.u32 $0x1, s1  }
0x8c: {  	s16 =	sshll.u32 s0, $0xA;
	s2 =	sadd.s32 s3, s2  }
0x8d: {  	s2 =	sadd.s32 s2, s16  }
0x8e: {  	[smem:$0x3FC2] =	sst s2  }
0x8f: {  	_ = 	snop  }
0x90: {  	(tm) =	ssettm $0x1  }
0x91: {  	s17 =	sld [smem:$0x3FFB];
	_ =	sdelay $0x3  }
0x92: {  	_ =	strace s17  }
0x93: {  	s2 =	sld [smem:$0x3FFC];
	_ =	sdelay $0x3  }
0x94: {  	_ =	strace s2  }
0x95: {  	s2 =	sld [smem:$0x3FFD];
	_ =	sdelay $0x3  }
0x96: {  	_ =	strace s2  }
0x97: {  	_ =	strace $0x8FFFFFFF  }
0x98: {  	s18 =	sld [smem:$0x3FDB];
	_ =	sdelay $0x1  }
0x99: {  	s19 =	simm.s32 $_scs_section_size  }
0x9a: {  	s4 =	simm.s32 $_size__tile_overlayer_lowered;
	s5 =	simm.s32 $_tile_overlayer_lowered  }
0x9b: {  	s22 =	simm.s32 $0x1BFF;
	s21 =	sshll.u32 s5, $0x1;
	s2 =	sadd.s32 s19, s18  }
0x9c: {  	s6 =	simm.s32 $0x0;
	s20 =	sshll.u32 s4, $0x1;
	s4 =	sadd.s32 s21, s2  }
0x9d: {  	[timem:s6], [sflag:s22] =	dma.local [hbm:s4], s20  }
0x9e: {  	_ =	swait.ge [sflag:s22], s20  }
0x9f: {  	s3 =	ssub.s32 $0x0, s20;
	[sflag:s22] =	ssyncset.done $0x0  }
0xa0: {  	[sflag:s22] =	ssyncadd.s32 s3;
	_ =	sdelay $0x1  }
0xa1: {  	s23 =	simm.s32 $0x1B8B  }
0xa2: {  	_ =	swait.ge [sflag:s23], $0x1  }
0xa3: {  	[sflag:s23] =	ssyncset.done $0x0  }
0xa4: {  	s25 =	simm.s32 $0x1B8E;
	s24 =	sld [smem:$0x3FFE];
	[sflag:s23] =	ssyncadd.s32 $0xFFFFFFFF  }
0xa5: {  	s26 =	simm.s32 $execute0_lowered;
	[smem:$0x3FD2] =	sst s25  }
0xa6: {  	s4 =	sshll.u32 s26, $0x1;
	_ =	strace $0x80000049;
	[dreg:$0x1] =	wrdreg $0xFFFFFFFF  }
0xa7: {  	s28 =	simm.s32 $_size_execute0_lowered;
	s2 =	sadd.s32 s2, s4;
	[dreg:$0x0] =	wrdreg $0x0  }
0xa8: {  	s4 =	sshll.u32 s28, $0x1;
	[dreg:$0x2] =	wrdreg s2  }
0xa9: {  	[dreg:$0x3] =	wrdreg s4  }
0xaa: {  	[dreg:$0x4] =	wrdreg $0xC0  }
0xab: {  	_ =	task [dreg:s6], $0x5FFFF  }
0xac: {  	[dreg:$0x1] =	wrdreg $0xFFFFFFFF  }
0xad: {  	[dreg:$0x0] =	wrdreg $0x60  }
0xae: {  	[dreg:$0x2] =	wrdreg s24  }
0xaf: {  	[dreg:$0x3] =	wrdreg $0x64800  }
0xb0: {  	[dreg:$0x4] =	wrdreg $0x62000  }
0xb1: {  	[dreg:$0x5] =	wrdreg $0x9  }
0xb2: {  	_ =	task.clear_ibuf [dreg:s6], $0x6FFFF;
	_ =	strace $0x90000049  }
0xb3: {  	s29 =	simm.s32 $0x9;
	_ =	strace $0x8000004B  }
0xb4: {  	_ =	swait.ge [sflag:s29], $0x1  }
0xb5: {  	[sflag:s29] =	ssyncadd.s32 $0xFFFFFFFF  }
0xb6: {  	_ =	strace $0x9000004B  }
0xb7: {  	_ =	sfence  }
0xb8: {  	s30 =	sld [smem:$0x0];
	_ =	sdelay $0x2  }
0xb9: {  	s31 =	sshll.u32 s1, $0xD;
	s1 =	sshrl.u32 s1, $0x2  }
0xba: {  	s3 =	sand.u32 $0x4000, s31;
	s1 =	sadd.s32 s1, s30  }
0xbb: {  	s0 =	sor.u32 s3, s0;
	s1 =	sshll.u32 s1, $0x11  }
0xbc: {  	s0 =	sor.u32 s1, s0  }
0xbd: {  	s0 =	sadd.s32 $0x8F2B, s0  }
0xbe: {  	[sflag:s0] =	ssyncadd.remote.s32 $0x1  }
0xbf: {  	_ =	sfence.sel $0xFFFF  }
0xc0: {  	[dreg:$0x0] =	wrdreg $0xFFFFFFFF;
	(pc) =	sbr.abs _section_cstart, $3  }
0xc1: {  	[dreg:$0x1] =	wrdreg $0xFFFFFFFF  }
0xc2: {  	_ =	task.clear_ibuf [dreg:s6], $0x2FFFF;
	_ =	strace $0x9FFFFFFF  }
0xc3: {  	(tm) =	ssettm $0x7FFFFFFF  }
tec
execute0_lowered:
.L_overlay_start_1:
0x0: {  	(tag) =	ssettag $0x1  }
0x1: {  	s3 =	rddreg [dreg:$0x0]  }
0x2: {  	s0 =	srdreg.scid;
	s1 =	rddreg [dreg:$0x1]  }
0x3: {  	s4 =	stileid.u32;
	s2 =	rddreg [dreg:$0x2];
	s7 =	simm.s32 $0x0  }
0x4: {  	s14 =	simm.s32 $0x80;
	s28 =	simm.s32 $0x5180;
	s29 =	simm.s32 $0x5200  }
0x5: {  	s30 =	simm.s32 $0x5280;
	s31 =	simm.s32 $0x5300;
	s16 =	simm.s32 $0x5400  }
0x6: {  	s17 =	simm.s32 $0x5480;
	s18 =	simm.s32 $0x5500;
	s19 =	simm.s32 $0x5580  }
0x7: {  	s0 =	sand.u32 $0x1, s0;
	[smem:$0x7FF] =	sst s7;
	s20 =	smul.u32 $0xA0, s4  }
0x8: {  	s11 =	smul.u32 $0x280, s4;
	p0 =	sne.s32 s4, $0x0;
	s5 =	sshll.u32 s0, $0x4  }
0x9: {  	_ =	strace $0x8000004A;
	s8 =	ssub.s32 $0x2, s0;
	p1 =	sne.s32 s0, $0x0  }
0xa: {  	s0 =	simm.s32 $0x5380;
	s6 =	sor.u32 s4, s5;
	s7 =	sadd.s32 s20, s3  }
0xb: {  	s5 =	sadd.s32 s5, s3;
	s9 =	sshrl.u32 s11, $0x3;
	s10 =	sshrl.u32 s8, $0x1  }
0xc: {  	s23 =	sadd.s32 s11, s1;
	[dreg:$0x4] =	wrdreg s11;
	s24 =	sadd.s32 s11, s2  }
0xd: {  	s20 =	simm.s32 $0x3;
	s6 =	smul.u32 $0x500, s6;
	[dreg:$0x9] =	wrdreg s23  }
0xe: {  	s8 =	ssub.s32 s8, s10;
	s21 =	sadd.s32 $0xC400, s7;
	[dreg:$0xa] =	wrdreg s24  }
0xf: {  	s7 =	sadd.s32 $0xC410, s7;
	s25 =	sadd.s32 $0x16E00, s5;
	[dreg:$0x5] =	wrdreg s21  }
0x10: {  	s23 =	simm.s32 $0x2;
	s24 =	simm.s32 $0x5000;
	[dreg:$0x6] =	wrdreg s7  }
0x11: {  	[dreg:$0xc] =	wrdreg s25;
	s26 =	smax.u32 s8, $0x1;
	s6 =	sadd.s32 s6, s3  }
0x12: {  	s25 =	simm.s32 $0x5080;
	[dreg:$0xd] =	wrdreg s26;
	s22 =	sadd.s32 $0x2400, s6  }
0x13: {  	s3 =	sadd.s32 s9, s3;
	s6 =	sadd.s32 $0xCE00, s6;
	[dreg:$0x7] =	wrdreg s22  }
0x14: {  	s26 =	simm.s32 $0x5100;
	s3 =	sadd.s32 $0x17800, s3;
	[dreg:$0x8] =	wrdreg s6  }
0x15: {  	v0 =	vimm.f32 $0.0e+00;
	[dreg:$0xb] =	wrdreg s3;
	s22 =	simm.s32 $0x5600;
	s3 =	simm.s32 $0x0  }
.LBB2_1:
0x16: {  	s4 =	rddreg [dreg:$0x5];
	s5 =	simm.s32 $0x100;
	s6 =	simm.s32 $0x5800  }
0x17: {  	[tilespmem:s6], [sflag:$0x1] =	stream.strided.gather [hbm4b:s4+s14], $0x280, s5, s14, $0x38;
	[tilespmem:$0x6700] =	vst v63  }
0x18: {  	s7 =	simm.s32 $0x5A80;
	s6 =	rddreg [dreg:$0x6]  }
0x19: {  	[tilespmem:s7], [sflag:$0x1] =	stream.strided.gather [hbm4b:s6+s14], $0x280, s5, s14, $0x38;
	[tilespmem:$0x6700] =	vst v63  }
0x1a: {  	s8 =	simm.s32 $0x0;
	s9 =	rddreg [dreg:$0x7]  }
0x1b: {  	[tilespmem:s8], [sflag:$0x2] =	stream.linear.gather [hbm4b:s9+s8], $0x2780, $0x38;
	[tilespmem:$0x6700] =	vst v63  }
0x1c: {  	s10 =	rddreg [dreg:$0x8];
	s11 =	simm.s32 $0x2800  }
0x1d: {  	[tilespmem:s11], [sflag:$0x2] =	stream.linear.gather [hbm4b:s10+s8], $0x2780, $0x38;
	[tilespmem:$0x6700] =	vst v63  }
0x1e: {  	[tilespmem:$0x5F80] =	vst v0  }
0x1f: {  	[tilespmem:$0x5F90] =	vst v0  }
0x20: {  	[tilespmem:$0x5FA0] =	vst v0  }
0x21: {  	[tilespmem:$0x5FB0] =	vst v0  }
0x22: {  	[tilespmem:$0x5FC0] =	vst v0  }
0x23: {  	[tilespmem:$0x5FD0] =	vst v0  }
0x24: {  	[tilespmem:$0x5FE0] =	vst v0  }
0x25: {  	[tilespmem:$0x5FF0] =	vst v0  }
0x26: {  	[tilespmem:$0x6000] =	vst v0  }
0x27: {  	[tilespmem:$0x6010] =	vst v0  }
0x28: {  	[tilespmem:$0x6020] =	vst v0  }
0x29: {  	[tilespmem:$0x6030] =	vst v0  }
0x2a: {  	[tilespmem:$0x6040] =	vst v0  }
0x2b: {  	[tilespmem:$0x6050] =	vst v0  }
0x2c: {  	[tilespmem:$0x6060] =	vst v0  }
0x2d: {  	[tilespmem:$0x6070] =	vst v0  }
0x2e: {  	[tilespmem:$0x6080] =	vst v0  }
0x2f: {  	[tilespmem:$0x6090] =	vst v0  }
0x30: {  	[tilespmem:$0x60A0] =	vst v0  }
0x31: {  	[tilespmem:$0x60B0] =	vst v0  }
0x32: {  	[tilespmem:$0x60C0] =	vst v0  }
0x33: {  	[tilespmem:$0x60D0] =	vst v0  }
0x34: {  	[tilespmem:$0x60E0] =	vst v0  }
0x35: {  	[tilespmem:$0x60F0] =	vst v0  }
0x36: {  	[tilespmem:$0x6100] =	vst v0  }
0x37: {  	[tilespmem:$0x6110] =	vst v0  }
0x38: {  	[tilespmem:$0x6120] =	vst v0  }
0x39: {  	[tilespmem:$0x6130] =	vst v0  }
0x3a: {  	[tilespmem:$0x6140] =	vst v0  }
0x3b: {  	[tilespmem:$0x6150] =	vst v0  }
0x3c: {  	[tilespmem:$0x6160] =	vst v0  }
0x3d: {  	[tilespmem:$0x6170] =	vst v0  }
0x3e: {  	[tilespmem:$0x6180] =	vst v0  }
0x3f: {  	[tilespmem:$0x6190] =	vst v0  }
0x40: {  	[tilespmem:$0x61A0] =	vst v0  }
0x41: {  	[tilespmem:$0x61B0] =	vst v0  }
0x42: {  	[tilespmem:$0x61C0] =	vst v0  }
0x43: {  	[tilespmem:$0x61D0] =	vst v0  }
0x44: {  	[tilespmem:$0x61E0] =	vst v0  }
0x45: {  	s12 =	rddreg [dreg:$0x9];
	s13 =	simm.s32 $0x5F80;
	[tilespmem:$0x61F0] =	vst v0  }
0x46: {  	[spmem:s12] =	stream.linear.scatter [tilespmem:s13], [sflag:$0x3], $0x280, $0x38;
	[tilespmem:$0x6700] =	vst v63  }
0x47: {  	_ =	swait.ge [sflag:s20], $0x280  }
0x48: {  	[sflag:s20] =	ssyncset.done $0x0  }
0x49: {  	s15 =	simm.s32 $0x1;
	[sflag:s20] =	ssyncadd.s32 $0xFFFFFD80  }
0x4a: {  	_ =	swait.ge [sflag:s15], $0x280  }
0x4b: {  	[sflag:s15] =	ssyncset.done $0x0  }
0x4c: {  	[sflag:s15] =	ssyncadd.s32 $0xFFFFFD80  }
0x4d: {  	_ =	swait.ge [sflag:s15], $0x280  }
0x4e: {  	[sflag:s15] =	ssyncset.done $0x0  }
0x4f: {  	s11 =	simm.s32 $0x0;
	[sflag:s15] =	ssyncadd.s32 $0xFFFFFD80  }
0x50: {  	v1 =	vld [tilespmem:s11+$0x5800]  }
0x51: {  	v2 =	vld [tilespmem:s11+$0x5A80];
	_ =	sdelay $0x3  }
0x52: {  	s5 =	simm.s32 $0x10  }
0x53: {  	v3 =	vld [tilespmem:s5+$0x5800];
	v1 =	vadd.f32 v2, v1  }
0x54: {  	v2 =	vld [tilespmem:s5+$0x5A80]  }
0x55: {  	v1 =	vadd.f32 $1.000000000e+00, v1;
	_ =	sdelay $0x1  }
0x56: {  	s6 =	simm.s32 $0x20;
	v4 =	vshra.s32 v1, $0x1;
	v5 =	vmul.f32 $5.000000000e-01, v1  }
0x57: {  	v6 =	vld [tilespmem:s6+$0x5A80];
	v4 =	vsub.s32 $0x5F3759DF, v4  }
0x58: {  	v1 =	vld [tilespmem:s6+$0x5800];
	v2 =	vadd.f32 v2, v3;
	v3 =	vmul.f32 v4, v5;
	_ =	sdelay $0x1  }
0x59: {  	v2 =	vadd.f32 $1.000000000e+00, v2;
	v3 =	vmul.f32 v4, v3;
	_ =	sdelay $0x1  }
0x5a: {  	s15 =	simm.s32 $0x30;
	v7 =	vshra.s32 v2, $0x1;
	v8 =	vmul.f32 $5.000000000e-01, v2;
	v2 =	vsub.f32 $1.500000000e+00, v3  }
0x5b: {  	v1 =	vadd.f32 v6, v1;
	v6 =	vld [tilespmem:s15+$0x5A80];
	v7 =	vsub.s32 $0x5F3759DF, v7  }
0x5c: {  	v3 =	vld [tilespmem:s15+$0x5800];
	v9 =	vmul.f32 v7, v8;
	v2 =	vmul.f32 v4, v2  }
0x5d: {  	s7 =	simm.s32 $0x40;
	v1 =	vadd.f32 $1.000000000e+00, v1  }
0x5e: {  	v11 =	vld [tilespmem:s7+$0x5800];
	v4 =	vmul.f32 v7, v9;
	v9 =	vmul.f32 v2, v5  }
0x5f: {  	v12 =	vld [tilespmem:s7+$0x5A80];
	v10 =	vshra.s32 v1, $0x1;
	v1 =	vmul.f32 $5.000000000e-01, v1  }
0x60: {  	v10 =	vsub.s32 $0x5F3759DF, v10;
	v4 =	vsub.f32 $1.500000000e+00, v4;
	v9 =	vmul.f32 v9, v2  }
0x61: {  	v3 =	vadd.f32 v6, v3;
	v6 =	vmul.f32 v10, v1  }
0x62: {  	v4 =	vmul.f32 v7, v4;
	v7 =	vsub.f32 $1.500000000e+00, v9  }
0x63: {  	v3 =	vadd.f32 $1.000000000e+00, v3;
	v6 =	vmul.f32 v10, v6  }
0x64: {  	v11 =	vadd.f32 v12, v11;
	v9 =	vmul.f32 v4, v8;
	v13 =	vmul.f32 v7, v2  }
0x65: {  	v7 =	vshra.s32 v3, $0x1;
	v2 =	vmul.f32 $5.000000000e-01, v3;
	v3 =	vsub.f32 $1.500000000e+00, v6  }
0x66: {  	s8 =	simm.s32 $0x50;
	v6 =	vsub.s32 $0x5F3759DF, v7;
	v7 =	vmul.f32 v9, v4;
	v5 =	vmul.f32 v13, v5  }
0x67: {  	v14 =	vld [tilespmem:s8+$0x5A80];
	v12 =	vmul.f32 v6, v2;
	v15 =	vmul.f32 v10, v3  }
0x68: {  	v9 =	vld [tilespmem:s8+$0x5800];
	v10 =	vadd.f32 $1.000000000e+00, v11;
	v3 =	vsub.f32 $1.500000000e+00, v7;
	v7 =	vmul.f32 v5, v13  }
0x69: {  	v11 =	vmul.f32 v6, v12;
	v12 =	vmul.f32 v15, v1  }
0x6a: {  	v5 =	vmul.f32 v3, v4;
	v3 =	vmul.f32 $5.000000000e-01, v10  }
0x6b: {  	v4 =	vsub.f32 $1.500000000e+00, v7;
	v7 =	vshra.s32 v10, $0x1;
	v10 =	vsub.f32 $1.500000000e+00, v11  }
0x6c: {  	s9 =	simm.s32 $0x60;
	v11 =	vmul.f32 v12, v15;
	v7 =	vsub.s32 $0x5F3759DF, v7;
	v8 =	vmul.f32 v5, v8  }
0x6d: {  	v9 =	vadd.f32 v14, v9;
	v12 =	vmul.f32 v7, v3;
	v6 =	vmul.f32 v6, v10;
	v10 =	vld [tilespmem:s9+$0x5A80]  }
0x6e: {  	s21 =	rddreg [dreg:$0x4];
	v14 =	vsub.f32 $1.500000000e+00, v11;
	v16 =	vmul.f32 v4, v13;
	v8 =	vmul.f32 v8, v5  }
0x6f: {  	s12 =	sadd.s32 $0x10, s21;
	p2 =	slt.u32 s21, $0x2710;
	v11 =	vld [tilespmem:s9+$0x5800];
	v13 =	vadd.f32 $1.000000000e+00, v9;
	v12 =	vmul.f32 v7, v12;
	v9 =	vmul.f32 v6, v2  }
0x70: {  	s4 =	simm.s32 $0x200;
	s10 =	simm.s32 $0x70;
	s13 =	smov.u32 s12;
	v4 =	vmul.f32 v14, v15;
	v14 =	vpsel !p2, $0x0, v16;
	v8 =	vsub.f32 $1.500000000e+00, v8  }
.LBB2_2:
0x71: {  	p2 =	sne.s32 s4, $0x9C0;
	s12 =	sadd.s32 $0x10, s12;
	s21 =	smov.u32 s4  }
0x72: {  	v15 =	vld [tilespmem:s10+$0x5800];
	v16 =	vshra.s32 v13, $0x1;
	v13 =	vmul.f32 $5.000000000e-01, v13;
	v12 =	vsub.f32 $1.500000000e+00, v12;
	[tilespmem:s11+$0x5D00] =	vst v14;
	v14 =	vmovc v10;
	s4 =	sadd.s32 $0x40, s4;
	s11 =	smov.u32 s5;
	s5 =	smov.u32 s6  }
.Ltmp0:
0x73: {  	v9 =	vmul.f32 v9, v6;
	p3 =	slt.u32 s13, $0x2710;
	v10 =	vld [tilespmem:s10+$0x5A80];
	v16 =	vsub.s32 $0x5F3759DF, v16;
	v17 =	vmul.f32 v4, v1;
	v1 =	vmovc v2;
	v2 =	vmovc v3;
	s13 =	smov.u32 s12;
	(pc) =	sbr.rel @p2 .LBB2_2-.Ltmp0, $4  }
0x74: {  	s6 =	smov.u32 s15;
	s15 =	smov.u32 s7;
	s7 =	smov.u32 s8;
	v21 =	vadd.f32 v14, v11;
	v14 =	vmul.f32 v16, v13;
	v18 =	vmul.f32 v7, v12;
	v3 =	vmovc v13  }
0x75: {  	s8 =	smov.u32 s9;
	s9 =	smov.u32 s10;
	v20 =	vmul.f32 v8, v5;
	v5 =	vmovc v4;
	v19 =	vsub.f32 $1.500000000e+00, v9;
	v7 =	vmovc v16;
	v17 =	vmul.f32 v17, v4  }
0x76: {  	v13 =	vadd.f32 $1.000000000e+00, v21;
	v12 =	vmul.f32 v7, v14;
	v9 =	vmul.f32 v18, v2  }
0x77: {  	s10 =	sshra.s32 s21, $0x2;
	v4 =	vmul.f32 v19, v6;
	v14 =	vpsel !p3, $0x0, v20;
	v6 =	vmovc v18;
	v8 =	vsub.f32 $1.500000000e+00, v17;
	v11 =	vmovc v15  }
0x78: {  	v15 =	vld [tilespmem:s10+$0x5800];
	[tilespmem:s11+$0x5D00] =	vst v14  }
0x79: {  	v14 =	vld [tilespmem:s10+$0x5A80];
	_ =	sdelay $0x2  }
0x7a: {  	v10 =	vadd.f32 v10, v11;
	_ =	sdelay $0x1  }
0x7b: {  	v10 =	vadd.f32 $1.000000000e+00, v10;
	v46 =	vadd.f32 v14, v15  }
0x7c: {  	v47 =	vshra.s32 v13, $0x1  }
0x7d: {  	v48 =	vmul.f32 $5.000000000e-01, v13;
	v16 =	vshra.s32 v10, $0x1;
	v11 =	vadd.f32 $1.000000000e+00, v46  }
0x7e: {  	v10 =	vmul.f32 $5.000000000e-01, v10;
	v16 =	vsub.s32 $0x5F3759DF, v16;
	v14 =	vsub.s32 $0x5F3759DF, v47  }
0x7f: {  	v49 =	vmul.f32 v14, v48;
	v17 =	vshra.s32 v11, $0x1;
	v11 =	vmul.f32 $5.000000000e-01, v11  }
0x80: {  	v18 =	vmul.f32 v16, v10;
	v17 =	vsub.s32 $0x5F3759DF, v17  }
0x81: {  	v12 =	vsub.f32 $1.500000000e+00, v12;
	v15 =	vmul.f32 v14, v49;
	v19 =	vmul.f32 v17, v11  }
0x82: {  	v9 =	vmul.f32 v9, v6;
	v18 =	vmul.f32 v16, v18  }
0x83: {  	v7 =	vmul.f32 v7, v12;
	v50 =	vsub.f32 $1.500000000e+00, v15;
	v51 =	vmul.f32 v17, v19  }
0x84: {  	v5 =	vmul.f32 v8, v5;
	v52 =	vsub.f32 $1.500000000e+00, v9;
	v53 =	vsub.f32 $1.500000000e+00, v18  }
0x85: {  	v54 =	vmul.f32 v7, v3;
	v12 =	vmul.f32 v14, v50;
	v15 =	vsub.f32 $1.500000000e+00, v51  }
0x86: {  	v55 =	vmul.f32 v52, v6;
	v56 =	vmul.f32 v16, v53  }
0x87: {  	v57 =	vmul.f32 v12, v48;
	v15 =	vmul.f32 v17, v15  }
0x88: {  	v14 =	vmul.f32 v54, v7;
	v16 =	vmul.f32 v56, v10  }
0x89: {  	v9 =	vmul.f32 v57, v12;
	v17 =	vmul.f32 v15, v11  }
0x8a: {  	v1 =	vmul.f32 v4, v1;
	v14 =	vsub.f32 $1.500000000e+00, v14;
	v16 =	vmul.f32 v16, v56  }
0x8b: {  	v2 =	vmul.f32 v55, v2;
	v9 =	vsub.f32 $1.500000000e+00, v9;
	v17 =	vmul.f32 v17, v15  }
0x8c: {  	v1 =	vmul.f32 v1, v4;
	v7 =	vmul.f32 v14, v7;
	v58 =	vsub.f32 $1.500000000e+00, v16  }
0x8d: {  	v2 =	vmul.f32 v2, v55;
	v9 =	vmul.f32 v9, v12;
	v59 =	vsub.f32 $1.500000000e+00, v17  }
0x8e: {  	p2 =	slt.u32 s13, $0x2710;
	v3 =	vmul.f32 v7, v3;
	v8 =	vmul.f32 v58, v56  }
0x8f: {  	v5 =	vpsel !p2, $0x0, v5;
	v13 =	vmul.f32 v9, v48;
	v12 =	vmul.f32 v59, v15  }
0x90: {  	v1 =	vsub.f32 $1.500000000e+00, v1;
	v3 =	vmul.f32 v3, v7;
	v10 =	vmul.f32 v8, v10  }
0x91: {  	v2 =	vsub.f32 $1.500000000e+00, v2;
	v13 =	vmul.f32 v13, v9;
	v11 =	vmul.f32 v12, v11  }
0x92: {  	s4 =	sadd.s32 $0x10, s12;
	v1 =	vmul.f32 v1, v4;
	v3 =	vsub.f32 $1.500000000e+00, v3;
	v60 =	vmul.f32 v10, v8  }
0x93: {  	p6 =	slt.u32 s4, $0x2710;
	s4 =	sadd.s32 $0x10, s4;
	v2 =	vmul.f32 v2, v55;
	v61 =	vsub.f32 $1.500000000e+00, v13;
	v62 =	vmul.f32 v11, v12  }
0x94: {  	p3 =	slt.u32 s4, $0x2710;
	s4 =	sadd.s32 $0x10, s4;
	[tilespmem:s5+$0x5D00] =	vst v5;
	v1 =	vpsel !p6, $0x0, v1;
	v3 =	vmul.f32 v3, v7;
	v4 =	vsub.f32 $1.500000000e+00, v60  }
0x95: {  	p4 =	slt.u32 s4, $0x2710;
	s4 =	sadd.s32 $0x10, s4;
	[tilespmem:s6+$0x5D00] =	vst v1;
	v1 =	vpsel !p3, $0x0, v2;
	v2 =	vmul.f32 v61, v9;
	v63 =	vsub.f32 $1.500000000e+00, v62  }
0x96: {  	p5 =	slt.u32 s4, $0x2710;
	s4 =	sadd.s32 $0x10, s4;
	[tilespmem:s15+$0x5D00] =	vst v1;
	v1 =	vpsel !p4, $0x0, v3;
	v3 =	vmul.f32 v4, v8  }
0x97: {  	p6 =	slt.u32 s4, $0x2710;
	s4 =	sadd.s32 $0x10, s4;
	[tilespmem:s7+$0x5D00] =	vst v1;
	v1 =	vpsel !p5, $0x0, v2;
	v2 =	vmul.f32 v63, v12  }
0x98: {  	p3 =	slt.u32 s4, $0x2710;
	[tilespmem:s8+$0x5D00] =	vst v1;
	v1 =	vpsel !p6, $0x0, v3  }
0x99: {  	[tilespmem:s9+$0x5D00] =	vst v1;
	v1 =	vpsel !p3, $0x0, v2  }
0x9a: {  	s11 =	simm.s32 $0x5D00;
	[tilespmem:s10+$0x5D00] =	vst v1;
	s10 =	rddreg [dreg:$0xa]  }
0x9b: {  	[spmem:s10] =	stream.linear.scatter [tilespmem:s11], [sflag:$0x3], $0x280, $0x38;
	[tilespmem:$0x6700] =	vst v63  }
0x9c: {  	_ =	swait.ge [sflag:s20], $0x280  }
0x9d: {  	s5 =	simm.s32 @!p1 $0x5D00;
	[sflag:s20] =	ssyncset.done $0x0  }
0x9e: {  	s4 =	simm.s32 @!p1 $0x0;
	s6 =	rddreg [dreg:$0xb];
	[sflag:s20] =	ssyncadd.s32 $0xFFFFFD80  }
0x9f: {  	[hbm4b:s6+s4] =	stream.linear.scatter @!p1 [tilespmem:s5], [sflag:$0x3], $0x280, $0x38;
	[tilespmem:$0x6700] =	vst v63  }
0xa0: {  	s4 =	simm.s32 @!p1 $0x3  }
0xa1: {  	_ =	swait.ge @!p1 [sflag:s4], $0x280  }
0xa2: {  	[sflag:s4] =	ssyncset.done @!p1 $0x0  }
0xa3: {  	[sflag:s4] =	ssyncadd.s32 @!p1 $0xFFFFFD80  }
0xa4: {  	_ =	swait.ge [sflag:s23], $0x2780  }
0xa5: {  	[sflag:s23] =	ssyncset.done $0x0  }
0xa6: {  	[sflag:s23] =	ssyncadd.s32 $0xFFFFD880  }
0xa7: {  	_ =	swait.ge [sflag:s23], $0x2780  }
0xa8: {  	[sflag:s23] =	ssyncset.done $0x0  }
0xa9: {  	[sflag:s23] =	ssyncadd.s32 $0xFFFFD880  }
0xaa: {  	s12 =	simm.s32 $0x0;
	[bflag:$0x0] =	sbarrier.arrive $0xFFFF  }
0xab: {  	[tilespmem:s24], [sflag:$0x2] =	stream.indirect.gather [spmem:s2], $0x1, s12, s14, $0xb8;
	[tilespmem:$0x6700] =	vst v63  }
0xac: {  	s13 =	simm.s32 $0x80  }
0xad: {  	[tilespmem:s25], [sflag:$0x2] =	stream.indirect.gather [spmem:s2], $0x1, s13, s14, $0xb8;
	[tilespmem:$0x6700] =	vst v63  }
0xae: {  	s15 =	simm.s32 $0x100  }
0xaf: {  	[tilespmem:s26], [sflag:$0x2] =	stream.indirect.gather [spmem:s2], $0x1, s15, s14, $0xb8;
	[tilespmem:$0x6700] =	vst v63  }
0xb0: {  	s21 =	simm.s32 $0x180  }
0xb1: {  	[tilespmem:s28], [sflag:$0x2] =	stream.indirect.gather [spmem:s2], $0x1, s21, s14, $0xb8;
	[tilespmem:$0x6700] =	vst v63  }
0xb2: {  	s5 =	simm.s32 $0x200  }
0xb3: {  	[tilespmem:s29], [sflag:$0x2] =	stream.indirect.gather [spmem:s2], $0x1, s5, s14, $0xb8;
	[tilespmem:$0x6700] =	vst v63  }
0xb4: {  	s6 =	simm.s32 $0x280  }
0xb5: {  	[tilespmem:s30], [sflag:$0x2] =	stream.indirect.gather [spmem:s2], $0x1, s6, s14, $0xb8;
	[tilespmem:$0x6700] =	vst v63  }
0xb6: {  	s7 =	simm.s32 $0x300  }
0xb7: {  	[tilespmem:s31], [sflag:$0x2] =	stream.indirect.gather [spmem:s2], $0x1, s7, s14, $0xb8;
	[tilespmem:$0x6700] =	vst v63  }
0xb8: {  	s8 =	simm.s32 $0x380  }
0xb9: {  	[tilespmem:s0], [sflag:$0x2] =	stream.indirect.gather [spmem:s2], $0x1, s8, s14, $0xb8;
	[tilespmem:$0x6700] =	vst v63  }
0xba: {  	s9 =	simm.s32 $0x400  }
0xbb: {  	[tilespmem:s16], [sflag:$0x2] =	stream.indirect.gather [spmem:s2], $0x1, s9, s14, $0xb8;
	[tilespmem:$0x6700] =	vst v63  }
0xbc: {  	s10 =	simm.s32 $0x480  }
0xbd: {  	[tilespmem:s17], [sflag:$0x2] =	stream.indirect.gather [spmem:s2], $0x1, s10, s14, $0xb8;
	[tilespmem:$0x6700] =	vst v63  }
0xbe: {  	s11 =	simm.s32 $0x500  }
0xbf: {  	[tilespmem:s18], [sflag:$0x2] =	stream.indirect.gather [spmem:s2], $0x1, s11, s14, $0xb8;
	[tilespmem:$0x6700] =	vst v63  }
0xc0: {  	s12 =	simm.s32 $0x580  }
0xc1: {  	[tilespmem:s19], [sflag:$0x2] =	stream.indirect.gather [spmem:s2], $0x1, s12, s14, $0xb8;
	[tilespmem:$0x6700] =	vst v63  }
0xc2: {  	s13 =	simm.s32 $0x600  }
0xc3: {  	[tilespmem:s22], [sflag:$0x2] =	stream.indirect.gather [spmem:s2], $0x1, s13, s14, $0xb8;
	[tilespmem:$0x6700] =	vst v63  }
0xc4: {  	_ =	swait.ge [sflag:s23], $0x80  }
0xc5: {  	[sflag:s23] =	ssyncset.done $0x0  }
0xc6: {  	[sflag:s23] =	ssyncadd.s32 $0xFFFFFF80  }
0xc7: {  	_ =	swait.ge [sflag:s23], $0x80  }
0xc8: {  	[sflag:s23] =	ssyncset.done $0x0  }
0xc9: {  	[sflag:s23] =	ssyncadd.s32 $0xFFFFFF80  }
0xca: {  	_ =	swait.ge [sflag:s23], $0x80  }
0xcb: {  	[sflag:s23] =	ssyncset.done $0x0  }
0xcc: {  	[sflag:s23] =	ssyncadd.s32 $0xFFFFFF80  }
0xcd: {  	_ =	swait.ge [sflag:s23], $0x80  }
0xce: {  	[sflag:s23] =	ssyncset.done $0x0  }
0xcf: {  	[sflag:s23] =	ssyncadd.s32 $0xFFFFFF80  }
0xd0: {  	_ =	swait.ge [sflag:s23], $0x80  }
0xd1: {  	[sflag:s23] =	ssyncset.done $0x0  }
0xd2: {  	[sflag:s23] =	ssyncadd.s32 $0xFFFFFF80  }
0xd3: {  	_ =	swait.ge [sflag:s23], $0x80  }
0xd4: {  	[sflag:s23] =	ssyncset.done $0x0  }
0xd5: {  	[sflag:s23] =	ssyncadd.s32 $0xFFFFFF80  }
0xd6: {  	_ =	swait.ge [sflag:s23], $0x80  }
0xd7: {  	[sflag:s23] =	ssyncset.done $0x0  }
0xd8: {  	[sflag:s23] =	ssyncadd.s32 $0xFFFFFF80  }
0xd9: {  	_ =	swait.ge [sflag:s23], $0x80  }
0xda: {  	[sflag:s23] =	ssyncset.done $0x0  }
0xdb: {  	[sflag:s23] =	ssyncadd.s32 $0xFFFFFF80  }
0xdc: {  	_ =	swait.ge [sflag:s23], $0x80  }
0xdd: {  	[sflag:s23] =	ssyncset.done $0x0  }
0xde: {  	[sflag:s23] =	ssyncadd.s32 $0xFFFFFF80  }
0xdf: {  	_ =	swait.ge [sflag:s23], $0x80  }
0xe0: {  	[sflag:s23] =	ssyncset.done $0x0  }
0xe1: {  	[sflag:s23] =	ssyncadd.s32 $0xFFFFFF80  }
0xe2: {  	_ =	swait.ge [sflag:s23], $0x80  }
0xe3: {  	[sflag:s23] =	ssyncset.done $0x0  }
0xe4: {  	[sflag:s23] =	ssyncadd.s32 $0xFFFFFF80  }
0xe5: {  	_ =	swait.ge [sflag:s23], $0x80  }
0xe6: {  	[sflag:s23] =	ssyncset.done $0x0  }
0xe7: {  	[sflag:s23] =	ssyncadd.s32 $0xFFFFFF80  }
0xe8: {  	_ =	swait.ge [sflag:s23], $0x80  }
0xe9: {  	[sflag:s23] =	ssyncset.done $0x0  }
0xea: {  	s15 =	simm.s32 $0x2800;
	[sflag:s23] =	ssyncadd.s32 $0xFFFFFF80  }
0xeb: {  	[spmem:s1] =	stream.indirect.scatter.add.f32 [tilespmem:s24], [sflag:$0x2], $0x1, s15, s14, $0xb8;
	[tilespmem:$0x6700] =	vst v63  }
0xec: {  	s21 =	simm.s32 $0x2880  }
0xed: {  	[spmem:s1] =	stream.indirect.scatter.add.f32 [tilespmem:s25], [sflag:$0x2], $0x1, s21, s14, $0xb8;
	[tilespmem:$0x6700] =	vst v63  }
0xee: {  	s5 =	simm.s32 $0x2900  }
0xef: {  	[spmem:s1] =	stream.indirect.scatter.add.f32 [tilespmem:s26], [sflag:$0x2], $0x1, s5, s14, $0xb8;
	[tilespmem:$0x6700] =	vst v63  }
0xf0: {  	s6 =	simm.s32 $0x2980  }
0xf1: {  	[spmem:s1] =	stream.indirect.scatter.add.f32 [tilespmem:s28], [sflag:$0x2], $0x1, s6, s14, $0xb8;
	[tilespmem:$0x6700] =	vst v63  }
0xf2: {  	s7 =	simm.s32 $0x2A00  }
0xf3: {  	[spmem:s1] =	stream.indirect.scatter.add.f32 [tilespmem:s29], [sflag:$0x2], $0x1, s7, s14, $0xb8;
	[tilespmem:$0x6700] =	vst v63  }
0xf4: {  	s8 =	simm.s32 $0x2A80  }
0xf5: {  	[spmem:s1] =	stream.indirect.scatter.add.f32 [tilespmem:s30], [sflag:$0x2], $0x1, s8, s14, $0xb8;
	[tilespmem:$0x6700] =	vst v63  }
0xf6: {  	s9 =	simm.s32 $0x2B00  }
0xf7: {  	[spmem:s1] =	stream.indirect.scatter.add.f32 [tilespmem:s31], [sflag:$0x2], $0x1, s9, s14, $0xb8;
	[tilespmem:$0x6700] =	vst v63  }
0xf8: {  	s10 =	simm.s32 $0x2B80  }
0xf9: {  	[spmem:s1] =	stream.indirect.scatter.add.f32 [tilespmem:s0], [sflag:$0x2], $0x1, s10, s14, $0xb8;
	[tilespmem:$0x6700] =	vst v63  }
0xfa: {  	s11 =	simm.s32 $0x2C00  }
0xfb: {  	[spmem:s1] =	stream.indirect.scatter.add.f32 [tilespmem:s16], [sflag:$0x2], $0x1, s11, s14, $0xb8;
	[tilespmem:$0x6700] =	vst v63  }
0xfc: {  	s12 =	simm.s32 $0x2C80  }
0xfd: {  	[spmem:s1] =	stream.indirect.scatter.add.f32 [tilespmem:s17], [sflag:$0x2], $0x1, s12, s14, $0xb8;
	[tilespmem:$0x6700] =	vst v63  }
0xfe: {  	s13 =	simm.s32 $0x2D00  }
0xff: {  	[spmem:s1] =	stream.indirect.scatter.add.f32 [tilespmem:s18], [sflag:$0x2], $0x1, s13, s14, $0xb8;
	[tilespmem:$0x6700] =	vst v63  }
0x100: {  	s15 =	simm.s32 $0x2D80  }
0x101: {  	[spmem:s1] =	stream.indirect.scatter.add.f32 [tilespmem:s19], [sflag:$0x2], $0x1, s15, s14, $0xb8;
	[tilespmem:$0x6700] =	vst v63  }
0x102: {  	s21 =	simm.s32 $0x2E00  }
0x103: {  	[spmem:s1] =	stream.indirect.scatter.add.f32 [tilespmem:s22], [sflag:$0x2], $0x1, s21, s14, $0xb8;
	[tilespmem:$0x6700] =	vst v63  }
0x104: {  	_ =	swait.ge [sflag:s23], $0x80  }
0x105: {  	[sflag:s23] =	ssyncset.done $0x0  }
0x106: {  	[sflag:s23] =	ssyncadd.s32 $0xFFFFFF80  }
0x107: {  	_ =	swait.ge [sflag:s23], $0x80  }
0x108: {  	[sflag:s23] =	ssyncset.done $0x0  }
0x109: {  	[sflag:s23] =	ssyncadd.s32 $0xFFFFFF80  }
0x10a: {  	_ =	swait.ge [sflag:s23], $0x80  }
0x10b: {  	[sflag:s23] =	ssyncset.done $0x0  }
0x10c: {  	[sflag:s23] =	ssyncadd.s32 $0xFFFFFF80  }
0x10d: {  	_ =	swait.ge [sflag:s23], $0x80  }
0x10e: {  	[sflag:s23] =	ssyncset.done $0x0  }
0x10f: {  	[sflag:s23] =	ssyncadd.s32 $0xFFFFFF80  }
0x110: {  	_ =	swait.ge [sflag:s23], $0x80  }
0x111: {  	[sflag:s23] =	ssyncset.done $0x0  }
0x112: {  	[sflag:s23] =	ssyncadd.s32 $0xFFFFFF80  }
0x113: {  	_ =	swait.ge [sflag:s23], $0x80  }
0x114: {  	[sflag:s23] =	ssyncset.done $0x0  }
0x115: {  	[sflag:s23] =	ssyncadd.s32 $0xFFFFFF80  }
0x116: {  	_ =	swait.ge [sflag:s23], $0x80  }
0x117: {  	[sflag:s23] =	ssyncset.done $0x0  }
0x118: {  	[sflag:s23] =	ssyncadd.s32 $0xFFFFFF80  }
0x119: {  	_ =	swait.ge [sflag:s23], $0x80  }
0x11a: {  	[sflag:s23] =	ssyncset.done $0x0  }
0x11b: {  	[sflag:s23] =	ssyncadd.s32 $0xFFFFFF80  }
0x11c: {  	_ =	swait.ge [sflag:s23], $0x80  }
0x11d: {  	[sflag:s23] =	ssyncset.done $0x0  }
0x11e: {  	[sflag:s23] =	ssyncadd.s32 $0xFFFFFF80  }
0x11f: {  	_ =	swait.ge [sflag:s23], $0x80  }
0x120: {  	[sflag:s23] =	ssyncset.done $0x0  }
0x121: {  	[sflag:s23] =	ssyncadd.s32 $0xFFFFFF80  }
0x122: {  	_ =	swait.ge [sflag:s23], $0x80  }
0x123: {  	[sflag:s23] =	ssyncset.done $0x0  }
0x124: {  	[sflag:s23] =	ssyncadd.s32 $0xFFFFFF80  }
0x125: {  	_ =	swait.ge [sflag:s23], $0x80  }
0x126: {  	[sflag:s23] =	ssyncset.done $0x0  }
0x127: {  	[sflag:s23] =	ssyncadd.s32 $0xFFFFFF80  }
0x128: {  	_ =	swait.ge [sflag:s23], $0x80  }
0x129: {  	s4 =	simm.s32 $0x3400;
	s15 =	simm.s32 $0x1A00;
	[sflag:s23] =	ssyncset.done $0x0  }
.LBB2_4:
0x12a: {  	s6 =	sshra.s32 s15, $0x2  }
0x12b: {  	[sflag:s23] =	ssyncadd.s32 $0xFFFFFF80;
	s15 =	smov.u32 s4;
	s5 =	sadd.s32 $0x1A00, s4  }
0x12c: {  	[tilespmem:s24], [sflag:$0x2] =	stream.indirect.gather [spmem:s2], $0x1, s6, s14, $0xb8;
	[tilespmem:$0x6700] =	vst v63  }
0x12d: {  	p2 =	sne.s32 s4, $0x8200;
	s4 =	sadd.s32 $0x80, s6  }
0x12e: {  	[tilespmem:s25], [sflag:$0x2] =	stream.indirect.gather [spmem:s2], $0x1, s4, s14, $0xb8;
	[tilespmem:$0x6700] =	vst v63  }
0x12f: {  	s4 =	sadd.s32 $0x100, s6  }
0x130: {  	[tilespmem:s26], [sflag:$0x2] =	stream.indirect.gather [spmem:s2], $0x1, s4, s14, $0xb8;
	[tilespmem:$0x6700] =	vst v63  }
0x131: {  	s4 =	sadd.s32 $0x180, s6  }
0x132: {  	[tilespmem:s28], [sflag:$0x2] =	stream.indirect.gather [spmem:s2], $0x1, s4, s14, $0xb8;
	[tilespmem:$0x6700] =	vst v63  }
0x133: {  	s4 =	sadd.s32 $0x200, s6  }
0x134: {  	[tilespmem:s29], [sflag:$0x2] =	stream.indirect.gather [spmem:s2], $0x1, s4, s14, $0xb8;
	[tilespmem:$0x6700] =	vst v63  }
0x135: {  	s4 =	sadd.s32 $0x280, s6  }
0x136: {  	[tilespmem:s30], [sflag:$0x2] =	stream.indirect.gather [spmem:s2], $0x1, s4, s14, $0xb8;
	[tilespmem:$0x6700] =	vst v63  }
0x137: {  	s4 =	sadd.s32 $0x300, s6  }
0x138: {  	[tilespmem:s31], [sflag:$0x2] =	stream.indirect.gather [spmem:s2], $0x1, s4, s14, $0xb8;
	[tilespmem:$0x6700] =	vst v63  }
0x139: {  	s4 =	sadd.s32 $0x380, s6  }
0x13a: {  	[tilespmem:s0], [sflag:$0x2] =	stream.indirect.gather [spmem:s2], $0x1, s4, s14, $0xb8;
	[tilespmem:$0x6700] =	vst v63  }
0x13b: {  	s4 =	sadd.s32 $0x400, s6  }
0x13c: {  	[tilespmem:s16], [sflag:$0x2] =	stream.indirect.gather [spmem:s2], $0x1, s4, s14, $0xb8;
	[tilespmem:$0x6700] =	vst v63  }
0x13d: {  	s4 =	sadd.s32 $0x480, s6  }
0x13e: {  	[tilespmem:s17], [sflag:$0x2] =	stream.indirect.gather [spmem:s2], $0x1, s4, s14, $0xb8;
	[tilespmem:$0x6700] =	vst v63  }
0x13f: {  	s4 =	sadd.s32 $0x500, s6  }
0x140: {  	[tilespmem:s18], [sflag:$0x2] =	stream.indirect.gather [spmem:s2], $0x1, s4, s14, $0xb8;
	[tilespmem:$0x6700] =	vst v63  }
0x141: {  	s4 =	sadd.s32 $0x580, s6  }
0x142: {  	[tilespmem:s19], [sflag:$0x2] =	stream.indirect.gather [spmem:s2], $0x1, s4, s14, $0xb8;
	[tilespmem:$0x6700] =	vst v63  }
0x143: {  	s4 =	sadd.s32 $0x600, s6  }
0x144: {  	[tilespmem:s22], [sflag:$0x2] =	stream.indirect.gather [spmem:s2], $0x1, s4, s14, $0xb8;
	[tilespmem:$0x6700] =	vst v63  }
0x145: {  	_ =	swait.ge [sflag:s23], $0x80  }
0x146: {  	[sflag:s23] =	ssyncset.done $0x0  }
0x147: {  	[sflag:s23] =	ssyncadd.s32 $0xFFFFFF80  }
0x148: {  	_ =	swait.ge [sflag:s23], $0x80  }
0x149: {  	[sflag:s23] =	ssyncset.done $0x0  }
0x14a: {  	[sflag:s23] =	ssyncadd.s32 $0xFFFFFF80  }
0x14b: {  	_ =	swait.ge [sflag:s23], $0x80  }
0x14c: {  	[sflag:s23] =	ssyncset.done $0x0  }
0x14d: {  	[sflag:s23] =	ssyncadd.s32 $0xFFFFFF80  }
0x14e: {  	_ =	swait.ge [sflag:s23], $0x80  }
0x14f: {  	[sflag:s23] =	ssyncset.done $0x0  }
0x150: {  	[sflag:s23] =	ssyncadd.s32 $0xFFFFFF80  }
0x151: {  	_ =	swait.ge [sflag:s23], $0x80  }
0x152: {  	[sflag:s23] =	ssyncset.done $0x0  }
0x153: {  	[sflag:s23] =	ssyncadd.s32 $0xFFFFFF80  }
0x154: {  	_ =	swait.ge [sflag:s23], $0x80  }
0x155: {  	[sflag:s23] =	ssyncset.done $0x0  }
0x156: {  	[sflag:s23] =	ssyncadd.s32 $0xFFFFFF80  }
0x157: {  	_ =	swait.ge [sflag:s23], $0x80  }
0x158: {  	[sflag:s23] =	ssyncset.done $0x0  }
0x159: {  	[sflag:s23] =	ssyncadd.s32 $0xFFFFFF80  }
0x15a: {  	_ =	swait.ge [sflag:s23], $0x80  }
0x15b: {  	[sflag:s23] =	ssyncset.done $0x0  }
0x15c: {  	[sflag:s23] =	ssyncadd.s32 $0xFFFFFF80  }
0x15d: {  	_ =	swait.ge [sflag:s23], $0x80  }
0x15e: {  	[sflag:s23] =	ssyncset.done $0x0  }
0x15f: {  	[sflag:s23] =	ssyncadd.s32 $0xFFFFFF80  }
0x160: {  	_ =	swait.ge [sflag:s23], $0x80  }
0x161: {  	[sflag:s23] =	ssyncset.done $0x0  }
0x162: {  	[sflag:s23] =	ssyncadd.s32 $0xFFFFFF80  }
0x163: {  	_ =	swait.ge [sflag:s23], $0x80  }
0x164: {  	[sflag:s23] =	ssyncset.done $0x0  }
0x165: {  	[sflag:s23] =	ssyncadd.s32 $0xFFFFFF80  }
0x166: {  	_ =	swait.ge [sflag:s23], $0x80  }
0x167: {  	[sflag:s23] =	ssyncset.done $0x0  }
0x168: {  	[sflag:s23] =	ssyncadd.s32 $0xFFFFFF80  }
0x169: {  	_ =	swait.ge [sflag:s23], $0x80  }
0x16a: {  	[sflag:s23] =	ssyncset.done $0x0  }
0x16b: {  	s4 =	sadd.s32 $0x2800, s6;
	[sflag:s23] =	ssyncadd.s32 $0xFFFFFF80  }
0x16c: {  	[spmem:s1] =	stream.indirect.scatter.add.f32 [tilespmem:s24], [sflag:$0x2], $0x1, s4, s14, $0xb8;
	[tilespmem:$0x6700] =	vst v63  }
0x16d: {  	s4 =	sadd.s32 $0x2880, s6  }
0x16e: {  	[spmem:s1] =	stream.indirect.scatter.add.f32 [tilespmem:s25], [sflag:$0x2], $0x1, s4, s14, $0xb8;
	[tilespmem:$0x6700] =	vst v63  }
0x16f: {  	s4 =	sadd.s32 $0x2900, s6  }
0x170: {  	[spmem:s1] =	stream.indirect.scatter.add.f32 [tilespmem:s26], [sflag:$0x2], $0x1, s4, s14, $0xb8;
	[tilespmem:$0x6700] =	vst v63  }
0x171: {  	s4 =	sadd.s32 $0x2980, s6  }
0x172: {  	[spmem:s1] =	stream.indirect.scatter.add.f32 [tilespmem:s28], [sflag:$0x2], $0x1, s4, s14, $0xb8;
	[tilespmem:$0x6700] =	vst v63  }
0x173: {  	s4 =	sadd.s32 $0x2A00, s6  }
0x174: {  	[spmem:s1] =	stream.indirect.scatter.add.f32 [tilespmem:s29], [sflag:$0x2], $0x1, s4, s14, $0xb8;
	[tilespmem:$0x6700] =	vst v63  }
0x175: {  	s4 =	sadd.s32 $0x2A80, s6  }
0x176: {  	[spmem:s1] =	stream.indirect.scatter.add.f32 [tilespmem:s30], [sflag:$0x2], $0x1, s4, s14, $0xb8;
	[tilespmem:$0x6700] =	vst v63  }
0x177: {  	s4 =	sadd.s32 $0x2B00, s6  }
0x178: {  	[spmem:s1] =	stream.indirect.scatter.add.f32 [tilespmem:s31], [sflag:$0x2], $0x1, s4, s14, $0xb8;
	[tilespmem:$0x6700] =	vst v63  }
0x179: {  	s4 =	sadd.s32 $0x2B80, s6  }
0x17a: {  	[spmem:s1] =	stream.indirect.scatter.add.f32 [tilespmem:s0], [sflag:$0x2], $0x1, s4, s14, $0xb8;
	[tilespmem:$0x6700] =	vst v63  }
0x17b: {  	s4 =	sadd.s32 $0x2C00, s6  }
0x17c: {  	[spmem:s1] =	stream.indirect.scatter.add.f32 [tilespmem:s16], [sflag:$0x2], $0x1, s4, s14, $0xb8;
	[tilespmem:$0x6700] =	vst v63  }
0x17d: {  	s4 =	sadd.s32 $0x2C80, s6  }
0x17e: {  	[spmem:s1] =	stream.indirect.scatter.add.f32 [tilespmem:s17], [sflag:$0x2], $0x1, s4, s14, $0xb8;
	[tilespmem:$0x6700] =	vst v63  }
0x17f: {  	s4 =	sadd.s32 $0x2D00, s6  }
0x180: {  	[spmem:s1] =	stream.indirect.scatter.add.f32 [tilespmem:s18], [sflag:$0x2], $0x1, s4, s14, $0xb8;
	[tilespmem:$0x6700] =	vst v63  }
0x181: {  	s4 =	sadd.s32 $0x2D80, s6  }
0x182: {  	[spmem:s1] =	stream.indirect.scatter.add.f32 [tilespmem:s19], [sflag:$0x2], $0x1, s4, s14, $0xb8;
	[tilespmem:$0x6700] =	vst v63  }
0x183: {  	s4 =	sadd.s32 $0x2E00, s6  }
0x184: {  	[spmem:s1] =	stream.indirect.scatter.add.f32 [tilespmem:s22], [sflag:$0x2], $0x1, s4, s14, $0xb8;
	[tilespmem:$0x6700] =	vst v63  }
0x185: {  	_ =	swait.ge [sflag:s23], $0x80  }
0x186: {  	[sflag:s23] =	ssyncset.done $0x0  }
0x187: {  	[sflag:s23] =	ssyncadd.s32 $0xFFFFFF80  }
0x188: {  	_ =	swait.ge [sflag:s23], $0x80  }
0x189: {  	[sflag:s23] =	ssyncset.done $0x0  }
0x18a: {  	[sflag:s23] =	ssyncadd.s32 $0xFFFFFF80  }
0x18b: {  	_ =	swait.ge [sflag:s23], $0x80  }
0x18c: {  	[sflag:s23] =	ssyncset.done $0x0  }
0x18d: {  	[sflag:s23] =	ssyncadd.s32 $0xFFFFFF80  }
0x18e: {  	_ =	swait.ge [sflag:s23], $0x80  }
0x18f: {  	[sflag:s23] =	ssyncset.done $0x0  }
0x190: {  	[sflag:s23] =	ssyncadd.s32 $0xFFFFFF80  }
0x191: {  	_ =	swait.ge [sflag:s23], $0x80  }
0x192: {  	[sflag:s23] =	ssyncset.done $0x0  }
0x193: {  	[sflag:s23] =	ssyncadd.s32 $0xFFFFFF80  }
0x194: {  	_ =	swait.ge [sflag:s23], $0x80  }
0x195: {  	[sflag:s23] =	ssyncset.done $0x0  }
0x196: {  	[sflag:s23] =	ssyncadd.s32 $0xFFFFFF80  }
0x197: {  	_ =	swait.ge [sflag:s23], $0x80  }
0x198: {  	[sflag:s23] =	ssyncset.done $0x0  }
0x199: {  	[sflag:s23] =	ssyncadd.s32 $0xFFFFFF80  }
0x19a: {  	_ =	swait.ge [sflag:s23], $0x80  }
0x19b: {  	[sflag:s23] =	ssyncset.done $0x0  }
0x19c: {  	[sflag:s23] =	ssyncadd.s32 $0xFFFFFF80  }
0x19d: {  	_ =	swait.ge [sflag:s23], $0x80  }
0x19e: {  	[sflag:s23] =	ssyncset.done $0x0  }
0x19f: {  	[sflag:s23] =	ssyncadd.s32 $0xFFFFFF80  }
0x1a0: {  	_ =	swait.ge [sflag:s23], $0x80  }
0x1a1: {  	[sflag:s23] =	ssyncset.done $0x0  }
0x1a2: {  	[sflag:s23] =	ssyncadd.s32 $0xFFFFFF80  }
0x1a3: {  	_ =	swait.ge [sflag:s23], $0x80  }
0x1a4: {  	[sflag:s23] =	ssyncset.done $0x0  }
0x1a5: {  	[sflag:s23] =	ssyncadd.s32 $0xFFFFFF80  }
.Ltmp1:
0x1a6: {  	_ =	swait.ge [sflag:s23], $0x80;
	(pc) =	sbr.rel @p2 .LBB2_4-.Ltmp1, $4  }
0x1a7: {  	[sflag:s23] =	ssyncset.done $0x0  }
0x1a8: {  	[sflag:s23] =	ssyncadd.s32 $0xFFFFFF80  }
0x1a9: {  	_ =	swait.ge [sflag:s23], $0x80  }
0x1aa: {  	s4 =	smov.u32 s5;
	[sflag:s23] =	ssyncset.done $0x0  }
0x1ab: {  	s5 =	sshra.s32 s15, $0x2;
	[sflag:s23] =	ssyncadd.s32 $0xFFFFFF80  }
0x1ac: {  	[tilespmem:s24], [sflag:$0x2] =	stream.indirect.gather [spmem:s2], $0x1, s5, s14, $0xb8;
	[tilespmem:$0x6700] =	vst v63  }
0x1ad: {  	s4 =	sadd.s32 $0x80, s5  }
0x1ae: {  	[tilespmem:s25], [sflag:$0x2] =	stream.indirect.gather [spmem:s2], $0x1, s4, s14, $0xb8;
	[tilespmem:$0x6700] =	vst v63  }
0x1af: {  	s9 =	sadd.s32 $0x100, s5  }
0x1b0: {  	[tilespmem:s26], [sflag:$0x2] =	stream.indirect.gather [spmem:s2], $0x1, s9, s14, $0xb8;
	[tilespmem:$0x6700] =	vst v63  }
0x1b1: {  	s10 =	sadd.s32 $0x180, s5  }
0x1b2: {  	[tilespmem:s28], [sflag:$0x2] =	stream.indirect.gather [spmem:s2], $0x1, s10, s14, $0xb8;
	[tilespmem:$0x6700] =	vst v63  }
0x1b3: {  	s11 =	sadd.s32 $0x200, s5  }
0x1b4: {  	[tilespmem:s29], [sflag:$0x2] =	stream.indirect.gather [spmem:s2], $0x1, s11, s14, $0xb8;
	[tilespmem:$0x6700] =	vst v63  }
0x1b5: {  	s12 =	sadd.s32 $0x280, s5  }
0x1b6: {  	[tilespmem:s30], [sflag:$0x2] =	stream.indirect.gather [spmem:s2], $0x1, s12, s14, $0xb8;
	[tilespmem:$0x6700] =	vst v63  }
0x1b7: {  	s13 =	sadd.s32 $0x300, s5  }
0x1b8: {  	[tilespmem:s31], [sflag:$0x2] =	stream.indirect.gather [spmem:s2], $0x1, s13, s14, $0xb8;
	[tilespmem:$0x6700] =	vst v63  }
0x1b9: {  	s15 =	sadd.s32 $0x380, s5  }
0x1ba: {  	[tilespmem:s0], [sflag:$0x2] =	stream.indirect.gather [spmem:s2], $0x1, s15, s14, $0xb8;
	[tilespmem:$0x6700] =	vst v63  }
0x1bb: {  	s21 =	sadd.s32 $0x400, s5  }
0x1bc: {  	[tilespmem:s16], [sflag:$0x2] =	stream.indirect.gather [spmem:s2], $0x1, s21, s14, $0xb8;
	[tilespmem:$0x6700] =	vst v63  }
0x1bd: {  	s6 =	sadd.s32 $0x480, s5  }
0x1be: {  	[tilespmem:s17], [sflag:$0x2] =	stream.indirect.gather [spmem:s2], $0x1, s6, s14, $0xb8;
	[tilespmem:$0x6700] =	vst v63  }
0x1bf: {  	s7 =	sadd.s32 $0x500, s5  }
0x1c0: {  	[tilespmem:s18], [sflag:$0x2] =	stream.indirect.gather [spmem:s2], $0x1, s7, s14, $0xb8;
	[tilespmem:$0x6700] =	vst v63  }
0x1c1: {  	s8 =	sadd.s32 $0x580, s5  }
0x1c2: {  	[tilespmem:s19], [sflag:$0x2] =	stream.indirect.gather [spmem:s2], $0x1, s8, s14, $0xb8;
	[tilespmem:$0x6700] =	vst v63  }
0x1c3: {  	s9 =	sadd.s32 $0x600, s5  }
0x1c4: {  	[tilespmem:s22], [sflag:$0x2] =	stream.indirect.gather [spmem:s2], $0x1, s9, s14, $0xb8;
	[tilespmem:$0x6700] =	vst v63  }
0x1c5: {  	_ =	swait.ge [sflag:s23], $0x80  }
0x1c6: {  	[sflag:s23] =	ssyncset.done $0x0  }
0x1c7: {  	[sflag:s23] =	ssyncadd.s32 $0xFFFFFF80  }
0x1c8: {  	_ =	swait.ge [sflag:s23], $0x80  }
0x1c9: {  	[sflag:s23] =	ssyncset.done $0x0  }
0x1ca: {  	[sflag:s23] =	ssyncadd.s32 $0xFFFFFF80  }
0x1cb: {  	_ =	swait.ge [sflag:s23], $0x80  }
0x1cc: {  	[sflag:s23] =	ssyncset.done $0x0  }
0x1cd: {  	[sflag:s23] =	ssyncadd.s32 $0xFFFFFF80  }
0x1ce: {  	_ =	swait.ge [sflag:s23], $0x80  }
0x1cf: {  	[sflag:s23] =	ssyncset.done $0x0  }
0x1d0: {  	[sflag:s23] =	ssyncadd.s32 $0xFFFFFF80  }
0x1d1: {  	_ =	swait.ge [sflag:s23], $0x80  }
0x1d2: {  	[sflag:s23] =	ssyncset.done $0x0  }
0x1d3: {  	[sflag:s23] =	ssyncadd.s32 $0xFFFFFF80  }
0x1d4: {  	_ =	swait.ge [sflag:s23], $0x80  }
0x1d5: {  	[sflag:s23] =	ssyncset.done $0x0  }
0x1d6: {  	[sflag:s23] =	ssyncadd.s32 $0xFFFFFF80  }
0x1d7: {  	_ =	swait.ge [sflag:s23], $0x80  }
0x1d8: {  	[sflag:s23] =	ssyncset.done $0x0  }
0x1d9: {  	[sflag:s23] =	ssyncadd.s32 $0xFFFFFF80  }
0x1da: {  	_ =	swait.ge [sflag:s23], $0x80  }
0x1db: {  	[sflag:s23] =	ssyncset.done $0x0  }
0x1dc: {  	[sflag:s23] =	ssyncadd.s32 $0xFFFFFF80  }
0x1dd: {  	_ =	swait.ge [sflag:s23], $0x80  }
0x1de: {  	[sflag:s23] =	ssyncset.done $0x0  }
0x1df: {  	[sflag:s23] =	ssyncadd.s32 $0xFFFFFF80  }
0x1e0: {  	_ =	swait.ge [sflag:s23], $0x80  }
0x1e1: {  	[sflag:s23] =	ssyncset.done $0x0  }
0x1e2: {  	[sflag:s23] =	ssyncadd.s32 $0xFFFFFF80  }
0x1e3: {  	_ =	swait.ge [sflag:s23], $0x80  }
0x1e4: {  	[sflag:s23] =	ssyncset.done $0x0  }
0x1e5: {  	[sflag:s23] =	ssyncadd.s32 $0xFFFFFF80  }
0x1e6: {  	_ =	swait.ge [sflag:s23], $0x80  }
0x1e7: {  	[sflag:s23] =	ssyncset.done $0x0  }
0x1e8: {  	[sflag:s23] =	ssyncadd.s32 $0xFFFFFF80  }
0x1e9: {  	_ =	swait.ge [sflag:s23], $0x80  }
0x1ea: {  	[sflag:s23] =	ssyncset.done $0x0  }
0x1eb: {  	s10 =	sadd.s32 $0x2800, s5;
	[sflag:s23] =	ssyncadd.s32 $0xFFFFFF80  }
0x1ec: {  	[spmem:s1] =	stream.indirect.scatter.add.f32 [tilespmem:s24], [sflag:$0x2], $0x1, s10, s14, $0xb8;
	[tilespmem:$0x6700] =	vst v63  }
0x1ed: {  	s11 =	sadd.s32 $0x2880, s5  }
0x1ee: {  	[spmem:s1] =	stream.indirect.scatter.add.f32 [tilespmem:s25], [sflag:$0x2], $0x1, s11, s14, $0xb8;
	[tilespmem:$0x6700] =	vst v63  }
0x1ef: {  	s12 =	sadd.s32 $0x2900, s5  }
0x1f0: {  	[spmem:s1] =	stream.indirect.scatter.add.f32 [tilespmem:s26], [sflag:$0x2], $0x1, s12, s14, $0xb8;
	[tilespmem:$0x6700] =	vst v63  }
0x1f1: {  	s13 =	sadd.s32 $0x2980, s5  }
0x1f2: {  	[spmem:s1] =	stream.indirect.scatter.add.f32 [tilespmem:s28], [sflag:$0x2], $0x1, s13, s14, $0xb8;
	[tilespmem:$0x6700] =	vst v63  }
0x1f3: {  	s15 =	sadd.s32 $0x2A00, s5  }
0x1f4: {  	[spmem:s1] =	stream.indirect.scatter.add.f32 [tilespmem:s29], [sflag:$0x2], $0x1, s15, s14, $0xb8;
	[tilespmem:$0x6700] =	vst v63  }
0x1f5: {  	s21 =	sadd.s32 $0x2A80, s5  }
0x1f6: {  	[spmem:s1] =	stream.indirect.scatter.add.f32 [tilespmem:s30], [sflag:$0x2], $0x1, s21, s14, $0xb8;
	[tilespmem:$0x6700] =	vst v63  }
0x1f7: {  	s6 =	sadd.s32 $0x2B00, s5  }
0x1f8: {  	[spmem:s1] =	stream.indirect.scatter.add.f32 [tilespmem:s31], [sflag:$0x2], $0x1, s6, s14, $0xb8;
	[tilespmem:$0x6700] =	vst v63  }
0x1f9: {  	s7 =	sadd.s32 $0x2B80, s5  }
0x1fa: {  	[spmem:s1] =	stream.indirect.scatter.add.f32 [tilespmem:s0], [sflag:$0x2], $0x1, s7, s14, $0xb8;
	[tilespmem:$0x6700] =	vst v63  }
0x1fb: {  	s8 =	sadd.s32 $0x2C00, s5  }
0x1fc: {  	[spmem:s1] =	stream.indirect.scatter.add.f32 [tilespmem:s16], [sflag:$0x2], $0x1, s8, s14, $0xb8;
	[tilespmem:$0x6700] =	vst v63  }
0x1fd: {  	s9 =	sadd.s32 $0x2C80, s5  }
0x1fe: {  	[spmem:s1] =	stream.indirect.scatter.add.f32 [tilespmem:s17], [sflag:$0x2], $0x1, s9, s14, $0xb8;
	[tilespmem:$0x6700] =	vst v63  }
0x1ff: {  	s10 =	sadd.s32 $0x2D00, s5  }
0x200: {  	[spmem:s1] =	stream.indirect.scatter.add.f32 [tilespmem:s18], [sflag:$0x2], $0x1, s10, s14, $0xb8;
	[tilespmem:$0x6700] =	vst v63  }
0x201: {  	s11 =	sadd.s32 $0x2D80, s5  }
0x202: {  	[spmem:s1] =	stream.indirect.scatter.add.f32 [tilespmem:s19], [sflag:$0x2], $0x1, s11, s14, $0xb8;
	[tilespmem:$0x6700] =	vst v63  }
0x203: {  	s12 =	sadd.s32 $0x2E00, s5  }
0x204: {  	[spmem:s1] =	stream.indirect.scatter.add.f32 [tilespmem:s22], [sflag:$0x2], $0x1, s12, s14, $0xb8;
	[tilespmem:$0x6700] =	vst v63  }
0x205: {  	_ =	swait.ge [sflag:s23], $0x80  }
0x206: {  	[sflag:s23] =	ssyncset.done $0x0  }
0x207: {  	[sflag:s23] =	ssyncadd.s32 $0xFFFFFF80  }
0x208: {  	_ =	swait.ge [sflag:s23], $0x80  }
0x209: {  	[sflag:s23] =	ssyncset.done $0x0  }
0x20a: {  	[sflag:s23] =	ssyncadd.s32 $0xFFFFFF80  }
0x20b: {  	_ =	swait.ge [sflag:s23], $0x80  }
0x20c: {  	[sflag:s23] =	ssyncset.done $0x0  }
0x20d: {  	[sflag:s23] =	ssyncadd.s32 $0xFFFFFF80  }
0x20e: {  	_ =	swait.ge [sflag:s23], $0x80  }
0x20f: {  	[sflag:s23] =	ssyncset.done $0x0  }
0x210: {  	[sflag:s23] =	ssyncadd.s32 $0xFFFFFF80  }
0x211: {  	_ =	swait.ge [sflag:s23], $0x80  }
0x212: {  	[sflag:s23] =	ssyncset.done $0x0  }
0x213: {  	[sflag:s23] =	ssyncadd.s32 $0xFFFFFF80  }
0x214: {  	_ =	swait.ge [sflag:s23], $0x80  }
0x215: {  	[sflag:s23] =	ssyncset.done $0x0  }
0x216: {  	[sflag:s23] =	ssyncadd.s32 $0xFFFFFF80  }
0x217: {  	_ =	swait.ge [sflag:s23], $0x80  }
0x218: {  	[sflag:s23] =	ssyncset.done $0x0  }
0x219: {  	[sflag:s23] =	ssyncadd.s32 $0xFFFFFF80  }
0x21a: {  	_ =	swait.ge [sflag:s23], $0x80  }
0x21b: {  	[sflag:s23] =	ssyncset.done $0x0  }
0x21c: {  	[sflag:s23] =	ssyncadd.s32 $0xFFFFFF80  }
0x21d: {  	_ =	swait.ge [sflag:s23], $0x80  }
0x21e: {  	[sflag:s23] =	ssyncset.done $0x0  }
0x21f: {  	[sflag:s23] =	ssyncadd.s32 $0xFFFFFF80  }
0x220: {  	_ =	swait.ge [sflag:s23], $0x80  }
0x221: {  	[sflag:s23] =	ssyncset.done $0x0  }
0x222: {  	[sflag:s23] =	ssyncadd.s32 $0xFFFFFF80  }
0x223: {  	_ =	swait.ge [sflag:s23], $0x80  }
0x224: {  	[sflag:s23] =	ssyncset.done $0x0  }
0x225: {  	[sflag:s23] =	ssyncadd.s32 $0xFFFFFF80  }
0x226: {  	_ =	swait.ge [sflag:s23], $0x80  }
0x227: {  	[sflag:s23] =	ssyncset.done $0x0  }
0x228: {  	[sflag:s23] =	ssyncadd.s32 $0xFFFFFF80  }
0x229: {  	_ =	swait.ge [sflag:s23], $0x80  }
0x22a: {  	[sflag:s23] =	ssyncset.done $0x0  }
0x22b: {  	s13 =	simm.s32 $0x2700;
	[sflag:s23] =	ssyncadd.s32 $0xFFFFFF80  }
0x22c: {  	[tilespmem:s24], [sflag:$0x3] =	stream.indirect.gather [spmem:s2], $0x1, s13, s14, $0xb8;
	[tilespmem:$0x6700] =	vst v63  }
0x22d: {  	_ =	swait.ge [sflag:s20], $0x80  }
0x22e: {  	[sflag:s20] =	ssyncset.done $0x0  }
0x22f: {  	s15 =	simm.s32 $0x4F00;
	[sflag:s20] =	ssyncadd.s32 $0xFFFFFF80  }
0x230: {  	[spmem:s1] =	stream.indirect.scatter.add.f32 [tilespmem:s24], [sflag:$0x3], $0x1, s15, s14, $0xb8;
	[tilespmem:$0x6700] =	vst v63  }
0x231: {  	_ =	swait.ge [sflag:s20], $0x80  }
0x232: {  	[sflag:s20] =	ssyncset.done $0x0  }
0x233: {  	s4 =	sshrl.u32 @!p0 s1, $0x3;
	[sflag:s20] =	ssyncadd.s32 $0xFFFFFF80  }
0x234: {  	s5 =	simm.s32 @!p0 $0x1;
	s6 =	simm.s32 @!p0 $0x20;
	[bflag:$0x0] =	sbarrier.arrive $0xFFFF  }
0x235: {  	s7 =	simm.s32 @!p0 $0x10;
	s8 =	simm.s32 @!p0 $0x1C03;
	s9 =	rddreg [dreg:$0xc]  }
0x236: {  	[hbm:s9@s6], [sflag:s8] =	dma.strided @!p0 [spmem:s4@s7], $0x500, s5, $0x10   }
0x237: {  	s4 =	simm.s32 @!p0 $0x3  }
0x238: {  	_ =	swait.ge @!p0 [sflag:s4], $0x500  }
0x239: {  	s3 =	sadd.s32 $0x1, s3;
	s21 =	rddreg [dreg:$0xd]  }
0x23a: {  	p2 =	sne.s32 s3, s21  }
.Ltmp2:
0x23b: {  	_ = 	snop;
	(pc) =	sbr.rel @p2 .LBB2_1-.Ltmp2, $3  }
0x23c: {  	_ =	sdelay $0x1  }
0x23d: {  	[sflag:s4] =	ssyncset.done @!p0 $0x0  }
0x23e: {  	[sflag:s4] =	ssyncadd.s32 @!p0 $0xFFFFFB00  }
0x23f: {  	_ =	sfence.sel $0x180000  }
0x240: {  	[bflag:$0x0] =	sbarrier.arrive $0xFFFF  }
0x241: {  	_ =	strace $0x9000004A  }
0x242: {  	[bflag:$0x2] =	sbarrier.arrive $0xFFFF  }
0x243: {  	s0 =	rddreg [dreg:$0x3]  }
0x244: {  	s0 =	sadd.s32 @!p0 $0x100000, s0  }
0x245: {  	[sflag:s0] =	ssyncadd.tile.s32 @!p0 $0x1;
	_ =	shalt  }
.Lfunc_end2:
_tile_overlayer_lowered:
.L_overlay_start_2:
0x246: {  	(tag) =	ssettag $0x2  }
0x247: {  	s0 =	rddreg [dreg:$0x0];
	s2 =	stileid.u32  }
0x248: {  	s1 =	rddreg [dreg:$0x1];
	p0 =	sne.s32 s2, $0x0  }
0x249: {  	s3 =	rddreg [dreg:$0x2];
	[bflag:$0x3] =	sbarrier.arrive $0xFFFF;
	s2 =	simm.s32 @!p0 $0x1C03  }
0x24a: {  	[timem:s3], [sflag:s2] =	dma.local @!p0 [hbm:s0], s1  }
0x24b: {  	s0 =	simm.s32 @!p0 $0x3  }
0x24c: {  	_ =	swait.ge @!p0 [sflag:s0], s1  }
0x24d: {  	s1 =	ssub.s32 @!p0 $0x0, s1;
	[sflag:s0] =	ssyncset.done @!p0 $0x0  }
0x24e: {  	[sflag:s0] =	ssyncadd.s32 @!p0 s1  }
0x24f: {  	[bflag:$0x3] =	sbarrier.arrive $0xFFFF  }
0x250: {  	_ =	shalt  }

</sc_bundles>
